<compile_context>
chip_gen: v7x
topology: tpu7x:2x2x1
jax: 0.10.2.dev20260603
libtpu: 0.0.44.dev20260713+nightly
codegen_flags: <defaults>
</compile_context>

<pallas_src>
import functools

import numpy as np
import jax
import jax.numpy as jnp
from jax import lax
from jax.experimental import pallas as pl
from jax.experimental.pallas import tpu as pltpu
from jax.experimental.pallas import tpu_sc as plsc

_B, _S, _D = 4096, 200, 64
_V = 1000000
_NC, _NS = 2, 16
_NW = _NC * _NS
_SCALE = 8.0
_LANES = 16

_BLKS = _V // 128
_TAIL = _V - _BLKS * 128
_APW = _BLKS // _NW
_AREM = _BLKS - _APW * _NW

_BC = _B // 128
_ITEMS = _S * _BC
_IPW = _ITEMS // _NW
_NBUF = 4


def _make_pe() -> np.ndarray:
    pos = np.arange(_S, dtype=np.float32)[:, None]
    div = np.power(np.float32(10000.0),
                   np.arange(_D // 2, dtype=np.float32) * np.float32(2.0 / _D))
    pe = np.zeros((_S, _D), dtype=np.float32)
    pe[:, 0::2] = np.sin(pos / div)
    pe[:, 1::2] = np.cos(pos / div)
    return pe


_PE = _make_pe()

_mesh = plsc.VectorSubcoreMesh(core_axis_name="c", subcore_axis_name="s")

_AW = 2048
_AGRID = -(-_V // _AW)


def _detile_body(in_ref, out_ref):
    t3 = in_ref[...].T.reshape(_AW // 2, 2, _D)
    out_ref[...] = jnp.concatenate([t3[:, 0, :], t3[:, 1, :]], axis=1)


_detile = pl.pallas_call(
    _detile_body,
    out_shape=jax.ShapeDtypeStruct((_V // 2, 128), jnp.float32),
    grid=(_AGRID,),
    in_specs=[pl.BlockSpec((_D, _AW), lambda g: (0, g))],
    out_specs=pl.BlockSpec((_AW // 2, 128), lambda g: (g, 0)),
)


@functools.partial(
    pl.kernel,
    out_type=jax.ShapeDtypeStruct((_S, 8, _BC, 8, 128), jnp.float32),
    mesh=_mesh,
    scratch_types=[
        pltpu.VMEM((_NBUF, 128), jnp.int32),
        pltpu.VMEM((_NBUF, 128, _D), jnp.float32),
        pltpu.VMEM((_NBUF, 8, 8, 128), jnp.float32),
        pltpu.VMEM((128, _D + 1), jnp.float32),
        pltpu.VMEM((_S, _D), jnp.float32),
        [pltpu.SemaphoreType.DMA] * _NBUF,
        [pltpu.SemaphoreType.DMA] * _NBUF,
        [pltpu.SemaphoreType.DMA] * _NBUF,
    ],
    compiler_params=pltpu.CompilerParams(use_tc_tiling_on_sc=False,
                                         needs_layout_passes=False),
)
def _embed(xt_hbm, pe_hbm, tl_hbm, out_hbm, idx_v, gbuf, obuf, tbuf, pe_v,
           isem, gsem, osem):
    wid = lax.axis_index("s") * _NC + lax.axis_index("c")
    pltpu.sync_copy(pe_hbm, pe_v)
    mbase = wid * _IPW
    iota = jax.lax.iota(jnp.int32, _LANES)
    tok_idx = [iota + 16 * kk for kk in range(8)]

    def item_sb(i):
        m = mbase + i
        return m // _BC, m % _BC

    def start_idx(i, b):
        s, bc = item_sb(i)
        pltpu.async_copy(xt_hbm.at[s, pl.ds(bc * 128, 128)], idx_v.at[b],
                         isem[b])

    def wait_idx(b):
        pltpu.make_async_copy(xt_hbm.at[0, pl.ds(0, 128)], idx_v.at[b],
                              isem[b]).wait()

    def start_gather(b):
        for h in range(2):
            pltpu.async_copy(tl_hbm.at[idx_v.at[b, pl.ds(64 * h, 64)]],
                             gbuf.at[b, pl.ds(64 * h, 64)], gsem[b])

    def wait_gather(b):
        for h in range(2):
            pltpu.make_async_copy(tl_hbm.at[idx_v.at[b, pl.ds(64 * h, 64)]],
                                  gbuf.at[b, pl.ds(64 * h, 64)],
                                  gsem[b]).wait()

    def start_out(i, b):
        s, bc = item_sb(i)
        pltpu.async_copy(obuf.at[b], out_hbm.at[s, :, bc], osem[b])

    def wait_out(b):
        pltpu.make_async_copy(obuf.at[b], out_hbm.at[0, :, 0], osem[b]).wait()

    def compute(i, b):
        s, _ = item_sb(i)
        s_idx = jnp.full((_LANES,), s, jnp.int32)

        @plsc.parallel_loop(0, 128, unroll=2)
        def _tok(tok):
            for k in range(_D // _LANES):
                tbuf[tok, pl.ds(16 * k, 16)] = gbuf[b, tok, pl.ds(16 * k, 16)]

        @plsc.parallel_loop(0, _D, unroll=2)
        def _dd(dd):
            dd_idx = jnp.full((_LANES,), dd, jnp.int32)
            pe_val = plsc.load_gather(pe_v, [s_idx, dd_idx])
            dr = dd // 8
            di = dd % 8
            for k in range(8):
                val = plsc.load_gather(tbuf, [tok_idx[k], dd_idx])
                obuf[b, dr, di, pl.ds(16 * k, 16)] = val * _SCALE + pe_val

    start_idx(0, 0)
    start_idx(1, 1)
    wait_idx(0)
    start_gather(0)
    wait_idx(1)
    start_gather(1)
    start_idx(2, 2)
    start_idx(3, 3)

    @pl.loop(0, _IPW, step=_NBUF)
    def _item(ii):
        for b in range(_NBUF):
            i = ii + b
            nb2 = (b + 2) % _NBUF

            @pl.when(i + 2 < _IPW)
            def _():
                wait_idx(nb2)
                start_gather(nb2)

            wait_gather(b)

            @pl.when(i + 4 < _IPW)
            def _():
                start_idx(i + 4, b)

            @pl.when(i >= _NBUF)
            def _():
                wait_out(b)

            compute(i, b)
            start_out(i, b)

    for b in range(_NBUF):
        wait_out(b)


def kernel(x, table):
    tt = table.T
    t2 = _detile(tt)
    tl = t2.reshape(_V, _D)
    xt = x.T
    pe = jnp.asarray(_PE)
    out5 = _embed(xt, pe, tl)
    out = out5.transpose(2, 4, 0, 1, 3).reshape(_B, _S, _D)
    return out

# --- scband reference (transcript-rebuilt; emitter-appended) ---
"""Pipeline reference for scband-embed-43954695307567 (READ-ONLY COPY).

The authoritative reference and input builder live on the scoring server;
editing this copy changes nothing except your own understanding.
"""

import jax, jax.numpy as jnp
import numpy as np

VOCAB = 1000000
DIM = 64
MAX_CONTEXT_SIZE = 10000


def _pos_embed():
    position = jnp.arange(0, MAX_CONTEXT_SIZE, dtype=jnp.float32)[:, None]
    div_term = jnp.power(10000.0, jnp.arange(0, DIM // 2, dtype=jnp.float32) * 2.0 / DIM)
    pe = jnp.zeros((MAX_CONTEXT_SIZE, DIM), dtype=jnp.float32)
    pe = pe.at[:, 0::2].set(jnp.sin(position / div_term))
    pe = pe.at[:, 1::2].set(jnp.cos(position / div_term))
    return pe


def setup_inputs(seed: int = 0) -> dict:
    key = jax.random.key(seed)
    k1, k2 = jax.random.split(key)
    x = jax.random.randint(k1, (4096, 200), 0, VOCAB, dtype=jnp.int32)
    # nn.Embedding default init: N(0, 1)
    table = jax.random.normal(k2, (VOCAB, DIM), dtype=jnp.float32)
    return {"x": x, "table": table}


def reference(x, table):
    emb_factor = jnp.sqrt(jnp.asarray(DIM, dtype=jnp.float32))
    embed_x = jnp.take(table, x, axis=0)
    embed_x = embed_x * emb_factor
    seq_len = x.shape[-1]
    truc_pos_embed = _pos_embed()[:seq_len, :]
    embed_x = embed_x + truc_pos_embed  # dropout p=0 -> identity
    return embed_x

if __name__ == "__main__":
    import jax
    _d = setup_inputs()
    print(jax.jit(kernel)(*tuple(_d.values())))

</pallas_src>

<mosaic_0001>
#map = affine_map<(d0, d1) -> (0, 0)>
#map1 = affine_map<(d0, d1) -> (0, 0, 0, 0, 0)>
module attributes {stable_mosaic.version = 14 : i64} {
  func.func @_embed(%arg0: i32, %arg1: i32, %arg2: memref<200x4096xi32, #tpu.memory_space<hbm>>, %arg3: memref<200x64xf32, #tpu.memory_space<hbm>>, %arg4: memref<1000000x64xf32, #tpu.memory_space<hbm>>, %arg5: memref<200x8x32x8x128xf32, #tpu.memory_space<hbm>>, %arg6: memref<4x128xi32, #tpu.memory_space<vmem>>, %arg7: memref<4x128x64xf32, #tpu.memory_space<vmem>>, %arg8: memref<4x8x8x128xf32, #tpu.memory_space<vmem>>, %arg9: memref<128x65xf32, #tpu.memory_space<vmem>>, %arg10: memref<200x64xf32, #tpu.memory_space<vmem>>, %arg11: memref<!tpu.dma_semaphore, #tpu.memory_space<semaphore_mem>>, %arg12: memref<!tpu.dma_semaphore, #tpu.memory_space<semaphore_mem>>, %arg13: memref<!tpu.dma_semaphore, #tpu.memory_space<semaphore_mem>>, %arg14: memref<!tpu.dma_semaphore, #tpu.memory_space<semaphore_mem>>, %arg15: memref<!tpu.dma_semaphore, #tpu.memory_space<semaphore_mem>>, %arg16: memref<!tpu.dma_semaphore, #tpu.memory_space<semaphore_mem>>, %arg17: memref<!tpu.dma_semaphore, #tpu.memory_space<semaphore_mem>>, %arg18: memref<!tpu.dma_semaphore, #tpu.memory_space<semaphore_mem>>, %arg19: memref<!tpu.dma_semaphore, #tpu.memory_space<semaphore_mem>>, %arg20: memref<!tpu.dma_semaphore, #tpu.memory_space<semaphore_mem>>, %arg21: memref<!tpu.dma_semaphore, #tpu.memory_space<semaphore_mem>>, %arg22: memref<!tpu.dma_semaphore, #tpu.memory_space<semaphore_mem>>) attributes {dimension_semantics = [#tpu.dimension_semantics<core_parallel>, #tpu.dimension_semantics<subcore_parallel>], iteration_bounds = array<i64: 2, 16>, scalar_prefetch = 0 : i64, scratch_operands = 17 : i64, tpu.core_type = #tpu.core_type<sc_vector_subcore>, window_params = [{transform_indices = #map}, {transform_indices = #map}, {transform_indices = #map}, {transform_indices = #map1}]} {
    %mul3A = arith.constant 2 : i32
    %mul3A_0 = arith.muli %arg1, %mul3A : i32
    %add3A = arith.addi %mul3A_0, %arg0 : i32
    "tpu.region"() ({
      %run_scoped3A = tpu.sem_alloc : memref<!tpu.dma_semaphore, #tpu.memory_space<semaphore_mem>>
      tpu.enqueue_dma source(%arg3 : memref<200x64xf32, #tpu.memory_space<hbm>>) target(%arg10 : memref<200x64xf32, #tpu.memory_space<vmem>>) target_semaphore(%run_scoped3A : memref<!tpu.dma_semaphore, #tpu.memory_space<semaphore_mem>>)
      tpu.wait_dma2 semaphore(%run_scoped3A : memref<!tpu.dma_semaphore, #tpu.memory_space<semaphore_mem>>) src(%arg3 : memref<200x64xf32, #tpu.memory_space<hbm>>) dst(%arg10 : memref<200x64xf32, #tpu.memory_space<vmem>>)
      tpu.yield
    }) : () -> ()
    %mul3A_1 = arith.constant 200 : i32
    %mul3A_2 = arith.muli %add3A, %mul3A_1 : i32
    %iota3A = tpu.iota {dimensions = array<i32: 0>} : vector<16xi32>
    %add3A_3 = arith.constant 0 : i32
    %add3A_4 = vector.broadcast %add3A_3 : i32 to vector<16xi32>
    %add3A_5 = arith.addi %iota3A, %add3A_4 : vector<16xi32>
    %add3A_6 = arith.constant 16 : i32
    %add3A_7 = vector.broadcast %add3A_6 : i32 to vector<16xi32>
    %add3A_8 = arith.addi %iota3A, %add3A_7 : vector<16xi32>
    %add3A_9 = arith.constant 32 : i32
    %add3A_10 = vector.broadcast %add3A_9 : i32 to vector<16xi32>
    %add3A_11 = arith.addi %iota3A, %add3A_10 : vector<16xi32>
    %add3A_12 = arith.constant 48 : i32
    %add3A_13 = vector.broadcast %add3A_12 : i32 to vector<16xi32>
    %add3A_14 = arith.addi %iota3A, %add3A_13 : vector<16xi32>
    %add3A_15 = arith.constant 64 : i32
    %add3A_16 = vector.broadcast %add3A_15 : i32 to vector<16xi32>
    %add3A_17 = arith.addi %iota3A, %add3A_16 : vector<16xi32>
    %add3A_18 = arith.constant 80 : i32
    %add3A_19 = vector.broadcast %add3A_18 : i32 to vector<16xi32>
    %add3A_20 = arith.addi %iota3A, %add3A_19 : vector<16xi32>
    %add3A_21 = arith.constant 96 : i32
    %add3A_22 = vector.broadcast %add3A_21 : i32 to vector<16xi32>
    %add3A_23 = arith.addi %iota3A, %add3A_22 : vector<16xi32>
    %add3A_24 = arith.constant 112 : i32
    %add3A_25 = vector.broadcast %add3A_24 : i32 to vector<16xi32>
    %add3A_26 = arith.addi %iota3A, %add3A_25 : vector<16xi32>
    %add3A_27 = arith.constant 0 : i32
    %add3A_28 = arith.addi %mul3A_2, %add3A_27 : i32
    %jit3A = arith.constant 32 : i32
    %div3A = arith.divsi %add3A_28, %jit3A : i32
    %sign3A = arith.constant 0 : i32
    %sign3A_29 = arith.cmpi sgt, %add3A_28, %sign3A : i32
    %sign3A_30 = arith.extui %sign3A_29 : i1 to i32
    %sign3A_31 = arith.constant 0 : i32
    %sign3A_32 = arith.cmpi slt, %add3A_28, %sign3A_31 : i32
    %sign3A_33 = arith.extui %sign3A_32 : i1 to i32
    %sign3A_34 = arith.subi %sign3A_30, %sign3A_33 : i32
    %sign3A_35 = arith.constant 0 : i32
    %sign3A_36 = arith.cmpi sgt, %jit3A, %sign3A_35 : i32
    %sign3A_37 = arith.extui %sign3A_36 : i1 to i32
    %sign3A_38 = arith.constant 0 : i32
    %sign3A_39 = arith.cmpi slt, %jit3A, %sign3A_38 : i32
    %sign3A_40 = arith.extui %sign3A_39 : i1 to i32
    %sign3A_41 = arith.subi %sign3A_37, %sign3A_40 : i32
    %ne3A = arith.cmpi ne, %sign3A_34, %sign3A_41 : i32
    %rem3A = arith.remsi %add3A_28, %jit3A : i32
    %ne3A_42 = arith.constant 0 : i32
    %ne3A_43 = arith.cmpi ne, %rem3A, %ne3A_42 : i32
    %and3A = arith.andi %ne3A, %ne3A_43 : i1
    %sub3A = arith.constant 1 : i32
    %sub3A_44 = arith.subi %div3A, %sub3A : i32
    %select_n3A = arith.select %and3A, %sub3A_44, %div3A : i32
    %jit3A_45 = arith.constant 32 : i32
    %eq3A = arith.constant 0 : i32
    %eq3A_46 = arith.cmpi eq, %jit3A_45, %eq3A : i32
    %jit3A_47 = arith.constant 1 : i32
    %select_n3A_48 = arith.select %eq3A_46, %jit3A_47, %jit3A_45 : i32
    %rem3A_49 = arith.remsi %add3A_28, %select_n3A_48 : i32
    %ne3A_50 = arith.constant 0 : i32
    %ne3A_51 = arith.cmpi ne, %rem3A_49, %ne3A_50 : i32
    %lt3A = arith.constant 0 : i32
    %lt3A_52 = arith.cmpi slt, %rem3A_49, %lt3A : i32
    %lt3A_53 = arith.constant 0 : i32
    %lt3A_54 = arith.cmpi slt, %select_n3A_48, %lt3A_53 : i32
    %ne3A_55 = arith.xori %lt3A_52, %lt3A_54 : i1
    %and3A_56 = arith.andi %ne3A_55, %ne3A_51 : i1
    %add3A_57 = arith.addi %rem3A_49, %select_n3A_48 : i32
    %select_n3A_58 = arith.select %and3A_56, %add3A_57, %rem3A_49 : i32
    %mul3A_59 = arith.constant 128 : i32
    %mul3A_60 = arith.muli %select_n3A_58, %mul3A_59 : i32
    %dma_start3A = arith.constant 0 : i32
    %dma_start3A_61 = arith.constant 0 : i32
    %dma_start3A_62 = tpu.memref_slice %arg6[%dma_start3A, %dma_start3A_61] : memref<4x128xi32, #tpu.memory_space<vmem>> -> memref<1x128xi32, #tpu.memory_space<vmem>>
    %dma_start3A_63 = tpu.memref_squeeze %dma_start3A_62 : memref<1x128xi32, #tpu.memory_space<vmem>> -> memref<128xi32, #tpu.memory_space<vmem>>
    %dma_start3A_64 = tpu.memref_slice %arg2[%select_n3A, %mul3A_60] : memref<200x4096xi32, #tpu.memory_space<hbm>> -> memref<1x128xi32, #tpu.memory_space<hbm>>
    %dma_start3A_65 = tpu.memref_squeeze %dma_start3A_64 : memref<1x128xi32, #tpu.memory_space<hbm>> -> memref<128xi32, #tpu.memory_space<hbm>>
    %dma_start3A_66 = arith.constant 0 : i32
    %dma_start3A_67 = tpu.memref_slice %arg6[%dma_start3A, %dma_start3A_66] : memref<4x128xi32, #tpu.memory_space<vmem>> -> memref<1x128xi32, #tpu.memory_space<vmem>>
    %dma_start3A_68 = tpu.memref_squeeze %dma_start3A_67 : memref<1x128xi32, #tpu.memory_space<vmem>> -> memref<128xi32, #tpu.memory_space<vmem>>
    %dma_start3A_69 = tpu.memref_slice %arg2[%select_n3A, %mul3A_60] : memref<200x4096xi32, #tpu.memory_space<hbm>> -> memref<1x128xi32, #tpu.memory_space<hbm>>
    %dma_start3A_70 = tpu.memref_squeeze %dma_start3A_69 : memref<1x128xi32, #tpu.memory_space<hbm>> -> memref<128xi32, #tpu.memory_space<hbm>>
    tpu.enqueue_dma source(%dma_start3A_70 : memref<128xi32, #tpu.memory_space<hbm>>) target(%dma_start3A_68 : memref<128xi32, #tpu.memory_space<vmem>>) target_semaphore(%arg11 : memref<!tpu.dma_semaphore, #tpu.memory_space<semaphore_mem>>)
    %add3A_71 = arith.constant 1 : i32
    %add3A_72 = arith.addi %mul3A_2, %add3A_71 : i32
    %jit3A_73 = arith.constant 32 : i32
    %div3A_74 = arith.divsi %add3A_72, %jit3A_73 : i32
    %sign3A_75 = arith.constant 0 : i32
    %sign3A_76 = arith.cmpi sgt, %add3A_72, %sign3A_75 : i32
    %sign3A_77 = arith.extui %sign3A_76 : i1 to i32
    %sign3A_78 = arith.constant 0 : i32
    %sign3A_79 = arith.cmpi slt, %add3A_72, %sign3A_78 : i32
    %sign3A_80 = arith.extui %sign3A_79 : i1 to i32
    %sign3A_81 = arith.subi %sign3A_77, %sign3A_80 : i32
    %sign3A_82 = arith.constant 0 : i32
    %sign3A_83 = arith.cmpi sgt, %jit3A_73, %sign3A_82 : i32
    %sign3A_84 = arith.extui %sign3A_83 : i1 to i32
    %sign3A_85 = arith.constant 0 : i32
    %sign3A_86 = arith.cmpi slt, %jit3A_73, %sign3A_85 : i32
    %sign3A_87 = arith.extui %sign3A_86 : i1 to i32
    %sign3A_88 = arith.subi %sign3A_84, %sign3A_87 : i32
    %ne3A_89 = arith.cmpi ne, %sign3A_81, %sign3A_88 : i32
    %rem3A_90 = arith.remsi %add3A_72, %jit3A_73 : i32
    %ne3A_91 = arith.constant 0 : i32
    %ne3A_92 = arith.cmpi ne, %rem3A_90, %ne3A_91 : i32
    %and3A_93 = arith.andi %ne3A_89, %ne3A_92 : i1
    %sub3A_94 = arith.constant 1 : i32
    %sub3A_95 = arith.subi %div3A_74, %sub3A_94 : i32
    %select_n3A_96 = arith.select %and3A_93, %sub3A_95, %div3A_74 : i32
    %jit3A_97 = arith.constant 32 : i32
    %eq3A_98 = arith.constant 0 : i32
    %eq3A_99 = arith.cmpi eq, %jit3A_97, %eq3A_98 : i32
    %jit3A_100 = arith.constant 1 : i32
    %select_n3A_101 = arith.select %eq3A_99, %jit3A_100, %jit3A_97 : i32
    %rem3A_102 = arith.remsi %add3A_72, %select_n3A_101 : i32
    %ne3A_103 = arith.constant 0 : i32
    %ne3A_104 = arith.cmpi ne, %rem3A_102, %ne3A_103 : i32
    %lt3A_105 = arith.constant 0 : i32
    %lt3A_106 = arith.cmpi slt, %rem3A_102, %lt3A_105 : i32
    %lt3A_107 = arith.constant 0 : i32
    %lt3A_108 = arith.cmpi slt, %select_n3A_101, %lt3A_107 : i32
    %ne3A_109 = arith.xori %lt3A_106, %lt3A_108 : i1
    %and3A_110 = arith.andi %ne3A_109, %ne3A_104 : i1
    %add3A_111 = arith.addi %rem3A_102, %select_n3A_101 : i32
    %select_n3A_112 = arith.select %and3A_110, %add3A_111, %rem3A_102 : i32
    %mul3A_113 = arith.constant 128 : i32
    %mul3A_114 = arith.muli %select_n3A_112, %mul3A_113 : i32
    %dma_start3A_115 = arith.constant 1 : i32
    %dma_start3A_116 = arith.constant 0 : i32
    %dma_start3A_117 = tpu.memref_slice %arg6[%dma_start3A_115, %dma_start3A_116] : memref<4x128xi32, #tpu.memory_space<vmem>> -> memref<1x128xi32, #tpu.memory_space<vmem>>
    %dma_start3A_118 = tpu.memref_squeeze %dma_start3A_117 : memref<1x128xi32, #tpu.memory_space<vmem>> -> memref<128xi32, #tpu.memory_space<vmem>>
    %dma_start3A_119 = tpu.memref_slice %arg2[%select_n3A_96, %mul3A_114] : memref<200x4096xi32, #tpu.memory_space<hbm>> -> memref<1x128xi32, #tpu.memory_space<hbm>>
    %dma_start3A_120 = tpu.memref_squeeze %dma_start3A_119 : memref<1x128xi32, #tpu.memory_space<hbm>> -> memref<128xi32, #tpu.memory_space<hbm>>
    %dma_start3A_121 = arith.constant 0 : i32
    %dma_start3A_122 = tpu.memref_slice %arg6[%dma_start3A_115, %dma_start3A_121] : memref<4x128xi32, #tpu.memory_space<vmem>> -> memref<1x128xi32, #tpu.memory_space<vmem>>
    %dma_start3A_123 = tpu.memref_squeeze %dma_start3A_122 : memref<1x128xi32, #tpu.memory_space<vmem>> -> memref<128xi32, #tpu.memory_space<vmem>>
    %dma_start3A_124 = tpu.memref_slice %arg2[%select_n3A_96, %mul3A_114] : memref<200x4096xi32, #tpu.memory_space<hbm>> -> memref<1x128xi32, #tpu.memory_space<hbm>>
    %dma_start3A_125 = tpu.memref_squeeze %dma_start3A_124 : memref<1x128xi32, #tpu.memory_space<hbm>> -> memref<128xi32, #tpu.memory_space<hbm>>
    tpu.enqueue_dma source(%dma_start3A_125 : memref<128xi32, #tpu.memory_space<hbm>>) target(%dma_start3A_123 : memref<128xi32, #tpu.memory_space<vmem>>) target_semaphore(%arg12 : memref<!tpu.dma_semaphore, #tpu.memory_space<semaphore_mem>>)
    %dma_wait3A = arith.constant 0 : i32
    %dma_wait3A_126 = arith.constant 0 : i32
    %dma_wait3A_127 = arith.constant 0 : i32
    %dma_wait3A_128 = tpu.memref_slice %arg6[%dma_wait3A_126, %dma_wait3A_127] : memref<4x128xi32, #tpu.memory_space<vmem>> -> memref<1x128xi32, #tpu.memory_space<vmem>>
    %dma_wait3A_129 = tpu.memref_squeeze %dma_wait3A_128 : memref<1x128xi32, #tpu.memory_space<vmem>> -> memref<128xi32, #tpu.memory_space<vmem>>
    %dma_wait3A_130 = arith.constant 0 : i32
    %dma_wait3A_131 = tpu.memref_slice %arg2[%dma_wait3A, %dma_wait3A_130] : memref<200x4096xi32, #tpu.memory_space<hbm>> -> memref<1x128xi32, #tpu.memory_space<hbm>>
    %dma_wait3A_132 = tpu.memref_squeeze %dma_wait3A_131 : memref<1x128xi32, #tpu.memory_space<hbm>> -> memref<128xi32, #tpu.memory_space<hbm>>
    %dma_wait3A_133 = arith.constant 0 : i32
    %dma_wait3A_134 = tpu.memref_slice %arg6[%dma_wait3A_126, %dma_wait3A_133] : memref<4x128xi32, #tpu.memory_space<vmem>> -> memref<1x128xi32, #tpu.memory_space<vmem>>
    %dma_wait3A_135 = tpu.memref_squeeze %dma_wait3A_134 : memref<1x128xi32, #tpu.memory_space<vmem>> -> memref<128xi32, #tpu.memory_space<vmem>>
    %dma_wait3A_136 = arith.constant 0 : i32
    %dma_wait3A_137 = tpu.memref_slice %arg2[%dma_wait3A, %dma_wait3A_136] : memref<200x4096xi32, #tpu.memory_space<hbm>> -> memref<1x128xi32, #tpu.memory_space<hbm>>
    %dma_wait3A_138 = tpu.memref_squeeze %dma_wait3A_137 : memref<1x128xi32, #tpu.memory_space<hbm>> -> memref<128xi32, #tpu.memory_space<hbm>>
    tpu.wait_dma2 semaphore(%arg11 : memref<!tpu.dma_semaphore, #tpu.memory_space<semaphore_mem>>) src(%dma_wait3A_138 : memref<128xi32, #tpu.memory_space<hbm>>) dst(%dma_wait3A_135 : memref<128xi32, #tpu.memory_space<vmem>>)
    %dma_start3A_139 = arith.constant 0 : i32
    %dma_start3A_140 = arith.constant 0 : i32
    %dma_start3A_141 = arith.constant 0 : i32
    %dma_start3A_142 = arith.constant 0 : i32
    %dma_start3A_143 = tpu.memref_slice %arg7[%dma_start3A_140, %dma_start3A_141, %dma_start3A_142] : memref<4x128x64xf32, #tpu.memory_space<vmem>> -> memref<1x64x64xf32, #tpu.memory_space<vmem>>
    %dma_start3A_144 = tpu.memref_squeeze %dma_start3A_143 : memref<1x64x64xf32, #tpu.memory_space<vmem>> -> memref<64x64xf32, #tpu.memory_space<vmem>>
    %dma_start3A_145 = arith.constant 0 : i32
    %dma_start3A_146 = tpu.memref_slice %arg6[%dma_start3A_139, %dma_start3A_145] : memref<4x128xi32, #tpu.memory_space<vmem>> -> memref<1x64xi32, #tpu.memory_space<vmem>>
    %dma_start3A_147 = tpu.memref_squeeze %dma_start3A_146 : memref<1x64xi32, #tpu.memory_space<vmem>> -> memref<64xi32, #tpu.memory_space<vmem>>
    %dma_start3A_148 = arith.constant 0 : i32
    %dma_start3A_149 = arith.constant 0 : i32
    %dma_start3A_150 = tpu.memref_slice %arg4[%dma_start3A_148, %dma_start3A_149] : memref<1000000x64xf32, #tpu.memory_space<hbm>> -> memref<1000000x64xf32, #tpu.memory_space<hbm>>
    tpu.enqueue_indirect_dma source(%dma_start3A_150 : memref<1000000x64xf32, #tpu.memory_space<hbm>>) target(%dma_start3A_144 : memref<64x64xf32, #tpu.memory_space<vmem>>) offsets(%dma_start3A_147 : memref<64xi32, #tpu.memory_space<vmem>>) semaphore(%arg15 : memref<!tpu.dma_semaphore, #tpu.memory_space<semaphore_mem>>)
    %dma_start3A_151 = arith.constant 0 : i32
    %dma_start3A_152 = arith.constant 0 : i32
    %dma_start3A_153 = arith.constant 64 : i32
    %dma_start3A_154 = arith.constant 0 : i32
    %dma_start3A_155 = tpu.memref_slice %arg7[%dma_start3A_152, %dma_start3A_153, %dma_start3A_154] : memref<4x128x64xf32, #tpu.memory_space<vmem>> -> memref<1x64x64xf32, #tpu.memory_space<vmem>>
    %dma_start3A_156 = tpu.memref_squeeze %dma_start3A_155 : memref<1x64x64xf32, #tpu.memory_space<vmem>> -> memref<64x64xf32, #tpu.memory_space<vmem>>
    %dma_start3A_157 = arith.constant 64 : i32
    %dma_start3A_158 = tpu.memref_slice %arg6[%dma_start3A_151, %dma_start3A_157] : memref<4x128xi32, #tpu.memory_space<vmem>> -> memref<1x64xi32, #tpu.memory_space<vmem>>
    %dma_start3A_159 = tpu.memref_squeeze %dma_start3A_158 : memref<1x64xi32, #tpu.memory_space<vmem>> -> memref<64xi32, #tpu.memory_space<vmem>>
    %dma_start3A_160 = arith.constant 0 : i32
    %dma_start3A_161 = arith.constant 0 : i32
    %dma_start3A_162 = tpu.memref_slice %arg4[%dma_start3A_160, %dma_start3A_161] : memref<1000000x64xf32, #tpu.memory_space<hbm>> -> memref<1000000x64xf32, #tpu.memory_space<hbm>>
    tpu.enqueue_indirect_dma source(%dma_start3A_162 : memref<1000000x64xf32, #tpu.memory_space<hbm>>) target(%dma_start3A_156 : memref<64x64xf32, #tpu.memory_space<vmem>>) offsets(%dma_start3A_159 : memref<64xi32, #tpu.memory_space<vmem>>) semaphore(%arg15 : memref<!tpu.dma_semaphore, #tpu.memory_space<semaphore_mem>>)
    %dma_wait3A_163 = arith.constant 0 : i32
    %dma_wait3A_164 = arith.constant 1 : i32
    %dma_wait3A_165 = arith.constant 0 : i32
    %dma_wait3A_166 = tpu.memref_slice %arg6[%dma_wait3A_164, %dma_wait3A_165] : memref<4x128xi32, #tpu.memory_space<vmem>> -> memref<1x128xi32, #tpu.memory_space<vmem>>
    %dma_wait3A_167 = tpu.memref_squeeze %dma_wait3A_166 : memref<1x128xi32, #tpu.memory_space<vmem>> -> memref<128xi32, #tpu.memory_space<vmem>>
    %dma_wait3A_168 = arith.constant 0 : i32
    %dma_wait3A_169 = tpu.memref_slice %arg2[%dma_wait3A_163, %dma_wait3A_168] : memref<200x4096xi32, #tpu.memory_space<hbm>> -> memref<1x128xi32, #tpu.memory_space<hbm>>
    %dma_wait3A_170 = tpu.memref_squeeze %dma_wait3A_169 : memref<1x128xi32, #tpu.memory_space<hbm>> -> memref<128xi32, #tpu.memory_space<hbm>>
    %dma_wait3A_171 = arith.constant 0 : i32
    %dma_wait3A_172 = tpu.memref_slice %arg6[%dma_wait3A_164, %dma_wait3A_171] : memref<4x128xi32, #tpu.memory_space<vmem>> -> memref<1x128xi32, #tpu.memory_space<vmem>>
    %dma_wait3A_173 = tpu.memref_squeeze %dma_wait3A_172 : memref<1x128xi32, #tpu.memory_space<vmem>> -> memref<128xi32, #tpu.memory_space<vmem>>
    %dma_wait3A_174 = arith.constant 0 : i32
    %dma_wait3A_175 = tpu.memref_slice %arg2[%dma_wait3A_163, %dma_wait3A_174] : memref<200x4096xi32, #tpu.memory_space<hbm>> -> memref<1x128xi32, #tpu.memory_space<hbm>>
    %dma_wait3A_176 = tpu.memref_squeeze %dma_wait3A_175 : memref<1x128xi32, #tpu.memory_space<hbm>> -> memref<128xi32, #tpu.memory_space<hbm>>
    tpu.wait_dma2 semaphore(%arg12 : memref<!tpu.dma_semaphore, #tpu.memory_space<semaphore_mem>>) src(%dma_wait3A_176 : memref<128xi32, #tpu.memory_space<hbm>>) dst(%dma_wait3A_173 : memref<128xi32, #tpu.memory_space<vmem>>)
    %dma_start3A_177 = arith.constant 1 : i32
    %dma_start3A_178 = arith.constant 1 : i32
    %dma_start3A_179 = arith.constant 0 : i32
    %dma_start3A_180 = arith.constant 0 : i32
    %dma_start3A_181 = tpu.memref_slice %arg7[%dma_start3A_178, %dma_start3A_179, %dma_start3A_180] : memref<4x128x64xf32, #tpu.memory_space<vmem>> -> memref<1x64x64xf32, #tpu.memory_space<vmem>>
    %dma_start3A_182 = tpu.memref_squeeze %dma_start3A_181 : memref<1x64x64xf32, #tpu.memory_space<vmem>> -> memref<64x64xf32, #tpu.memory_space<vmem>>
    %dma_start3A_183 = arith.constant 0 : i32
    %dma_start3A_184 = tpu.memref_slice %arg6[%dma_start3A_177, %dma_start3A_183] : memref<4x128xi32, #tpu.memory_space<vmem>> -> memref<1x64xi32, #tpu.memory_space<vmem>>
    %dma_start3A_185 = tpu.memref_squeeze %dma_start3A_184 : memref<1x64xi32, #tpu.memory_space<vmem>> -> memref<64xi32, #tpu.memory_space<vmem>>
    %dma_start3A_186 = arith.constant 0 : i32
    %dma_start3A_187 = arith.constant 0 : i32
    %dma_start3A_188 = tpu.memref_slice %arg4[%dma_start3A_186, %dma_start3A_187] : memref<1000000x64xf32, #tpu.memory_space<hbm>> -> memref<1000000x64xf32, #tpu.memory_space<hbm>>
    tpu.enqueue_indirect_dma source(%dma_start3A_188 : memref<1000000x64xf32, #tpu.memory_space<hbm>>) target(%dma_start3A_182 : memref<64x64xf32, #tpu.memory_space<vmem>>) offsets(%dma_start3A_185 : memref<64xi32, #tpu.memory_space<vmem>>) semaphore(%arg16 : memref<!tpu.dma_semaphore, #tpu.memory_space<semaphore_mem>>)
    %dma_start3A_189 = arith.constant 1 : i32
    %dma_start3A_190 = arith.constant 1 : i32
    %dma_start3A_191 = arith.constant 64 : i32
    %dma_start3A_192 = arith.constant 0 : i32
    %dma_start3A_193 = tpu.memref_slice %arg7[%dma_start3A_190, %dma_start3A_191, %dma_start3A_192] : memref<4x128x64xf32, #tpu.memory_space<vmem>> -> memref<1x64x64xf32, #tpu.memory_space<vmem>>
    %dma_start3A_194 = tpu.memref_squeeze %dma_start3A_193 : memref<1x64x64xf32, #tpu.memory_space<vmem>> -> memref<64x64xf32, #tpu.memory_space<vmem>>
    %dma_start3A_195 = arith.constant 64 : i32
    %dma_start3A_196 = tpu.memref_slice %arg6[%dma_start3A_189, %dma_start3A_195] : memref<4x128xi32, #tpu.memory_space<vmem>> -> memref<1x64xi32, #tpu.memory_space<vmem>>
    %dma_start3A_197 = tpu.memref_squeeze %dma_start3A_196 : memref<1x64xi32, #tpu.memory_space<vmem>> -> memref<64xi32, #tpu.memory_space<vmem>>
    %dma_start3A_198 = arith.constant 0 : i32
    %dma_start3A_199 = arith.constant 0 : i32
    %dma_start3A_200 = tpu.memref_slice %arg4[%dma_start3A_198, %dma_start3A_199] : memref<1000000x64xf32, #tpu.memory_space<hbm>> -> memref<1000000x64xf32, #tpu.memory_space<hbm>>
    tpu.enqueue_indirect_dma source(%dma_start3A_200 : memref<1000000x64xf32, #tpu.memory_space<hbm>>) target(%dma_start3A_194 : memref<64x64xf32, #tpu.memory_space<vmem>>) offsets(%dma_start3A_197 : memref<64xi32, #tpu.memory_space<vmem>>) semaphore(%arg16 : memref<!tpu.dma_semaphore, #tpu.memory_space<semaphore_mem>>)
    %add3A_201 = arith.constant 2 : i32
    %add3A_202 = arith.addi %mul3A_2, %add3A_201 : i32
    %jit3A_203 = arith.constant 32 : i32
    %div3A_204 = arith.divsi %add3A_202, %jit3A_203 : i32
    %sign3A_205 = arith.constant 0 : i32
    %sign3A_206 = arith.cmpi sgt, %add3A_202, %sign3A_205 : i32
    %sign3A_207 = arith.extui %sign3A_206 : i1 to i32
    %sign3A_208 = arith.constant 0 : i32
    %sign3A_209 = arith.cmpi slt, %add3A_202, %sign3A_208 : i32
    %sign3A_210 = arith.extui %sign3A_209 : i1 to i32
    %sign3A_211 = arith.subi %sign3A_207, %sign3A_210 : i32
    %sign3A_212 = arith.constant 0 : i32
    %sign3A_213 = arith.cmpi sgt, %jit3A_203, %sign3A_212 : i32
    %sign3A_214 = arith.extui %sign3A_213 : i1 to i32
    %sign3A_215 = arith.constant 0 : i32
    %sign3A_216 = arith.cmpi slt, %jit3A_203, %sign3A_215 : i32
    %sign3A_217 = arith.extui %sign3A_216 : i1 to i32
    %sign3A_218 = arith.subi %sign3A_214, %sign3A_217 : i32
    %ne3A_219 = arith.cmpi ne, %sign3A_211, %sign3A_218 : i32
    %rem3A_220 = arith.remsi %add3A_202, %jit3A_203 : i32
    %ne3A_221 = arith.constant 0 : i32
    %ne3A_222 = arith.cmpi ne, %rem3A_220, %ne3A_221 : i32
    %and3A_223 = arith.andi %ne3A_219, %ne3A_222 : i1
    %sub3A_224 = arith.constant 1 : i32
    %sub3A_225 = arith.subi %div3A_204, %sub3A_224 : i32
    %select_n3A_226 = arith.select %and3A_223, %sub3A_225, %div3A_204 : i32
    %jit3A_227 = arith.constant 32 : i32
    %eq3A_228 = arith.constant 0 : i32
    %eq3A_229 = arith.cmpi eq, %jit3A_227, %eq3A_228 : i32
    %jit3A_230 = arith.constant 1 : i32
    %select_n3A_231 = arith.select %eq3A_229, %jit3A_230, %jit3A_227 : i32
    %rem3A_232 = arith.remsi %add3A_202, %select_n3A_231 : i32
    %ne3A_233 = arith.constant 0 : i32
    %ne3A_234 = arith.cmpi ne, %rem3A_232, %ne3A_233 : i32
    %lt3A_235 = arith.constant 0 : i32
    %lt3A_236 = arith.cmpi slt, %rem3A_232, %lt3A_235 : i32
    %lt3A_237 = arith.constant 0 : i32
    %lt3A_238 = arith.cmpi slt, %select_n3A_231, %lt3A_237 : i32
    %ne3A_239 = arith.xori %lt3A_236, %lt3A_238 : i1
    %and3A_240 = arith.andi %ne3A_239, %ne3A_234 : i1
    %add3A_241 = arith.addi %rem3A_232, %select_n3A_231 : i32
    %select_n3A_242 = arith.select %and3A_240, %add3A_241, %rem3A_232 : i32
    %mul3A_243 = arith.constant 128 : i32
    %mul3A_244 = arith.muli %select_n3A_242, %mul3A_243 : i32
    %dma_start3A_245 = arith.constant 2 : i32
    %dma_start3A_246 = arith.constant 0 : i32
    %dma_start3A_247 = tpu.memref_slice %arg6[%dma_start3A_245, %dma_start3A_246] : memref<4x128xi32, #tpu.memory_space<vmem>> -> memref<1x128xi32, #tpu.memory_space<vmem>>
    %dma_start3A_248 = tpu.memref_squeeze %dma_start3A_247 : memref<1x128xi32, #tpu.memory_space<vmem>> -> memref<128xi32, #tpu.memory_space<vmem>>
    %dma_start3A_249 = tpu.memref_slice %arg2[%select_n3A_226, %mul3A_244] : memref<200x4096xi32, #tpu.memory_space<hbm>> -> memref<1x128xi32, #tpu.memory_space<hbm>>
    %dma_start3A_250 = tpu.memref_squeeze %dma_start3A_249 : memref<1x128xi32, #tpu.memory_space<hbm>> -> memref<128xi32, #tpu.memory_space<hbm>>
    %dma_start3A_251 = arith.constant 0 : i32
    %dma_start3A_252 = tpu.memref_slice %arg6[%dma_start3A_245, %dma_start3A_251] : memref<4x128xi32, #tpu.memory_space<vmem>> -> memref<1x128xi32, #tpu.memory_space<vmem>>
    %dma_start3A_253 = tpu.memref_squeeze %dma_start3A_252 : memref<1x128xi32, #tpu.memory_space<vmem>> -> memref<128xi32, #tpu.memory_space<vmem>>
    %dma_start3A_254 = tpu.memref_slice %arg2[%select_n3A_226, %mul3A_244] : memref<200x4096xi32, #tpu.memory_space<hbm>> -> memref<1x128xi32, #tpu.memory_space<hbm>>
    %dma_start3A_255 = tpu.memref_squeeze %dma_start3A_254 : memref<1x128xi32, #tpu.memory_space<hbm>> -> memref<128xi32, #tpu.memory_space<hbm>>
    tpu.enqueue_dma source(%dma_start3A_255 : memref<128xi32, #tpu.memory_space<hbm>>) target(%dma_start3A_253 : memref<128xi32, #tpu.memory_space<vmem>>) target_semaphore(%arg13 : memref<!tpu.dma_semaphore, #tpu.memory_space<semaphore_mem>>)
    %add3A_256 = arith.constant 3 : i32
    %add3A_257 = arith.addi %mul3A_2, %add3A_256 : i32
    %jit3A_258 = arith.constant 32 : i32
    %div3A_259 = arith.divsi %add3A_257, %jit3A_258 : i32
    %sign3A_260 = arith.constant 0 : i32
    %sign3A_261 = arith.cmpi sgt, %add3A_257, %sign3A_260 : i32
    %sign3A_262 = arith.extui %sign3A_261 : i1 to i32
    %sign3A_263 = arith.constant 0 : i32
    %sign3A_264 = arith.cmpi slt, %add3A_257, %sign3A_263 : i32
    %sign3A_265 = arith.extui %sign3A_264 : i1 to i32
    %sign3A_266 = arith.subi %sign3A_262, %sign3A_265 : i32
    %sign3A_267 = arith.constant 0 : i32
    %sign3A_268 = arith.cmpi sgt, %jit3A_258, %sign3A_267 : i32
    %sign3A_269 = arith.extui %sign3A_268 : i1 to i32
    %sign3A_270 = arith.constant 0 : i32
    %sign3A_271 = arith.cmpi slt, %jit3A_258, %sign3A_270 : i32
    %sign3A_272 = arith.extui %sign3A_271 : i1 to i32
    %sign3A_273 = arith.subi %sign3A_269, %sign3A_272 : i32
    %ne3A_274 = arith.cmpi ne, %sign3A_266, %sign3A_273 : i32
    %rem3A_275 = arith.remsi %add3A_257, %jit3A_258 : i32
    %ne3A_276 = arith.constant 0 : i32
    %ne3A_277 = arith.cmpi ne, %rem3A_275, %ne3A_276 : i32
    %and3A_278 = arith.andi %ne3A_274, %ne3A_277 : i1
    %sub3A_279 = arith.constant 1 : i32
    %sub3A_280 = arith.subi %div3A_259, %sub3A_279 : i32
    %select_n3A_281 = arith.select %and3A_278, %sub3A_280, %div3A_259 : i32
    %jit3A_282 = arith.constant 32 : i32
    %eq3A_283 = arith.constant 0 : i32
    %eq3A_284 = arith.cmpi eq, %jit3A_282, %eq3A_283 : i32
    %jit3A_285 = arith.constant 1 : i32
    %select_n3A_286 = arith.select %eq3A_284, %jit3A_285, %jit3A_282 : i32
    %rem3A_287 = arith.remsi %add3A_257, %select_n3A_286 : i32
    %ne3A_288 = arith.constant 0 : i32
    %ne3A_289 = arith.cmpi ne, %rem3A_287, %ne3A_288 : i32
    %lt3A_290 = arith.constant 0 : i32
    %lt3A_291 = arith.cmpi slt, %rem3A_287, %lt3A_290 : i32
    %lt3A_292 = arith.constant 0 : i32
    %lt3A_293 = arith.cmpi slt, %select_n3A_286, %lt3A_292 : i32
    %ne3A_294 = arith.xori %lt3A_291, %lt3A_293 : i1
    %and3A_295 = arith.andi %ne3A_294, %ne3A_289 : i1
    %add3A_296 = arith.addi %rem3A_287, %select_n3A_286 : i32
    %select_n3A_297 = arith.select %and3A_295, %add3A_296, %rem3A_287 : i32
    %mul3A_298 = arith.constant 128 : i32
    %mul3A_299 = arith.muli %select_n3A_297, %mul3A_298 : i32
    %dma_start3A_300 = arith.constant 3 : i32
    %dma_start3A_301 = arith.constant 0 : i32
    %dma_start3A_302 = tpu.memref_slice %arg6[%dma_start3A_300, %dma_start3A_301] : memref<4x128xi32, #tpu.memory_space<vmem>> -> memref<1x128xi32, #tpu.memory_space<vmem>>
    %dma_start3A_303 = tpu.memref_squeeze %dma_start3A_302 : memref<1x128xi32, #tpu.memory_space<vmem>> -> memref<128xi32, #tpu.memory_space<vmem>>
    %dma_start3A_304 = tpu.memref_slice %arg2[%select_n3A_281, %mul3A_299] : memref<200x4096xi32, #tpu.memory_space<hbm>> -> memref<1x128xi32, #tpu.memory_space<hbm>>
    %dma_start3A_305 = tpu.memref_squeeze %dma_start3A_304 : memref<1x128xi32, #tpu.memory_space<hbm>> -> memref<128xi32, #tpu.memory_space<hbm>>
    %dma_start3A_306 = arith.constant 0 : i32
    %dma_start3A_307 = tpu.memref_slice %arg6[%dma_start3A_300, %dma_start3A_306] : memref<4x128xi32, #tpu.memory_space<vmem>> -> memref<1x128xi32, #tpu.memory_space<vmem>>
    %dma_start3A_308 = tpu.memref_squeeze %dma_start3A_307 : memref<1x128xi32, #tpu.memory_space<vmem>> -> memref<128xi32, #tpu.memory_space<vmem>>
    %dma_start3A_309 = tpu.memref_slice %arg2[%select_n3A_281, %mul3A_299] : memref<200x4096xi32, #tpu.memory_space<hbm>> -> memref<1x128xi32, #tpu.memory_space<hbm>>
    %dma_start3A_310 = tpu.memref_squeeze %dma_start3A_309 : memref<1x128xi32, #tpu.memory_space<hbm>> -> memref<128xi32, #tpu.memory_space<hbm>>
    tpu.enqueue_dma source(%dma_start3A_310 : memref<128xi32, #tpu.memory_space<hbm>>) target(%dma_start3A_308 : memref<128xi32, #tpu.memory_space<vmem>>) target_semaphore(%arg14 : memref<!tpu.dma_semaphore, #tpu.memory_space<semaphore_mem>>)
    %scan3A = arith.constant 0 : i32
    %scan3A_311 = arith.constant 50 : i32
    %scan3A_312 = arith.addi %scan3A, %scan3A_311 : i32
    %scan3A_313 = arith.constant 1 : i32
    scf.for %scan3A_407 = %scan3A to %scan3A_312 step %scan3A_313  : i32 {
      %mul3A_408 = arith.constant 4 : i32
      %mul3A_409 = arith.muli %scan3A_407, %mul3A_408 : i32
      %add3A_410 = arith.constant 0 : i32
      %add3A_411 = arith.addi %add3A_410, %mul3A_409 : i32
      %add3A_412 = arith.constant 0 : i32
      %add3A_413 = arith.addi %add3A_411, %add3A_412 : i32
      %add3A_414 = arith.constant 2 : i32
      %add3A_415 = arith.addi %add3A_413, %add3A_414 : i32
      %lt3A_416 = arith.constant 200 : i32
      %lt3A_417 = arith.cmpi slt, %add3A_415, %lt3A_416 : i32
      %convert_element_type3A = arith.extui %lt3A_417 : i1 to i32
      %cond3A = arith.constant 0 : i32
      %cond3A_418 = arith.cmpi ne, %convert_element_type3A, %cond3A : i32
      scf.if %cond3A_418 {
        %dma_wait3A_1027 = arith.constant 0 : i32
        %dma_wait3A_1028 = arith.constant 2 : i32
        %dma_wait3A_1029 = arith.constant 0 : i32
        %dma_wait3A_1030 = tpu.memref_slice %arg6[%dma_wait3A_1028, %dma_wait3A_1029] : memref<4x128xi32, #tpu.memory_space<vmem>> -> memref<1x128xi32, #tpu.memory_space<vmem>>
        %dma_wait3A_1031 = tpu.memref_squeeze %dma_wait3A_1030 : memref<1x128xi32, #tpu.memory_space<vmem>> -> memref<128xi32, #tpu.memory_space<vmem>>
        %dma_wait3A_1032 = arith.constant 0 : i32
        %dma_wait3A_1033 = tpu.memref_slice %arg2[%dma_wait3A_1027, %dma_wait3A_1032] : memref<200x4096xi32, #tpu.memory_space<hbm>> -> memref<1x128xi32, #tpu.memory_space<hbm>>
        %dma_wait3A_1034 = tpu.memref_squeeze %dma_wait3A_1033 : memref<1x128xi32, #tpu.memory_space<hbm>> -> memref<128xi32, #tpu.memory_space<hbm>>
        %dma_wait3A_1035 = arith.constant 0 : i32
        %dma_wait3A_1036 = tpu.memref_slice %arg6[%dma_wait3A_1028, %dma_wait3A_1035] : memref<4x128xi32, #tpu.memory_space<vmem>> -> memref<1x128xi32, #tpu.memory_space<vmem>>
        %dma_wait3A_1037 = tpu.memref_squeeze %dma_wait3A_1036 : memref<1x128xi32, #tpu.memory_space<vmem>> -> memref<128xi32, #tpu.memory_space<vmem>>
        %dma_wait3A_1038 = arith.constant 0 : i32
        %dma_wait3A_1039 = tpu.memref_slice %arg2[%dma_wait3A_1027, %dma_wait3A_1038] : memref<200x4096xi32, #tpu.memory_space<hbm>> -> memref<1x128xi32, #tpu.memory_space<hbm>>
        %dma_wait3A_1040 = tpu.memref_squeeze %dma_wait3A_1039 : memref<1x128xi32, #tpu.memory_space<hbm>> -> memref<128xi32, #tpu.memory_space<hbm>>
        tpu.wait_dma2 semaphore(%arg13 : memref<!tpu.dma_semaphore, #tpu.memory_space<semaphore_mem>>) src(%dma_wait3A_1040 : memref<128xi32, #tpu.memory_space<hbm>>) dst(%dma_wait3A_1037 : memref<128xi32, #tpu.memory_space<vmem>>)
        %dma_start3A_1041 = arith.constant 2 : i32
        %dma_start3A_1042 = arith.constant 2 : i32
        %dma_start3A_1043 = arith.constant 0 : i32
        %dma_start3A_1044 = arith.constant 0 : i32
        %dma_start3A_1045 = tpu.memref_slice %arg7[%dma_start3A_1042, %dma_start3A_1043, %dma_start3A_1044] : memref<4x128x64xf32, #tpu.memory_space<vmem>> -> memref<1x64x64xf32, #tpu.memory_space<vmem>>
        %dma_start3A_1046 = tpu.memref_squeeze %dma_start3A_1045 : memref<1x64x64xf32, #tpu.memory_space<vmem>> -> memref<64x64xf32, #tpu.memory_space<vmem>>
        %dma_start3A_1047 = arith.constant 0 : i32
        %dma_start3A_1048 = tpu.memref_slice %arg6[%dma_start3A_1041, %dma_start3A_1047] : memref<4x128xi32, #tpu.memory_space<vmem>> -> memref<1x64xi32, #tpu.memory_space<vmem>>
        %dma_start3A_1049 = tpu.memref_squeeze %dma_start3A_1048 : memref<1x64xi32, #tpu.memory_space<vmem>> -> memref<64xi32, #tpu.memory_space<vmem>>
        %dma_start3A_1050 = arith.constant 0 : i32
        %dma_start3A_1051 = arith.constant 0 : i32
        %dma_start3A_1052 = tpu.memref_slice %arg4[%dma_start3A_1050, %dma_start3A_1051] : memref<1000000x64xf32, #tpu.memory_space<hbm>> -> memref<1000000x64xf32, #tpu.memory_space<hbm>>
        tpu.enqueue_indirect_dma source(%dma_start3A_1052 : memref<1000000x64xf32, #tpu.memory_space<hbm>>) target(%dma_start3A_1046 : memref<64x64xf32, #tpu.memory_space<vmem>>) offsets(%dma_start3A_1049 : memref<64xi32, #tpu.memory_space<vmem>>) semaphore(%arg17 : memref<!tpu.dma_semaphore, #tpu.memory_space<semaphore_mem>>)
        %dma_start3A_1053 = arith.constant 2 : i32
        %dma_start3A_1054 = arith.constant 2 : i32
        %dma_start3A_1055 = arith.constant 64 : i32
        %dma_start3A_1056 = arith.constant 0 : i32
        %dma_start3A_1057 = tpu.memref_slice %arg7[%dma_start3A_1054, %dma_start3A_1055, %dma_start3A_1056] : memref<4x128x64xf32, #tpu.memory_space<vmem>> -> memref<1x64x64xf32, #tpu.memory_space<vmem>>
        %dma_start3A_1058 = tpu.memref_squeeze %dma_start3A_1057 : memref<1x64x64xf32, #tpu.memory_space<vmem>> -> memref<64x64xf32, #tpu.memory_space<vmem>>
        %dma_start3A_1059 = arith.constant 64 : i32
        %dma_start3A_1060 = tpu.memref_slice %arg6[%dma_start3A_1053, %dma_start3A_1059] : memref<4x128xi32, #tpu.memory_space<vmem>> -> memref<1x64xi32, #tpu.memory_space<vmem>>
        %dma_start3A_1061 = tpu.memref_squeeze %dma_start3A_1060 : memref<1x64xi32, #tpu.memory_space<vmem>> -> memref<64xi32, #tpu.memory_space<vmem>>
        %dma_start3A_1062 = arith.constant 0 : i32
        %dma_start3A_1063 = arith.constant 0 : i32
        %dma_start3A_1064 = tpu.memref_slice %arg4[%dma_start3A_1062, %dma_start3A_1063] : memref<1000000x64xf32, #tpu.memory_space<hbm>> -> memref<1000000x64xf32, #tpu.memory_space<hbm>>
        tpu.enqueue_indirect_dma source(%dma_start3A_1064 : memref<1000000x64xf32, #tpu.memory_space<hbm>>) target(%dma_start3A_1058 : memref<64x64xf32, #tpu.memory_space<vmem>>) offsets(%dma_start3A_1061 : memref<64xi32, #tpu.memory_space<vmem>>) semaphore(%arg17 : memref<!tpu.dma_semaphore, #tpu.memory_space<semaphore_mem>>)
      } else {
      }
      %dma_wait3A_419 = arith.constant 0 : i32
      %dma_wait3A_420 = arith.constant 0 : i32
      %dma_wait3A_421 = arith.constant 0 : i32
      %dma_wait3A_422 = arith.constant 0 : i32
      %dma_wait3A_423 = tpu.memref_slice %arg7[%dma_wait3A_420, %dma_wait3A_421, %dma_wait3A_422] : memref<4x128x64xf32, #tpu.memory_space<vmem>> -> memref<1x64x64xf32, #tpu.memory_space<vmem>>
      %dma_wait3A_424 = tpu.memref_squeeze %dma_wait3A_423 : memref<1x64x64xf32, #tpu.memory_space<vmem>> -> memref<64x64xf32, #tpu.memory_space<vmem>>
      %dma_wait3A_425 = arith.constant 0 : i32
      %dma_wait3A_426 = tpu.memref_slice %arg6[%dma_wait3A_419, %dma_wait3A_425] : memref<4x128xi32, #tpu.memory_space<vmem>> -> memref<1x64xi32, #tpu.memory_space<vmem>>
      %dma_wait3A_427 = tpu.memref_squeeze %dma_wait3A_426 : memref<1x64xi32, #tpu.memory_space<vmem>> -> memref<64xi32, #tpu.memory_space<vmem>>
      %dma_wait3A_428 = arith.constant 0 : i32
      %dma_wait3A_429 = arith.constant 0 : i32
      %dma_wait3A_430 = tpu.memref_slice %arg4[%dma_wait3A_428, %dma_wait3A_429] : memref<1000000x64xf32, #tpu.memory_space<hbm>> -> memref<1000000x64xf32, #tpu.memory_space<hbm>>
      tpu.wait_indirect_dma semaphore(%arg15 : memref<!tpu.dma_semaphore, #tpu.memory_space<semaphore_mem>>) src(%dma_wait3A_430 : memref<1000000x64xf32, #tpu.memory_space<hbm>>) dst(%dma_wait3A_424 : memref<64x64xf32, #tpu.memory_space<vmem>>)
      %dma_wait3A_431 = arith.constant 0 : i32
      %dma_wait3A_432 = arith.constant 0 : i32
      %dma_wait3A_433 = arith.constant 64 : i32
      %dma_wait3A_434 = arith.constant 0 : i32
      %dma_wait3A_435 = tpu.memref_slice %arg7[%dma_wait3A_432, %dma_wait3A_433, %dma_wait3A_434] : memref<4x128x64xf32, #tpu.memory_space<vmem>> -> memref<1x64x64xf32, #tpu.memory_space<vmem>>
      %dma_wait3A_436 = tpu.memref_squeeze %dma_wait3A_435 : memref<1x64x64xf32, #tpu.memory_space<vmem>> -> memref<64x64xf32, #tpu.memory_space<vmem>>
      %dma_wait3A_437 = arith.constant 64 : i32
      %dma_wait3A_438 = tpu.memref_slice %arg6[%dma_wait3A_431, %dma_wait3A_437] : memref<4x128xi32, #tpu.memory_space<vmem>> -> memref<1x64xi32, #tpu.memory_space<vmem>>
      %dma_wait3A_439 = tpu.memref_squeeze %dma_wait3A_438 : memref<1x64xi32, #tpu.memory_space<vmem>> -> memref<64xi32, #tpu.memory_space<vmem>>
      %dma_wait3A_440 = arith.constant 0 : i32
      %dma_wait3A_441 = arith.constant 0 : i32
      %dma_wait3A_442 = tpu.memref_slice %arg4[%dma_wait3A_440, %dma_wait3A_441] : memref<1000000x64xf32, #tpu.memory_space<hbm>> -> memref<1000000x64xf32, #tpu.memory_space<hbm>>
      tpu.wait_indirect_dma semaphore(%arg15 : memref<!tpu.dma_semaphore, #tpu.memory_space<semaphore_mem>>) src(%dma_wait3A_442 : memref<1000000x64xf32, #tpu.memory_space<hbm>>) dst(%dma_wait3A_436 : memref<64x64xf32, #tpu.memory_space<vmem>>)
      %add3A_443 = arith.constant 4 : i32
      %add3A_444 = arith.addi %add3A_413, %add3A_443 : i32
      %lt3A_445 = arith.constant 200 : i32
      %lt3A_446 = arith.cmpi slt, %add3A_444, %lt3A_445 : i32
      %convert_element_type3A_447 = arith.extui %lt3A_446 : i1 to i32
      %cond3A_448 = arith.constant 0 : i32
      %cond3A_449 = arith.cmpi ne, %convert_element_type3A_447, %cond3A_448 : i32
      scf.if %cond3A_449 {
        %add3A_1027 = arith.constant 4 : i32
        %add3A_1028 = arith.addi %add3A_413, %add3A_1027 : i32
        %add3A_1029 = arith.addi %mul3A_2, %add3A_1028 : i32
        %jit3A_1030 = arith.constant 32 : i32
        %div3A_1031 = arith.divsi %add3A_1029, %jit3A_1030 : i32
        %sign3A_1032 = arith.constant 0 : i32
        %sign3A_1033 = arith.cmpi sgt, %add3A_1029, %sign3A_1032 : i32
        %sign3A_1034 = arith.extui %sign3A_1033 : i1 to i32
        %sign3A_1035 = arith.constant 0 : i32
        %sign3A_1036 = arith.cmpi slt, %add3A_1029, %sign3A_1035 : i32
        %sign3A_1037 = arith.extui %sign3A_1036 : i1 to i32
        %sign3A_1038 = arith.subi %sign3A_1034, %sign3A_1037 : i32
        %sign3A_1039 = arith.constant 0 : i32
        %sign3A_1040 = arith.cmpi sgt, %jit3A_1030, %sign3A_1039 : i32
        %sign3A_1041 = arith.extui %sign3A_1040 : i1 to i32
        %sign3A_1042 = arith.constant 0 : i32
        %sign3A_1043 = arith.cmpi slt, %jit3A_1030, %sign3A_1042 : i32
        %sign3A_1044 = arith.extui %sign3A_1043 : i1 to i32
        %sign3A_1045 = arith.subi %sign3A_1041, %sign3A_1044 : i32
        %ne3A_1046 = arith.cmpi ne, %sign3A_1038, %sign3A_1045 : i32
        %rem3A_1047 = arith.remsi %add3A_1029, %jit3A_1030 : i32
        %ne3A_1048 = arith.constant 0 : i32
        %ne3A_1049 = arith.cmpi ne, %rem3A_1047, %ne3A_1048 : i32
        %and3A_1050 = arith.andi %ne3A_1046, %ne3A_1049 : i1
        %sub3A_1051 = arith.constant 1 : i32
        %sub3A_1052 = arith.subi %div3A_1031, %sub3A_1051 : i32
        %select_n3A_1053 = arith.select %and3A_1050, %sub3A_1052, %div3A_1031 : i32
        %jit3A_1054 = arith.constant 32 : i32
        %eq3A_1055 = arith.constant 0 : i32
        %eq3A_1056 = arith.cmpi eq, %jit3A_1054, %eq3A_1055 : i32
        %jit3A_1057 = arith.constant 1 : i32
        %select_n3A_1058 = arith.select %eq3A_1056, %jit3A_1057, %jit3A_1054 : i32
        %rem3A_1059 = arith.remsi %add3A_1029, %select_n3A_1058 : i32
        %ne3A_1060 = arith.constant 0 : i32
        %ne3A_1061 = arith.cmpi ne, %rem3A_1059, %ne3A_1060 : i32
        %lt3A_1062 = arith.constant 0 : i32
        %lt3A_1063 = arith.cmpi slt, %rem3A_1059, %lt3A_1062 : i32
        %lt3A_1064 = arith.constant 0 : i32
        %lt3A_1065 = arith.cmpi slt, %select_n3A_1058, %lt3A_1064 : i32
        %ne3A_1066 = arith.xori %lt3A_1063, %lt3A_1065 : i1
        %and3A_1067 = arith.andi %ne3A_1066, %ne3A_1061 : i1
        %add3A_1068 = arith.addi %rem3A_1059, %select_n3A_1058 : i32
        %select_n3A_1069 = arith.select %and3A_1067, %add3A_1068, %rem3A_1059 : i32
        %mul3A_1070 = arith.constant 128 : i32
        %mul3A_1071 = arith.muli %select_n3A_1069, %mul3A_1070 : i32
        %dma_start3A_1072 = arith.constant 0 : i32
        %dma_start3A_1073 = arith.constant 0 : i32
        %dma_start3A_1074 = tpu.memref_slice %arg6[%dma_start3A_1072, %dma_start3A_1073] : memref<4x128xi32, #tpu.memory_space<vmem>> -> memref<1x128xi32, #tpu.memory_space<vmem>>
        %dma_start3A_1075 = tpu.memref_squeeze %dma_start3A_1074 : memref<1x128xi32, #tpu.memory_space<vmem>> -> memref<128xi32, #tpu.memory_space<vmem>>
        %dma_start3A_1076 = tpu.memref_slice %arg2[%select_n3A_1053, %mul3A_1071] : memref<200x4096xi32, #tpu.memory_space<hbm>> -> memref<1x128xi32, #tpu.memory_space<hbm>>
        %dma_start3A_1077 = tpu.memref_squeeze %dma_start3A_1076 : memref<1x128xi32, #tpu.memory_space<hbm>> -> memref<128xi32, #tpu.memory_space<hbm>>
        %dma_start3A_1078 = arith.constant 0 : i32
        %dma_start3A_1079 = tpu.memref_slice %arg6[%dma_start3A_1072, %dma_start3A_1078] : memref<4x128xi32, #tpu.memory_space<vmem>> -> memref<1x128xi32, #tpu.memory_space<vmem>>
        %dma_start3A_1080 = tpu.memref_squeeze %dma_start3A_1079 : memref<1x128xi32, #tpu.memory_space<vmem>> -> memref<128xi32, #tpu.memory_space<vmem>>
        %dma_start3A_1081 = tpu.memref_slice %arg2[%select_n3A_1053, %mul3A_1071] : memref<200x4096xi32, #tpu.memory_space<hbm>> -> memref<1x128xi32, #tpu.memory_space<hbm>>
        %dma_start3A_1082 = tpu.memref_squeeze %dma_start3A_1081 : memref<1x128xi32, #tpu.memory_space<hbm>> -> memref<128xi32, #tpu.memory_space<hbm>>
        tpu.enqueue_dma source(%dma_start3A_1082 : memref<128xi32, #tpu.memory_space<hbm>>) target(%dma_start3A_1080 : memref<128xi32, #tpu.memory_space<vmem>>) target_semaphore(%arg11 : memref<!tpu.dma_semaphore, #tpu.memory_space<semaphore_mem>>)
      } else {
      }
      %ge3A = arith.constant 4 : i32
      %ge3A_450 = arith.cmpi sge, %add3A_413, %ge3A : i32
      %convert_element_type3A_451 = arith.extui %ge3A_450 : i1 to i32
      %cond3A_452 = arith.constant 0 : i32
      %cond3A_453 = arith.cmpi ne, %convert_element_type3A_451, %cond3A_452 : i32
      scf.if %cond3A_453 {
        %dma_wait3A_1027 = arith.constant 0 : i32
        %dma_wait3A_1028 = arith.constant 0 : i32
        %dma_wait3A_1029 = arith.constant 0 : i32
        %dma_wait3A_1030 = arith.constant 0 : i32
        %dma_wait3A_1031 = arith.constant 0 : i32
        %dma_wait3A_1032 = arith.constant 0 : i32
        %dma_wait3A_1033 = tpu.memref_slice %arg8[%dma_wait3A_1027, %dma_wait3A_1030, %dma_wait3A_1031, %dma_wait3A_1032] : memref<4x8x8x128xf32, #tpu.memory_space<vmem>> -> memref<1x8x8x128xf32, #tpu.memory_space<vmem>>
        %dma_wait3A_1034 = tpu.memref_squeeze %dma_wait3A_1033 : memref<1x8x8x128xf32, #tpu.memory_space<vmem>> -> memref<8x8x128xf32, #tpu.memory_space<vmem>>
        %dma_wait3A_1035 = arith.constant 0 : i32
        %dma_wait3A_1036 = arith.constant 0 : i32
        %dma_wait3A_1037 = arith.constant 0 : i32
        %dma_wait3A_1038 = tpu.memref_slice %arg5[%dma_wait3A_1028, %dma_wait3A_1035, %dma_wait3A_1029, %dma_wait3A_1036, %dma_wait3A_1037] : memref<200x8x32x8x128xf32, #tpu.memory_space<hbm>> -> memref<1x8x1x8x128xf32, #tpu.memory_space<hbm>>
        %dma_wait3A_1039 = tpu.memref_squeeze %dma_wait3A_1038 : memref<1x8x1x8x128xf32, #tpu.memory_space<hbm>> -> memref<8x8x128xf32, #tpu.memory_space<hbm>>
        %dma_wait3A_1040 = arith.constant 0 : i32
        %dma_wait3A_1041 = arith.constant 0 : i32
        %dma_wait3A_1042 = arith.constant 0 : i32
        %dma_wait3A_1043 = tpu.memref_slice %arg5[%dma_wait3A_1028, %dma_wait3A_1040, %dma_wait3A_1029, %dma_wait3A_1041, %dma_wait3A_1042] : memref<200x8x32x8x128xf32, #tpu.memory_space<hbm>> -> memref<1x8x1x8x128xf32, #tpu.memory_space<hbm>>
        %dma_wait3A_1044 = tpu.memref_squeeze %dma_wait3A_1043 : memref<1x8x1x8x128xf32, #tpu.memory_space<hbm>> -> memref<8x8x128xf32, #tpu.memory_space<hbm>>
        %dma_wait3A_1045 = arith.constant 0 : i32
        %dma_wait3A_1046 = arith.constant 0 : i32
        %dma_wait3A_1047 = arith.constant 0 : i32
        %dma_wait3A_1048 = tpu.memref_slice %arg8[%dma_wait3A_1027, %dma_wait3A_1045, %dma_wait3A_1046, %dma_wait3A_1047] : memref<4x8x8x128xf32, #tpu.memory_space<vmem>> -> memref<1x8x8x128xf32, #tpu.memory_space<vmem>>
        %dma_wait3A_1049 = tpu.memref_squeeze %dma_wait3A_1048 : memref<1x8x8x128xf32, #tpu.memory_space<vmem>> -> memref<8x8x128xf32, #tpu.memory_space<vmem>>
        tpu.wait_dma2 semaphore(%arg19 : memref<!tpu.dma_semaphore, #tpu.memory_space<semaphore_mem>>) src(%dma_wait3A_1049 : memref<8x8x128xf32, #tpu.memory_space<vmem>>) dst(%dma_wait3A_1044 : memref<8x8x128xf32, #tpu.memory_space<hbm>>)
      } else {
      }
      %add3A_454 = arith.addi %mul3A_2, %add3A_413 : i32
      %jit3A_455 = arith.constant 32 : i32
      %div3A_456 = arith.divsi %add3A_454, %jit3A_455 : i32
      %sign3A_457 = arith.constant 0 : i32
      %sign3A_458 = arith.cmpi sgt, %add3A_454, %sign3A_457 : i32
      %sign3A_459 = arith.extui %sign3A_458 : i1 to i32
      %sign3A_460 = arith.constant 0 : i32
      %sign3A_461 = arith.cmpi slt, %add3A_454, %sign3A_460 : i32
      %sign3A_462 = arith.extui %sign3A_461 : i1 to i32
      %sign3A_463 = arith.subi %sign3A_459, %sign3A_462 : i32
      %sign3A_464 = arith.constant 0 : i32
      %sign3A_465 = arith.cmpi sgt, %jit3A_455, %sign3A_464 : i32
      %sign3A_466 = arith.extui %sign3A_465 : i1 to i32
      %sign3A_467 = arith.constant 0 : i32
      %sign3A_468 = arith.cmpi slt, %jit3A_455, %sign3A_467 : i32
      %sign3A_469 = arith.extui %sign3A_468 : i1 to i32
      %sign3A_470 = arith.subi %sign3A_466, %sign3A_469 : i32
      %ne3A_471 = arith.cmpi ne, %sign3A_463, %sign3A_470 : i32
      %rem3A_472 = arith.remsi %add3A_454, %jit3A_455 : i32
      %ne3A_473 = arith.constant 0 : i32
      %ne3A_474 = arith.cmpi ne, %rem3A_472, %ne3A_473 : i32
      %and3A_475 = arith.andi %ne3A_471, %ne3A_474 : i1
      %sub3A_476 = arith.constant 1 : i32
      %sub3A_477 = arith.subi %div3A_456, %sub3A_476 : i32
      %select_n3A_478 = arith.select %and3A_475, %sub3A_477, %div3A_456 : i32
      %jit3A_479 = arith.constant 32 : i32
      %eq3A_480 = arith.constant 0 : i32
      %eq3A_481 = arith.cmpi eq, %jit3A_479, %eq3A_480 : i32
      %jit3A_482 = arith.constant 1 : i32
      %select_n3A_483 = arith.select %eq3A_481, %jit3A_482, %jit3A_479 : i32
      %rem3A_484 = arith.remsi %add3A_454, %select_n3A_483 : i32
      %ne3A_485 = arith.constant 0 : i32
      %ne3A_486 = arith.cmpi ne, %rem3A_484, %ne3A_485 : i32
      %lt3A_487 = arith.constant 0 : i32
      %lt3A_488 = arith.cmpi slt, %rem3A_484, %lt3A_487 : i32
      %lt3A_489 = arith.constant 0 : i32
      %lt3A_490 = arith.cmpi slt, %select_n3A_483, %lt3A_489 : i32
      %ne3A_491 = arith.xori %lt3A_488, %lt3A_490 : i1
      %and3A_492 = arith.andi %ne3A_491, %ne3A_486 : i1
      %add3A_493 = arith.addi %rem3A_484, %select_n3A_483 : i32
      %select_n3A_494 = arith.select %and3A_492, %add3A_493, %rem3A_484 : i32
      %broadcast_in_dim3A = vector.broadcast %select_n3A_478 : i32 to vector<16xi32>
      %parallel_loop3A = arith.constant 0 : i32
      %parallel_loop3A_495 = arith.constant 128 : i32
      %parallel_loop3A_496 = arith.constant 1 : i32
      scf.for %parallel_loop3A_1027 = %parallel_loop3A to %parallel_loop3A_495 step %parallel_loop3A_496  : i32 {
        %parallel_loop3A_1028 = arith.constant 0 : i32
        %parallel_loop3A_1029 = arith.index_cast %parallel_loop3A_1028 : i32 to index
        %parallel_loop3A_1030 = arith.index_cast %parallel_loop3A_1027 : i32 to index
        %parallel_loop3A_1031 = arith.constant 0 : index
        %parallel_loop3A_1032 = tpu.vector_load %arg7[%parallel_loop3A_1029, %parallel_loop3A_1030, %parallel_loop3A_1031] {strides = array<i32>} : memref<4x128x64xf32, #tpu.memory_space<vmem>>, vector<16xf32>,
        %parallel_loop3A_1033 = arith.index_cast %parallel_loop3A_1027 : i32 to index
        %parallel_loop3A_1034 = arith.constant 0 : index
        %parallel_loop3A_1035 = tpu.vector_load %arg9[%parallel_loop3A_1033, %parallel_loop3A_1034] {strides = array<i32>} : memref<128x65xf32, #tpu.memory_space<vmem>>, vector<16xf32>,
        tpu.vector_store %arg9[%parallel_loop3A_1033, %parallel_loop3A_1034], %parallel_loop3A_1032 {strides = array<i32>} : memref<128x65xf32, #tpu.memory_space<vmem>>, vector<16xf32>,
        %parallel_loop3A_1036 = arith.constant 0 : i32
        %parallel_loop3A_1037 = arith.index_cast %parallel_loop3A_1036 : i32 to index
        %parallel_loop3A_1038 = arith.index_cast %parallel_loop3A_1027 : i32 to index
        %parallel_loop3A_1039 = arith.constant 16 : index
        %parallel_loop3A_1040 = tpu.vector_load %arg7[%parallel_loop3A_1037, %parallel_loop3A_1038, %parallel_loop3A_1039] {strides = array<i32>} : memref<4x128x64xf32, #tpu.memory_space<vmem>>, vector<16xf32>,
        %parallel_loop3A_1041 = arith.index_cast %parallel_loop3A_1027 : i32 to index
        %parallel_loop3A_1042 = arith.constant 16 : index
        %parallel_loop3A_1043 = tpu.vector_load %arg9[%parallel_loop3A_1041, %parallel_loop3A_1042] {strides = array<i32>} : memref<128x65xf32, #tpu.memory_space<vmem>>, vector<16xf32>,
        tpu.vector_store %arg9[%parallel_loop3A_1041, %parallel_loop3A_1042], %parallel_loop3A_1040 {strides = array<i32>} : memref<128x65xf32, #tpu.memory_space<vmem>>, vector<16xf32>,
        %parallel_loop3A_1044 = arith.constant 0 : i32
        %parallel_loop3A_1045 = arith.index_cast %parallel_loop3A_1044 : i32 to index
        %parallel_loop3A_1046 = arith.index_cast %parallel_loop3A_1027 : i32 to index
        %parallel_loop3A_1047 = arith.constant 32 : index
        %parallel_loop3A_1048 = tpu.vector_load %arg7[%parallel_loop3A_1045, %parallel_loop3A_1046, %parallel_loop3A_1047] {strides = array<i32>} : memref<4x128x64xf32, #tpu.memory_space<vmem>>, vector<16xf32>,
        %parallel_loop3A_1049 = arith.index_cast %parallel_loop3A_1027 : i32 to index
        %parallel_loop3A_1050 = arith.constant 32 : index
        %parallel_loop3A_1051 = tpu.vector_load %arg9[%parallel_loop3A_1049, %parallel_loop3A_1050] {strides = array<i32>} : memref<128x65xf32, #tpu.memory_space<vmem>>, vector<16xf32>,
        tpu.vector_store %arg9[%parallel_loop3A_1049, %parallel_loop3A_1050], %parallel_loop3A_1048 {strides = array<i32>} : memref<128x65xf32, #tpu.memory_space<vmem>>, vector<16xf32>,
        %parallel_loop3A_1052 = arith.constant 0 : i32
        %parallel_loop3A_1053 = arith.index_cast %parallel_loop3A_1052 : i32 to index
        %parallel_loop3A_1054 = arith.index_cast %parallel_loop3A_1027 : i32 to index
        %parallel_loop3A_1055 = arith.constant 48 : index
        %parallel_loop3A_1056 = tpu.vector_load %arg7[%parallel_loop3A_1053, %parallel_loop3A_1054, %parallel_loop3A_1055] {strides = array<i32>} : memref<4x128x64xf32, #tpu.memory_space<vmem>>, vector<16xf32>,
        %parallel_loop3A_1057 = arith.index_cast %parallel_loop3A_1027 : i32 to index
        %parallel_loop3A_1058 = arith.constant 48 : index
        %parallel_loop3A_1059 = tpu.vector_load %arg9[%parallel_loop3A_1057, %parallel_loop3A_1058] {strides = array<i32>} : memref<128x65xf32, #tpu.memory_space<vmem>>, vector<16xf32>,
        tpu.vector_store %arg9[%parallel_loop3A_1057, %parallel_loop3A_1058], %parallel_loop3A_1056 {strides = array<i32>} : memref<128x65xf32, #tpu.memory_space<vmem>>, vector<16xf32>,
      } {sc.loop_unroll_factor = 2 : i64, sc.parallel_access}
      %parallel_loop3A_497 = arith.constant 0 : i32
      %parallel_loop3A_498 = arith.constant 64 : i32
      %parallel_loop3A_499 = arith.constant 1 : i32
      scf.for %parallel_loop3A_1027 = %parallel_loop3A_497 to %parallel_loop3A_498 step %parallel_loop3A_499  : i32 {
        %parallel_loop3A_1028 = vector.broadcast %parallel_loop3A_1027 : i32 to vector<16xi32>
        %parallel_loop3A_1029 = tpu.vector_load_idx %arg10[%broadcast_in_dim3A, %parallel_loop3A_1028] : memref<200x64xf32, #tpu.memory_space<vmem>>[vector<16xi32>, vector<16xi32>], vector<16xf32>,
        %parallel_loop3A_1030 = arith.constant 8 : i32
        %parallel_loop3A_1031 = arith.divsi %parallel_loop3A_1027, %parallel_loop3A_1030 : i32
        %parallel_loop3A_1032 = arith.constant 0 : i32
        %parallel_loop3A_1033 = arith.cmpi sgt, %parallel_loop3A_1027, %parallel_loop3A_1032 : i32
        %parallel_loop3A_1034 = arith.extui %parallel_loop3A_1033 : i1 to i32
        %parallel_loop3A_1035 = arith.constant 0 : i32
        %parallel_loop3A_1036 = arith.cmpi slt, %parallel_loop3A_1027, %parallel_loop3A_1035 : i32
        %parallel_loop3A_1037 = arith.extui %parallel_loop3A_1036 : i1 to i32
        %parallel_loop3A_1038 = arith.subi %parallel_loop3A_1034, %parallel_loop3A_1037 : i32
        %parallel_loop3A_1039 = arith.constant 0 : i32
        %parallel_loop3A_1040 = arith.cmpi sgt, %parallel_loop3A_1030, %parallel_loop3A_1039 : i32
        %parallel_loop3A_1041 = arith.extui %parallel_loop3A_1040 : i1 to i32
        %parallel_loop3A_1042 = arith.constant 0 : i32
        %parallel_loop3A_1043 = arith.cmpi slt, %parallel_loop3A_1030, %parallel_loop3A_1042 : i32
        %parallel_loop3A_1044 = arith.extui %parallel_loop3A_1043 : i1 to i32
        %parallel_loop3A_1045 = arith.subi %parallel_loop3A_1041, %parallel_loop3A_1044 : i32
        %parallel_loop3A_1046 = arith.cmpi ne, %parallel_loop3A_1038, %parallel_loop3A_1045 : i32
        %parallel_loop3A_1047 = arith.remsi %parallel_loop3A_1027, %parallel_loop3A_1030 : i32
        %parallel_loop3A_1048 = arith.constant 0 : i32
        %parallel_loop3A_1049 = arith.cmpi ne, %parallel_loop3A_1047, %parallel_loop3A_1048 : i32
        %parallel_loop3A_1050 = arith.andi %parallel_loop3A_1046, %parallel_loop3A_1049 : i1
        %parallel_loop3A_1051 = arith.constant 1 : i32
        %parallel_loop3A_1052 = arith.subi %parallel_loop3A_1031, %parallel_loop3A_1051 : i32
        %parallel_loop3A_1053 = arith.select %parallel_loop3A_1050, %parallel_loop3A_1052, %parallel_loop3A_1031 : i32
        %parallel_loop3A_1054 = arith.constant 8 : i32
        %parallel_loop3A_1055 = arith.constant 0 : i32
        %parallel_loop3A_1056 = arith.cmpi eq, %parallel_loop3A_1054, %parallel_loop3A_1055 : i32
        %parallel_loop3A_1057 = arith.constant 1 : i32
        %parallel_loop3A_1058 = arith.select %parallel_loop3A_1056, %parallel_loop3A_1057, %parallel_loop3A_1054 : i32
        %parallel_loop3A_1059 = arith.remsi %parallel_loop3A_1027, %parallel_loop3A_1058 : i32
        %parallel_loop3A_1060 = arith.constant 0 : i32
        %parallel_loop3A_1061 = arith.cmpi ne, %parallel_loop3A_1059, %parallel_loop3A_1060 : i32
        %parallel_loop3A_1062 = arith.constant 0 : i32
        %parallel_loop3A_1063 = arith.cmpi slt, %parallel_loop3A_1059, %parallel_loop3A_1062 : i32
        %parallel_loop3A_1064 = arith.constant 0 : i32
        %parallel_loop3A_1065 = arith.cmpi slt, %parallel_loop3A_1058, %parallel_loop3A_1064 : i32
        %parallel_loop3A_1066 = arith.xori %parallel_loop3A_1063, %parallel_loop3A_1065 : i1
        %parallel_loop3A_1067 = arith.andi %parallel_loop3A_1066, %parallel_loop3A_1061 : i1
        %parallel_loop3A_1068 = arith.addi %parallel_loop3A_1059, %parallel_loop3A_1058 : i32
        %parallel_loop3A_1069 = arith.select %parallel_loop3A_1067, %parallel_loop3A_1068, %parallel_loop3A_1059 : i32
        %parallel_loop3A_1070 = tpu.vector_load_idx %arg9[%add3A_5, %parallel_loop3A_1028] : memref<128x65xf32, #tpu.memory_space<vmem>>[vector<16xi32>, vector<16xi32>], vector<16xf32>,
        %parallel_loop3A_1071 = arith.constant 8.000000e+00 : f32
        %parallel_loop3A_1072 = vector.broadcast %parallel_loop3A_1071 : f32 to vector<16xf32>
        %parallel_loop3A_1073 = arith.mulf %parallel_loop3A_1070, %parallel_loop3A_1072 : vector<16xf32>
        %parallel_loop3A_1074 = arith.addf %parallel_loop3A_1073, %parallel_loop3A_1029 : vector<16xf32>
        %parallel_loop3A_1075 = arith.constant 0 : i32
        %parallel_loop3A_1076 = arith.index_cast %parallel_loop3A_1075 : i32 to index
        %parallel_loop3A_1077 = arith.index_cast %parallel_loop3A_1053 : i32 to index
        %parallel_loop3A_1078 = arith.index_cast %parallel_loop3A_1069 : i32 to index
        %parallel_loop3A_1079 = arith.constant 0 : index
        %parallel_loop3A_1080 = tpu.vector_load %arg8[%parallel_loop3A_1076, %parallel_loop3A_1077, %parallel_loop3A_1078, %parallel_loop3A_1079] {strides = array<i32>} : memref<4x8x8x128xf32, #tpu.memory_space<vmem>>, vector<16xf32>,
        tpu.vector_store %arg8[%parallel_loop3A_1076, %parallel_loop3A_1077, %parallel_loop3A_1078, %parallel_loop3A_1079], %parallel_loop3A_1074 {strides = array<i32>} : memref<4x8x8x128xf32, #tpu.memory_space<vmem>>, vector<16xf32>,
        %parallel_loop3A_1081 = tpu.vector_load_idx %arg9[%add3A_8, %parallel_loop3A_1028] : memref<128x65xf32, #tpu.memory_space<vmem>>[vector<16xi32>, vector<16xi32>], vector<16xf32>,
        %parallel_loop3A_1082 = arith.constant 8.000000e+00 : f32
        %parallel_loop3A_1083 = vector.broadcast %parallel_loop3A_1082 : f32 to vector<16xf32>
        %parallel_loop3A_1084 = arith.mulf %parallel_loop3A_1081, %parallel_loop3A_1083 : vector<16xf32>
        %parallel_loop3A_1085 = arith.addf %parallel_loop3A_1084, %parallel_loop3A_1029 : vector<16xf32>
        %parallel_loop3A_1086 = arith.constant 0 : i32
        %parallel_loop3A_1087 = arith.index_cast %parallel_loop3A_1086 : i32 to index
        %parallel_loop3A_1088 = arith.index_cast %parallel_loop3A_1053 : i32 to index
        %parallel_loop3A_1089 = arith.index_cast %parallel_loop3A_1069 : i32 to index
        %parallel_loop3A_1090 = arith.constant 16 : index
        %parallel_loop3A_1091 = tpu.vector_load %arg8[%parallel_loop3A_1087, %parallel_loop3A_1088, %parallel_loop3A_1089, %parallel_loop3A_1090] {strides = array<i32>} : memref<4x8x8x128xf32, #tpu.memory_space<vmem>>, vector<16xf32>,
        tpu.vector_store %arg8[%parallel_loop3A_1087, %parallel_loop3A_1088, %parallel_loop3A_1089, %parallel_loop3A_1090], %parallel_loop3A_1085 {strides = array<i32>} : memref<4x8x8x128xf32, #tpu.memory_space<vmem>>, vector<16xf32>,
        %parallel_loop3A_1092 = tpu.vector_load_idx %arg9[%add3A_11, %parallel_loop3A_1028] : memref<128x65xf32, #tpu.memory_space<vmem>>[vector<16xi32>, vector<16xi32>], vector<16xf32>,
        %parallel_loop3A_1093 = arith.constant 8.000000e+00 : f32
        %parallel_loop3A_1094 = vector.broadcast %parallel_loop3A_1093 : f32 to vector<16xf32>
        %parallel_loop3A_1095 = arith.mulf %parallel_loop3A_1092, %parallel_loop3A_1094 : vector<16xf32>
        %parallel_loop3A_1096 = arith.addf %parallel_loop3A_1095, %parallel_loop3A_1029 : vector<16xf32>
        %parallel_loop3A_1097 = arith.constant 0 : i32
        %parallel_loop3A_1098 = arith.index_cast %parallel_loop3A_1097 : i32 to index
        %parallel_loop3A_1099 = arith.index_cast %parallel_loop3A_1053 : i32 to index
        %parallel_loop3A_1100 = arith.index_cast %parallel_loop3A_1069 : i32 to index
        %parallel_loop3A_1101 = arith.constant 32 : index
        %parallel_loop3A_1102 = tpu.vector_load %arg8[%parallel_loop3A_1098, %parallel_loop3A_1099, %parallel_loop3A_1100, %parallel_loop3A_1101] {strides = array<i32>} : memref<4x8x8x128xf32, #tpu.memory_space<vmem>>, vector<16xf32>,
        tpu.vector_store %arg8[%parallel_loop3A_1098, %parallel_loop3A_1099, %parallel_loop3A_1100, %parallel_loop3A_1101], %parallel_loop3A_1096 {strides = array<i32>} : memref<4x8x8x128xf32, #tpu.memory_space<vmem>>, vector<16xf32>,
        %parallel_loop3A_1103 = tpu.vector_load_idx %arg9[%add3A_14, %parallel_loop3A_1028] : memref<128x65xf32, #tpu.memory_space<vmem>>[vector<16xi32>, vector<16xi32>], vector<16xf32>,
        %parallel_loop3A_1104 = arith.constant 8.000000e+00 : f32
        %parallel_loop3A_1105 = vector.broadcast %parallel_loop3A_1104 : f32 to vector<16xf32>
        %parallel_loop3A_1106 = arith.mulf %parallel_loop3A_1103, %parallel_loop3A_1105 : vector<16xf32>
        %parallel_loop3A_1107 = arith.addf %parallel_loop3A_1106, %parallel_loop3A_1029 : vector<16xf32>
        %parallel_loop3A_1108 = arith.constant 0 : i32
        %parallel_loop3A_1109 = arith.index_cast %parallel_loop3A_1108 : i32 to index
        %parallel_loop3A_1110 = arith.index_cast %parallel_loop3A_1053 : i32 to index
        %parallel_loop3A_1111 = arith.index_cast %parallel_loop3A_1069 : i32 to index
        %parallel_loop3A_1112 = arith.constant 48 : index
        %parallel_loop3A_1113 = tpu.vector_load %arg8[%parallel_loop3A_1109, %parallel_loop3A_1110, %parallel_loop3A_1111, %parallel_loop3A_1112] {strides = array<i32>} : memref<4x8x8x128xf32, #tpu.memory_space<vmem>>, vector<16xf32>,
        tpu.vector_store %arg8[%parallel_loop3A_1109, %parallel_loop3A_1110, %parallel_loop3A_1111, %parallel_loop3A_1112], %parallel_loop3A_1107 {strides = array<i32>} : memref<4x8x8x128xf32, #tpu.memory_space<vmem>>, vector<16xf32>,
        %parallel_loop3A_1114 = tpu.vector_load_idx %arg9[%add3A_17, %parallel_loop3A_1028] : memref<128x65xf32, #tpu.memory_space<vmem>>[vector<16xi32>, vector<16xi32>], vector<16xf32>,
        %parallel_loop3A_1115 = arith.constant 8.000000e+00 : f32
        %parallel_loop3A_1116 = vector.broadcast %parallel_loop3A_1115 : f32 to vector<16xf32>
        %parallel_loop3A_1117 = arith.mulf %parallel_loop3A_1114, %parallel_loop3A_1116 : vector<16xf32>
        %parallel_loop3A_1118 = arith.addf %parallel_loop3A_1117, %parallel_loop3A_1029 : vector<16xf32>
        %parallel_loop3A_1119 = arith.constant 0 : i32
        %parallel_loop3A_1120 = arith.index_cast %parallel_loop3A_1119 : i32 to index
        %parallel_loop3A_1121 = arith.index_cast %parallel_loop3A_1053 : i32 to index
        %parallel_loop3A_1122 = arith.index_cast %parallel_loop3A_1069 : i32 to index
        %parallel_loop3A_1123 = arith.constant 64 : index
        %parallel_loop3A_1124 = tpu.vector_load %arg8[%parallel_loop3A_1120, %parallel_loop3A_1121, %parallel_loop3A_1122, %parallel_loop3A_1123] {strides = array<i32>} : memref<4x8x8x128xf32, #tpu.memory_space<vmem>>, vector<16xf32>,
        tpu.vector_store %arg8[%parallel_loop3A_1120, %parallel_loop3A_1121, %parallel_loop3A_1122, %parallel_loop3A_1123], %parallel_loop3A_1118 {strides = array<i32>} : memref<4x8x8x128xf32, #tpu.memory_space<vmem>>, vector<16xf32>,
        %parallel_loop3A_1125 = tpu.vector_load_idx %arg9[%add3A_20, %parallel_loop3A_1028] : memref<128x65xf32, #tpu.memory_space<vmem>>[vector<16xi32>, vector<16xi32>], vector<16xf32>,
        %parallel_loop3A_1126 = arith.constant 8.000000e+00 : f32
        %parallel_loop3A_1127 = vector.broadcast %parallel_loop3A_1126 : f32 to vector<16xf32>
        %parallel_loop3A_1128 = arith.mulf %parallel_loop3A_1125, %parallel_loop3A_1127 : vector<16xf32>
        %parallel_loop3A_1129 = arith.addf %parallel_loop3A_1128, %parallel_loop3A_1029 : vector<16xf32>
        %parallel_loop3A_1130 = arith.constant 0 : i32
        %parallel_loop3A_1131 = arith.index_cast %parallel_loop3A_1130 : i32 to index
        %parallel_loop3A_1132 = arith.index_cast %parallel_loop3A_1053 : i32 to index
        %parallel_loop3A_1133 = arith.index_cast %parallel_loop3A_1069 : i32 to index
        %parallel_loop3A_1134 = arith.constant 80 : index
        %parallel_loop3A_1135 = tpu.vector_load %arg8[%parallel_loop3A_1131, %parallel_loop3A_1132, %parallel_loop3A_1133, %parallel_loop3A_1134] {strides = array<i32>} : memref<4x8x8x128xf32, #tpu.memory_space<vmem>>, vector<16xf32>,
        tpu.vector_store %arg8[%parallel_loop3A_1131, %parallel_loop3A_1132, %parallel_loop3A_1133, %parallel_loop3A_1134], %parallel_loop3A_1129 {strides = array<i32>} : memref<4x8x8x128xf32, #tpu.memory_space<vmem>>, vector<16xf32>,
        %parallel_loop3A_1136 = tpu.vector_load_idx %arg9[%add3A_23, %parallel_loop3A_1028] : memref<128x65xf32, #tpu.memory_space<vmem>>[vector<16xi32>, vector<16xi32>], vector<16xf32>,
        %parallel_loop3A_1137 = arith.constant 8.000000e+00 : f32
        %parallel_loop3A_1138 = vector.broadcast %parallel_loop3A_1137 : f32 to vector<16xf32>
        %parallel_loop3A_1139 = arith.mulf %parallel_loop3A_1136, %parallel_loop3A_1138 : vector<16xf32>
        %parallel_loop3A_1140 = arith.addf %parallel_loop3A_1139, %parallel_loop3A_1029 : vector<16xf32>
        %parallel_loop3A_1141 = arith.constant 0 : i32
        %parallel_loop3A_1142 = arith.index_cast %parallel_loop3A_1141 : i32 to index
        %parallel_loop3A_1143 = arith.index_cast %parallel_loop3A_1053 : i32 to index
        %parallel_loop3A_1144 = arith.index_cast %parallel_loop3A_1069 : i32 to index
        %parallel_loop3A_1145 = arith.constant 96 : index
        %parallel_loop3A_1146 = tpu.vector_load %arg8[%parallel_loop3A_1142, %parallel_loop3A_1143, %parallel_loop3A_1144, %parallel_loop3A_1145] {strides = array<i32>} : memref<4x8x8x128xf32, #tpu.memory_space<vmem>>, vector<16xf32>,
        tpu.vector_store %arg8[%parallel_loop3A_1142, %parallel_loop3A_1143, %parallel_loop3A_1144, %parallel_loop3A_1145], %parallel_loop3A_1140 {strides = array<i32>} : memref<4x8x8x128xf32, #tpu.memory_space<vmem>>, vector<16xf32>,
        %parallel_loop3A_1147 = tpu.vector_load_idx %arg9[%add3A_26, %parallel_loop3A_1028] : memref<128x65xf32, #tpu.memory_space<vmem>>[vector<16xi32>, vector<16xi32>], vector<16xf32>,
        %parallel_loop3A_1148 = arith.constant 8.000000e+00 : f32
        %parallel_loop3A_1149 = vector.broadcast %parallel_loop3A_1148 : f32 to vector<16xf32>
        %parallel_loop3A_1150 = arith.mulf %parallel_loop3A_1147, %parallel_loop3A_1149 : vector<16xf32>
        %parallel_loop3A_1151 = arith.addf %parallel_loop3A_1150, %parallel_loop3A_1029 : vector<16xf32>
        %parallel_loop3A_1152 = arith.constant 0 : i32
        %parallel_loop3A_1153 = arith.index_cast %parallel_loop3A_1152 : i32 to index
        %parallel_loop3A_1154 = arith.index_cast %parallel_loop3A_1053 : i32 to index
        %parallel_loop3A_1155 = arith.index_cast %parallel_loop3A_1069 : i32 to index
        %parallel_loop3A_1156 = arith.constant 112 : index
        %parallel_loop3A_1157 = tpu.vector_load %arg8[%parallel_loop3A_1153, %parallel_loop3A_1154, %parallel_loop3A_1155, %parallel_loop3A_1156] {strides = array<i32>} : memref<4x8x8x128xf32, #tpu.memory_space<vmem>>, vector<16xf32>,
        tpu.vector_store %arg8[%parallel_loop3A_1153, %parallel_loop3A_1154, %parallel_loop3A_1155, %parallel_loop3A_1156], %parallel_loop3A_1151 {strides = array<i32>} : memref<4x8x8x128xf32, #tpu.memory_space<vmem>>, vector<16xf32>,
      } {sc.loop_unroll_factor = 2 : i64, sc.parallel_access}
      %add3A_500 = arith.addi %mul3A_2, %add3A_413 : i32
      %jit3A_501 = arith.constant 32 : i32
      %div3A_502 = arith.divsi %add3A_500, %jit3A_501 : i32
      %sign3A_503 = arith.constant 0 : i32
      %sign3A_504 = arith.cmpi sgt, %add3A_500, %sign3A_503 : i32
      %sign3A_505 = arith.extui %sign3A_504 : i1 to i32
      %sign3A_506 = arith.constant 0 : i32
      %sign3A_507 = arith.cmpi slt, %add3A_500, %sign3A_506 : i32
      %sign3A_508 = arith.extui %sign3A_507 : i1 to i32
      %sign3A_509 = arith.subi %sign3A_505, %sign3A_508 : i32
      %sign3A_510 = arith.constant 0 : i32
      %sign3A_511 = arith.cmpi sgt, %jit3A_501, %sign3A_510 : i32
      %sign3A_512 = arith.extui %sign3A_511 : i1 to i32
      %sign3A_513 = arith.constant 0 : i32
      %sign3A_514 = arith.cmpi slt, %jit3A_501, %sign3A_513 : i32
      %sign3A_515 = arith.extui %sign3A_514 : i1 to i32
      %sign3A_516 = arith.subi %sign3A_512, %sign3A_515 : i32
      %ne3A_517 = arith.cmpi ne, %sign3A_509, %sign3A_516 : i32
      %rem3A_518 = arith.remsi %add3A_500, %jit3A_501 : i32
      %ne3A_519 = arith.constant 0 : i32
      %ne3A_520 = arith.cmpi ne, %rem3A_518, %ne3A_519 : i32
      %and3A_521 = arith.andi %ne3A_517, %ne3A_520 : i1
      %sub3A_522 = arith.constant 1 : i32
      %sub3A_523 = arith.subi %div3A_502, %sub3A_522 : i32
      %select_n3A_524 = arith.select %and3A_521, %sub3A_523, %div3A_502 : i32
      %jit3A_525 = arith.constant 32 : i32
      %eq3A_526 = arith.constant 0 : i32
      %eq3A_527 = arith.cmpi eq, %jit3A_525, %eq3A_526 : i32
      %jit3A_528 = arith.constant 1 : i32
      %select_n3A_529 = arith.select %eq3A_527, %jit3A_528, %jit3A_525 : i32
      %rem3A_530 = arith.remsi %add3A_500, %select_n3A_529 : i32
      %ne3A_531 = arith.constant 0 : i32
      %ne3A_532 = arith.cmpi ne, %rem3A_530, %ne3A_531 : i32
      %lt3A_533 = arith.constant 0 : i32
      %lt3A_534 = arith.cmpi slt, %rem3A_530, %lt3A_533 : i32
      %lt3A_535 = arith.constant 0 : i32
      %lt3A_536 = arith.cmpi slt, %select_n3A_529, %lt3A_535 : i32
      %ne3A_537 = arith.xori %lt3A_534, %lt3A_536 : i1
      %and3A_538 = arith.andi %ne3A_537, %ne3A_532 : i1
      %add3A_539 = arith.addi %rem3A_530, %select_n3A_529 : i32
      %select_n3A_540 = arith.select %and3A_538, %add3A_539, %rem3A_530 : i32
      %dma_start3A_541 = arith.constant 0 : i32
      %dma_start3A_542 = arith.constant 0 : i32
      %dma_start3A_543 = arith.constant 0 : i32
      %dma_start3A_544 = arith.constant 0 : i32
      %dma_start3A_545 = tpu.memref_slice %arg8[%dma_start3A_541, %dma_start3A_542, %dma_start3A_543, %dma_start3A_544] : memref<4x8x8x128xf32, #tpu.memory_space<vmem>> -> memref<1x8x8x128xf32, #tpu.memory_space<vmem>>
      %dma_start3A_546 = tpu.memref_squeeze %dma_start3A_545 : memref<1x8x8x128xf32, #tpu.memory_space<vmem>> -> memref<8x8x128xf32, #tpu.memory_space<vmem>>
      %dma_start3A_547 = arith.constant 0 : i32
      %dma_start3A_548 = arith.constant 0 : i32
      %dma_start3A_549 = arith.constant 0 : i32
      %dma_start3A_550 = tpu.memref_slice %arg5[%select_n3A_524, %dma_start3A_547, %select_n3A_540, %dma_start3A_548, %dma_start3A_549] : memref<200x8x32x8x128xf32, #tpu.memory_space<hbm>> -> memref<1x8x1x8x128xf32, #tpu.memory_space<hbm>>
      %dma_start3A_551 = tpu.memref_squeeze %dma_start3A_550 : memref<1x8x1x8x128xf32, #tpu.memory_space<hbm>> -> memref<8x8x128xf32, #tpu.memory_space<hbm>>
      %dma_start3A_552 = arith.constant 0 : i32
      %dma_start3A_553 = arith.constant 0 : i32
      %dma_start3A_554 = arith.constant 0 : i32
      %dma_start3A_555 = tpu.memref_slice %arg5[%select_n3A_524, %dma_start3A_552, %select_n3A_540, %dma_start3A_553, %dma_start3A_554] : memref<200x8x32x8x128xf32, #tpu.memory_space<hbm>> -> memref<1x8x1x8x128xf32, #tpu.memory_space<hbm>>
      %dma_start3A_556 = tpu.memref_squeeze %dma_start3A_555 : memref<1x8x1x8x128xf32, #tpu.memory_space<hbm>> -> memref<8x8x128xf32, #tpu.memory_space<hbm>>
      %dma_start3A_557 = arith.constant 0 : i32
      %dma_start3A_558 = arith.constant 0 : i32
      %dma_start3A_559 = arith.constant 0 : i32
      %dma_start3A_560 = tpu.memref_slice %arg8[%dma_start3A_541, %dma_start3A_557, %dma_start3A_558, %dma_start3A_559] : memref<4x8x8x128xf32, #tpu.memory_space<vmem>> -> memref<1x8x8x128xf32, #tpu.memory_space<vmem>>
      %dma_start3A_561 = tpu.memref_squeeze %dma_start3A_560 : memref<1x8x8x128xf32, #tpu.memory_space<vmem>> -> memref<8x8x128xf32, #tpu.memory_space<vmem>>
      tpu.enqueue_dma source(%dma_start3A_561 : memref<8x8x128xf32, #tpu.memory_space<vmem>>) target(%dma_start3A_556 : memref<8x8x128xf32, #tpu.memory_space<hbm>>) target_semaphore(%arg19 : memref<!tpu.dma_semaphore, #tpu.memory_space<semaphore_mem>>)
      %add3A_562 = arith.constant 1 : i32
      %add3A_563 = arith.addi %add3A_411, %add3A_562 : i32
      %add3A_564 = arith.constant 2 : i32
      %add3A_565 = arith.addi %add3A_563, %add3A_564 : i32
      %lt3A_566 = arith.constant 200 : i32
      %lt3A_567 = arith.cmpi slt, %add3A_565, %lt3A_566 : i32
      %convert_element_type3A_568 = arith.extui %lt3A_567 : i1 to i32
      %cond3A_569 = arith.constant 0 : i32
      %cond3A_570 = arith.cmpi ne, %convert_element_type3A_568, %cond3A_569 : i32
      scf.if %cond3A_570 {
        %dma_wait3A_1027 = arith.constant 0 : i32
        %dma_wait3A_1028 = arith.constant 3 : i32
        %dma_wait3A_1029 = arith.constant 0 : i32
        %dma_wait3A_1030 = tpu.memref_slice %arg6[%dma_wait3A_1028, %dma_wait3A_1029] : memref<4x128xi32, #tpu.memory_space<vmem>> -> memref<1x128xi32, #tpu.memory_space<vmem>>
        %dma_wait3A_1031 = tpu.memref_squeeze %dma_wait3A_1030 : memref<1x128xi32, #tpu.memory_space<vmem>> -> memref<128xi32, #tpu.memory_space<vmem>>
        %dma_wait3A_1032 = arith.constant 0 : i32
        %dma_wait3A_1033 = tpu.memref_slice %arg2[%dma_wait3A_1027, %dma_wait3A_1032] : memref<200x4096xi32, #tpu.memory_space<hbm>> -> memref<1x128xi32, #tpu.memory_space<hbm>>
        %dma_wait3A_1034 = tpu.memref_squeeze %dma_wait3A_1033 : memref<1x128xi32, #tpu.memory_space<hbm>> -> memref<128xi32, #tpu.memory_space<hbm>>
        %dma_wait3A_1035 = arith.constant 0 : i32
        %dma_wait3A_1036 = tpu.memref_slice %arg6[%dma_wait3A_1028, %dma_wait3A_1035] : memref<4x128xi32, #tpu.memory_space<vmem>> -> memref<1x128xi32, #tpu.memory_space<vmem>>
        %dma_wait3A_1037 = tpu.memref_squeeze %dma_wait3A_1036 : memref<1x128xi32, #tpu.memory_space<vmem>> -> memref<128xi32, #tpu.memory_space<vmem>>
        %dma_wait3A_1038 = arith.constant 0 : i32
        %dma_wait3A_1039 = tpu.memref_slice %arg2[%dma_wait3A_1027, %dma_wait3A_1038] : memref<200x4096xi32, #tpu.memory_space<hbm>> -> memref<1x128xi32, #tpu.memory_space<hbm>>
        %dma_wait3A_1040 = tpu.memref_squeeze %dma_wait3A_1039 : memref<1x128xi32, #tpu.memory_space<hbm>> -> memref<128xi32, #tpu.memory_space<hbm>>
        tpu.wait_dma2 semaphore(%arg14 : memref<!tpu.dma_semaphore, #tpu.memory_space<semaphore_mem>>) src(%dma_wait3A_1040 : memref<128xi32, #tpu.memory_space<hbm>>) dst(%dma_wait3A_1037 : memref<128xi32, #tpu.memory_space<vmem>>)
        %dma_start3A_1041 = arith.constant 3 : i32
        %dma_start3A_1042 = arith.constant 3 : i32
        %dma_start3A_1043 = arith.constant 0 : i32
        %dma_start3A_1044 = arith.constant 0 : i32
        %dma_start3A_1045 = tpu.memref_slice %arg7[%dma_start3A_1042, %dma_start3A_1043, %dma_start3A_1044] : memref<4x128x64xf32, #tpu.memory_space<vmem>> -> memref<1x64x64xf32, #tpu.memory_space<vmem>>
        %dma_start3A_1046 = tpu.memref_squeeze %dma_start3A_1045 : memref<1x64x64xf32, #tpu.memory_space<vmem>> -> memref<64x64xf32, #tpu.memory_space<vmem>>
        %dma_start3A_1047 = arith.constant 0 : i32
        %dma_start3A_1048 = tpu.memref_slice %arg6[%dma_start3A_1041, %dma_start3A_1047] : memref<4x128xi32, #tpu.memory_space<vmem>> -> memref<1x64xi32, #tpu.memory_space<vmem>>
        %dma_start3A_1049 = tpu.memref_squeeze %dma_start3A_1048 : memref<1x64xi32, #tpu.memory_space<vmem>> -> memref<64xi32, #tpu.memory_space<vmem>>
        %dma_start3A_1050 = arith.constant 0 : i32
        %dma_start3A_1051 = arith.constant 0 : i32
        %dma_start3A_1052 = tpu.memref_slice %arg4[%dma_start3A_1050, %dma_start3A_1051] : memref<1000000x64xf32, #tpu.memory_space<hbm>> -> memref<1000000x64xf32, #tpu.memory_space<hbm>>
        tpu.enqueue_indirect_dma source(%dma_start3A_1052 : memref<1000000x64xf32, #tpu.memory_space<hbm>>) target(%dma_start3A_1046 : memref<64x64xf32, #tpu.memory_space<vmem>>) offsets(%dma_start3A_1049 : memref<64xi32, #tpu.memory_space<vmem>>) semaphore(%arg18 : memref<!tpu.dma_semaphore, #tpu.memory_space<semaphore_mem>>)
        %dma_start3A_1053 = arith.constant 3 : i32
        %dma_start3A_1054 = arith.constant 3 : i32
        %dma_start3A_1055 = arith.constant 64 : i32
        %dma_start3A_1056 = arith.constant 0 : i32
        %dma_start3A_1057 = tpu.memref_slice %arg7[%dma_start3A_1054, %dma_start3A_1055, %dma_start3A_1056] : memref<4x128x64xf32, #tpu.memory_space<vmem>> -> memref<1x64x64xf32, #tpu.memory_space<vmem>>
        %dma_start3A_1058 = tpu.memref_squeeze %dma_start3A_1057 : memref<1x64x64xf32, #tpu.memory_space<vmem>> -> memref<64x64xf32, #tpu.memory_space<vmem>>
        %dma_start3A_1059 = arith.constant 64 : i32
        %dma_start3A_1060 = tpu.memref_slice %arg6[%dma_start3A_1053, %dma_start3A_1059] : memref<4x128xi32, #tpu.memory_space<vmem>> -> memref<1x64xi32, #tpu.memory_space<vmem>>
        %dma_start3A_1061 = tpu.memref_squeeze %dma_start3A_1060 : memref<1x64xi32, #tpu.memory_space<vmem>> -> memref<64xi32, #tpu.memory_space<vmem>>
        %dma_start3A_1062 = arith.constant 0 : i32
        %dma_start3A_1063 = arith.constant 0 : i32
        %dma_start3A_1064 = tpu.memref_slice %arg4[%dma_start3A_1062, %dma_start3A_1063] : memref<1000000x64xf32, #tpu.memory_space<hbm>> -> memref<1000000x64xf32, #tpu.memory_space<hbm>>
        tpu.enqueue_indirect_dma source(%dma_start3A_1064 : memref<1000000x64xf32, #tpu.memory_space<hbm>>) target(%dma_start3A_1058 : memref<64x64xf32, #tpu.memory_space<vmem>>) offsets(%dma_start3A_1061 : memref<64xi32, #tpu.memory_space<vmem>>) semaphore(%arg18 : memref<!tpu.dma_semaphore, #tpu.memory_space<semaphore_mem>>)
      } else {
      }
      %dma_wait3A_571 = arith.constant 1 : i32
      %dma_wait3A_572 = arith.constant 1 : i32
      %dma_wait3A_573 = arith.constant 0 : i32
      %dma_wait3A_574 = arith.constant 0 : i32
      %dma_wait3A_575 = tpu.memref_slice %arg7[%dma_wait3A_572, %dma_wait3A_573, %dma_wait3A_574] : memref<4x128x64xf32, #tpu.memory_space<vmem>> -> memref<1x64x64xf32, #tpu.memory_space<vmem>>
      %dma_wait3A_576 = tpu.memref_squeeze %dma_wait3A_575 : memref<1x64x64xf32, #tpu.memory_space<vmem>> -> memref<64x64xf32, #tpu.memory_space<vmem>>
      %dma_wait3A_577 = arith.constant 0 : i32
      %dma_wait3A_578 = tpu.memref_slice %arg6[%dma_wait3A_571, %dma_wait3A_577] : memref<4x128xi32, #tpu.memory_space<vmem>> -> memref<1x64xi32, #tpu.memory_space<vmem>>
      %dma_wait3A_579 = tpu.memref_squeeze %dma_wait3A_578 : memref<1x64xi32, #tpu.memory_space<vmem>> -> memref<64xi32, #tpu.memory_space<vmem>>
      %dma_wait3A_580 = arith.constant 0 : i32
      %dma_wait3A_581 = arith.constant 0 : i32
      %dma_wait3A_582 = tpu.memref_slice %arg4[%dma_wait3A_580, %dma_wait3A_581] : memref<1000000x64xf32, #tpu.memory_space<hbm>> -> memref<1000000x64xf32, #tpu.memory_space<hbm>>
      tpu.wait_indirect_dma semaphore(%arg16 : memref<!tpu.dma_semaphore, #tpu.memory_space<semaphore_mem>>) src(%dma_wait3A_582 : memref<1000000x64xf32, #tpu.memory_space<hbm>>) dst(%dma_wait3A_576 : memref<64x64xf32, #tpu.memory_space<vmem>>)
      %dma_wait3A_583 = arith.constant 1 : i32
      %dma_wait3A_584 = arith.constant 1 : i32
      %dma_wait3A_585 = arith.constant 64 : i32
      %dma_wait3A_586 = arith.constant 0 : i32
      %dma_wait3A_587 = tpu.memref_slice %arg7[%dma_wait3A_584, %dma_wait3A_585, %dma_wait3A_586] : memref<4x128x64xf32, #tpu.memory_space<vmem>> -> memref<1x64x64xf32, #tpu.memory_space<vmem>>
      %dma_wait3A_588 = tpu.memref_squeeze %dma_wait3A_587 : memref<1x64x64xf32, #tpu.memory_space<vmem>> -> memref<64x64xf32, #tpu.memory_space<vmem>>
      %dma_wait3A_589 = arith.constant 64 : i32
      %dma_wait3A_590 = tpu.memref_slice %arg6[%dma_wait3A_583, %dma_wait3A_589] : memref<4x128xi32, #tpu.memory_space<vmem>> -> memref<1x64xi32, #tpu.memory_space<vmem>>
      %dma_wait3A_591 = tpu.memref_squeeze %dma_wait3A_590 : memref<1x64xi32, #tpu.memory_space<vmem>> -> memref<64xi32, #tpu.memory_space<vmem>>
      %dma_wait3A_592 = arith.constant 0 : i32
      %dma_wait3A_593 = arith.constant 0 : i32
      %dma_wait3A_594 = tpu.memref_slice %arg4[%dma_wait3A_592, %dma_wait3A_593] : memref<1000000x64xf32, #tpu.memory_space<hbm>> -> memref<1000000x64xf32, #tpu.memory_space<hbm>>
      tpu.wait_indirect_dma semaphore(%arg16 : memref<!tpu.dma_semaphore, #tpu.memory_space<semaphore_mem>>) src(%dma_wait3A_594 : memref<1000000x64xf32, #tpu.memory_space<hbm>>) dst(%dma_wait3A_588 : memref<64x64xf32, #tpu.memory_space<vmem>>)
      %add3A_595 = arith.constant 4 : i32
      %add3A_596 = arith.addi %add3A_563, %add3A_595 : i32
      %lt3A_597 = arith.constant 200 : i32
      %lt3A_598 = arith.cmpi slt, %add3A_596, %lt3A_597 : i32
      %convert_element_type3A_599 = arith.extui %lt3A_598 : i1 to i32
      %cond3A_600 = arith.constant 0 : i32
      %cond3A_601 = arith.cmpi ne, %convert_element_type3A_599, %cond3A_600 : i32
      scf.if %cond3A_601 {
        %add3A_1027 = arith.constant 4 : i32
        %add3A_1028 = arith.addi %add3A_563, %add3A_1027 : i32
        %add3A_1029 = arith.addi %mul3A_2, %add3A_1028 : i32
        %jit3A_1030 = arith.constant 32 : i32
        %div3A_1031 = arith.divsi %add3A_1029, %jit3A_1030 : i32
        %sign3A_1032 = arith.constant 0 : i32
        %sign3A_1033 = arith.cmpi sgt, %add3A_1029, %sign3A_1032 : i32
        %sign3A_1034 = arith.extui %sign3A_1033 : i1 to i32
        %sign3A_1035 = arith.constant 0 : i32
        %sign3A_1036 = arith.cmpi slt, %add3A_1029, %sign3A_1035 : i32
        %sign3A_1037 = arith.extui %sign3A_1036 : i1 to i32
        %sign3A_1038 = arith.subi %sign3A_1034, %sign3A_1037 : i32
        %sign3A_1039 = arith.constant 0 : i32
        %sign3A_1040 = arith.cmpi sgt, %jit3A_1030, %sign3A_1039 : i32
        %sign3A_1041 = arith.extui %sign3A_1040 : i1 to i32
        %sign3A_1042 = arith.constant 0 : i32
        %sign3A_1043 = arith.cmpi slt, %jit3A_1030, %sign3A_1042 : i32
        %sign3A_1044 = arith.extui %sign3A_1043 : i1 to i32
        %sign3A_1045 = arith.subi %sign3A_1041, %sign3A_1044 : i32
        %ne3A_1046 = arith.cmpi ne, %sign3A_1038, %sign3A_1045 : i32
        %rem3A_1047 = arith.remsi %add3A_1029, %jit3A_1030 : i32
        %ne3A_1048 = arith.constant 0 : i32
        %ne3A_1049 = arith.cmpi ne, %rem3A_1047, %ne3A_1048 : i32
        %and3A_1050 = arith.andi %ne3A_1046, %ne3A_1049 : i1
        %sub3A_1051 = arith.constant 1 : i32
        %sub3A_1052 = arith.subi %div3A_1031, %sub3A_1051 : i32
        %select_n3A_1053 = arith.select %and3A_1050, %sub3A_1052, %div3A_1031 : i32
        %jit3A_1054 = arith.constant 32 : i32
        %eq3A_1055 = arith.constant 0 : i32
        %eq3A_1056 = arith.cmpi eq, %jit3A_1054, %eq3A_1055 : i32
        %jit3A_1057 = arith.constant 1 : i32
        %select_n3A_1058 = arith.select %eq3A_1056, %jit3A_1057, %jit3A_1054 : i32
        %rem3A_1059 = arith.remsi %add3A_1029, %select_n3A_1058 : i32
        %ne3A_1060 = arith.constant 0 : i32
        %ne3A_1061 = arith.cmpi ne, %rem3A_1059, %ne3A_1060 : i32
        %lt3A_1062 = arith.constant 0 : i32
        %lt3A_1063 = arith.cmpi slt, %rem3A_1059, %lt3A_1062 : i32
        %lt3A_1064 = arith.constant 0 : i32
        %lt3A_1065 = arith.cmpi slt, %select_n3A_1058, %lt3A_1064 : i32
        %ne3A_1066 = arith.xori %lt3A_1063, %lt3A_1065 : i1
        %and3A_1067 = arith.andi %ne3A_1066, %ne3A_1061 : i1
        %add3A_1068 = arith.addi %rem3A_1059, %select_n3A_1058 : i32
        %select_n3A_1069 = arith.select %and3A_1067, %add3A_1068, %rem3A_1059 : i32
        %mul3A_1070 = arith.constant 128 : i32
        %mul3A_1071 = arith.muli %select_n3A_1069, %mul3A_1070 : i32
        %dma_start3A_1072 = arith.constant 1 : i32
        %dma_start3A_1073 = arith.constant 0 : i32
        %dma_start3A_1074 = tpu.memref_slice %arg6[%dma_start3A_1072, %dma_start3A_1073] : memref<4x128xi32, #tpu.memory_space<vmem>> -> memref<1x128xi32, #tpu.memory_space<vmem>>
        %dma_start3A_1075 = tpu.memref_squeeze %dma_start3A_1074 : memref<1x128xi32, #tpu.memory_space<vmem>> -> memref<128xi32, #tpu.memory_space<vmem>>
        %dma_start3A_1076 = tpu.memref_slice %arg2[%select_n3A_1053, %mul3A_1071] : memref<200x4096xi32, #tpu.memory_space<hbm>> -> memref<1x128xi32, #tpu.memory_space<hbm>>
        %dma_start3A_1077 = tpu.memref_squeeze %dma_start3A_1076 : memref<1x128xi32, #tpu.memory_space<hbm>> -> memref<128xi32, #tpu.memory_space<hbm>>
        %dma_start3A_1078 = arith.constant 0 : i32
        %dma_start3A_1079 = tpu.memref_slice %arg6[%dma_start3A_1072, %dma_start3A_1078] : memref<4x128xi32, #tpu.memory_space<vmem>> -> memref<1x128xi32, #tpu.memory_space<vmem>>
        %dma_start3A_1080 = tpu.memref_squeeze %dma_start3A_1079 : memref<1x128xi32, #tpu.memory_space<vmem>> -> memref<128xi32, #tpu.memory_space<vmem>>
        %dma_start3A_1081 = tpu.memref_slice %arg2[%select_n3A_1053, %mul3A_1071] : memref<200x4096xi32, #tpu.memory_space<hbm>> -> memref<1x128xi32, #tpu.memory_space<hbm>>
        %dma_start3A_1082 = tpu.memref_squeeze %dma_start3A_1081 : memref<1x128xi32, #tpu.memory_space<hbm>> -> memref<128xi32, #tpu.memory_space<hbm>>
        tpu.enqueue_dma source(%dma_start3A_1082 : memref<128xi32, #tpu.memory_space<hbm>>) target(%dma_start3A_1080 : memref<128xi32, #tpu.memory_space<vmem>>) target_semaphore(%arg12 : memref<!tpu.dma_semaphore, #tpu.memory_space<semaphore_mem>>)
      } else {
      }
      %ge3A_602 = arith.constant 4 : i32
      %ge3A_603 = arith.cmpi sge, %add3A_563, %ge3A_602 : i32
      %convert_element_type3A_604 = arith.extui %ge3A_603 : i1 to i32
      %cond3A_605 = arith.constant 0 : i32
      %cond3A_606 = arith.cmpi ne, %convert_element_type3A_604, %cond3A_605 : i32
      scf.if %cond3A_606 {
        %dma_wait3A_1027 = arith.constant 1 : i32
        %dma_wait3A_1028 = arith.constant 0 : i32
        %dma_wait3A_1029 = arith.constant 0 : i32
        %dma_wait3A_1030 = arith.constant 0 : i32
        %dma_wait3A_1031 = arith.constant 0 : i32
        %dma_wait3A_1032 = arith.constant 0 : i32
        %dma_wait3A_1033 = tpu.memref_slice %arg8[%dma_wait3A_1027, %dma_wait3A_1030, %dma_wait3A_1031, %dma_wait3A_1032] : memref<4x8x8x128xf32, #tpu.memory_space<vmem>> -> memref<1x8x8x128xf32, #tpu.memory_space<vmem>>
        %dma_wait3A_1034 = tpu.memref_squeeze %dma_wait3A_1033 : memref<1x8x8x128xf32, #tpu.memory_space<vmem>> -> memref<8x8x128xf32, #tpu.memory_space<vmem>>
        %dma_wait3A_1035 = arith.constant 0 : i32
        %dma_wait3A_1036 = arith.constant 0 : i32
        %dma_wait3A_1037 = arith.constant 0 : i32
        %dma_wait3A_1038 = tpu.memref_slice %arg5[%dma_wait3A_1028, %dma_wait3A_1035, %dma_wait3A_1029, %dma_wait3A_1036, %dma_wait3A_1037] : memref<200x8x32x8x128xf32, #tpu.memory_space<hbm>> -> memref<1x8x1x8x128xf32, #tpu.memory_space<hbm>>
        %dma_wait3A_1039 = tpu.memref_squeeze %dma_wait3A_1038 : memref<1x8x1x8x128xf32, #tpu.memory_space<hbm>> -> memref<8x8x128xf32, #tpu.memory_space<hbm>>
        %dma_wait3A_1040 = arith.constant 0 : i32
        %dma_wait3A_1041 = arith.constant 0 : i32
        %dma_wait3A_1042 = arith.constant 0 : i32
        %dma_wait3A_1043 = tpu.memref_slice %arg5[%dma_wait3A_1028, %dma_wait3A_1040, %dma_wait3A_1029, %dma_wait3A_1041, %dma_wait3A_1042] : memref<200x8x32x8x128xf32, #tpu.memory_space<hbm>> -> memref<1x8x1x8x128xf32, #tpu.memory_space<hbm>>
        %dma_wait3A_1044 = tpu.memref_squeeze %dma_wait3A_1043 : memref<1x8x1x8x128xf32, #tpu.memory_space<hbm>> -> memref<8x8x128xf32, #tpu.memory_space<hbm>>
        %dma_wait3A_1045 = arith.constant 0 : i32
        %dma_wait3A_1046 = arith.constant 0 : i32
        %dma_wait3A_1047 = arith.constant 0 : i32
        %dma_wait3A_1048 = tpu.memref_slice %arg8[%dma_wait3A_1027, %dma_wait3A_1045, %dma_wait3A_1046, %dma_wait3A_1047] : memref<4x8x8x128xf32, #tpu.memory_space<vmem>> -> memref<1x8x8x128xf32, #tpu.memory_space<vmem>>
        %dma_wait3A_1049 = tpu.memref_squeeze %dma_wait3A_1048 : memref<1x8x8x128xf32, #tpu.memory_space<vmem>> -> memref<8x8x128xf32, #tpu.memory_space<vmem>>
        tpu.wait_dma2 semaphore(%arg20 : memref<!tpu.dma_semaphore, #tpu.memory_space<semaphore_mem>>) src(%dma_wait3A_1049 : memref<8x8x128xf32, #tpu.memory_space<vmem>>) dst(%dma_wait3A_1044 : memref<8x8x128xf32, #tpu.memory_space<hbm>>)
      } else {
      }
      %add3A_607 = arith.addi %mul3A_2, %add3A_563 : i32
      %jit3A_608 = arith.constant 32 : i32
      %div3A_609 = arith.divsi %add3A_607, %jit3A_608 : i32
      %sign3A_610 = arith.constant 0 : i32
      %sign3A_611 = arith.cmpi sgt, %add3A_607, %sign3A_610 : i32
      %sign3A_612 = arith.extui %sign3A_611 : i1 to i32
      %sign3A_613 = arith.constant 0 : i32
      %sign3A_614 = arith.cmpi slt, %add3A_607, %sign3A_613 : i32
      %sign3A_615 = arith.extui %sign3A_614 : i1 to i32
      %sign3A_616 = arith.subi %sign3A_612, %sign3A_615 : i32
      %sign3A_617 = arith.constant 0 : i32
      %sign3A_618 = arith.cmpi sgt, %jit3A_608, %sign3A_617 : i32
      %sign3A_619 = arith.extui %sign3A_618 : i1 to i32
      %sign3A_620 = arith.constant 0 : i32
      %sign3A_621 = arith.cmpi slt, %jit3A_608, %sign3A_620 : i32
      %sign3A_622 = arith.extui %sign3A_621 : i1 to i32
      %sign3A_623 = arith.subi %sign3A_619, %sign3A_622 : i32
      %ne3A_624 = arith.cmpi ne, %sign3A_616, %sign3A_623 : i32
      %rem3A_625 = arith.remsi %add3A_607, %jit3A_608 : i32
      %ne3A_626 = arith.constant 0 : i32
      %ne3A_627 = arith.cmpi ne, %rem3A_625, %ne3A_626 : i32
      %and3A_628 = arith.andi %ne3A_624, %ne3A_627 : i1
      %sub3A_629 = arith.constant 1 : i32
      %sub3A_630 = arith.subi %div3A_609, %sub3A_629 : i32
      %select_n3A_631 = arith.select %and3A_628, %sub3A_630, %div3A_609 : i32
      %jit3A_632 = arith.constant 32 : i32
      %eq3A_633 = arith.constant 0 : i32
      %eq3A_634 = arith.cmpi eq, %jit3A_632, %eq3A_633 : i32
      %jit3A_635 = arith.constant 1 : i32
      %select_n3A_636 = arith.select %eq3A_634, %jit3A_635, %jit3A_632 : i32
      %rem3A_637 = arith.remsi %add3A_607, %select_n3A_636 : i32
      %ne3A_638 = arith.constant 0 : i32
      %ne3A_639 = arith.cmpi ne, %rem3A_637, %ne3A_638 : i32
      %lt3A_640 = arith.constant 0 : i32
      %lt3A_641 = arith.cmpi slt, %rem3A_637, %lt3A_640 : i32
      %lt3A_642 = arith.constant 0 : i32
      %lt3A_643 = arith.cmpi slt, %select_n3A_636, %lt3A_642 : i32
      %ne3A_644 = arith.xori %lt3A_641, %lt3A_643 : i1
      %and3A_645 = arith.andi %ne3A_644, %ne3A_639 : i1
      %add3A_646 = arith.addi %rem3A_637, %select_n3A_636 : i32
      %select_n3A_647 = arith.select %and3A_645, %add3A_646, %rem3A_637 : i32
      %broadcast_in_dim3A_648 = vector.broadcast %select_n3A_631 : i32 to vector<16xi32>
      %parallel_loop3A_649 = arith.constant 0 : i32
      %parallel_loop3A_650 = arith.constant 128 : i32
      %parallel_loop3A_651 = arith.constant 1 : i32
      scf.for %parallel_loop3A_1027 = %parallel_loop3A_649 to %parallel_loop3A_650 step %parallel_loop3A_651  : i32 {
        %parallel_loop3A_1028 = arith.constant 1 : i32
        %parallel_loop3A_1029 = arith.index_cast %parallel_loop3A_1028 : i32 to index
        %parallel_loop3A_1030 = arith.index_cast %parallel_loop3A_1027 : i32 to index
        %parallel_loop3A_1031 = arith.constant 0 : index
        %parallel_loop3A_1032 = tpu.vector_load %arg7[%parallel_loop3A_1029, %parallel_loop3A_1030, %parallel_loop3A_1031] {strides = array<i32>} : memref<4x128x64xf32, #tpu.memory_space<vmem>>, vector<16xf32>,
        %parallel_loop3A_1033 = arith.index_cast %parallel_loop3A_1027 : i32 to index
        %parallel_loop3A_1034 = arith.constant 0 : index
        %parallel_loop3A_1035 = tpu.vector_load %arg9[%parallel_loop3A_1033, %parallel_loop3A_1034] {strides = array<i32>} : memref<128x65xf32, #tpu.memory_space<vmem>>, vector<16xf32>,
        tpu.vector_store %arg9[%parallel_loop3A_1033, %parallel_loop3A_1034], %parallel_loop3A_1032 {strides = array<i32>} : memref<128x65xf32, #tpu.memory_space<vmem>>, vector<16xf32>,
        %parallel_loop3A_1036 = arith.constant 1 : i32
        %parallel_loop3A_1037 = arith.index_cast %parallel_loop3A_1036 : i32 to index
        %parallel_loop3A_1038 = arith.index_cast %parallel_loop3A_1027 : i32 to index
        %parallel_loop3A_1039 = arith.constant 16 : index
        %parallel_loop3A_1040 = tpu.vector_load %arg7[%parallel_loop3A_1037, %parallel_loop3A_1038, %parallel_loop3A_1039] {strides = array<i32>} : memref<4x128x64xf32, #tpu.memory_space<vmem>>, vector<16xf32>,
        %parallel_loop3A_1041 = arith.index_cast %parallel_loop3A_1027 : i32 to index
        %parallel_loop3A_1042 = arith.constant 16 : index
        %parallel_loop3A_1043 = tpu.vector_load %arg9[%parallel_loop3A_1041, %parallel_loop3A_1042] {strides = array<i32>} : memref<128x65xf32, #tpu.memory_space<vmem>>, vector<16xf32>,
        tpu.vector_store %arg9[%parallel_loop3A_1041, %parallel_loop3A_1042], %parallel_loop3A_1040 {strides = array<i32>} : memref<128x65xf32, #tpu.memory_space<vmem>>, vector<16xf32>,
        %parallel_loop3A_1044 = arith.constant 1 : i32
        %parallel_loop3A_1045 = arith.index_cast %parallel_loop3A_1044 : i32 to index
        %parallel_loop3A_1046 = arith.index_cast %parallel_loop3A_1027 : i32 to index
        %parallel_loop3A_1047 = arith.constant 32 : index
        %parallel_loop3A_1048 = tpu.vector_load %arg7[%parallel_loop3A_1045, %parallel_loop3A_1046, %parallel_loop3A_1047] {strides = array<i32>} : memref<4x128x64xf32, #tpu.memory_space<vmem>>, vector<16xf32>,
        %parallel_loop3A_1049 = arith.index_cast %parallel_loop3A_1027 : i32 to index
        %parallel_loop3A_1050 = arith.constant 32 : index
        %parallel_loop3A_1051 = tpu.vector_load %arg9[%parallel_loop3A_1049, %parallel_loop3A_1050] {strides = array<i32>} : memref<128x65xf32, #tpu.memory_space<vmem>>, vector<16xf32>,
        tpu.vector_store %arg9[%parallel_loop3A_1049, %parallel_loop3A_1050], %parallel_loop3A_1048 {strides = array<i32>} : memref<128x65xf32, #tpu.memory_space<vmem>>, vector<16xf32>,
        %parallel_loop3A_1052 = arith.constant 1 : i32
        %parallel_loop3A_1053 = arith.index_cast %parallel_loop3A_1052 : i32 to index
        %parallel_loop3A_1054 = arith.index_cast %parallel_loop3A_1027 : i32 to index
        %parallel_loop3A_1055 = arith.constant 48 : index
        %parallel_loop3A_1056 = tpu.vector_load %arg7[%parallel_loop3A_1053, %parallel_loop3A_1054, %parallel_loop3A_1055] {strides = array<i32>} : memref<4x128x64xf32, #tpu.memory_space<vmem>>, vector<16xf32>,
        %parallel_loop3A_1057 = arith.index_cast %parallel_loop3A_1027 : i32 to index
        %parallel_loop3A_1058 = arith.constant 48 : index
        %parallel_loop3A_1059 = tpu.vector_load %arg9[%parallel_loop3A_1057, %parallel_loop3A_1058] {strides = array<i32>} : memref<128x65xf32, #tpu.memory_space<vmem>>, vector<16xf32>,
        tpu.vector_store %arg9[%parallel_loop3A_1057, %parallel_loop3A_1058], %parallel_loop3A_1056 {strides = array<i32>} : memref<128x65xf32, #tpu.memory_space<vmem>>, vector<16xf32>,
      } {sc.loop_unroll_factor = 2 : i64, sc.parallel_access}
      %parallel_loop3A_652 = arith.constant 0 : i32
      %parallel_loop3A_653 = arith.constant 64 : i32
      %parallel_loop3A_654 = arith.constant 1 : i32
      scf.for %parallel_loop3A_1027 = %parallel_loop3A_652 to %parallel_loop3A_653 step %parallel_loop3A_654  : i32 {
        %parallel_loop3A_1028 = vector.broadcast %parallel_loop3A_1027 : i32 to vector<16xi32>
        %parallel_loop3A_1029 = tpu.vector_load_idx %arg10[%broadcast_in_dim3A_648, %parallel_loop3A_1028] : memref<200x64xf32, #tpu.memory_space<vmem>>[vector<16xi32>, vector<16xi32>], vector<16xf32>,
        %parallel_loop3A_1030 = arith.constant 8 : i32
        %parallel_loop3A_1031 = arith.divsi %parallel_loop3A_1027, %parallel_loop3A_1030 : i32
        %parallel_loop3A_1032 = arith.constant 0 : i32
        %parallel_loop3A_1033 = arith.cmpi sgt, %parallel_loop3A_1027, %parallel_loop3A_1032 : i32
        %parallel_loop3A_1034 = arith.extui %parallel_loop3A_1033 : i1 to i32
        %parallel_loop3A_1035 = arith.constant 0 : i32
        %parallel_loop3A_1036 = arith.cmpi slt, %parallel_loop3A_1027, %parallel_loop3A_1035 : i32
        %parallel_loop3A_1037 = arith.extui %parallel_loop3A_1036 : i1 to i32
        %parallel_loop3A_1038 = arith.subi %parallel_loop3A_1034, %parallel_loop3A_1037 : i32
        %parallel_loop3A_1039 = arith.constant 0 : i32
        %parallel_loop3A_1040 = arith.cmpi sgt, %parallel_loop3A_1030, %parallel_loop3A_1039 : i32
        %parallel_loop3A_1041 = arith.extui %parallel_loop3A_1040 : i1 to i32
        %parallel_loop3A_1042 = arith.constant 0 : i32
        %parallel_loop3A_1043 = arith.cmpi slt, %parallel_loop3A_1030, %parallel_loop3A_1042 : i32
        %parallel_loop3A_1044 = arith.extui %parallel_loop3A_1043 : i1 to i32
        %parallel_loop3A_1045 = arith.subi %parallel_loop3A_1041, %parallel_loop3A_1044 : i32
        %parallel_loop3A_1046 = arith.cmpi ne, %parallel_loop3A_1038, %parallel_loop3A_1045 : i32
        %parallel_loop3A_1047 = arith.remsi %parallel_loop3A_1027, %parallel_loop3A_1030 : i32
        %parallel_loop3A_1048 = arith.constant 0 : i32
        %parallel_loop3A_1049 = arith.cmpi ne, %parallel_loop3A_1047, %parallel_loop3A_1048 : i32
        %parallel_loop3A_1050 = arith.andi %parallel_loop3A_1046, %parallel_loop3A_1049 : i1
        %parallel_loop3A_1051 = arith.constant 1 : i32
        %parallel_loop3A_1052 = arith.subi %parallel_loop3A_1031, %parallel_loop3A_1051 : i32
        %parallel_loop3A_1053 = arith.select %parallel_loop3A_1050, %parallel_loop3A_1052, %parallel_loop3A_1031 : i32
        %parallel_loop3A_1054 = arith.constant 8 : i32
        %parallel_loop3A_1055 = arith.constant 0 : i32
        %parallel_loop3A_1056 = arith.cmpi eq, %parallel_loop3A_1054, %parallel_loop3A_1055 : i32
        %parallel_loop3A_1057 = arith.constant 1 : i32
        %parallel_loop3A_1058 = arith.select %parallel_loop3A_1056, %parallel_loop3A_1057, %parallel_loop3A_1054 : i32
        %parallel_loop3A_1059 = arith.remsi %parallel_loop3A_1027, %parallel_loop3A_1058 : i32
        %parallel_loop3A_1060 = arith.constant 0 : i32
        %parallel_loop3A_1061 = arith.cmpi ne, %parallel_loop3A_1059, %parallel_loop3A_1060 : i32
        %parallel_loop3A_1062 = arith.constant 0 : i32
        %parallel_loop3A_1063 = arith.cmpi slt, %parallel_loop3A_1059, %parallel_loop3A_1062 : i32
        %parallel_loop3A_1064 = arith.constant 0 : i32
        %parallel_loop3A_1065 = arith.cmpi slt, %parallel_loop3A_1058, %parallel_loop3A_1064 : i32
        %parallel_loop3A_1066 = arith.xori %parallel_loop3A_1063, %parallel_loop3A_1065 : i1
        %parallel_loop3A_1067 = arith.andi %parallel_loop3A_1066, %parallel_loop3A_1061 : i1
        %parallel_loop3A_1068 = arith.addi %parallel_loop3A_1059, %parallel_loop3A_1058 : i32
        %parallel_loop3A_1069 = arith.select %parallel_loop3A_1067, %parallel_loop3A_1068, %parallel_loop3A_1059 : i32
        %parallel_loop3A_1070 = tpu.vector_load_idx %arg9[%add3A_5, %parallel_loop3A_1028] : memref<128x65xf32, #tpu.memory_space<vmem>>[vector<16xi32>, vector<16xi32>], vector<16xf32>,
        %parallel_loop3A_1071 = arith.constant 8.000000e+00 : f32
        %parallel_loop3A_1072 = vector.broadcast %parallel_loop3A_1071 : f32 to vector<16xf32>
        %parallel_loop3A_1073 = arith.mulf %parallel_loop3A_1070, %parallel_loop3A_1072 : vector<16xf32>
        %parallel_loop3A_1074 = arith.addf %parallel_loop3A_1073, %parallel_loop3A_1029 : vector<16xf32>
        %parallel_loop3A_1075 = arith.constant 1 : i32
        %parallel_loop3A_1076 = arith.index_cast %parallel_loop3A_1075 : i32 to index
        %parallel_loop3A_1077 = arith.index_cast %parallel_loop3A_1053 : i32 to index
        %parallel_loop3A_1078 = arith.index_cast %parallel_loop3A_1069 : i32 to index
        %parallel_loop3A_1079 = arith.constant 0 : index
        %parallel_loop3A_1080 = tpu.vector_load %arg8[%parallel_loop3A_1076, %parallel_loop3A_1077, %parallel_loop3A_1078, %parallel_loop3A_1079] {strides = array<i32>} : memref<4x8x8x128xf32, #tpu.memory_space<vmem>>, vector<16xf32>,
        tpu.vector_store %arg8[%parallel_loop3A_1076, %parallel_loop3A_1077, %parallel_loop3A_1078, %parallel_loop3A_1079], %parallel_loop3A_1074 {strides = array<i32>} : memref<4x8x8x128xf32, #tpu.memory_space<vmem>>, vector<16xf32>,
        %parallel_loop3A_1081 = tpu.vector_load_idx %arg9[%add3A_8, %parallel_loop3A_1028] : memref<128x65xf32, #tpu.memory_space<vmem>>[vector<16xi32>, vector<16xi32>], vector<16xf32>,
        %parallel_loop3A_1082 = arith.constant 8.000000e+00 : f32
        %parallel_loop3A_1083 = vector.broadcast %parallel_loop3A_1082 : f32 to vector<16xf32>
        %parallel_loop3A_1084 = arith.mulf %parallel_loop3A_1081, %parallel_loop3A_1083 : vector<16xf32>
        %parallel_loop3A_1085 = arith.addf %parallel_loop3A_1084, %parallel_loop3A_1029 : vector<16xf32>
        %parallel_loop3A_1086 = arith.constant 1 : i32
        %parallel_loop3A_1087 = arith.index_cast %parallel_loop3A_1086 : i32 to index
        %parallel_loop3A_1088 = arith.index_cast %parallel_loop3A_1053 : i32 to index
        %parallel_loop3A_1089 = arith.index_cast %parallel_loop3A_1069 : i32 to index
        %parallel_loop3A_1090 = arith.constant 16 : index
        %parallel_loop3A_1091 = tpu.vector_load %arg8[%parallel_loop3A_1087, %parallel_loop3A_1088, %parallel_loop3A_1089, %parallel_loop3A_1090] {strides = array<i32>} : memref<4x8x8x128xf32, #tpu.memory_space<vmem>>, vector<16xf32>,
        tpu.vector_store %arg8[%parallel_loop3A_1087, %parallel_loop3A_1088, %parallel_loop3A_1089, %parallel_loop3A_1090], %parallel_loop3A_1085 {strides = array<i32>} : memref<4x8x8x128xf32, #tpu.memory_space<vmem>>, vector<16xf32>,
        %parallel_loop3A_1092 = tpu.vector_load_idx %arg9[%add3A_11, %parallel_loop3A_1028] : memref<128x65xf32, #tpu.memory_space<vmem>>[vector<16xi32>, vector<16xi32>], vector<16xf32>,
        %parallel_loop3A_1093 = arith.constant 8.000000e+00 : f32
        %parallel_loop3A_1094 = vector.broadcast %parallel_loop3A_1093 : f32 to vector<16xf32>
        %parallel_loop3A_1095 = arith.mulf %parallel_loop3A_1092, %parallel_loop3A_1094 : vector<16xf32>
        %parallel_loop3A_1096 = arith.addf %parallel_loop3A_1095, %parallel_loop3A_1029 : vector<16xf32>
        %parallel_loop3A_1097 = arith.constant 1 : i32
        %parallel_loop3A_1098 = arith.index_cast %parallel_loop3A_1097 : i32 to index
        %parallel_loop3A_1099 = arith.index_cast %parallel_loop3A_1053 : i32 to index
        %parallel_loop3A_1100 = arith.index_cast %parallel_loop3A_1069 : i32 to index
        %parallel_loop3A_1101 = arith.constant 32 : index
        %parallel_loop3A_1102 = tpu.vector_load %arg8[%parallel_loop3A_1098, %parallel_loop3A_1099, %parallel_loop3A_1100, %parallel_loop3A_1101] {strides = array<i32>} : memref<4x8x8x128xf32, #tpu.memory_space<vmem>>, vector<16xf32>,
        tpu.vector_store %arg8[%parallel_loop3A_1098, %parallel_loop3A_1099, %parallel_loop3A_1100, %parallel_loop3A_1101], %parallel_loop3A_1096 {strides = array<i32>} : memref<4x8x8x128xf32, #tpu.memory_space<vmem>>, vector<16xf32>,
        %parallel_loop3A_1103 = tpu.vector_load_idx %arg9[%add3A_14, %parallel_loop3A_1028] : memref<128x65xf32, #tpu.memory_space<vmem>>[vector<16xi32>, vector<16xi32>], vector<16xf32>,
        %parallel_loop3A_1104 = arith.constant 8.000000e+00 : f32
        %parallel_loop3A_1105 = vector.broadcast %parallel_loop3A_1104 : f32 to vector<16xf32>
        %parallel_loop3A_1106 = arith.mulf %parallel_loop3A_1103, %parallel_loop3A_1105 : vector<16xf32>
        %parallel_loop3A_1107 = arith.addf %parallel_loop3A_1106, %parallel_loop3A_1029 : vector<16xf32>
        %parallel_loop3A_1108 = arith.constant 1 : i32
        %parallel_loop3A_1109 = arith.index_cast %parallel_loop3A_1108 : i32 to index
        %parallel_loop3A_1110 = arith.index_cast %parallel_loop3A_1053 : i32 to index
        %parallel_loop3A_1111 = arith.index_cast %parallel_loop3A_1069 : i32 to index
        %parallel_loop3A_1112 = arith.constant 48 : index
        %parallel_loop3A_1113 = tpu.vector_load %arg8[%parallel_loop3A_1109, %parallel_loop3A_1110, %parallel_loop3A_1111, %parallel_loop3A_1112] {strides = array<i32>} : memref<4x8x8x128xf32, #tpu.memory_space<vmem>>, vector<16xf32>,
        tpu.vector_store %arg8[%parallel_loop3A_1109, %parallel_loop3A_1110, %parallel_loop3A_1111, %parallel_loop3A_1112], %parallel_loop3A_1107 {strides = array<i32>} : memref<4x8x8x128xf32, #tpu.memory_space<vmem>>, vector<16xf32>,
        %parallel_loop3A_1114 = tpu.vector_load_idx %arg9[%add3A_17, %parallel_loop3A_1028] : memref<128x65xf32, #tpu.memory_space<vmem>>[vector<16xi32>, vector<16xi32>], vector<16xf32>,
        %parallel_loop3A_1115 = arith.constant 8.000000e+00 : f32
        %parallel_loop3A_1116 = vector.broadcast %parallel_loop3A_1115 : f32 to vector<16xf32>
        %parallel_loop3A_1117 = arith.mulf %parallel_loop3A_1114, %parallel_loop3A_1116 : vector<16xf32>
        %parallel_loop3A_1118 = arith.addf %parallel_loop3A_1117, %parallel_loop3A_1029 : vector<16xf32>
        %parallel_loop3A_1119 = arith.constant 1 : i32
        %parallel_loop3A_1120 = arith.index_cast %parallel_loop3A_1119 : i32 to index
        %parallel_loop3A_1121 = arith.index_cast %parallel_loop3A_1053 : i32 to index
        %parallel_loop3A_1122 = arith.index_cast %parallel_loop3A_1069 : i32 to index
        %parallel_loop3A_1123 = arith.constant 64 : index
        %parallel_loop3A_1124 = tpu.vector_load %arg8[%parallel_loop3A_1120, %parallel_loop3A_1121, %parallel_loop3A_1122, %parallel_loop3A_1123] {strides = array<i32>} : memref<4x8x8x128xf32, #tpu.memory_space<vmem>>, vector<16xf32>,
        tpu.vector_store %arg8[%parallel_loop3A_1120, %parallel_loop3A_1121, %parallel_loop3A_1122, %parallel_loop3A_1123], %parallel_loop3A_1118 {strides = array<i32>} : memref<4x8x8x128xf32, #tpu.memory_space<vmem>>, vector<16xf32>,
        %parallel_loop3A_1125 = tpu.vector_load_idx %arg9[%add3A_20, %parallel_loop3A_1028] : memref<128x65xf32, #tpu.memory_space<vmem>>[vector<16xi32>, vector<16xi32>], vector<16xf32>,
        %parallel_loop3A_1126 = arith.constant 8.000000e+00 : f32
        %parallel_loop3A_1127 = vector.broadcast %parallel_loop3A_1126 : f32 to vector<16xf32>
        %parallel_loop3A_1128 = arith.mulf %parallel_loop3A_1125, %parallel_loop3A_1127 : vector<16xf32>
        %parallel_loop3A_1129 = arith.addf %parallel_loop3A_1128, %parallel_loop3A_1029 : vector<16xf32>
        %parallel_loop3A_1130 = arith.constant 1 : i32
        %parallel_loop3A_1131 = arith.index_cast %parallel_loop3A_1130 : i32 to index
        %parallel_loop3A_1132 = arith.index_cast %parallel_loop3A_1053 : i32 to index
        %parallel_loop3A_1133 = arith.index_cast %parallel_loop3A_1069 : i32 to index
        %parallel_loop3A_1134 = arith.constant 80 : index
        %parallel_loop3A_1135 = tpu.vector_load %arg8[%parallel_loop3A_1131, %parallel_loop3A_1132, %parallel_loop3A_1133, %parallel_loop3A_1134] {strides = array<i32>} : memref<4x8x8x128xf32, #tpu.memory_space<vmem>>, vector<16xf32>,
        tpu.vector_store %arg8[%parallel_loop3A_1131, %parallel_loop3A_1132, %parallel_loop3A_1133, %parallel_loop3A_1134], %parallel_loop3A_1129 {strides = array<i32>} : memref<4x8x8x128xf32, #tpu.memory_space<vmem>>, vector<16xf32>,
        %parallel_loop3A_1136 = tpu.vector_load_idx %arg9[%add3A_23, %parallel_loop3A_1028] : memref<128x65xf32, #tpu.memory_space<vmem>>[vector<16xi32>, vector<16xi32>], vector<16xf32>,
        %parallel_loop3A_1137 = arith.constant 8.000000e+00 : f32
        %parallel_loop3A_1138 = vector.broadcast %parallel_loop3A_1137 : f32 to vector<16xf32>
        %parallel_loop3A_1139 = arith.mulf %parallel_loop3A_1136, %parallel_loop3A_1138 : vector<16xf32>
        %parallel_loop3A_1140 = arith.addf %parallel_loop3A_1139, %parallel_loop3A_1029 : vector<16xf32>
        %parallel_loop3A_1141 = arith.constant 1 : i32
        %parallel_loop3A_1142 = arith.index_cast %parallel_loop3A_1141 : i32 to index
        %parallel_loop3A_1143 = arith.index_cast %parallel_loop3A_1053 : i32 to index
        %parallel_loop3A_1144 = arith.index_cast %parallel_loop3A_1069 : i32 to index
        %parallel_loop3A_1145 = arith.constant 96 : index
        %parallel_loop3A_1146 = tpu.vector_load %arg8[%parallel_loop3A_1142, %parallel_loop3A_1143, %parallel_loop3A_1144, %parallel_loop3A_1145] {strides = array<i32>} : memref<4x8x8x128xf32, #tpu.memory_space<vmem>>, vector<16xf32>,
        tpu.vector_store %arg8[%parallel_loop3A_1142, %parallel_loop3A_1143, %parallel_loop3A_1144, %parallel_loop3A_1145], %parallel_loop3A_1140 {strides = array<i32>} : memref<4x8x8x128xf32, #tpu.memory_space<vmem>>, vector<16xf32>,
        %parallel_loop3A_1147 = tpu.vector_load_idx %arg9[%add3A_26, %parallel_loop3A_1028] : memref<128x65xf32, #tpu.memory_space<vmem>>[vector<16xi32>, vector<16xi32>], vector<16xf32>,
        %parallel_loop3A_1148 = arith.constant 8.000000e+00 : f32
        %parallel_loop3A_1149 = vector.broadcast %parallel_loop3A_1148 : f32 to vector<16xf32>
        %parallel_loop3A_1150 = arith.mulf %parallel_loop3A_1147, %parallel_loop3A_1149 : vector<16xf32>
        %parallel_loop3A_1151 = arith.addf %parallel_loop3A_1150, %parallel_loop3A_1029 : vector<16xf32>
        %parallel_loop3A_1152 = arith.constant 1 : i32
        %parallel_loop3A_1153 = arith.index_cast %parallel_loop3A_1152 : i32 to index
        %parallel_loop3A_1154 = arith.index_cast %parallel_loop3A_1053 : i32 to index
        %parallel_loop3A_1155 = arith.index_cast %parallel_loop3A_1069 : i32 to index
        %parallel_loop3A_1156 = arith.constant 112 : index
        %parallel_loop3A_1157 = tpu.vector_load %arg8[%parallel_loop3A_1153, %parallel_loop3A_1154, %parallel_loop3A_1155, %parallel_loop3A_1156] {strides = array<i32>} : memref<4x8x8x128xf32, #tpu.memory_space<vmem>>, vector<16xf32>,
        tpu.vector_store %arg8[%parallel_loop3A_1153, %parallel_loop3A_1154, %parallel_loop3A_1155, %parallel_loop3A_1156], %parallel_loop3A_1151 {strides = array<i32>} : memref<4x8x8x128xf32, #tpu.memory_space<vmem>>, vector<16xf32>,
      } {sc.loop_unroll_factor = 2 : i64, sc.parallel_access}
      %add3A_655 = arith.addi %mul3A_2, %add3A_563 : i32
      %jit3A_656 = arith.constant 32 : i32
      %div3A_657 = arith.divsi %add3A_655, %jit3A_656 : i32
      %sign3A_658 = arith.constant 0 : i32
      %sign3A_659 = arith.cmpi sgt, %add3A_655, %sign3A_658 : i32
      %sign3A_660 = arith.extui %sign3A_659 : i1 to i32
      %sign3A_661 = arith.constant 0 : i32
      %sign3A_662 = arith.cmpi slt, %add3A_655, %sign3A_661 : i32
      %sign3A_663 = arith.extui %sign3A_662 : i1 to i32
      %sign3A_664 = arith.subi %sign3A_660, %sign3A_663 : i32
      %sign3A_665 = arith.constant 0 : i32
      %sign3A_666 = arith.cmpi sgt, %jit3A_656, %sign3A_665 : i32
      %sign3A_667 = arith.extui %sign3A_666 : i1 to i32
      %sign3A_668 = arith.constant 0 : i32
      %sign3A_669 = arith.cmpi slt, %jit3A_656, %sign3A_668 : i32
      %sign3A_670 = arith.extui %sign3A_669 : i1 to i32
      %sign3A_671 = arith.subi %sign3A_667, %sign3A_670 : i32
      %ne3A_672 = arith.cmpi ne, %sign3A_664, %sign3A_671 : i32
      %rem3A_673 = arith.remsi %add3A_655, %jit3A_656 : i32
      %ne3A_674 = arith.constant 0 : i32
      %ne3A_675 = arith.cmpi ne, %rem3A_673, %ne3A_674 : i32
      %and3A_676 = arith.andi %ne3A_672, %ne3A_675 : i1
      %sub3A_677 = arith.constant 1 : i32
      %sub3A_678 = arith.subi %div3A_657, %sub3A_677 : i32
      %select_n3A_679 = arith.select %and3A_676, %sub3A_678, %div3A_657 : i32
      %jit3A_680 = arith.constant 32 : i32
      %eq3A_681 = arith.constant 0 : i32
      %eq3A_682 = arith.cmpi eq, %jit3A_680, %eq3A_681 : i32
      %jit3A_683 = arith.constant 1 : i32
      %select_n3A_684 = arith.select %eq3A_682, %jit3A_683, %jit3A_680 : i32
      %rem3A_685 = arith.remsi %add3A_655, %select_n3A_684 : i32
      %ne3A_686 = arith.constant 0 : i32
      %ne3A_687 = arith.cmpi ne, %rem3A_685, %ne3A_686 : i32
      %lt3A_688 = arith.constant 0 : i32
      %lt3A_689 = arith.cmpi slt, %rem3A_685, %lt3A_688 : i32
      %lt3A_690 = arith.constant 0 : i32
      %lt3A_691 = arith.cmpi slt, %select_n3A_684, %lt3A_690 : i32
      %ne3A_692 = arith.xori %lt3A_689, %lt3A_691 : i1
      %and3A_693 = arith.andi %ne3A_692, %ne3A_687 : i1
      %add3A_694 = arith.addi %rem3A_685, %select_n3A_684 : i32
      %select_n3A_695 = arith.select %and3A_693, %add3A_694, %rem3A_685 : i32
      %dma_start3A_696 = arith.constant 1 : i32
      %dma_start3A_697 = arith.constant 0 : i32
      %dma_start3A_698 = arith.constant 0 : i32
      %dma_start3A_699 = arith.constant 0 : i32
      %dma_start3A_700 = tpu.memref_slice %arg8[%dma_start3A_696, %dma_start3A_697, %dma_start3A_698, %dma_start3A_699] : memref<4x8x8x128xf32, #tpu.memory_space<vmem>> -> memref<1x8x8x128xf32, #tpu.memory_space<vmem>>
      %dma_start3A_701 = tpu.memref_squeeze %dma_start3A_700 : memref<1x8x8x128xf32, #tpu.memory_space<vmem>> -> memref<8x8x128xf32, #tpu.memory_space<vmem>>
      %dma_start3A_702 = arith.constant 0 : i32
      %dma_start3A_703 = arith.constant 0 : i32
      %dma_start3A_704 = arith.constant 0 : i32
      %dma_start3A_705 = tpu.memref_slice %arg5[%select_n3A_679, %dma_start3A_702, %select_n3A_695, %dma_start3A_703, %dma_start3A_704] : memref<200x8x32x8x128xf32, #tpu.memory_space<hbm>> -> memref<1x8x1x8x128xf32, #tpu.memory_space<hbm>>
      %dma_start3A_706 = tpu.memref_squeeze %dma_start3A_705 : memref<1x8x1x8x128xf32, #tpu.memory_space<hbm>> -> memref<8x8x128xf32, #tpu.memory_space<hbm>>
      %dma_start3A_707 = arith.constant 0 : i32
      %dma_start3A_708 = arith.constant 0 : i32
      %dma_start3A_709 = arith.constant 0 : i32
      %dma_start3A_710 = tpu.memref_slice %arg5[%select_n3A_679, %dma_start3A_707, %select_n3A_695, %dma_start3A_708, %dma_start3A_709] : memref<200x8x32x8x128xf32, #tpu.memory_space<hbm>> -> memref<1x8x1x8x128xf32, #tpu.memory_space<hbm>>
      %dma_start3A_711 = tpu.memref_squeeze %dma_start3A_710 : memref<1x8x1x8x128xf32, #tpu.memory_space<hbm>> -> memref<8x8x128xf32, #tpu.memory_space<hbm>>
      %dma_start3A_712 = arith.constant 0 : i32
      %dma_start3A_713 = arith.constant 0 : i32
      %dma_start3A_714 = arith.constant 0 : i32
      %dma_start3A_715 = tpu.memref_slice %arg8[%dma_start3A_696, %dma_start3A_712, %dma_start3A_713, %dma_start3A_714] : memref<4x8x8x128xf32, #tpu.memory_space<vmem>> -> memref<1x8x8x128xf32, #tpu.memory_space<vmem>>
      %dma_start3A_716 = tpu.memref_squeeze %dma_start3A_715 : memref<1x8x8x128xf32, #tpu.memory_space<vmem>> -> memref<8x8x128xf32, #tpu.memory_space<vmem>>
      tpu.enqueue_dma source(%dma_start3A_716 : memref<8x8x128xf32, #tpu.memory_space<vmem>>) target(%dma_start3A_711 : memref<8x8x128xf32, #tpu.memory_space<hbm>>) target_semaphore(%arg20 : memref<!tpu.dma_semaphore, #tpu.memory_space<semaphore_mem>>)
      %add3A_717 = arith.constant 2 : i32
      %add3A_718 = arith.addi %add3A_411, %add3A_717 : i32
      %add3A_719 = arith.constant 2 : i32
      %add3A_720 = arith.addi %add3A_718, %add3A_719 : i32
      %lt3A_721 = arith.constant 200 : i32
      %lt3A_722 = arith.cmpi slt, %add3A_720, %lt3A_721 : i32
      %convert_element_type3A_723 = arith.extui %lt3A_722 : i1 to i32
      %cond3A_724 = arith.constant 0 : i32
      %cond3A_725 = arith.cmpi ne, %convert_element_type3A_723, %cond3A_724 : i32
      scf.if %cond3A_725 {
        %dma_wait3A_1027 = arith.constant 0 : i32
        %dma_wait3A_1028 = arith.constant 0 : i32
        %dma_wait3A_1029 = arith.constant 0 : i32
        %dma_wait3A_1030 = tpu.memref_slice %arg6[%dma_wait3A_1028, %dma_wait3A_1029] : memref<4x128xi32, #tpu.memory_space<vmem>> -> memref<1x128xi32, #tpu.memory_space<vmem>>
        %dma_wait3A_1031 = tpu.memref_squeeze %dma_wait3A_1030 : memref<1x128xi32, #tpu.memory_space<vmem>> -> memref<128xi32, #tpu.memory_space<vmem>>
        %dma_wait3A_1032 = arith.constant 0 : i32
        %dma_wait3A_1033 = tpu.memref_slice %arg2[%dma_wait3A_1027, %dma_wait3A_1032] : memref<200x4096xi32, #tpu.memory_space<hbm>> -> memref<1x128xi32, #tpu.memory_space<hbm>>
        %dma_wait3A_1034 = tpu.memref_squeeze %dma_wait3A_1033 : memref<1x128xi32, #tpu.memory_space<hbm>> -> memref<128xi32, #tpu.memory_space<hbm>>
        %dma_wait3A_1035 = arith.constant 0 : i32
        %dma_wait3A_1036 = tpu.memref_slice %arg6[%dma_wait3A_1028, %dma_wait3A_1035] : memref<4x128xi32, #tpu.memory_space<vmem>> -> memref<1x128xi32, #tpu.memory_space<vmem>>
        %dma_wait3A_1037 = tpu.memref_squeeze %dma_wait3A_1036 : memref<1x128xi32, #tpu.memory_space<vmem>> -> memref<128xi32, #tpu.memory_space<vmem>>
        %dma_wait3A_1038 = arith.constant 0 : i32
        %dma_wait3A_1039 = tpu.memref_slice %arg2[%dma_wait3A_1027, %dma_wait3A_1038] : memref<200x4096xi32, #tpu.memory_space<hbm>> -> memref<1x128xi32, #tpu.memory_space<hbm>>
        %dma_wait3A_1040 = tpu.memref_squeeze %dma_wait3A_1039 : memref<1x128xi32, #tpu.memory_space<hbm>> -> memref<128xi32, #tpu.memory_space<hbm>>
        tpu.wait_dma2 semaphore(%arg11 : memref<!tpu.dma_semaphore, #tpu.memory_space<semaphore_mem>>) src(%dma_wait3A_1040 : memref<128xi32, #tpu.memory_space<hbm>>) dst(%dma_wait3A_1037 : memref<128xi32, #tpu.memory_space<vmem>>)
        %dma_start3A_1041 = arith.constant 0 : i32
        %dma_start3A_1042 = arith.constant 0 : i32
        %dma_start3A_1043 = arith.constant 0 : i32
        %dma_start3A_1044 = arith.constant 0 : i32
        %dma_start3A_1045 = tpu.memref_slice %arg7[%dma_start3A_1042, %dma_start3A_1043, %dma_start3A_1044] : memref<4x128x64xf32, #tpu.memory_space<vmem>> -> memref<1x64x64xf32, #tpu.memory_space<vmem>>
        %dma_start3A_1046 = tpu.memref_squeeze %dma_start3A_1045 : memref<1x64x64xf32, #tpu.memory_space<vmem>> -> memref<64x64xf32, #tpu.memory_space<vmem>>
        %dma_start3A_1047 = arith.constant 0 : i32
        %dma_start3A_1048 = tpu.memref_slice %arg6[%dma_start3A_1041, %dma_start3A_1047] : memref<4x128xi32, #tpu.memory_space<vmem>> -> memref<1x64xi32, #tpu.memory_space<vmem>>
        %dma_start3A_1049 = tpu.memref_squeeze %dma_start3A_1048 : memref<1x64xi32, #tpu.memory_space<vmem>> -> memref<64xi32, #tpu.memory_space<vmem>>
        %dma_start3A_1050 = arith.constant 0 : i32
        %dma_start3A_1051 = arith.constant 0 : i32
        %dma_start3A_1052 = tpu.memref_slice %arg4[%dma_start3A_1050, %dma_start3A_1051] : memref<1000000x64xf32, #tpu.memory_space<hbm>> -> memref<1000000x64xf32, #tpu.memory_space<hbm>>
        tpu.enqueue_indirect_dma source(%dma_start3A_1052 : memref<1000000x64xf32, #tpu.memory_space<hbm>>) target(%dma_start3A_1046 : memref<64x64xf32, #tpu.memory_space<vmem>>) offsets(%dma_start3A_1049 : memref<64xi32, #tpu.memory_space<vmem>>) semaphore(%arg15 : memref<!tpu.dma_semaphore, #tpu.memory_space<semaphore_mem>>)
        %dma_start3A_1053 = arith.constant 0 : i32
        %dma_start3A_1054 = arith.constant 0 : i32
        %dma_start3A_1055 = arith.constant 64 : i32
        %dma_start3A_1056 = arith.constant 0 : i32
        %dma_start3A_1057 = tpu.memref_slice %arg7[%dma_start3A_1054, %dma_start3A_1055, %dma_start3A_1056] : memref<4x128x64xf32, #tpu.memory_space<vmem>> -> memref<1x64x64xf32, #tpu.memory_space<vmem>>
        %dma_start3A_1058 = tpu.memref_squeeze %dma_start3A_1057 : memref<1x64x64xf32, #tpu.memory_space<vmem>> -> memref<64x64xf32, #tpu.memory_space<vmem>>
        %dma_start3A_1059 = arith.constant 64 : i32
        %dma_start3A_1060 = tpu.memref_slice %arg6[%dma_start3A_1053, %dma_start3A_1059] : memref<4x128xi32, #tpu.memory_space<vmem>> -> memref<1x64xi32, #tpu.memory_space<vmem>>
        %dma_start3A_1061 = tpu.memref_squeeze %dma_start3A_1060 : memref<1x64xi32, #tpu.memory_space<vmem>> -> memref<64xi32, #tpu.memory_space<vmem>>
        %dma_start3A_1062 = arith.constant 0 : i32
        %dma_start3A_1063 = arith.constant 0 : i32
        %dma_start3A_1064 = tpu.memref_slice %arg4[%dma_start3A_1062, %dma_start3A_1063] : memref<1000000x64xf32, #tpu.memory_space<hbm>> -> memref<1000000x64xf32, #tpu.memory_space<hbm>>
        tpu.enqueue_indirect_dma source(%dma_start3A_1064 : memref<1000000x64xf32, #tpu.memory_space<hbm>>) target(%dma_start3A_1058 : memref<64x64xf32, #tpu.memory_space<vmem>>) offsets(%dma_start3A_1061 : memref<64xi32, #tpu.memory_space<vmem>>) semaphore(%arg15 : memref<!tpu.dma_semaphore, #tpu.memory_space<semaphore_mem>>)
      } else {
      }
      %dma_wait3A_726 = arith.constant 2 : i32
      %dma_wait3A_727 = arith.constant 2 : i32
      %dma_wait3A_728 = arith.constant 0 : i32
      %dma_wait3A_729 = arith.constant 0 : i32
      %dma_wait3A_730 = tpu.memref_slice %arg7[%dma_wait3A_727, %dma_wait3A_728, %dma_wait3A_729] : memref<4x128x64xf32, #tpu.memory_space<vmem>> -> memref<1x64x64xf32, #tpu.memory_space<vmem>>
      %dma_wait3A_731 = tpu.memref_squeeze %dma_wait3A_730 : memref<1x64x64xf32, #tpu.memory_space<vmem>> -> memref<64x64xf32, #tpu.memory_space<vmem>>
      %dma_wait3A_732 = arith.constant 0 : i32
      %dma_wait3A_733 = tpu.memref_slice %arg6[%dma_wait3A_726, %dma_wait3A_732] : memref<4x128xi32, #tpu.memory_space<vmem>> -> memref<1x64xi32, #tpu.memory_space<vmem>>
      %dma_wait3A_734 = tpu.memref_squeeze %dma_wait3A_733 : memref<1x64xi32, #tpu.memory_space<vmem>> -> memref<64xi32, #tpu.memory_space<vmem>>
      %dma_wait3A_735 = arith.constant 0 : i32
      %dma_wait3A_736 = arith.constant 0 : i32
      %dma_wait3A_737 = tpu.memref_slice %arg4[%dma_wait3A_735, %dma_wait3A_736] : memref<1000000x64xf32, #tpu.memory_space<hbm>> -> memref<1000000x64xf32, #tpu.memory_space<hbm>>
      tpu.wait_indirect_dma semaphore(%arg17 : memref<!tpu.dma_semaphore, #tpu.memory_space<semaphore_mem>>) src(%dma_wait3A_737 : memref<1000000x64xf32, #tpu.memory_space<hbm>>) dst(%dma_wait3A_731 : memref<64x64xf32, #tpu.memory_space<vmem>>)
      %dma_wait3A_738 = arith.constant 2 : i32
      %dma_wait3A_739 = arith.constant 2 : i32
      %dma_wait3A_740 = arith.constant 64 : i32
      %dma_wait3A_741 = arith.constant 0 : i32
      %dma_wait3A_742 = tpu.memref_slice %arg7[%dma_wait3A_739, %dma_wait3A_740, %dma_wait3A_741] : memref<4x128x64xf32, #tpu.memory_space<vmem>> -> memref<1x64x64xf32, #tpu.memory_space<vmem>>
      %dma_wait3A_743 = tpu.memref_squeeze %dma_wait3A_742 : memref<1x64x64xf32, #tpu.memory_space<vmem>> -> memref<64x64xf32, #tpu.memory_space<vmem>>
      %dma_wait3A_744 = arith.constant 64 : i32
      %dma_wait3A_745 = tpu.memref_slice %arg6[%dma_wait3A_738, %dma_wait3A_744] : memref<4x128xi32, #tpu.memory_space<vmem>> -> memref<1x64xi32, #tpu.memory_space<vmem>>
      %dma_wait3A_746 = tpu.memref_squeeze %dma_wait3A_745 : memref<1x64xi32, #tpu.memory_space<vmem>> -> memref<64xi32, #tpu.memory_space<vmem>>
      %dma_wait3A_747 = arith.constant 0 : i32
      %dma_wait3A_748 = arith.constant 0 : i32
      %dma_wait3A_749 = tpu.memref_slice %arg4[%dma_wait3A_747, %dma_wait3A_748] : memref<1000000x64xf32, #tpu.memory_space<hbm>> -> memref<1000000x64xf32, #tpu.memory_space<hbm>>
      tpu.wait_indirect_dma semaphore(%arg17 : memref<!tpu.dma_semaphore, #tpu.memory_space<semaphore_mem>>) src(%dma_wait3A_749 : memref<1000000x64xf32, #tpu.memory_space<hbm>>) dst(%dma_wait3A_743 : memref<64x64xf32, #tpu.memory_space<vmem>>)
      %add3A_750 = arith.constant 4 : i32
      %add3A_751 = arith.addi %add3A_718, %add3A_750 : i32
      %lt3A_752 = arith.constant 200 : i32
      %lt3A_753 = arith.cmpi slt, %add3A_751, %lt3A_752 : i32
      %convert_element_type3A_754 = arith.extui %lt3A_753 : i1 to i32
      %cond3A_755 = arith.constant 0 : i32
      %cond3A_756 = arith.cmpi ne, %convert_element_type3A_754, %cond3A_755 : i32
      scf.if %cond3A_756 {
        %add3A_1027 = arith.constant 4 : i32
        %add3A_1028 = arith.addi %add3A_718, %add3A_1027 : i32
        %add3A_1029 = arith.addi %mul3A_2, %add3A_1028 : i32
        %jit3A_1030 = arith.constant 32 : i32
        %div3A_1031 = arith.divsi %add3A_1029, %jit3A_1030 : i32
        %sign3A_1032 = arith.constant 0 : i32
        %sign3A_1033 = arith.cmpi sgt, %add3A_1029, %sign3A_1032 : i32
        %sign3A_1034 = arith.extui %sign3A_1033 : i1 to i32
        %sign3A_1035 = arith.constant 0 : i32
        %sign3A_1036 = arith.cmpi slt, %add3A_1029, %sign3A_1035 : i32
        %sign3A_1037 = arith.extui %sign3A_1036 : i1 to i32
        %sign3A_1038 = arith.subi %sign3A_1034, %sign3A_1037 : i32
        %sign3A_1039 = arith.constant 0 : i32
        %sign3A_1040 = arith.cmpi sgt, %jit3A_1030, %sign3A_1039 : i32
        %sign3A_1041 = arith.extui %sign3A_1040 : i1 to i32
        %sign3A_1042 = arith.constant 0 : i32
        %sign3A_1043 = arith.cmpi slt, %jit3A_1030, %sign3A_1042 : i32
        %sign3A_1044 = arith.extui %sign3A_1043 : i1 to i32
        %sign3A_1045 = arith.subi %sign3A_1041, %sign3A_1044 : i32
        %ne3A_1046 = arith.cmpi ne, %sign3A_1038, %sign3A_1045 : i32
        %rem3A_1047 = arith.remsi %add3A_1029, %jit3A_1030 : i32
        %ne3A_1048 = arith.constant 0 : i32
        %ne3A_1049 = arith.cmpi ne, %rem3A_1047, %ne3A_1048 : i32
        %and3A_1050 = arith.andi %ne3A_1046, %ne3A_1049 : i1
        %sub3A_1051 = arith.constant 1 : i32
        %sub3A_1052 = arith.subi %div3A_1031, %sub3A_1051 : i32
        %select_n3A_1053 = arith.select %and3A_1050, %sub3A_1052, %div3A_1031 : i32
        %jit3A_1054 = arith.constant 32 : i32
        %eq3A_1055 = arith.constant 0 : i32
        %eq3A_1056 = arith.cmpi eq, %jit3A_1054, %eq3A_1055 : i32
        %jit3A_1057 = arith.constant 1 : i32
        %select_n3A_1058 = arith.select %eq3A_1056, %jit3A_1057, %jit3A_1054 : i32
        %rem3A_1059 = arith.remsi %add3A_1029, %select_n3A_1058 : i32
        %ne3A_1060 = arith.constant 0 : i32
        %ne3A_1061 = arith.cmpi ne, %rem3A_1059, %ne3A_1060 : i32
        %lt3A_1062 = arith.constant 0 : i32
        %lt3A_1063 = arith.cmpi slt, %rem3A_1059, %lt3A_1062 : i32
        %lt3A_1064 = arith.constant 0 : i32
        %lt3A_1065 = arith.cmpi slt, %select_n3A_1058, %lt3A_1064 : i32
        %ne3A_1066 = arith.xori %lt3A_1063, %lt3A_1065 : i1
        %and3A_1067 = arith.andi %ne3A_1066, %ne3A_1061 : i1
        %add3A_1068 = arith.addi %rem3A_1059, %select_n3A_1058 : i32
        %select_n3A_1069 = arith.select %and3A_1067, %add3A_1068, %rem3A_1059 : i32
        %mul3A_1070 = arith.constant 128 : i32
        %mul3A_1071 = arith.muli %select_n3A_1069, %mul3A_1070 : i32
        %dma_start3A_1072 = arith.constant 2 : i32
        %dma_start3A_1073 = arith.constant 0 : i32
        %dma_start3A_1074 = tpu.memref_slice %arg6[%dma_start3A_1072, %dma_start3A_1073] : memref<4x128xi32, #tpu.memory_space<vmem>> -> memref<1x128xi32, #tpu.memory_space<vmem>>
        %dma_start3A_1075 = tpu.memref_squeeze %dma_start3A_1074 : memref<1x128xi32, #tpu.memory_space<vmem>> -> memref<128xi32, #tpu.memory_space<vmem>>
        %dma_start3A_1076 = tpu.memref_slice %arg2[%select_n3A_1053, %mul3A_1071] : memref<200x4096xi32, #tpu.memory_space<hbm>> -> memref<1x128xi32, #tpu.memory_space<hbm>>
        %dma_start3A_1077 = tpu.memref_squeeze %dma_start3A_1076 : memref<1x128xi32, #tpu.memory_space<hbm>> -> memref<128xi32, #tpu.memory_space<hbm>>
        %dma_start3A_1078 = arith.constant 0 : i32
        %dma_start3A_1079 = tpu.memref_slice %arg6[%dma_start3A_1072, %dma_start3A_1078] : memref<4x128xi32, #tpu.memory_space<vmem>> -> memref<1x128xi32, #tpu.memory_space<vmem>>
        %dma_start3A_1080 = tpu.memref_squeeze %dma_start3A_1079 : memref<1x128xi32, #tpu.memory_space<vmem>> -> memref<128xi32, #tpu.memory_space<vmem>>
        %dma_start3A_1081 = tpu.memref_slice %arg2[%select_n3A_1053, %mul3A_1071] : memref<200x4096xi32, #tpu.memory_space<hbm>> -> memref<1x128xi32, #tpu.memory_space<hbm>>
        %dma_start3A_1082 = tpu.memref_squeeze %dma_start3A_1081 : memref<1x128xi32, #tpu.memory_space<hbm>> -> memref<128xi32, #tpu.memory_space<hbm>>
        tpu.enqueue_dma source(%dma_start3A_1082 : memref<128xi32, #tpu.memory_space<hbm>>) target(%dma_start3A_1080 : memref<128xi32, #tpu.memory_space<vmem>>) target_semaphore(%arg13 : memref<!tpu.dma_semaphore, #tpu.memory_space<semaphore_mem>>)
      } else {
      }
      %ge3A_757 = arith.constant 4 : i32
      %ge3A_758 = arith.cmpi sge, %add3A_718, %ge3A_757 : i32
      %convert_element_type3A_759 = arith.extui %ge3A_758 : i1 to i32
      %cond3A_760 = arith.constant 0 : i32
      %cond3A_761 = arith.cmpi ne, %convert_element_type3A_759, %cond3A_760 : i32
      scf.if %cond3A_761 {
        %dma_wait3A_1027 = arith.constant 2 : i32
        %dma_wait3A_1028 = arith.constant 0 : i32
        %dma_wait3A_1029 = arith.constant 0 : i32
        %dma_wait3A_1030 = arith.constant 0 : i32
        %dma_wait3A_1031 = arith.constant 0 : i32
        %dma_wait3A_1032 = arith.constant 0 : i32
        %dma_wait3A_1033 = tpu.memref_slice %arg8[%dma_wait3A_1027, %dma_wait3A_1030, %dma_wait3A_1031, %dma_wait3A_1032] : memref<4x8x8x128xf32, #tpu.memory_space<vmem>> -> memref<1x8x8x128xf32, #tpu.memory_space<vmem>>
        %dma_wait3A_1034 = tpu.memref_squeeze %dma_wait3A_1033 : memref<1x8x8x128xf32, #tpu.memory_space<vmem>> -> memref<8x8x128xf32, #tpu.memory_space<vmem>>
        %dma_wait3A_1035 = arith.constant 0 : i32
        %dma_wait3A_1036 = arith.constant 0 : i32
        %dma_wait3A_1037 = arith.constant 0 : i32
        %dma_wait3A_1038 = tpu.memref_slice %arg5[%dma_wait3A_1028, %dma_wait3A_1035, %dma_wait3A_1029, %dma_wait3A_1036, %dma_wait3A_1037] : memref<200x8x32x8x128xf32, #tpu.memory_space<hbm>> -> memref<1x8x1x8x128xf32, #tpu.memory_space<hbm>>
        %dma_wait3A_1039 = tpu.memref_squeeze %dma_wait3A_1038 : memref<1x8x1x8x128xf32, #tpu.memory_space<hbm>> -> memref<8x8x128xf32, #tpu.memory_space<hbm>>
        %dma_wait3A_1040 = arith.constant 0 : i32
        %dma_wait3A_1041 = arith.constant 0 : i32
        %dma_wait3A_1042 = arith.constant 0 : i32
        %dma_wait3A_1043 = tpu.memref_slice %arg5[%dma_wait3A_1028, %dma_wait3A_1040, %dma_wait3A_1029, %dma_wait3A_1041, %dma_wait3A_1042] : memref<200x8x32x8x128xf32, #tpu.memory_space<hbm>> -> memref<1x8x1x8x128xf32, #tpu.memory_space<hbm>>
        %dma_wait3A_1044 = tpu.memref_squeeze %dma_wait3A_1043 : memref<1x8x1x8x128xf32, #tpu.memory_space<hbm>> -> memref<8x8x128xf32, #tpu.memory_space<hbm>>
        %dma_wait3A_1045 = arith.constant 0 : i32
        %dma_wait3A_1046 = arith.constant 0 : i32
        %dma_wait3A_1047 = arith.constant 0 : i32
        %dma_wait3A_1048 = tpu.memref_slice %arg8[%dma_wait3A_1027, %dma_wait3A_1045, %dma_wait3A_1046, %dma_wait3A_1047] : memref<4x8x8x128xf32, #tpu.memory_space<vmem>> -> memref<1x8x8x128xf32, #tpu.memory_space<vmem>>
        %dma_wait3A_1049 = tpu.memref_squeeze %dma_wait3A_1048 : memref<1x8x8x128xf32, #tpu.memory_space<vmem>> -> memref<8x8x128xf32, #tpu.memory_space<vmem>>
        tpu.wait_dma2 semaphore(%arg21 : memref<!tpu.dma_semaphore, #tpu.memory_space<semaphore_mem>>) src(%dma_wait3A_1049 : memref<8x8x128xf32, #tpu.memory_space<vmem>>) dst(%dma_wait3A_1044 : memref<8x8x128xf32, #tpu.memory_space<hbm>>)
      } else {
      }
      %add3A_762 = arith.addi %mul3A_2, %add3A_718 : i32
      %jit3A_763 = arith.constant 32 : i32
      %div3A_764 = arith.divsi %add3A_762, %jit3A_763 : i32
      %sign3A_765 = arith.constant 0 : i32
      %sign3A_766 = arith.cmpi sgt, %add3A_762, %sign3A_765 : i32
      %sign3A_767 = arith.extui %sign3A_766 : i1 to i32
      %sign3A_768 = arith.constant 0 : i32
      %sign3A_769 = arith.cmpi slt, %add3A_762, %sign3A_768 : i32
      %sign3A_770 = arith.extui %sign3A_769 : i1 to i32
      %sign3A_771 = arith.subi %sign3A_767, %sign3A_770 : i32
      %sign3A_772 = arith.constant 0 : i32
      %sign3A_773 = arith.cmpi sgt, %jit3A_763, %sign3A_772 : i32
      %sign3A_774 = arith.extui %sign3A_773 : i1 to i32
      %sign3A_775 = arith.constant 0 : i32
      %sign3A_776 = arith.cmpi slt, %jit3A_763, %sign3A_775 : i32
      %sign3A_777 = arith.extui %sign3A_776 : i1 to i32
      %sign3A_778 = arith.subi %sign3A_774, %sign3A_777 : i32
      %ne3A_779 = arith.cmpi ne, %sign3A_771, %sign3A_778 : i32
      %rem3A_780 = arith.remsi %add3A_762, %jit3A_763 : i32
      %ne3A_781 = arith.constant 0 : i32
      %ne3A_782 = arith.cmpi ne, %rem3A_780, %ne3A_781 : i32
      %and3A_783 = arith.andi %ne3A_779, %ne3A_782 : i1
      %sub3A_784 = arith.constant 1 : i32
      %sub3A_785 = arith.subi %div3A_764, %sub3A_784 : i32
      %select_n3A_786 = arith.select %and3A_783, %sub3A_785, %div3A_764 : i32
      %jit3A_787 = arith.constant 32 : i32
      %eq3A_788 = arith.constant 0 : i32
      %eq3A_789 = arith.cmpi eq, %jit3A_787, %eq3A_788 : i32
      %jit3A_790 = arith.constant 1 : i32
      %select_n3A_791 = arith.select %eq3A_789, %jit3A_790, %jit3A_787 : i32
      %rem3A_792 = arith.remsi %add3A_762, %select_n3A_791 : i32
      %ne3A_793 = arith.constant 0 : i32
      %ne3A_794 = arith.cmpi ne, %rem3A_792, %ne3A_793 : i32
      %lt3A_795 = arith.constant 0 : i32
      %lt3A_796 = arith.cmpi slt, %rem3A_792, %lt3A_795 : i32
      %lt3A_797 = arith.constant 0 : i32
      %lt3A_798 = arith.cmpi slt, %select_n3A_791, %lt3A_797 : i32
      %ne3A_799 = arith.xori %lt3A_796, %lt3A_798 : i1
      %and3A_800 = arith.andi %ne3A_799, %ne3A_794 : i1
      %add3A_801 = arith.addi %rem3A_792, %select_n3A_791 : i32
      %select_n3A_802 = arith.select %and3A_800, %add3A_801, %rem3A_792 : i32
      %broadcast_in_dim3A_803 = vector.broadcast %select_n3A_786 : i32 to vector<16xi32>
      %parallel_loop3A_804 = arith.constant 0 : i32
      %parallel_loop3A_805 = arith.constant 128 : i32
      %parallel_loop3A_806 = arith.constant 1 : i32
      scf.for %parallel_loop3A_1027 = %parallel_loop3A_804 to %parallel_loop3A_805 step %parallel_loop3A_806  : i32 {
        %parallel_loop3A_1028 = arith.constant 2 : i32
        %parallel_loop3A_1029 = arith.index_cast %parallel_loop3A_1028 : i32 to index
        %parallel_loop3A_1030 = arith.index_cast %parallel_loop3A_1027 : i32 to index
        %parallel_loop3A_1031 = arith.constant 0 : index
        %parallel_loop3A_1032 = tpu.vector_load %arg7[%parallel_loop3A_1029, %parallel_loop3A_1030, %parallel_loop3A_1031] {strides = array<i32>} : memref<4x128x64xf32, #tpu.memory_space<vmem>>, vector<16xf32>,
        %parallel_loop3A_1033 = arith.index_cast %parallel_loop3A_1027 : i32 to index
        %parallel_loop3A_1034 = arith.constant 0 : index
        %parallel_loop3A_1035 = tpu.vector_load %arg9[%parallel_loop3A_1033, %parallel_loop3A_1034] {strides = array<i32>} : memref<128x65xf32, #tpu.memory_space<vmem>>, vector<16xf32>,
        tpu.vector_store %arg9[%parallel_loop3A_1033, %parallel_loop3A_1034], %parallel_loop3A_1032 {strides = array<i32>} : memref<128x65xf32, #tpu.memory_space<vmem>>, vector<16xf32>,
        %parallel_loop3A_1036 = arith.constant 2 : i32
        %parallel_loop3A_1037 = arith.index_cast %parallel_loop3A_1036 : i32 to index
        %parallel_loop3A_1038 = arith.index_cast %parallel_loop3A_1027 : i32 to index
        %parallel_loop3A_1039 = arith.constant 16 : index
        %parallel_loop3A_1040 = tpu.vector_load %arg7[%parallel_loop3A_1037, %parallel_loop3A_1038, %parallel_loop3A_1039] {strides = array<i32>} : memref<4x128x64xf32, #tpu.memory_space<vmem>>, vector<16xf32>,
        %parallel_loop3A_1041 = arith.index_cast %parallel_loop3A_1027 : i32 to index
        %parallel_loop3A_1042 = arith.constant 16 : index
        %parallel_loop3A_1043 = tpu.vector_load %arg9[%parallel_loop3A_1041, %parallel_loop3A_1042] {strides = array<i32>} : memref<128x65xf32, #tpu.memory_space<vmem>>, vector<16xf32>,
        tpu.vector_store %arg9[%parallel_loop3A_1041, %parallel_loop3A_1042], %parallel_loop3A_1040 {strides = array<i32>} : memref<128x65xf32, #tpu.memory_space<vmem>>, vector<16xf32>,
        %parallel_loop3A_1044 = arith.constant 2 : i32
        %parallel_loop3A_1045 = arith.index_cast %parallel_loop3A_1044 : i32 to index
        %parallel_loop3A_1046 = arith.index_cast %parallel_loop3A_1027 : i32 to index
        %parallel_loop3A_1047 = arith.constant 32 : index
        %parallel_loop3A_1048 = tpu.vector_load %arg7[%parallel_loop3A_1045, %parallel_loop3A_1046, %parallel_loop3A_1047] {strides = array<i32>} : memref<4x128x64xf32, #tpu.memory_space<vmem>>, vector<16xf32>,
        %parallel_loop3A_1049 = arith.index_cast %parallel_loop3A_1027 : i32 to index
        %parallel_loop3A_1050 = arith.constant 32 : index
        %parallel_loop3A_1051 = tpu.vector_load %arg9[%parallel_loop3A_1049, %parallel_loop3A_1050] {strides = array<i32>} : memref<128x65xf32, #tpu.memory_space<vmem>>, vector<16xf32>,
        tpu.vector_store %arg9[%parallel_loop3A_1049, %parallel_loop3A_1050], %parallel_loop3A_1048 {strides = array<i32>} : memref<128x65xf32, #tpu.memory_space<vmem>>, vector<16xf32>,
        %parallel_loop3A_1052 = arith.constant 2 : i32
        %parallel_loop3A_1053 = arith.index_cast %parallel_loop3A_1052 : i32 to index
        %parallel_loop3A_1054 = arith.index_cast %parallel_loop3A_1027 : i32 to index
        %parallel_loop3A_1055 = arith.constant 48 : index
        %parallel_loop3A_1056 = tpu.vector_load %arg7[%parallel_loop3A_1053, %parallel_loop3A_1054, %parallel_loop3A_1055] {strides = array<i32>} : memref<4x128x64xf32, #tpu.memory_space<vmem>>, vector<16xf32>,
        %parallel_loop3A_1057 = arith.index_cast %parallel_loop3A_1027 : i32 to index
        %parallel_loop3A_1058 = arith.constant 48 : index
        %parallel_loop3A_1059 = tpu.vector_load %arg9[%parallel_loop3A_1057, %parallel_loop3A_1058] {strides = array<i32>} : memref<128x65xf32, #tpu.memory_space<vmem>>, vector<16xf32>,
        tpu.vector_store %arg9[%parallel_loop3A_1057, %parallel_loop3A_1058], %parallel_loop3A_1056 {strides = array<i32>} : memref<128x65xf32, #tpu.memory_space<vmem>>, vector<16xf32>,
      } {sc.loop_unroll_factor = 2 : i64, sc.parallel_access}
      %parallel_loop3A_807 = arith.constant 0 : i32
      %parallel_loop3A_808 = arith.constant 64 : i32
      %parallel_loop3A_809 = arith.constant 1 : i32
      scf.for %parallel_loop3A_1027 = %parallel_loop3A_807 to %parallel_loop3A_808 step %parallel_loop3A_809  : i32 {
        %parallel_loop3A_1028 = vector.broadcast %parallel_loop3A_1027 : i32 to vector<16xi32>
        %parallel_loop3A_1029 = tpu.vector_load_idx %arg10[%broadcast_in_dim3A_803, %parallel_loop3A_1028] : memref<200x64xf32, #tpu.memory_space<vmem>>[vector<16xi32>, vector<16xi32>], vector<16xf32>,
        %parallel_loop3A_1030 = arith.constant 8 : i32
        %parallel_loop3A_1031 = arith.divsi %parallel_loop3A_1027, %parallel_loop3A_1030 : i32
        %parallel_loop3A_1032 = arith.constant 0 : i32
        %parallel_loop3A_1033 = arith.cmpi sgt, %parallel_loop3A_1027, %parallel_loop3A_1032 : i32
        %parallel_loop3A_1034 = arith.extui %parallel_loop3A_1033 : i1 to i32
        %parallel_loop3A_1035 = arith.constant 0 : i32
        %parallel_loop3A_1036 = arith.cmpi slt, %parallel_loop3A_1027, %parallel_loop3A_1035 : i32
        %parallel_loop3A_1037 = arith.extui %parallel_loop3A_1036 : i1 to i32
        %parallel_loop3A_1038 = arith.subi %parallel_loop3A_1034, %parallel_loop3A_1037 : i32
        %parallel_loop3A_1039 = arith.constant 0 : i32
        %parallel_loop3A_1040 = arith.cmpi sgt, %parallel_loop3A_1030, %parallel_loop3A_1039 : i32
        %parallel_loop3A_1041 = arith.extui %parallel_loop3A_1040 : i1 to i32
        %parallel_loop3A_1042 = arith.constant 0 : i32
        %parallel_loop3A_1043 = arith.cmpi slt, %parallel_loop3A_1030, %parallel_loop3A_1042 : i32
        %parallel_loop3A_1044 = arith.extui %parallel_loop3A_1043 : i1 to i32
        %parallel_loop3A_1045 = arith.subi %parallel_loop3A_1041, %parallel_loop3A_1044 : i32
        %parallel_loop3A_1046 = arith.cmpi ne, %parallel_loop3A_1038, %parallel_loop3A_1045 : i32
        %parallel_loop3A_1047 = arith.remsi %parallel_loop3A_1027, %parallel_loop3A_1030 : i32
        %parallel_loop3A_1048 = arith.constant 0 : i32
        %parallel_loop3A_1049 = arith.cmpi ne, %parallel_loop3A_1047, %parallel_loop3A_1048 : i32
        %parallel_loop3A_1050 = arith.andi %parallel_loop3A_1046, %parallel_loop3A_1049 : i1
        %parallel_loop3A_1051 = arith.constant 1 : i32
        %parallel_loop3A_1052 = arith.subi %parallel_loop3A_1031, %parallel_loop3A_1051 : i32
        %parallel_loop3A_1053 = arith.select %parallel_loop3A_1050, %parallel_loop3A_1052, %parallel_loop3A_1031 : i32
        %parallel_loop3A_1054 = arith.constant 8 : i32
        %parallel_loop3A_1055 = arith.constant 0 : i32
        %parallel_loop3A_1056 = arith.cmpi eq, %parallel_loop3A_1054, %parallel_loop3A_1055 : i32
        %parallel_loop3A_1057 = arith.constant 1 : i32
        %parallel_loop3A_1058 = arith.select %parallel_loop3A_1056, %parallel_loop3A_1057, %parallel_loop3A_1054 : i32
        %parallel_loop3A_1059 = arith.remsi %parallel_loop3A_1027, %parallel_loop3A_1058 : i32
        %parallel_loop3A_1060 = arith.constant 0 : i32
        %parallel_loop3A_1061 = arith.cmpi ne, %parallel_loop3A_1059, %parallel_loop3A_1060 : i32
        %parallel_loop3A_1062 = arith.constant 0 : i32
        %parallel_loop3A_1063 = arith.cmpi slt, %parallel_loop3A_1059, %parallel_loop3A_1062 : i32
        %parallel_loop3A_1064 = arith.constant 0 : i32
        %parallel_loop3A_1065 = arith.cmpi slt, %parallel_loop3A_1058, %parallel_loop3A_1064 : i32
        %parallel_loop3A_1066 = arith.xori %parallel_loop3A_1063, %parallel_loop3A_1065 : i1
        %parallel_loop3A_1067 = arith.andi %parallel_loop3A_1066, %parallel_loop3A_1061 : i1
        %parallel_loop3A_1068 = arith.addi %parallel_loop3A_1059, %parallel_loop3A_1058 : i32
        %parallel_loop3A_1069 = arith.select %parallel_loop3A_1067, %parallel_loop3A_1068, %parallel_loop3A_1059 : i32
        %parallel_loop3A_1070 = tpu.vector_load_idx %arg9[%add3A_5, %parallel_loop3A_1028] : memref<128x65xf32, #tpu.memory_space<vmem>>[vector<16xi32>, vector<16xi32>], vector<16xf32>,
        %parallel_loop3A_1071 = arith.constant 8.000000e+00 : f32
        %parallel_loop3A_1072 = vector.broadcast %parallel_loop3A_1071 : f32 to vector<16xf32>
        %parallel_loop3A_1073 = arith.mulf %parallel_loop3A_1070, %parallel_loop3A_1072 : vector<16xf32>
        %parallel_loop3A_1074 = arith.addf %parallel_loop3A_1073, %parallel_loop3A_1029 : vector<16xf32>
        %parallel_loop3A_1075 = arith.constant 2 : i32
        %parallel_loop3A_1076 = arith.index_cast %parallel_loop3A_1075 : i32 to index
        %parallel_loop3A_1077 = arith.index_cast %parallel_loop3A_1053 : i32 to index
        %parallel_loop3A_1078 = arith.index_cast %parallel_loop3A_1069 : i32 to index
        %parallel_loop3A_1079 = arith.constant 0 : index
        %parallel_loop3A_1080 = tpu.vector_load %arg8[%parallel_loop3A_1076, %parallel_loop3A_1077, %parallel_loop3A_1078, %parallel_loop3A_1079] {strides = array<i32>} : memref<4x8x8x128xf32, #tpu.memory_space<vmem>>, vector<16xf32>,
        tpu.vector_store %arg8[%parallel_loop3A_1076, %parallel_loop3A_1077, %parallel_loop3A_1078, %parallel_loop3A_1079], %parallel_loop3A_1074 {strides = array<i32>} : memref<4x8x8x128xf32, #tpu.memory_space<vmem>>, vector<16xf32>,
        %parallel_loop3A_1081 = tpu.vector_load_idx %arg9[%add3A_8, %parallel_loop3A_1028] : memref<128x65xf32, #tpu.memory_space<vmem>>[vector<16xi32>, vector<16xi32>], vector<16xf32>,
        %parallel_loop3A_1082 = arith.constant 8.000000e+00 : f32
        %parallel_loop3A_1083 = vector.broadcast %parallel_loop3A_1082 : f32 to vector<16xf32>
        %parallel_loop3A_1084 = arith.mulf %parallel_loop3A_1081, %parallel_loop3A_1083 : vector<16xf32>
        %parallel_loop3A_1085 = arith.addf %parallel_loop3A_1084, %parallel_loop3A_1029 : vector<16xf32>
        %parallel_loop3A_1086 = arith.constant 2 : i32
        %parallel_loop3A_1087 = arith.index_cast %parallel_loop3A_1086 : i32 to index
        %parallel_loop3A_1088 = arith.index_cast %parallel_loop3A_1053 : i32 to index
        %parallel_loop3A_1089 = arith.index_cast %parallel_loop3A_1069 : i32 to index
        %parallel_loop3A_1090 = arith.constant 16 : index
        %parallel_loop3A_1091 = tpu.vector_load %arg8[%parallel_loop3A_1087, %parallel_loop3A_1088, %parallel_loop3A_1089, %parallel_loop3A_1090] {strides = array<i32>} : memref<4x8x8x128xf32, #tpu.memory_space<vmem>>, vector<16xf32>,
        tpu.vector_store %arg8[%parallel_loop3A_1087, %parallel_loop3A_1088, %parallel_loop3A_1089, %parallel_loop3A_1090], %parallel_loop3A_1085 {strides = array<i32>} : memref<4x8x8x128xf32, #tpu.memory_space<vmem>>, vector<16xf32>,
        %parallel_loop3A_1092 = tpu.vector_load_idx %arg9[%add3A_11, %parallel_loop3A_1028] : memref<128x65xf32, #tpu.memory_space<vmem>>[vector<16xi32>, vector<16xi32>], vector<16xf32>,
        %parallel_loop3A_1093 = arith.constant 8.000000e+00 : f32
        %parallel_loop3A_1094 = vector.broadcast %parallel_loop3A_1093 : f32 to vector<16xf32>
        %parallel_loop3A_1095 = arith.mulf %parallel_loop3A_1092, %parallel_loop3A_1094 : vector<16xf32>
        %parallel_loop3A_1096 = arith.addf %parallel_loop3A_1095, %parallel_loop3A_1029 : vector<16xf32>
        %parallel_loop3A_1097 = arith.constant 2 : i32
        %parallel_loop3A_1098 = arith.index_cast %parallel_loop3A_1097 : i32 to index
        %parallel_loop3A_1099 = arith.index_cast %parallel_loop3A_1053 : i32 to index
        %parallel_loop3A_1100 = arith.index_cast %parallel_loop3A_1069 : i32 to index
        %parallel_loop3A_1101 = arith.constant 32 : index
        %parallel_loop3A_1102 = tpu.vector_load %arg8[%parallel_loop3A_1098, %parallel_loop3A_1099, %parallel_loop3A_1100, %parallel_loop3A_1101] {strides = array<i32>} : memref<4x8x8x128xf32, #tpu.memory_space<vmem>>, vector<16xf32>,
        tpu.vector_store %arg8[%parallel_loop3A_1098, %parallel_loop3A_1099, %parallel_loop3A_1100, %parallel_loop3A_1101], %parallel_loop3A_1096 {strides = array<i32>} : memref<4x8x8x128xf32, #tpu.memory_space<vmem>>, vector<16xf32>,
        %parallel_loop3A_1103 = tpu.vector_load_idx %arg9[%add3A_14, %parallel_loop3A_1028] : memref<128x65xf32, #tpu.memory_space<vmem>>[vector<16xi32>, vector<16xi32>], vector<16xf32>,
        %parallel_loop3A_1104 = arith.constant 8.000000e+00 : f32
        %parallel_loop3A_1105 = vector.broadcast %parallel_loop3A_1104 : f32 to vector<16xf32>
        %parallel_loop3A_1106 = arith.mulf %parallel_loop3A_1103, %parallel_loop3A_1105 : vector<16xf32>
        %parallel_loop3A_1107 = arith.addf %parallel_loop3A_1106, %parallel_loop3A_1029 : vector<16xf32>
        %parallel_loop3A_1108 = arith.constant 2 : i32
        %parallel_loop3A_1109 = arith.index_cast %parallel_loop3A_1108 : i32 to index
        %parallel_loop3A_1110 = arith.index_cast %parallel_loop3A_1053 : i32 to index
        %parallel_loop3A_1111 = arith.index_cast %parallel_loop3A_1069 : i32 to index
        %parallel_loop3A_1112 = arith.constant 48 : index
        %parallel_loop3A_1113 = tpu.vector_load %arg8[%parallel_loop3A_1109, %parallel_loop3A_1110, %parallel_loop3A_1111, %parallel_loop3A_1112] {strides = array<i32>} : memref<4x8x8x128xf32, #tpu.memory_space<vmem>>, vector<16xf32>,
        tpu.vector_store %arg8[%parallel_loop3A_1109, %parallel_loop3A_1110, %parallel_loop3A_1111, %parallel_loop3A_1112], %parallel_loop3A_1107 {strides = array<i32>} : memref<4x8x8x128xf32, #tpu.memory_space<vmem>>, vector<16xf32>,
        %parallel_loop3A_1114 = tpu.vector_load_idx %arg9[%add3A_17, %parallel_loop3A_1028] : memref<128x65xf32, #tpu.memory_space<vmem>>[vector<16xi32>, vector<16xi32>], vector<16xf32>,
        %parallel_loop3A_1115 = arith.constant 8.000000e+00 : f32
        %parallel_loop3A_1116 = vector.broadcast %parallel_loop3A_1115 : f32 to vector<16xf32>
        %parallel_loop3A_1117 = arith.mulf %parallel_loop3A_1114, %parallel_loop3A_1116 : vector<16xf32>
        %parallel_loop3A_1118 = arith.addf %parallel_loop3A_1117, %parallel_loop3A_1029 : vector<16xf32>
        %parallel_loop3A_1119 = arith.constant 2 : i32
        %parallel_loop3A_1120 = arith.index_cast %parallel_loop3A_1119 : i32 to index
        %parallel_loop3A_1121 = arith.index_cast %parallel_loop3A_1053 : i32 to index
        %parallel_loop3A_1122 = arith.index_cast %parallel_loop3A_1069 : i32 to index
        %parallel_loop3A_1123 = arith.constant 64 : index
        %parallel_loop3A_1124 = tpu.vector_load %arg8[%parallel_loop3A_1120, %parallel_loop3A_1121, %parallel_loop3A_1122, %parallel_loop3A_1123] {strides = array<i32>} : memref<4x8x8x128xf32, #tpu.memory_space<vmem>>, vector<16xf32>,
        tpu.vector_store %arg8[%parallel_loop3A_1120, %parallel_loop3A_1121, %parallel_loop3A_1122, %parallel_loop3A_1123], %parallel_loop3A_1118 {strides = array<i32>} : memref<4x8x8x128xf32, #tpu.memory_space<vmem>>, vector<16xf32>,
        %parallel_loop3A_1125 = tpu.vector_load_idx %arg9[%add3A_20, %parallel_loop3A_1028] : memref<128x65xf32, #tpu.memory_space<vmem>>[vector<16xi32>, vector<16xi32>], vector<16xf32>,
        %parallel_loop3A_1126 = arith.constant 8.000000e+00 : f32
        %parallel_loop3A_1127 = vector.broadcast %parallel_loop3A_1126 : f32 to vector<16xf32>
        %parallel_loop3A_1128 = arith.mulf %parallel_loop3A_1125, %parallel_loop3A_1127 : vector<16xf32>
        %parallel_loop3A_1129 = arith.addf %parallel_loop3A_1128, %parallel_loop3A_1029 : vector<16xf32>
        %parallel_loop3A_1130 = arith.constant 2 : i32
        %parallel_loop3A_1131 = arith.index_cast %parallel_loop3A_1130 : i32 to index
        %parallel_loop3A_1132 = arith.index_cast %parallel_loop3A_1053 : i32 to index
        %parallel_loop3A_1133 = arith.index_cast %parallel_loop3A_1069 : i32 to index
        %parallel_loop3A_1134 = arith.constant 80 : index
        %parallel_loop3A_1135 = tpu.vector_load %arg8[%parallel_loop3A_1131, %parallel_loop3A_1132, %parallel_loop3A_1133, %parallel_loop3A_1134] {strides = array<i32>} : memref<4x8x8x128xf32, #tpu.memory_space<vmem>>, vector<16xf32>,
        tpu.vector_store %arg8[%parallel_loop3A_1131, %parallel_loop3A_1132, %parallel_loop3A_1133, %parallel_loop3A_1134], %parallel_loop3A_1129 {strides = array<i32>} : memref<4x8x8x128xf32, #tpu.memory_space<vmem>>, vector<16xf32>,
        %parallel_loop3A_1136 = tpu.vector_load_idx %arg9[%add3A_23, %parallel_loop3A_1028] : memref<128x65xf32, #tpu.memory_space<vmem>>[vector<16xi32>, vector<16xi32>], vector<16xf32>,
        %parallel_loop3A_1137 = arith.constant 8.000000e+00 : f32
        %parallel_loop3A_1138 = vector.broadcast %parallel_loop3A_1137 : f32 to vector<16xf32>
        %parallel_loop3A_1139 = arith.mulf %parallel_loop3A_1136, %parallel_loop3A_1138 : vector<16xf32>
        %parallel_loop3A_1140 = arith.addf %parallel_loop3A_1139, %parallel_loop3A_1029 : vector<16xf32>
        %parallel_loop3A_1141 = arith.constant 2 : i32
        %parallel_loop3A_1142 = arith.index_cast %parallel_loop3A_1141 : i32 to index
        %parallel_loop3A_1143 = arith.index_cast %parallel_loop3A_1053 : i32 to index
        %parallel_loop3A_1144 = arith.index_cast %parallel_loop3A_1069 : i32 to index
        %parallel_loop3A_1145 = arith.constant 96 : index
        %parallel_loop3A_1146 = tpu.vector_load %arg8[%parallel_loop3A_1142, %parallel_loop3A_1143, %parallel_loop3A_1144, %parallel_loop3A_1145] {strides = array<i32>} : memref<4x8x8x128xf32, #tpu.memory_space<vmem>>, vector<16xf32>,
        tpu.vector_store %arg8[%parallel_loop3A_1142, %parallel_loop3A_1143, %parallel_loop3A_1144, %parallel_loop3A_1145], %parallel_loop3A_1140 {strides = array<i32>} : memref<4x8x8x128xf32, #tpu.memory_space<vmem>>, vector<16xf32>,
        %parallel_loop3A_1147 = tpu.vector_load_idx %arg9[%add3A_26, %parallel_loop3A_1028] : memref<128x65xf32, #tpu.memory_space<vmem>>[vector<16xi32>, vector<16xi32>], vector<16xf32>,
        %parallel_loop3A_1148 = arith.constant 8.000000e+00 : f32
        %parallel_loop3A_1149 = vector.broadcast %parallel_loop3A_1148 : f32 to vector<16xf32>
        %parallel_loop3A_1150 = arith.mulf %parallel_loop3A_1147, %parallel_loop3A_1149 : vector<16xf32>
        %parallel_loop3A_1151 = arith.addf %parallel_loop3A_1150, %parallel_loop3A_1029 : vector<16xf32>
        %parallel_loop3A_1152 = arith.constant 2 : i32
        %parallel_loop3A_1153 = arith.index_cast %parallel_loop3A_1152 : i32 to index
        %parallel_loop3A_1154 = arith.index_cast %parallel_loop3A_1053 : i32 to index
        %parallel_loop3A_1155 = arith.index_cast %parallel_loop3A_1069 : i32 to index
        %parallel_loop3A_1156 = arith.constant 112 : index
        %parallel_loop3A_1157 = tpu.vector_load %arg8[%parallel_loop3A_1153, %parallel_loop3A_1154, %parallel_loop3A_1155, %parallel_loop3A_1156] {strides = array<i32>} : memref<4x8x8x128xf32, #tpu.memory_space<vmem>>, vector<16xf32>,
        tpu.vector_store %arg8[%parallel_loop3A_1153, %parallel_loop3A_1154, %parallel_loop3A_1155, %parallel_loop3A_1156], %parallel_loop3A_1151 {strides = array<i32>} : memref<4x8x8x128xf32, #tpu.memory_space<vmem>>, vector<16xf32>,
      } {sc.loop_unroll_factor = 2 : i64, sc.parallel_access}
      %add3A_810 = arith.addi %mul3A_2, %add3A_718 : i32
      %jit3A_811 = arith.constant 32 : i32
      %div3A_812 = arith.divsi %add3A_810, %jit3A_811 : i32
      %sign3A_813 = arith.constant 0 : i32
      %sign3A_814 = arith.cmpi sgt, %add3A_810, %sign3A_813 : i32
      %sign3A_815 = arith.extui %sign3A_814 : i1 to i32
      %sign3A_816 = arith.constant 0 : i32
      %sign3A_817 = arith.cmpi slt, %add3A_810, %sign3A_816 : i32
      %sign3A_818 = arith.extui %sign3A_817 : i1 to i32
      %sign3A_819 = arith.subi %sign3A_815, %sign3A_818 : i32
      %sign3A_820 = arith.constant 0 : i32
      %sign3A_821 = arith.cmpi sgt, %jit3A_811, %sign3A_820 : i32
      %sign3A_822 = arith.extui %sign3A_821 : i1 to i32
      %sign3A_823 = arith.constant 0 : i32
      %sign3A_824 = arith.cmpi slt, %jit3A_811, %sign3A_823 : i32
      %sign3A_825 = arith.extui %sign3A_824 : i1 to i32
      %sign3A_826 = arith.subi %sign3A_822, %sign3A_825 : i32
      %ne3A_827 = arith.cmpi ne, %sign3A_819, %sign3A_826 : i32
      %rem3A_828 = arith.remsi %add3A_810, %jit3A_811 : i32
      %ne3A_829 = arith.constant 0 : i32
      %ne3A_830 = arith.cmpi ne, %rem3A_828, %ne3A_829 : i32
      %and3A_831 = arith.andi %ne3A_827, %ne3A_830 : i1
      %sub3A_832 = arith.constant 1 : i32
      %sub3A_833 = arith.subi %div3A_812, %sub3A_832 : i32
      %select_n3A_834 = arith.select %and3A_831, %sub3A_833, %div3A_812 : i32
      %jit3A_835 = arith.constant 32 : i32
      %eq3A_836 = arith.constant 0 : i32
      %eq3A_837 = arith.cmpi eq, %jit3A_835, %eq3A_836 : i32
      %jit3A_838 = arith.constant 1 : i32
      %select_n3A_839 = arith.select %eq3A_837, %jit3A_838, %jit3A_835 : i32
      %rem3A_840 = arith.remsi %add3A_810, %select_n3A_839 : i32
      %ne3A_841 = arith.constant 0 : i32
      %ne3A_842 = arith.cmpi ne, %rem3A_840, %ne3A_841 : i32
      %lt3A_843 = arith.constant 0 : i32
      %lt3A_844 = arith.cmpi slt, %rem3A_840, %lt3A_843 : i32
      %lt3A_845 = arith.constant 0 : i32
      %lt3A_846 = arith.cmpi slt, %select_n3A_839, %lt3A_845 : i32
      %ne3A_847 = arith.xori %lt3A_844, %lt3A_846 : i1
      %and3A_848 = arith.andi %ne3A_847, %ne3A_842 : i1
      %add3A_849 = arith.addi %rem3A_840, %select_n3A_839 : i32
      %select_n3A_850 = arith.select %and3A_848, %add3A_849, %rem3A_840 : i32
      %dma_start3A_851 = arith.constant 2 : i32
      %dma_start3A_852 = arith.constant 0 : i32
      %dma_start3A_853 = arith.constant 0 : i32
      %dma_start3A_854 = arith.constant 0 : i32
      %dma_start3A_855 = tpu.memref_slice %arg8[%dma_start3A_851, %dma_start3A_852, %dma_start3A_853, %dma_start3A_854] : memref<4x8x8x128xf32, #tpu.memory_space<vmem>> -> memref<1x8x8x128xf32, #tpu.memory_space<vmem>>
      %dma_start3A_856 = tpu.memref_squeeze %dma_start3A_855 : memref<1x8x8x128xf32, #tpu.memory_space<vmem>> -> memref<8x8x128xf32, #tpu.memory_space<vmem>>
      %dma_start3A_857 = arith.constant 0 : i32
      %dma_start3A_858 = arith.constant 0 : i32
      %dma_start3A_859 = arith.constant 0 : i32
      %dma_start3A_860 = tpu.memref_slice %arg5[%select_n3A_834, %dma_start3A_857, %select_n3A_850, %dma_start3A_858, %dma_start3A_859] : memref<200x8x32x8x128xf32, #tpu.memory_space<hbm>> -> memref<1x8x1x8x128xf32, #tpu.memory_space<hbm>>
      %dma_start3A_861 = tpu.memref_squeeze %dma_start3A_860 : memref<1x8x1x8x128xf32, #tpu.memory_space<hbm>> -> memref<8x8x128xf32, #tpu.memory_space<hbm>>
      %dma_start3A_862 = arith.constant 0 : i32
      %dma_start3A_863 = arith.constant 0 : i32
      %dma_start3A_864 = arith.constant 0 : i32
      %dma_start3A_865 = tpu.memref_slice %arg5[%select_n3A_834, %dma_start3A_862, %select_n3A_850, %dma_start3A_863, %dma_start3A_864] : memref<200x8x32x8x128xf32, #tpu.memory_space<hbm>> -> memref<1x8x1x8x128xf32, #tpu.memory_space<hbm>>
      %dma_start3A_866 = tpu.memref_squeeze %dma_start3A_865 : memref<1x8x1x8x128xf32, #tpu.memory_space<hbm>> -> memref<8x8x128xf32, #tpu.memory_space<hbm>>
      %dma_start3A_867 = arith.constant 0 : i32
      %dma_start3A_868 = arith.constant 0 : i32
      %dma_start3A_869 = arith.constant 0 : i32
      %dma_start3A_870 = tpu.memref_slice %arg8[%dma_start3A_851, %dma_start3A_867, %dma_start3A_868, %dma_start3A_869] : memref<4x8x8x128xf32, #tpu.memory_space<vmem>> -> memref<1x8x8x128xf32, #tpu.memory_space<vmem>>
      %dma_start3A_871 = tpu.memref_squeeze %dma_start3A_870 : memref<1x8x8x128xf32, #tpu.memory_space<vmem>> -> memref<8x8x128xf32, #tpu.memory_space<vmem>>
      tpu.enqueue_dma source(%dma_start3A_871 : memref<8x8x128xf32, #tpu.memory_space<vmem>>) target(%dma_start3A_866 : memref<8x8x128xf32, #tpu.memory_space<hbm>>) target_semaphore(%arg21 : memref<!tpu.dma_semaphore, #tpu.memory_space<semaphore_mem>>)
      %add3A_872 = arith.constant 3 : i32
      %add3A_873 = arith.addi %add3A_411, %add3A_872 : i32
      %add3A_874 = arith.constant 2 : i32
      %add3A_875 = arith.addi %add3A_873, %add3A_874 : i32
      %lt3A_876 = arith.constant 200 : i32
      %lt3A_877 = arith.cmpi slt, %add3A_875, %lt3A_876 : i32
      %convert_element_type3A_878 = arith.extui %lt3A_877 : i1 to i32
      %cond3A_879 = arith.constant 0 : i32
      %cond3A_880 = arith.cmpi ne, %convert_element_type3A_878, %cond3A_879 : i32
      scf.if %cond3A_880 {
        %dma_wait3A_1027 = arith.constant 0 : i32
        %dma_wait3A_1028 = arith.constant 1 : i32
        %dma_wait3A_1029 = arith.constant 0 : i32
        %dma_wait3A_1030 = tpu.memref_slice %arg6[%dma_wait3A_1028, %dma_wait3A_1029] : memref<4x128xi32, #tpu.memory_space<vmem>> -> memref<1x128xi32, #tpu.memory_space<vmem>>
        %dma_wait3A_1031 = tpu.memref_squeeze %dma_wait3A_1030 : memref<1x128xi32, #tpu.memory_space<vmem>> -> memref<128xi32, #tpu.memory_space<vmem>>
        %dma_wait3A_1032 = arith.constant 0 : i32
        %dma_wait3A_1033 = tpu.memref_slice %arg2[%dma_wait3A_1027, %dma_wait3A_1032] : memref<200x4096xi32, #tpu.memory_space<hbm>> -> memref<1x128xi32, #tpu.memory_space<hbm>>
        %dma_wait3A_1034 = tpu.memref_squeeze %dma_wait3A_1033 : memref<1x128xi32, #tpu.memory_space<hbm>> -> memref<128xi32, #tpu.memory_space<hbm>>
        %dma_wait3A_1035 = arith.constant 0 : i32
        %dma_wait3A_1036 = tpu.memref_slice %arg6[%dma_wait3A_1028, %dma_wait3A_1035] : memref<4x128xi32, #tpu.memory_space<vmem>> -> memref<1x128xi32, #tpu.memory_space<vmem>>
        %dma_wait3A_1037 = tpu.memref_squeeze %dma_wait3A_1036 : memref<1x128xi32, #tpu.memory_space<vmem>> -> memref<128xi32, #tpu.memory_space<vmem>>
        %dma_wait3A_1038 = arith.constant 0 : i32
        %dma_wait3A_1039 = tpu.memref_slice %arg2[%dma_wait3A_1027, %dma_wait3A_1038] : memref<200x4096xi32, #tpu.memory_space<hbm>> -> memref<1x128xi32, #tpu.memory_space<hbm>>
        %dma_wait3A_1040 = tpu.memref_squeeze %dma_wait3A_1039 : memref<1x128xi32, #tpu.memory_space<hbm>> -> memref<128xi32, #tpu.memory_space<hbm>>
        tpu.wait_dma2 semaphore(%arg12 : memref<!tpu.dma_semaphore, #tpu.memory_space<semaphore_mem>>) src(%dma_wait3A_1040 : memref<128xi32, #tpu.memory_space<hbm>>) dst(%dma_wait3A_1037 : memref<128xi32, #tpu.memory_space<vmem>>)
        %dma_start3A_1041 = arith.constant 1 : i32
        %dma_start3A_1042 = arith.constant 1 : i32
        %dma_start3A_1043 = arith.constant 0 : i32
        %dma_start3A_1044 = arith.constant 0 : i32
        %dma_start3A_1045 = tpu.memref_slice %arg7[%dma_start3A_1042, %dma_start3A_1043, %dma_start3A_1044] : memref<4x128x64xf32, #tpu.memory_space<vmem>> -> memref<1x64x64xf32, #tpu.memory_space<vmem>>
        %dma_start3A_1046 = tpu.memref_squeeze %dma_start3A_1045 : memref<1x64x64xf32, #tpu.memory_space<vmem>> -> memref<64x64xf32, #tpu.memory_space<vmem>>
        %dma_start3A_1047 = arith.constant 0 : i32
        %dma_start3A_1048 = tpu.memref_slice %arg6[%dma_start3A_1041, %dma_start3A_1047] : memref<4x128xi32, #tpu.memory_space<vmem>> -> memref<1x64xi32, #tpu.memory_space<vmem>>
        %dma_start3A_1049 = tpu.memref_squeeze %dma_start3A_1048 : memref<1x64xi32, #tpu.memory_space<vmem>> -> memref<64xi32, #tpu.memory_space<vmem>>
        %dma_start3A_1050 = arith.constant 0 : i32
        %dma_start3A_1051 = arith.constant 0 : i32
        %dma_start3A_1052 = tpu.memref_slice %arg4[%dma_start3A_1050, %dma_start3A_1051] : memref<1000000x64xf32, #tpu.memory_space<hbm>> -> memref<1000000x64xf32, #tpu.memory_space<hbm>>
        tpu.enqueue_indirect_dma source(%dma_start3A_1052 : memref<1000000x64xf32, #tpu.memory_space<hbm>>) target(%dma_start3A_1046 : memref<64x64xf32, #tpu.memory_space<vmem>>) offsets(%dma_start3A_1049 : memref<64xi32, #tpu.memory_space<vmem>>) semaphore(%arg16 : memref<!tpu.dma_semaphore, #tpu.memory_space<semaphore_mem>>)
        %dma_start3A_1053 = arith.constant 1 : i32
        %dma_start3A_1054 = arith.constant 1 : i32
        %dma_start3A_1055 = arith.constant 64 : i32
        %dma_start3A_1056 = arith.constant 0 : i32
        %dma_start3A_1057 = tpu.memref_slice %arg7[%dma_start3A_1054, %dma_start3A_1055, %dma_start3A_1056] : memref<4x128x64xf32, #tpu.memory_space<vmem>> -> memref<1x64x64xf32, #tpu.memory_space<vmem>>
        %dma_start3A_1058 = tpu.memref_squeeze %dma_start3A_1057 : memref<1x64x64xf32, #tpu.memory_space<vmem>> -> memref<64x64xf32, #tpu.memory_space<vmem>>
        %dma_start3A_1059 = arith.constant 64 : i32
        %dma_start3A_1060 = tpu.memref_slice %arg6[%dma_start3A_1053, %dma_start3A_1059] : memref<4x128xi32, #tpu.memory_space<vmem>> -> memref<1x64xi32, #tpu.memory_space<vmem>>
        %dma_start3A_1061 = tpu.memref_squeeze %dma_start3A_1060 : memref<1x64xi32, #tpu.memory_space<vmem>> -> memref<64xi32, #tpu.memory_space<vmem>>
        %dma_start3A_1062 = arith.constant 0 : i32
        %dma_start3A_1063 = arith.constant 0 : i32
        %dma_start3A_1064 = tpu.memref_slice %arg4[%dma_start3A_1062, %dma_start3A_1063] : memref<1000000x64xf32, #tpu.memory_space<hbm>> -> memref<1000000x64xf32, #tpu.memory_space<hbm>>
        tpu.enqueue_indirect_dma source(%dma_start3A_1064 : memref<1000000x64xf32, #tpu.memory_space<hbm>>) target(%dma_start3A_1058 : memref<64x64xf32, #tpu.memory_space<vmem>>) offsets(%dma_start3A_1061 : memref<64xi32, #tpu.memory_space<vmem>>) semaphore(%arg16 : memref<!tpu.dma_semaphore, #tpu.memory_space<semaphore_mem>>)
      } else {
      }
      %dma_wait3A_881 = arith.constant 3 : i32
      %dma_wait3A_882 = arith.constant 3 : i32
      %dma_wait3A_883 = arith.constant 0 : i32
      %dma_wait3A_884 = arith.constant 0 : i32
      %dma_wait3A_885 = tpu.memref_slice %arg7[%dma_wait3A_882, %dma_wait3A_883, %dma_wait3A_884] : memref<4x128x64xf32, #tpu.memory_space<vmem>> -> memref<1x64x64xf32, #tpu.memory_space<vmem>>
      %dma_wait3A_886 = tpu.memref_squeeze %dma_wait3A_885 : memref<1x64x64xf32, #tpu.memory_space<vmem>> -> memref<64x64xf32, #tpu.memory_space<vmem>>
      %dma_wait3A_887 = arith.constant 0 : i32
      %dma_wait3A_888 = tpu.memref_slice %arg6[%dma_wait3A_881, %dma_wait3A_887] : memref<4x128xi32, #tpu.memory_space<vmem>> -> memref<1x64xi32, #tpu.memory_space<vmem>>
      %dma_wait3A_889 = tpu.memref_squeeze %dma_wait3A_888 : memref<1x64xi32, #tpu.memory_space<vmem>> -> memref<64xi32, #tpu.memory_space<vmem>>
      %dma_wait3A_890 = arith.constant 0 : i32
      %dma_wait3A_891 = arith.constant 0 : i32
      %dma_wait3A_892 = tpu.memref_slice %arg4[%dma_wait3A_890, %dma_wait3A_891] : memref<1000000x64xf32, #tpu.memory_space<hbm>> -> memref<1000000x64xf32, #tpu.memory_space<hbm>>
      tpu.wait_indirect_dma semaphore(%arg18 : memref<!tpu.dma_semaphore, #tpu.memory_space<semaphore_mem>>) src(%dma_wait3A_892 : memref<1000000x64xf32, #tpu.memory_space<hbm>>) dst(%dma_wait3A_886 : memref<64x64xf32, #tpu.memory_space<vmem>>)
      %dma_wait3A_893 = arith.constant 3 : i32
      %dma_wait3A_894 = arith.constant 3 : i32
      %dma_wait3A_895 = arith.constant 64 : i32
      %dma_wait3A_896 = arith.constant 0 : i32
      %dma_wait3A_897 = tpu.memref_slice %arg7[%dma_wait3A_894, %dma_wait3A_895, %dma_wait3A_896] : memref<4x128x64xf32, #tpu.memory_space<vmem>> -> memref<1x64x64xf32, #tpu.memory_space<vmem>>
      %dma_wait3A_898 = tpu.memref_squeeze %dma_wait3A_897 : memref<1x64x64xf32, #tpu.memory_space<vmem>> -> memref<64x64xf32, #tpu.memory_space<vmem>>
      %dma_wait3A_899 = arith.constant 64 : i32
      %dma_wait3A_900 = tpu.memref_slice %arg6[%dma_wait3A_893, %dma_wait3A_899] : memref<4x128xi32, #tpu.memory_space<vmem>> -> memref<1x64xi32, #tpu.memory_space<vmem>>
      %dma_wait3A_901 = tpu.memref_squeeze %dma_wait3A_900 : memref<1x64xi32, #tpu.memory_space<vmem>> -> memref<64xi32, #tpu.memory_space<vmem>>
      %dma_wait3A_902 = arith.constant 0 : i32
      %dma_wait3A_903 = arith.constant 0 : i32
      %dma_wait3A_904 = tpu.memref_slice %arg4[%dma_wait3A_902, %dma_wait3A_903] : memref<1000000x64xf32, #tpu.memory_space<hbm>> -> memref<1000000x64xf32, #tpu.memory_space<hbm>>
      tpu.wait_indirect_dma semaphore(%arg18 : memref<!tpu.dma_semaphore, #tpu.memory_space<semaphore_mem>>) src(%dma_wait3A_904 : memref<1000000x64xf32, #tpu.memory_space<hbm>>) dst(%dma_wait3A_898 : memref<64x64xf32, #tpu.memory_space<vmem>>)
      %add3A_905 = arith.constant 4 : i32
      %add3A_906 = arith.addi %add3A_873, %add3A_905 : i32
      %lt3A_907 = arith.constant 200 : i32
      %lt3A_908 = arith.cmpi slt, %add3A_906, %lt3A_907 : i32
      %convert_element_type3A_909 = arith.extui %lt3A_908 : i1 to i32
      %cond3A_910 = arith.constant 0 : i32
      %cond3A_911 = arith.cmpi ne, %convert_element_type3A_909, %cond3A_910 : i32
      scf.if %cond3A_911 {
        %add3A_1027 = arith.constant 4 : i32
        %add3A_1028 = arith.addi %add3A_873, %add3A_1027 : i32
        %add3A_1029 = arith.addi %mul3A_2, %add3A_1028 : i32
        %jit3A_1030 = arith.constant 32 : i32
        %div3A_1031 = arith.divsi %add3A_1029, %jit3A_1030 : i32
        %sign3A_1032 = arith.constant 0 : i32
        %sign3A_1033 = arith.cmpi sgt, %add3A_1029, %sign3A_1032 : i32
        %sign3A_1034 = arith.extui %sign3A_1033 : i1 to i32
        %sign3A_1035 = arith.constant 0 : i32
        %sign3A_1036 = arith.cmpi slt, %add3A_1029, %sign3A_1035 : i32
        %sign3A_1037 = arith.extui %sign3A_1036 : i1 to i32
        %sign3A_1038 = arith.subi %sign3A_1034, %sign3A_1037 : i32
        %sign3A_1039 = arith.constant 0 : i32
        %sign3A_1040 = arith.cmpi sgt, %jit3A_1030, %sign3A_1039 : i32
        %sign3A_1041 = arith.extui %sign3A_1040 : i1 to i32
        %sign3A_1042 = arith.constant 0 : i32
        %sign3A_1043 = arith.cmpi slt, %jit3A_1030, %sign3A_1042 : i32
        %sign3A_1044 = arith.extui %sign3A_1043 : i1 to i32
        %sign3A_1045 = arith.subi %sign3A_1041, %sign3A_1044 : i32
        %ne3A_1046 = arith.cmpi ne, %sign3A_1038, %sign3A_1045 : i32
        %rem3A_1047 = arith.remsi %add3A_1029, %jit3A_1030 : i32
        %ne3A_1048 = arith.constant 0 : i32
        %ne3A_1049 = arith.cmpi ne, %rem3A_1047, %ne3A_1048 : i32
        %and3A_1050 = arith.andi %ne3A_1046, %ne3A_1049 : i1
        %sub3A_1051 = arith.constant 1 : i32
        %sub3A_1052 = arith.subi %div3A_1031, %sub3A_1051 : i32
        %select_n3A_1053 = arith.select %and3A_1050, %sub3A_1052, %div3A_1031 : i32
        %jit3A_1054 = arith.constant 32 : i32
        %eq3A_1055 = arith.constant 0 : i32
        %eq3A_1056 = arith.cmpi eq, %jit3A_1054, %eq3A_1055 : i32
        %jit3A_1057 = arith.constant 1 : i32
        %select_n3A_1058 = arith.select %eq3A_1056, %jit3A_1057, %jit3A_1054 : i32
        %rem3A_1059 = arith.remsi %add3A_1029, %select_n3A_1058 : i32
        %ne3A_1060 = arith.constant 0 : i32
        %ne3A_1061 = arith.cmpi ne, %rem3A_1059, %ne3A_1060 : i32
        %lt3A_1062 = arith.constant 0 : i32
        %lt3A_1063 = arith.cmpi slt, %rem3A_1059, %lt3A_1062 : i32
        %lt3A_1064 = arith.constant 0 : i32
        %lt3A_1065 = arith.cmpi slt, %select_n3A_1058, %lt3A_1064 : i32
        %ne3A_1066 = arith.xori %lt3A_1063, %lt3A_1065 : i1
        %and3A_1067 = arith.andi %ne3A_1066, %ne3A_1061 : i1
        %add3A_1068 = arith.addi %rem3A_1059, %select_n3A_1058 : i32
        %select_n3A_1069 = arith.select %and3A_1067, %add3A_1068, %rem3A_1059 : i32
        %mul3A_1070 = arith.constant 128 : i32
        %mul3A_1071 = arith.muli %select_n3A_1069, %mul3A_1070 : i32
        %dma_start3A_1072 = arith.constant 3 : i32
        %dma_start3A_1073 = arith.constant 0 : i32
        %dma_start3A_1074 = tpu.memref_slice %arg6[%dma_start3A_1072, %dma_start3A_1073] : memref<4x128xi32, #tpu.memory_space<vmem>> -> memref<1x128xi32, #tpu.memory_space<vmem>>
        %dma_start3A_1075 = tpu.memref_squeeze %dma_start3A_1074 : memref<1x128xi32, #tpu.memory_space<vmem>> -> memref<128xi32, #tpu.memory_space<vmem>>
        %dma_start3A_1076 = tpu.memref_slice %arg2[%select_n3A_1053, %mul3A_1071] : memref<200x4096xi32, #tpu.memory_space<hbm>> -> memref<1x128xi32, #tpu.memory_space<hbm>>
        %dma_start3A_1077 = tpu.memref_squeeze %dma_start3A_1076 : memref<1x128xi32, #tpu.memory_space<hbm>> -> memref<128xi32, #tpu.memory_space<hbm>>
        %dma_start3A_1078 = arith.constant 0 : i32
        %dma_start3A_1079 = tpu.memref_slice %arg6[%dma_start3A_1072, %dma_start3A_1078] : memref<4x128xi32, #tpu.memory_space<vmem>> -> memref<1x128xi32, #tpu.memory_space<vmem>>
        %dma_start3A_1080 = tpu.memref_squeeze %dma_start3A_1079 : memref<1x128xi32, #tpu.memory_space<vmem>> -> memref<128xi32, #tpu.memory_space<vmem>>
        %dma_start3A_1081 = tpu.memref_slice %arg2[%select_n3A_1053, %mul3A_1071] : memref<200x4096xi32, #tpu.memory_space<hbm>> -> memref<1x128xi32, #tpu.memory_space<hbm>>
        %dma_start3A_1082 = tpu.memref_squeeze %dma_start3A_1081 : memref<1x128xi32, #tpu.memory_space<hbm>> -> memref<128xi32, #tpu.memory_space<hbm>>
        tpu.enqueue_dma source(%dma_start3A_1082 : memref<128xi32, #tpu.memory_space<hbm>>) target(%dma_start3A_1080 : memref<128xi32, #tpu.memory_space<vmem>>) target_semaphore(%arg14 : memref<!tpu.dma_semaphore, #tpu.memory_space<semaphore_mem>>)
      } else {
      }
      %ge3A_912 = arith.constant 4 : i32
      %ge3A_913 = arith.cmpi sge, %add3A_873, %ge3A_912 : i32
      %convert_element_type3A_914 = arith.extui %ge3A_913 : i1 to i32
      %cond3A_915 = arith.constant 0 : i32
      %cond3A_916 = arith.cmpi ne, %convert_element_type3A_914, %cond3A_915 : i32
      scf.if %cond3A_916 {
        %dma_wait3A_1027 = arith.constant 3 : i32
        %dma_wait3A_1028 = arith.constant 0 : i32
        %dma_wait3A_1029 = arith.constant 0 : i32
        %dma_wait3A_1030 = arith.constant 0 : i32
        %dma_wait3A_1031 = arith.constant 0 : i32
        %dma_wait3A_1032 = arith.constant 0 : i32
        %dma_wait3A_1033 = tpu.memref_slice %arg8[%dma_wait3A_1027, %dma_wait3A_1030, %dma_wait3A_1031, %dma_wait3A_1032] : memref<4x8x8x128xf32, #tpu.memory_space<vmem>> -> memref<1x8x8x128xf32, #tpu.memory_space<vmem>>
        %dma_wait3A_1034 = tpu.memref_squeeze %dma_wait3A_1033 : memref<1x8x8x128xf32, #tpu.memory_space<vmem>> -> memref<8x8x128xf32, #tpu.memory_space<vmem>>
        %dma_wait3A_1035 = arith.constant 0 : i32
        %dma_wait3A_1036 = arith.constant 0 : i32
        %dma_wait3A_1037 = arith.constant 0 : i32
        %dma_wait3A_1038 = tpu.memref_slice %arg5[%dma_wait3A_1028, %dma_wait3A_1035, %dma_wait3A_1029, %dma_wait3A_1036, %dma_wait3A_1037] : memref<200x8x32x8x128xf32, #tpu.memory_space<hbm>> -> memref<1x8x1x8x128xf32, #tpu.memory_space<hbm>>
        %dma_wait3A_1039 = tpu.memref_squeeze %dma_wait3A_1038 : memref<1x8x1x8x128xf32, #tpu.memory_space<hbm>> -> memref<8x8x128xf32, #tpu.memory_space<hbm>>
        %dma_wait3A_1040 = arith.constant 0 : i32
        %dma_wait3A_1041 = arith.constant 0 : i32
        %dma_wait3A_1042 = arith.constant 0 : i32
        %dma_wait3A_1043 = tpu.memref_slice %arg5[%dma_wait3A_1028, %dma_wait3A_1040, %dma_wait3A_1029, %dma_wait3A_1041, %dma_wait3A_1042] : memref<200x8x32x8x128xf32, #tpu.memory_space<hbm>> -> memref<1x8x1x8x128xf32, #tpu.memory_space<hbm>>
        %dma_wait3A_1044 = tpu.memref_squeeze %dma_wait3A_1043 : memref<1x8x1x8x128xf32, #tpu.memory_space<hbm>> -> memref<8x8x128xf32, #tpu.memory_space<hbm>>
        %dma_wait3A_1045 = arith.constant 0 : i32
        %dma_wait3A_1046 = arith.constant 0 : i32
        %dma_wait3A_1047 = arith.constant 0 : i32
        %dma_wait3A_1048 = tpu.memref_slice %arg8[%dma_wait3A_1027, %dma_wait3A_1045, %dma_wait3A_1046, %dma_wait3A_1047] : memref<4x8x8x128xf32, #tpu.memory_space<vmem>> -> memref<1x8x8x128xf32, #tpu.memory_space<vmem>>
        %dma_wait3A_1049 = tpu.memref_squeeze %dma_wait3A_1048 : memref<1x8x8x128xf32, #tpu.memory_space<vmem>> -> memref<8x8x128xf32, #tpu.memory_space<vmem>>
        tpu.wait_dma2 semaphore(%arg22 : memref<!tpu.dma_semaphore, #tpu.memory_space<semaphore_mem>>) src(%dma_wait3A_1049 : memref<8x8x128xf32, #tpu.memory_space<vmem>>) dst(%dma_wait3A_1044 : memref<8x8x128xf32, #tpu.memory_space<hbm>>)
      } else {
      }
      %add3A_917 = arith.addi %mul3A_2, %add3A_873 : i32
      %jit3A_918 = arith.constant 32 : i32
      %div3A_919 = arith.divsi %add3A_917, %jit3A_918 : i32
      %sign3A_920 = arith.constant 0 : i32
      %sign3A_921 = arith.cmpi sgt, %add3A_917, %sign3A_920 : i32
      %sign3A_922 = arith.extui %sign3A_921 : i1 to i32
      %sign3A_923 = arith.constant 0 : i32
      %sign3A_924 = arith.cmpi slt, %add3A_917, %sign3A_923 : i32
      %sign3A_925 = arith.extui %sign3A_924 : i1 to i32
      %sign3A_926 = arith.subi %sign3A_922, %sign3A_925 : i32
      %sign3A_927 = arith.constant 0 : i32
      %sign3A_928 = arith.cmpi sgt, %jit3A_918, %sign3A_927 : i32
      %sign3A_929 = arith.extui %sign3A_928 : i1 to i32
      %sign3A_930 = arith.constant 0 : i32
      %sign3A_931 = arith.cmpi slt, %jit3A_918, %sign3A_930 : i32
      %sign3A_932 = arith.extui %sign3A_931 : i1 to i32
      %sign3A_933 = arith.subi %sign3A_929, %sign3A_932 : i32
      %ne3A_934 = arith.cmpi ne, %sign3A_926, %sign3A_933 : i32
      %rem3A_935 = arith.remsi %add3A_917, %jit3A_918 : i32
      %ne3A_936 = arith.constant 0 : i32
      %ne3A_937 = arith.cmpi ne, %rem3A_935, %ne3A_936 : i32
      %and3A_938 = arith.andi %ne3A_934, %ne3A_937 : i1
      %sub3A_939 = arith.constant 1 : i32
      %sub3A_940 = arith.subi %div3A_919, %sub3A_939 : i32
      %select_n3A_941 = arith.select %and3A_938, %sub3A_940, %div3A_919 : i32
      %jit3A_942 = arith.constant 32 : i32
      %eq3A_943 = arith.constant 0 : i32
      %eq3A_944 = arith.cmpi eq, %jit3A_942, %eq3A_943 : i32
      %jit3A_945 = arith.constant 1 : i32
      %select_n3A_946 = arith.select %eq3A_944, %jit3A_945, %jit3A_942 : i32
      %rem3A_947 = arith.remsi %add3A_917, %select_n3A_946 : i32
      %ne3A_948 = arith.constant 0 : i32
      %ne3A_949 = arith.cmpi ne, %rem3A_947, %ne3A_948 : i32
      %lt3A_950 = arith.constant 0 : i32
      %lt3A_951 = arith.cmpi slt, %rem3A_947, %lt3A_950 : i32
      %lt3A_952 = arith.constant 0 : i32
      %lt3A_953 = arith.cmpi slt, %select_n3A_946, %lt3A_952 : i32
      %ne3A_954 = arith.xori %lt3A_951, %lt3A_953 : i1
      %and3A_955 = arith.andi %ne3A_954, %ne3A_949 : i1
      %add3A_956 = arith.addi %rem3A_947, %select_n3A_946 : i32
      %select_n3A_957 = arith.select %and3A_955, %add3A_956, %rem3A_947 : i32
      %broadcast_in_dim3A_958 = vector.broadcast %select_n3A_941 : i32 to vector<16xi32>
      %parallel_loop3A_959 = arith.constant 0 : i32
      %parallel_loop3A_960 = arith.constant 128 : i32
      %parallel_loop3A_961 = arith.constant 1 : i32
      scf.for %parallel_loop3A_1027 = %parallel_loop3A_959 to %parallel_loop3A_960 step %parallel_loop3A_961  : i32 {
        %parallel_loop3A_1028 = arith.constant 3 : i32
        %parallel_loop3A_1029 = arith.index_cast %parallel_loop3A_1028 : i32 to index
        %parallel_loop3A_1030 = arith.index_cast %parallel_loop3A_1027 : i32 to index
        %parallel_loop3A_1031 = arith.constant 0 : index
        %parallel_loop3A_1032 = tpu.vector_load %arg7[%parallel_loop3A_1029, %parallel_loop3A_1030, %parallel_loop3A_1031] {strides = array<i32>} : memref<4x128x64xf32, #tpu.memory_space<vmem>>, vector<16xf32>,
        %parallel_loop3A_1033 = arith.index_cast %parallel_loop3A_1027 : i32 to index
        %parallel_loop3A_1034 = arith.constant 0 : index
        %parallel_loop3A_1035 = tpu.vector_load %arg9[%parallel_loop3A_1033, %parallel_loop3A_1034] {strides = array<i32>} : memref<128x65xf32, #tpu.memory_space<vmem>>, vector<16xf32>,
        tpu.vector_store %arg9[%parallel_loop3A_1033, %parallel_loop3A_1034], %parallel_loop3A_1032 {strides = array<i32>} : memref<128x65xf32, #tpu.memory_space<vmem>>, vector<16xf32>,
        %parallel_loop3A_1036 = arith.constant 3 : i32
        %parallel_loop3A_1037 = arith.index_cast %parallel_loop3A_1036 : i32 to index
        %parallel_loop3A_1038 = arith.index_cast %parallel_loop3A_1027 : i32 to index
        %parallel_loop3A_1039 = arith.constant 16 : index
        %parallel_loop3A_1040 = tpu.vector_load %arg7[%parallel_loop3A_1037, %parallel_loop3A_1038, %parallel_loop3A_1039] {strides = array<i32>} : memref<4x128x64xf32, #tpu.memory_space<vmem>>, vector<16xf32>,
        %parallel_loop3A_1041 = arith.index_cast %parallel_loop3A_1027 : i32 to index
        %parallel_loop3A_1042 = arith.constant 16 : index
        %parallel_loop3A_1043 = tpu.vector_load %arg9[%parallel_loop3A_1041, %parallel_loop3A_1042] {strides = array<i32>} : memref<128x65xf32, #tpu.memory_space<vmem>>, vector<16xf32>,
        tpu.vector_store %arg9[%parallel_loop3A_1041, %parallel_loop3A_1042], %parallel_loop3A_1040 {strides = array<i32>} : memref<128x65xf32, #tpu.memory_space<vmem>>, vector<16xf32>,
        %parallel_loop3A_1044 = arith.constant 3 : i32
        %parallel_loop3A_1045 = arith.index_cast %parallel_loop3A_1044 : i32 to index
        %parallel_loop3A_1046 = arith.index_cast %parallel_loop3A_1027 : i32 to index
        %parallel_loop3A_1047 = arith.constant 32 : index
        %parallel_loop3A_1048 = tpu.vector_load %arg7[%parallel_loop3A_1045, %parallel_loop3A_1046, %parallel_loop3A_1047] {strides = array<i32>} : memref<4x128x64xf32, #tpu.memory_space<vmem>>, vector<16xf32>,
        %parallel_loop3A_1049 = arith.index_cast %parallel_loop3A_1027 : i32 to index
        %parallel_loop3A_1050 = arith.constant 32 : index
        %parallel_loop3A_1051 = tpu.vector_load %arg9[%parallel_loop3A_1049, %parallel_loop3A_1050] {strides = array<i32>} : memref<128x65xf32, #tpu.memory_space<vmem>>, vector<16xf32>,
        tpu.vector_store %arg9[%parallel_loop3A_1049, %parallel_loop3A_1050], %parallel_loop3A_1048 {strides = array<i32>} : memref<128x65xf32, #tpu.memory_space<vmem>>, vector<16xf32>,
        %parallel_loop3A_1052 = arith.constant 3 : i32
        %parallel_loop3A_1053 = arith.index_cast %parallel_loop3A_1052 : i32 to index
        %parallel_loop3A_1054 = arith.index_cast %parallel_loop3A_1027 : i32 to index
        %parallel_loop3A_1055 = arith.constant 48 : index
        %parallel_loop3A_1056 = tpu.vector_load %arg7[%parallel_loop3A_1053, %parallel_loop3A_1054, %parallel_loop3A_1055] {strides = array<i32>} : memref<4x128x64xf32, #tpu.memory_space<vmem>>, vector<16xf32>,
        %parallel_loop3A_1057 = arith.index_cast %parallel_loop3A_1027 : i32 to index
        %parallel_loop3A_1058 = arith.constant 48 : index
        %parallel_loop3A_1059 = tpu.vector_load %arg9[%parallel_loop3A_1057, %parallel_loop3A_1058] {strides = array<i32>} : memref<128x65xf32, #tpu.memory_space<vmem>>, vector<16xf32>,
        tpu.vector_store %arg9[%parallel_loop3A_1057, %parallel_loop3A_1058], %parallel_loop3A_1056 {strides = array<i32>} : memref<128x65xf32, #tpu.memory_space<vmem>>, vector<16xf32>,
      } {sc.loop_unroll_factor = 2 : i64, sc.parallel_access}
      %parallel_loop3A_962 = arith.constant 0 : i32
      %parallel_loop3A_963 = arith.constant 64 : i32
      %parallel_loop3A_964 = arith.constant 1 : i32
      scf.for %parallel_loop3A_1027 = %parallel_loop3A_962 to %parallel_loop3A_963 step %parallel_loop3A_964  : i32 {
        %parallel_loop3A_1028 = vector.broadcast %parallel_loop3A_1027 : i32 to vector<16xi32>
        %parallel_loop3A_1029 = tpu.vector_load_idx %arg10[%broadcast_in_dim3A_958, %parallel_loop3A_1028] : memref<200x64xf32, #tpu.memory_space<vmem>>[vector<16xi32>, vector<16xi32>], vector<16xf32>,
        %parallel_loop3A_1030 = arith.constant 8 : i32
        %parallel_loop3A_1031 = arith.divsi %parallel_loop3A_1027, %parallel_loop3A_1030 : i32
        %parallel_loop3A_1032 = arith.constant 0 : i32
        %parallel_loop3A_1033 = arith.cmpi sgt, %parallel_loop3A_1027, %parallel_loop3A_1032 : i32
        %parallel_loop3A_1034 = arith.extui %parallel_loop3A_1033 : i1 to i32
        %parallel_loop3A_1035 = arith.constant 0 : i32
        %parallel_loop3A_1036 = arith.cmpi slt, %parallel_loop3A_1027, %parallel_loop3A_1035 : i32
        %parallel_loop3A_1037 = arith.extui %parallel_loop3A_1036 : i1 to i32
        %parallel_loop3A_1038 = arith.subi %parallel_loop3A_1034, %parallel_loop3A_1037 : i32
        %parallel_loop3A_1039 = arith.constant 0 : i32
        %parallel_loop3A_1040 = arith.cmpi sgt, %parallel_loop3A_1030, %parallel_loop3A_1039 : i32
        %parallel_loop3A_1041 = arith.extui %parallel_loop3A_1040 : i1 to i32
        %parallel_loop3A_1042 = arith.constant 0 : i32
        %parallel_loop3A_1043 = arith.cmpi slt, %parallel_loop3A_1030, %parallel_loop3A_1042 : i32
        %parallel_loop3A_1044 = arith.extui %parallel_loop3A_1043 : i1 to i32
        %parallel_loop3A_1045 = arith.subi %parallel_loop3A_1041, %parallel_loop3A_1044 : i32
        %parallel_loop3A_1046 = arith.cmpi ne, %parallel_loop3A_1038, %parallel_loop3A_1045 : i32
        %parallel_loop3A_1047 = arith.remsi %parallel_loop3A_1027, %parallel_loop3A_1030 : i32
        %parallel_loop3A_1048 = arith.constant 0 : i32
        %parallel_loop3A_1049 = arith.cmpi ne, %parallel_loop3A_1047, %parallel_loop3A_1048 : i32
        %parallel_loop3A_1050 = arith.andi %parallel_loop3A_1046, %parallel_loop3A_1049 : i1
        %parallel_loop3A_1051 = arith.constant 1 : i32
        %parallel_loop3A_1052 = arith.subi %parallel_loop3A_1031, %parallel_loop3A_1051 : i32
        %parallel_loop3A_1053 = arith.select %parallel_loop3A_1050, %parallel_loop3A_1052, %parallel_loop3A_1031 : i32
        %parallel_loop3A_1054 = arith.constant 8 : i32
        %parallel_loop3A_1055 = arith.constant 0 : i32
        %parallel_loop3A_1056 = arith.cmpi eq, %parallel_loop3A_1054, %parallel_loop3A_1055 : i32
        %parallel_loop3A_1057 = arith.constant 1 : i32
        %parallel_loop3A_1058 = arith.select %parallel_loop3A_1056, %parallel_loop3A_1057, %parallel_loop3A_1054 : i32
        %parallel_loop3A_1059 = arith.remsi %parallel_loop3A_1027, %parallel_loop3A_1058 : i32
        %parallel_loop3A_1060 = arith.constant 0 : i32
        %parallel_loop3A_1061 = arith.cmpi ne, %parallel_loop3A_1059, %parallel_loop3A_1060 : i32
        %parallel_loop3A_1062 = arith.constant 0 : i32
        %parallel_loop3A_1063 = arith.cmpi slt, %parallel_loop3A_1059, %parallel_loop3A_1062 : i32
        %parallel_loop3A_1064 = arith.constant 0 : i32
        %parallel_loop3A_1065 = arith.cmpi slt, %parallel_loop3A_1058, %parallel_loop3A_1064 : i32
        %parallel_loop3A_1066 = arith.xori %parallel_loop3A_1063, %parallel_loop3A_1065 : i1
        %parallel_loop3A_1067 = arith.andi %parallel_loop3A_1066, %parallel_loop3A_1061 : i1
        %parallel_loop3A_1068 = arith.addi %parallel_loop3A_1059, %parallel_loop3A_1058 : i32
        %parallel_loop3A_1069 = arith.select %parallel_loop3A_1067, %parallel_loop3A_1068, %parallel_loop3A_1059 : i32
        %parallel_loop3A_1070 = tpu.vector_load_idx %arg9[%add3A_5, %parallel_loop3A_1028] : memref<128x65xf32, #tpu.memory_space<vmem>>[vector<16xi32>, vector<16xi32>], vector<16xf32>,
        %parallel_loop3A_1071 = arith.constant 8.000000e+00 : f32
        %parallel_loop3A_1072 = vector.broadcast %parallel_loop3A_1071 : f32 to vector<16xf32>
        %parallel_loop3A_1073 = arith.mulf %parallel_loop3A_1070, %parallel_loop3A_1072 : vector<16xf32>
        %parallel_loop3A_1074 = arith.addf %parallel_loop3A_1073, %parallel_loop3A_1029 : vector<16xf32>
        %parallel_loop3A_1075 = arith.constant 3 : i32
        %parallel_loop3A_1076 = arith.index_cast %parallel_loop3A_1075 : i32 to index
        %parallel_loop3A_1077 = arith.index_cast %parallel_loop3A_1053 : i32 to index
        %parallel_loop3A_1078 = arith.index_cast %parallel_loop3A_1069 : i32 to index
        %parallel_loop3A_1079 = arith.constant 0 : index
        %parallel_loop3A_1080 = tpu.vector_load %arg8[%parallel_loop3A_1076, %parallel_loop3A_1077, %parallel_loop3A_1078, %parallel_loop3A_1079] {strides = array<i32>} : memref<4x8x8x128xf32, #tpu.memory_space<vmem>>, vector<16xf32>,
        tpu.vector_store %arg8[%parallel_loop3A_1076, %parallel_loop3A_1077, %parallel_loop3A_1078, %parallel_loop3A_1079], %parallel_loop3A_1074 {strides = array<i32>} : memref<4x8x8x128xf32, #tpu.memory_space<vmem>>, vector<16xf32>,
        %parallel_loop3A_1081 = tpu.vector_load_idx %arg9[%add3A_8, %parallel_loop3A_1028] : memref<128x65xf32, #tpu.memory_space<vmem>>[vector<16xi32>, vector<16xi32>], vector<16xf32>,
        %parallel_loop3A_1082 = arith.constant 8.000000e+00 : f32
        %parallel_loop3A_1083 = vector.broadcast %parallel_loop3A_1082 : f32 to vector<16xf32>
        %parallel_loop3A_1084 = arith.mulf %parallel_loop3A_1081, %parallel_loop3A_1083 : vector<16xf32>
        %parallel_loop3A_1085 = arith.addf %parallel_loop3A_1084, %parallel_loop3A_1029 : vector<16xf32>
        %parallel_loop3A_1086 = arith.constant 3 : i32
        %parallel_loop3A_1087 = arith.index_cast %parallel_loop3A_1086 : i32 to index
        %parallel_loop3A_1088 = arith.index_cast %parallel_loop3A_1053 : i32 to index
        %parallel_loop3A_1089 = arith.index_cast %parallel_loop3A_1069 : i32 to index
        %parallel_loop3A_1090 = arith.constant 16 : index
        %parallel_loop3A_1091 = tpu.vector_load %arg8[%parallel_loop3A_1087, %parallel_loop3A_1088, %parallel_loop3A_1089, %parallel_loop3A_1090] {strides = array<i32>} : memref<4x8x8x128xf32, #tpu.memory_space<vmem>>, vector<16xf32>,
        tpu.vector_store %arg8[%parallel_loop3A_1087, %parallel_loop3A_1088, %parallel_loop3A_1089, %parallel_loop3A_1090], %parallel_loop3A_1085 {strides = array<i32>} : memref<4x8x8x128xf32, #tpu.memory_space<vmem>>, vector<16xf32>,
        %parallel_loop3A_1092 = tpu.vector_load_idx %arg9[%add3A_11, %parallel_loop3A_1028] : memref<128x65xf32, #tpu.memory_space<vmem>>[vector<16xi32>, vector<16xi32>], vector<16xf32>,
        %parallel_loop3A_1093 = arith.constant 8.000000e+00 : f32
        %parallel_loop3A_1094 = vector.broadcast %parallel_loop3A_1093 : f32 to vector<16xf32>
        %parallel_loop3A_1095 = arith.mulf %parallel_loop3A_1092, %parallel_loop3A_1094 : vector<16xf32>
        %parallel_loop3A_1096 = arith.addf %parallel_loop3A_1095, %parallel_loop3A_1029 : vector<16xf32>
        %parallel_loop3A_1097 = arith.constant 3 : i32
        %parallel_loop3A_1098 = arith.index_cast %parallel_loop3A_1097 : i32 to index
        %parallel_loop3A_1099 = arith.index_cast %parallel_loop3A_1053 : i32 to index
        %parallel_loop3A_1100 = arith.index_cast %parallel_loop3A_1069 : i32 to index
        %parallel_loop3A_1101 = arith.constant 32 : index
        %parallel_loop3A_1102 = tpu.vector_load %arg8[%parallel_loop3A_1098, %parallel_loop3A_1099, %parallel_loop3A_1100, %parallel_loop3A_1101] {strides = array<i32>} : memref<4x8x8x128xf32, #tpu.memory_space<vmem>>, vector<16xf32>,
        tpu.vector_store %arg8[%parallel_loop3A_1098, %parallel_loop3A_1099, %parallel_loop3A_1100, %parallel_loop3A_1101], %parallel_loop3A_1096 {strides = array<i32>} : memref<4x8x8x128xf32, #tpu.memory_space<vmem>>, vector<16xf32>,
        %parallel_loop3A_1103 = tpu.vector_load_idx %arg9[%add3A_14, %parallel_loop3A_1028] : memref<128x65xf32, #tpu.memory_space<vmem>>[vector<16xi32>, vector<16xi32>], vector<16xf32>,
        %parallel_loop3A_1104 = arith.constant 8.000000e+00 : f32
        %parallel_loop3A_1105 = vector.broadcast %parallel_loop3A_1104 : f32 to vector<16xf32>
        %parallel_loop3A_1106 = arith.mulf %parallel_loop3A_1103, %parallel_loop3A_1105 : vector<16xf32>
        %parallel_loop3A_1107 = arith.addf %parallel_loop3A_1106, %parallel_loop3A_1029 : vector<16xf32>
        %parallel_loop3A_1108 = arith.constant 3 : i32
        %parallel_loop3A_1109 = arith.index_cast %parallel_loop3A_1108 : i32 to index
        %parallel_loop3A_1110 = arith.index_cast %parallel_loop3A_1053 : i32 to index
        %parallel_loop3A_1111 = arith.index_cast %parallel_loop3A_1069 : i32 to index
        %parallel_loop3A_1112 = arith.constant 48 : index
        %parallel_loop3A_1113 = tpu.vector_load %arg8[%parallel_loop3A_1109, %parallel_loop3A_1110, %parallel_loop3A_1111, %parallel_loop3A_1112] {strides = array<i32>} : memref<4x8x8x128xf32, #tpu.memory_space<vmem>>, vector<16xf32>,
        tpu.vector_store %arg8[%parallel_loop3A_1109, %parallel_loop3A_1110, %parallel_loop3A_1111, %parallel_loop3A_1112], %parallel_loop3A_1107 {strides = array<i32>} : memref<4x8x8x128xf32, #tpu.memory_space<vmem>>, vector<16xf32>,
        %parallel_loop3A_1114 = tpu.vector_load_idx %arg9[%add3A_17, %parallel_loop3A_1028] : memref<128x65xf32, #tpu.memory_space<vmem>>[vector<16xi32>, vector<16xi32>], vector<16xf32>,
        %parallel_loop3A_1115 = arith.constant 8.000000e+00 : f32
        %parallel_loop3A_1116 = vector.broadcast %parallel_loop3A_1115 : f32 to vector<16xf32>
        %parallel_loop3A_1117 = arith.mulf %parallel_loop3A_1114, %parallel_loop3A_1116 : vector<16xf32>
        %parallel_loop3A_1118 = arith.addf %parallel_loop3A_1117, %parallel_loop3A_1029 : vector<16xf32>
        %parallel_loop3A_1119 = arith.constant 3 : i32
        %parallel_loop3A_1120 = arith.index_cast %parallel_loop3A_1119 : i32 to index
        %parallel_loop3A_1121 = arith.index_cast %parallel_loop3A_1053 : i32 to index
        %parallel_loop3A_1122 = arith.index_cast %parallel_loop3A_1069 : i32 to index
        %parallel_loop3A_1123 = arith.constant 64 : index
        %parallel_loop3A_1124 = tpu.vector_load %arg8[%parallel_loop3A_1120, %parallel_loop3A_1121, %parallel_loop3A_1122, %parallel_loop3A_1123] {strides = array<i32>} : memref<4x8x8x128xf32, #tpu.memory_space<vmem>>, vector<16xf32>,
        tpu.vector_store %arg8[%parallel_loop3A_1120, %parallel_loop3A_1121, %parallel_loop3A_1122, %parallel_loop3A_1123], %parallel_loop3A_1118 {strides = array<i32>} : memref<4x8x8x128xf32, #tpu.memory_space<vmem>>, vector<16xf32>,
        %parallel_loop3A_1125 = tpu.vector_load_idx %arg9[%add3A_20, %parallel_loop3A_1028] : memref<128x65xf32, #tpu.memory_space<vmem>>[vector<16xi32>, vector<16xi32>], vector<16xf32>,
        %parallel_loop3A_1126 = arith.constant 8.000000e+00 : f32
        %parallel_loop3A_1127 = vector.broadcast %parallel_loop3A_1126 : f32 to vector<16xf32>
        %parallel_loop3A_1128 = arith.mulf %parallel_loop3A_1125, %parallel_loop3A_1127 : vector<16xf32>
        %parallel_loop3A_1129 = arith.addf %parallel_loop3A_1128, %parallel_loop3A_1029 : vector<16xf32>
        %parallel_loop3A_1130 = arith.constant 3 : i32
        %parallel_loop3A_1131 = arith.index_cast %parallel_loop3A_1130 : i32 to index
        %parallel_loop3A_1132 = arith.index_cast %parallel_loop3A_1053 : i32 to index
        %parallel_loop3A_1133 = arith.index_cast %parallel_loop3A_1069 : i32 to index
        %parallel_loop3A_1134 = arith.constant 80 : index
        %parallel_loop3A_1135 = tpu.vector_load %arg8[%parallel_loop3A_1131, %parallel_loop3A_1132, %parallel_loop3A_1133, %parallel_loop3A_1134] {strides = array<i32>} : memref<4x8x8x128xf32, #tpu.memory_space<vmem>>, vector<16xf32>,
        tpu.vector_store %arg8[%parallel_loop3A_1131, %parallel_loop3A_1132, %parallel_loop3A_1133, %parallel_loop3A_1134], %parallel_loop3A_1129 {strides = array<i32>} : memref<4x8x8x128xf32, #tpu.memory_space<vmem>>, vector<16xf32>,
        %parallel_loop3A_1136 = tpu.vector_load_idx %arg9[%add3A_23, %parallel_loop3A_1028] : memref<128x65xf32, #tpu.memory_space<vmem>>[vector<16xi32>, vector<16xi32>], vector<16xf32>,
        %parallel_loop3A_1137 = arith.constant 8.000000e+00 : f32
        %parallel_loop3A_1138 = vector.broadcast %parallel_loop3A_1137 : f32 to vector<16xf32>
        %parallel_loop3A_1139 = arith.mulf %parallel_loop3A_1136, %parallel_loop3A_1138 : vector<16xf32>
        %parallel_loop3A_1140 = arith.addf %parallel_loop3A_1139, %parallel_loop3A_1029 : vector<16xf32>
        %parallel_loop3A_1141 = arith.constant 3 : i32
        %parallel_loop3A_1142 = arith.index_cast %parallel_loop3A_1141 : i32 to index
        %parallel_loop3A_1143 = arith.index_cast %parallel_loop3A_1053 : i32 to index
        %parallel_loop3A_1144 = arith.index_cast %parallel_loop3A_1069 : i32 to index
        %parallel_loop3A_1145 = arith.constant 96 : index
        %parallel_loop3A_1146 = tpu.vector_load %arg8[%parallel_loop3A_1142, %parallel_loop3A_1143, %parallel_loop3A_1144, %parallel_loop3A_1145] {strides = array<i32>} : memref<4x8x8x128xf32, #tpu.memory_space<vmem>>, vector<16xf32>,
        tpu.vector_store %arg8[%parallel_loop3A_1142, %parallel_loop3A_1143, %parallel_loop3A_1144, %parallel_loop3A_1145], %parallel_loop3A_1140 {strides = array<i32>} : memref<4x8x8x128xf32, #tpu.memory_space<vmem>>, vector<16xf32>,
        %parallel_loop3A_1147 = tpu.vector_load_idx %arg9[%add3A_26, %parallel_loop3A_1028] : memref<128x65xf32, #tpu.memory_space<vmem>>[vector<16xi32>, vector<16xi32>], vector<16xf32>,
        %parallel_loop3A_1148 = arith.constant 8.000000e+00 : f32
        %parallel_loop3A_1149 = vector.broadcast %parallel_loop3A_1148 : f32 to vector<16xf32>
        %parallel_loop3A_1150 = arith.mulf %parallel_loop3A_1147, %parallel_loop3A_1149 : vector<16xf32>
        %parallel_loop3A_1151 = arith.addf %parallel_loop3A_1150, %parallel_loop3A_1029 : vector<16xf32>
        %parallel_loop3A_1152 = arith.constant 3 : i32
        %parallel_loop3A_1153 = arith.index_cast %parallel_loop3A_1152 : i32 to index
        %parallel_loop3A_1154 = arith.index_cast %parallel_loop3A_1053 : i32 to index
        %parallel_loop3A_1155 = arith.index_cast %parallel_loop3A_1069 : i32 to index
        %parallel_loop3A_1156 = arith.constant 112 : index
        %parallel_loop3A_1157 = tpu.vector_load %arg8[%parallel_loop3A_1153, %parallel_loop3A_1154, %parallel_loop3A_1155, %parallel_loop3A_1156] {strides = array<i32>} : memref<4x8x8x128xf32, #tpu.memory_space<vmem>>, vector<16xf32>,
        tpu.vector_store %arg8[%parallel_loop3A_1153, %parallel_loop3A_1154, %parallel_loop3A_1155, %parallel_loop3A_1156], %parallel_loop3A_1151 {strides = array<i32>} : memref<4x8x8x128xf32, #tpu.memory_space<vmem>>, vector<16xf32>,
      } {sc.loop_unroll_factor = 2 : i64, sc.parallel_access}
      %add3A_965 = arith.addi %mul3A_2, %add3A_873 : i32
      %jit3A_966 = arith.constant 32 : i32
      %div3A_967 = arith.divsi %add3A_965, %jit3A_966 : i32
      %sign3A_968 = arith.constant 0 : i32
      %sign3A_969 = arith.cmpi sgt, %add3A_965, %sign3A_968 : i32
      %sign3A_970 = arith.extui %sign3A_969 : i1 to i32
      %sign3A_971 = arith.constant 0 : i32
      %sign3A_972 = arith.cmpi slt, %add3A_965, %sign3A_971 : i32
      %sign3A_973 = arith.extui %sign3A_972 : i1 to i32
      %sign3A_974 = arith.subi %sign3A_970, %sign3A_973 : i32
      %sign3A_975 = arith.constant 0 : i32
      %sign3A_976 = arith.cmpi sgt, %jit3A_966, %sign3A_975 : i32
      %sign3A_977 = arith.extui %sign3A_976 : i1 to i32
      %sign3A_978 = arith.constant 0 : i32
      %sign3A_979 = arith.cmpi slt, %jit3A_966, %sign3A_978 : i32
      %sign3A_980 = arith.extui %sign3A_979 : i1 to i32
      %sign3A_981 = arith.subi %sign3A_977, %sign3A_980 : i32
      %ne3A_982 = arith.cmpi ne, %sign3A_974, %sign3A_981 : i32
      %rem3A_983 = arith.remsi %add3A_965, %jit3A_966 : i32
      %ne3A_984 = arith.constant 0 : i32
      %ne3A_985 = arith.cmpi ne, %rem3A_983, %ne3A_984 : i32
      %and3A_986 = arith.andi %ne3A_982, %ne3A_985 : i1
      %sub3A_987 = arith.constant 1 : i32
      %sub3A_988 = arith.subi %div3A_967, %sub3A_987 : i32
      %select_n3A_989 = arith.select %and3A_986, %sub3A_988, %div3A_967 : i32
      %jit3A_990 = arith.constant 32 : i32
      %eq3A_991 = arith.constant 0 : i32
      %eq3A_992 = arith.cmpi eq, %jit3A_990, %eq3A_991 : i32
      %jit3A_993 = arith.constant 1 : i32
      %select_n3A_994 = arith.select %eq3A_992, %jit3A_993, %jit3A_990 : i32
      %rem3A_995 = arith.remsi %add3A_965, %select_n3A_994 : i32
      %ne3A_996 = arith.constant 0 : i32
      %ne3A_997 = arith.cmpi ne, %rem3A_995, %ne3A_996 : i32
      %lt3A_998 = arith.constant 0 : i32
      %lt3A_999 = arith.cmpi slt, %rem3A_995, %lt3A_998 : i32
      %lt3A_1000 = arith.constant 0 : i32
      %lt3A_1001 = arith.cmpi slt, %select_n3A_994, %lt3A_1000 : i32
      %ne3A_1002 = arith.xori %lt3A_999, %lt3A_1001 : i1
      %and3A_1003 = arith.andi %ne3A_1002, %ne3A_997 : i1
      %add3A_1004 = arith.addi %rem3A_995, %select_n3A_994 : i32
      %select_n3A_1005 = arith.select %and3A_1003, %add3A_1004, %rem3A_995 : i32
      %dma_start3A_1006 = arith.constant 3 : i32
      %dma_start3A_1007 = arith.constant 0 : i32
      %dma_start3A_1008 = arith.constant 0 : i32
      %dma_start3A_1009 = arith.constant 0 : i32
      %dma_start3A_1010 = tpu.memref_slice %arg8[%dma_start3A_1006, %dma_start3A_1007, %dma_start3A_1008, %dma_start3A_1009] : memref<4x8x8x128xf32, #tpu.memory_space<vmem>> -> memref<1x8x8x128xf32, #tpu.memory_space<vmem>>
      %dma_start3A_1011 = tpu.memref_squeeze %dma_start3A_1010 : memref<1x8x8x128xf32, #tpu.memory_space<vmem>> -> memref<8x8x128xf32, #tpu.memory_space<vmem>>
      %dma_start3A_1012 = arith.constant 0 : i32
      %dma_start3A_1013 = arith.constant 0 : i32
      %dma_start3A_1014 = arith.constant 0 : i32
      %dma_start3A_1015 = tpu.memref_slice %arg5[%select_n3A_989, %dma_start3A_1012, %select_n3A_1005, %dma_start3A_1013, %dma_start3A_1014] : memref<200x8x32x8x128xf32, #tpu.memory_space<hbm>> -> memref<1x8x1x8x128xf32, #tpu.memory_space<hbm>>
      %dma_start3A_1016 = tpu.memref_squeeze %dma_start3A_1015 : memref<1x8x1x8x128xf32, #tpu.memory_space<hbm>> -> memref<8x8x128xf32, #tpu.memory_space<hbm>>
      %dma_start3A_1017 = arith.constant 0 : i32
      %dma_start3A_1018 = arith.constant 0 : i32
      %dma_start3A_1019 = arith.constant 0 : i32
      %dma_start3A_1020 = tpu.memref_slice %arg5[%select_n3A_989, %dma_start3A_1017, %select_n3A_1005, %dma_start3A_1018, %dma_start3A_1019] : memref<200x8x32x8x128xf32, #tpu.memory_space<hbm>> -> memref<1x8x1x8x128xf32, #tpu.memory_space<hbm>>
      %dma_start3A_1021 = tpu.memref_squeeze %dma_start3A_1020 : memref<1x8x1x8x128xf32, #tpu.memory_space<hbm>> -> memref<8x8x128xf32, #tpu.memory_space<hbm>>
      %dma_start3A_1022 = arith.constant 0 : i32
      %dma_start3A_1023 = arith.constant 0 : i32
      %dma_start3A_1024 = arith.constant 0 : i32
      %dma_start3A_1025 = tpu.memref_slice %arg8[%dma_start3A_1006, %dma_start3A_1022, %dma_start3A_1023, %dma_start3A_1024] : memref<4x8x8x128xf32, #tpu.memory_space<vmem>> -> memref<1x8x8x128xf32, #tpu.memory_space<vmem>>
      %dma_start3A_1026 = tpu.memref_squeeze %dma_start3A_1025 : memref<1x8x8x128xf32, #tpu.memory_space<vmem>> -> memref<8x8x128xf32, #tpu.memory_space<vmem>>
      tpu.enqueue_dma source(%dma_start3A_1026 : memref<8x8x128xf32, #tpu.memory_space<vmem>>) target(%dma_start3A_1021 : memref<8x8x128xf32, #tpu.memory_space<hbm>>) target_semaphore(%arg22 : memref<!tpu.dma_semaphore, #tpu.memory_space<semaphore_mem>>)
    }
    %scan3A_314 = arith.constant 50 : i32
    %dma_wait3A_315 = arith.constant 0 : i32
    %dma_wait3A_316 = arith.constant 0 : i32
    %dma_wait3A_317 = arith.constant 0 : i32
    %dma_wait3A_318 = arith.constant 0 : i32
    %dma_wait3A_319 = arith.constant 0 : i32
    %dma_wait3A_320 = arith.constant 0 : i32
    %dma_wait3A_321 = tpu.memref_slice %arg8[%dma_wait3A_315, %dma_wait3A_318, %dma_wait3A_319, %dma_wait3A_320] : memref<4x8x8x128xf32, #tpu.memory_space<vmem>> -> memref<1x8x8x128xf32, #tpu.memory_space<vmem>>
    %dma_wait3A_322 = tpu.memref_squeeze %dma_wait3A_321 : memref<1x8x8x128xf32, #tpu.memory_space<vmem>> -> memref<8x8x128xf32, #tpu.memory_space<vmem>>
    %dma_wait3A_323 = arith.constant 0 : i32
    %dma_wait3A_324 = arith.constant 0 : i32
    %dma_wait3A_325 = arith.constant 0 : i32
    %dma_wait3A_326 = tpu.memref_slice %arg5[%dma_wait3A_316, %dma_wait3A_323, %dma_wait3A_317, %dma_wait3A_324, %dma_wait3A_325] : memref<200x8x32x8x128xf32, #tpu.memory_space<hbm>> -> memref<1x8x1x8x128xf32, #tpu.memory_space<hbm>>
    %dma_wait3A_327 = tpu.memref_squeeze %dma_wait3A_326 : memref<1x8x1x8x128xf32, #tpu.memory_space<hbm>> -> memref<8x8x128xf32, #tpu.memory_space<hbm>>
    %dma_wait3A_328 = arith.constant 0 : i32
    %dma_wait3A_329 = arith.constant 0 : i32
    %dma_wait3A_330 = arith.constant 0 : i32
    %dma_wait3A_331 = tpu.memref_slice %arg5[%dma_wait3A_316, %dma_wait3A_328, %dma_wait3A_317, %dma_wait3A_329, %dma_wait3A_330] : memref<200x8x32x8x128xf32, #tpu.memory_space<hbm>> -> memref<1x8x1x8x128xf32, #tpu.memory_space<hbm>>
    %dma_wait3A_332 = tpu.memref_squeeze %dma_wait3A_331 : memref<1x8x1x8x128xf32, #tpu.memory_space<hbm>> -> memref<8x8x128xf32, #tpu.memory_space<hbm>>
    %dma_wait3A_333 = arith.constant 0 : i32
    %dma_wait3A_334 = arith.constant 0 : i32
    %dma_wait3A_335 = arith.constant 0 : i32
    %dma_wait3A_336 = tpu.memref_slice %arg8[%dma_wait3A_315, %dma_wait3A_333, %dma_wait3A_334, %dma_wait3A_335] : memref<4x8x8x128xf32, #tpu.memory_space<vmem>> -> memref<1x8x8x128xf32, #tpu.memory_space<vmem>>
    %dma_wait3A_337 = tpu.memref_squeeze %dma_wait3A_336 : memref<1x8x8x128xf32, #tpu.memory_space<vmem>> -> memref<8x8x128xf32, #tpu.memory_space<vmem>>
    tpu.wait_dma2 semaphore(%arg19 : memref<!tpu.dma_semaphore, #tpu.memory_space<semaphore_mem>>) src(%dma_wait3A_337 : memref<8x8x128xf32, #tpu.memory_space<vmem>>) dst(%dma_wait3A_332 : memref<8x8x128xf32, #tpu.memory_space<hbm>>)
    %dma_wait3A_338 = arith.constant 1 : i32
    %dma_wait3A_339 = arith.constant 0 : i32
    %dma_wait3A_340 = arith.constant 0 : i32
    %dma_wait3A_341 = arith.constant 0 : i32
    %dma_wait3A_342 = arith.constant 0 : i32
    %dma_wait3A_343 = arith.constant 0 : i32
    %dma_wait3A_344 = tpu.memref_slice %arg8[%dma_wait3A_338, %dma_wait3A_341, %dma_wait3A_342, %dma_wait3A_343] : memref<4x8x8x128xf32, #tpu.memory_space<vmem>> -> memref<1x8x8x128xf32, #tpu.memory_space<vmem>>
    %dma_wait3A_345 = tpu.memref_squeeze %dma_wait3A_344 : memref<1x8x8x128xf32, #tpu.memory_space<vmem>> -> memref<8x8x128xf32, #tpu.memory_space<vmem>>
    %dma_wait3A_346 = arith.constant 0 : i32
    %dma_wait3A_347 = arith.constant 0 : i32
    %dma_wait3A_348 = arith.constant 0 : i32
    %dma_wait3A_349 = tpu.memref_slice %arg5[%dma_wait3A_339, %dma_wait3A_346, %dma_wait3A_340, %dma_wait3A_347, %dma_wait3A_348] : memref<200x8x32x8x128xf32, #tpu.memory_space<hbm>> -> memref<1x8x1x8x128xf32, #tpu.memory_space<hbm>>
    %dma_wait3A_350 = tpu.memref_squeeze %dma_wait3A_349 : memref<1x8x1x8x128xf32, #tpu.memory_space<hbm>> -> memref<8x8x128xf32, #tpu.memory_space<hbm>>
    %dma_wait3A_351 = arith.constant 0 : i32
    %dma_wait3A_352 = arith.constant 0 : i32
    %dma_wait3A_353 = arith.constant 0 : i32
    %dma_wait3A_354 = tpu.memref_slice %arg5[%dma_wait3A_339, %dma_wait3A_351, %dma_wait3A_340, %dma_wait3A_352, %dma_wait3A_353] : memref<200x8x32x8x128xf32, #tpu.memory_space<hbm>> -> memref<1x8x1x8x128xf32, #tpu.memory_space<hbm>>
    %dma_wait3A_355 = tpu.memref_squeeze %dma_wait3A_354 : memref<1x8x1x8x128xf32, #tpu.memory_space<hbm>> -> memref<8x8x128xf32, #tpu.memory_space<hbm>>
    %dma_wait3A_356 = arith.constant 0 : i32
    %dma_wait3A_357 = arith.constant 0 : i32
    %dma_wait3A_358 = arith.constant 0 : i32
    %dma_wait3A_359 = tpu.memref_slice %arg8[%dma_wait3A_338, %dma_wait3A_356, %dma_wait3A_357, %dma_wait3A_358] : memref<4x8x8x128xf32, #tpu.memory_space<vmem>> -> memref<1x8x8x128xf32, #tpu.memory_space<vmem>>
    %dma_wait3A_360 = tpu.memref_squeeze %dma_wait3A_359 : memref<1x8x8x128xf32, #tpu.memory_space<vmem>> -> memref<8x8x128xf32, #tpu.memory_space<vmem>>
    tpu.wait_dma2 semaphore(%arg20 : memref<!tpu.dma_semaphore, #tpu.memory_space<semaphore_mem>>) src(%dma_wait3A_360 : memref<8x8x128xf32, #tpu.memory_space<vmem>>) dst(%dma_wait3A_355 : memref<8x8x128xf32, #tpu.memory_space<hbm>>)
    %dma_wait3A_361 = arith.constant 2 : i32
    %dma_wait3A_362 = arith.constant 0 : i32
    %dma_wait3A_363 = arith.constant 0 : i32
    %dma_wait3A_364 = arith.constant 0 : i32
    %dma_wait3A_365 = arith.constant 0 : i32
    %dma_wait3A_366 = arith.constant 0 : i32
    %dma_wait3A_367 = tpu.memref_slice %arg8[%dma_wait3A_361, %dma_wait3A_364, %dma_wait3A_365, %dma_wait3A_366] : memref<4x8x8x128xf32, #tpu.memory_space<vmem>> -> memref<1x8x8x128xf32, #tpu.memory_space<vmem>>
    %dma_wait3A_368 = tpu.memref_squeeze %dma_wait3A_367 : memref<1x8x8x128xf32, #tpu.memory_space<vmem>> -> memref<8x8x128xf32, #tpu.memory_space<vmem>>
    %dma_wait3A_369 = arith.constant 0 : i32
    %dma_wait3A_370 = arith.constant 0 : i32
    %dma_wait3A_371 = arith.constant 0 : i32
    %dma_wait3A_372 = tpu.memref_slice %arg5[%dma_wait3A_362, %dma_wait3A_369, %dma_wait3A_363, %dma_wait3A_370, %dma_wait3A_371] : memref<200x8x32x8x128xf32, #tpu.memory_space<hbm>> -> memref<1x8x1x8x128xf32, #tpu.memory_space<hbm>>
    %dma_wait3A_373 = tpu.memref_squeeze %dma_wait3A_372 : memref<1x8x1x8x128xf32, #tpu.memory_space<hbm>> -> memref<8x8x128xf32, #tpu.memory_space<hbm>>
    %dma_wait3A_374 = arith.constant 0 : i32
    %dma_wait3A_375 = arith.constant 0 : i32
    %dma_wait3A_376 = arith.constant 0 : i32
    %dma_wait3A_377 = tpu.memref_slice %arg5[%dma_wait3A_362, %dma_wait3A_374, %dma_wait3A_363, %dma_wait3A_375, %dma_wait3A_376] : memref<200x8x32x8x128xf32, #tpu.memory_space<hbm>> -> memref<1x8x1x8x128xf32, #tpu.memory_space<hbm>>
    %dma_wait3A_378 = tpu.memref_squeeze %dma_wait3A_377 : memref<1x8x1x8x128xf32, #tpu.memory_space<hbm>> -> memref<8x8x128xf32, #tpu.memory_space<hbm>>
    %dma_wait3A_379 = arith.constant 0 : i32
    %dma_wait3A_380 = arith.constant 0 : i32
    %dma_wait3A_381 = arith.constant 0 : i32
    %dma_wait3A_382 = tpu.memref_slice %arg8[%dma_wait3A_361, %dma_wait3A_379, %dma_wait3A_380, %dma_wait3A_381] : memref<4x8x8x128xf32, #tpu.memory_space<vmem>> -> memref<1x8x8x128xf32, #tpu.memory_space<vmem>>
    %dma_wait3A_383 = tpu.memref_squeeze %dma_wait3A_382 : memref<1x8x8x128xf32, #tpu.memory_space<vmem>> -> memref<8x8x128xf32, #tpu.memory_space<vmem>>
    tpu.wait_dma2 semaphore(%arg21 : memref<!tpu.dma_semaphore, #tpu.memory_space<semaphore_mem>>) src(%dma_wait3A_383 : memref<8x8x128xf32, #tpu.memory_space<vmem>>) dst(%dma_wait3A_378 : memref<8x8x128xf32, #tpu.memory_space<hbm>>)
    %dma_wait3A_384 = arith.constant 3 : i32
    %dma_wait3A_385 = arith.constant 0 : i32
    %dma_wait3A_386 = arith.constant 0 : i32
    %dma_wait3A_387 = arith.constant 0 : i32
    %dma_wait3A_388 = arith.constant 0 : i32
    %dma_wait3A_389 = arith.constant 0 : i32
    %dma_wait3A_390 = tpu.memref_slice %arg8[%dma_wait3A_384, %dma_wait3A_387, %dma_wait3A_388, %dma_wait3A_389] : memref<4x8x8x128xf32, #tpu.memory_space<vmem>> -> memref<1x8x8x128xf32, #tpu.memory_space<vmem>>
    %dma_wait3A_391 = tpu.memref_squeeze %dma_wait3A_390 : memref<1x8x8x128xf32, #tpu.memory_space<vmem>> -> memref<8x8x128xf32, #tpu.memory_space<vmem>>
    %dma_wait3A_392 = arith.constant 0 : i32
    %dma_wait3A_393 = arith.constant 0 : i32
    %dma_wait3A_394 = arith.constant 0 : i32
    %dma_wait3A_395 = tpu.memref_slice %arg5[%dma_wait3A_385, %dma_wait3A_392, %dma_wait3A_386, %dma_wait3A_393, %dma_wait3A_394] : memref<200x8x32x8x128xf32, #tpu.memory_space<hbm>> -> memref<1x8x1x8x128xf32, #tpu.memory_space<hbm>>
    %dma_wait3A_396 = tpu.memref_squeeze %dma_wait3A_395 : memref<1x8x1x8x128xf32, #tpu.memory_space<hbm>> -> memref<8x8x128xf32, #tpu.memory_space<hbm>>
    %dma_wait3A_397 = arith.constant 0 : i32
    %dma_wait3A_398 = arith.constant 0 : i32
    %dma_wait3A_399 = arith.constant 0 : i32
    %dma_wait3A_400 = tpu.memref_slice %arg5[%dma_wait3A_385, %dma_wait3A_397, %dma_wait3A_386, %dma_wait3A_398, %dma_wait3A_399] : memref<200x8x32x8x128xf32, #tpu.memory_space<hbm>> -> memref<1x8x1x8x128xf32, #tpu.memory_space<hbm>>
    %dma_wait3A_401 = tpu.memref_squeeze %dma_wait3A_400 : memref<1x8x1x8x128xf32, #tpu.memory_space<hbm>> -> memref<8x8x128xf32, #tpu.memory_space<hbm>>
    %dma_wait3A_402 = arith.constant 0 : i32
    %dma_wait3A_403 = arith.constant 0 : i32
    %dma_wait3A_404 = arith.constant 0 : i32
    %dma_wait3A_405 = tpu.memref_slice %arg8[%dma_wait3A_384, %dma_wait3A_402, %dma_wait3A_403, %dma_wait3A_404] : memref<4x8x8x128xf32, #tpu.memory_space<vmem>> -> memref<1x8x8x128xf32, #tpu.memory_space<vmem>>
    %dma_wait3A_406 = tpu.memref_squeeze %dma_wait3A_405 : memref<1x8x8x128xf32, #tpu.memory_space<vmem>> -> memref<8x8x128xf32, #tpu.memory_space<vmem>>
    tpu.wait_dma2 semaphore(%arg22 : memref<!tpu.dma_semaphore, #tpu.memory_space<semaphore_mem>>) src(%dma_wait3A_406 : memref<8x8x128xf32, #tpu.memory_space<vmem>>) dst(%dma_wait3A_401 : memref<8x8x128xf32, #tpu.memory_space<hbm>>)
    return
  }
}

module attributes {stable_mosaic.version = 14 : i64} {
  func.func @_detile_body(%arg0: i32, %arg1: memref<64x2048xf32, #tpu.memory_space<vmem>>, %arg2: memref<1024x128xf32, #tpu.memory_space<vmem>>) attributes {dimension_semantics = [#tpu.dimension_semantics<arbitrary>], iteration_bounds = array<i64: 489>, scalar_prefetch = 0 : i64, scratch_operands = 0 : i64, tpu.core_type = #tpu.core_type<tc>, window_params = [{transform_indices = @transform_0, window_bounds = array<i64: 64, 2048>}, {transform_indices = @transform_1, window_bounds = array<i64: 1024, 128>}]} {
    %get3A = arith.constant 0 : index
    %get3A_0 = arith.constant 0 : index
    %get3A_1 = vector.load %arg1[%get3A, %get3A_0] : memref<64x2048xf32, #tpu.memory_space<vmem>>, vector<64x2048xf32>
    %transpose3A = tpu.transpose %get3A_1, [1, 0] : vector<64x2048xf32> -> vector<2048x64xf32>
    %reshape3A = vector.shape_cast %transpose3A : vector<2048x64xf32> to vector<1024x2x64xf32>
    %slice3A = vector.extract_strided_slice %reshape3A {offsets = [0, 0, 0], sizes = [1024, 1, 64], strides = [1, 1, 1]} : vector<1024x2x64xf32> to vector<1024x1x64xf32>
    %squeeze3A = vector.shape_cast %slice3A : vector<1024x1x64xf32> to vector<1024x64xf32>
    %slice3A_2 = vector.extract_strided_slice %reshape3A {offsets = [0, 1, 0], sizes = [1024, 1, 64], strides = [1, 1, 1]} : vector<1024x2x64xf32> to vector<1024x1x64xf32>
    %squeeze3A_3 = vector.shape_cast %slice3A_2 : vector<1024x1x64xf32> to vector<1024x64xf32>
    %concatenate3A = tpu.concatenate %squeeze3A, %squeeze3A_3 in 1 : vector<1024x64xf32>, vector<1024x64xf32> -> vector<1024x128xf32>
    %swap3A = arith.constant 0 : index
    %swap3A_4 = arith.constant 0 : index
    %swap3A_5 = vector.load %arg2[%swap3A, %swap3A_4] : memref<1024x128xf32, #tpu.memory_space<vmem>>, vector<1024x128xf32>
    tpu.vector_store %arg2[%swap3A, %swap3A_4], %concatenate3A {strides = array<i32>} : memref<1024x128xf32, #tpu.memory_space<vmem>>, vector<1024x128xf32>,
    return
  }
  func.func @transform_0(%arg0: i32) -> (i32, i32) {
    %c0_i32 = arith.constant 0 : i32
    %c0_i32_0 = arith.constant 0 : i32
    return %c0_i32, %arg0 : i32, i32
  }
  func.func @transform_1(%arg0: i32) -> (i32, i32) {
    %c0_i32 = arith.constant 0 : i32
    %c0_i32_0 = arith.constant 0 : i32
    return %arg0, %c0_i32 : i32, i32
  }
}

</mosaic_0001>

<sc_bundles>
// kernel: kernel.4.cloned.1.call-start
scs
__scs_entry_jumppad:
0x0: {  	(pc) =	sbr.rel $0x88, $3  }
0x1: {  	(tag) =	ssettag $0x0;
	lr =	simm.s32 $0x1  }
0x2: {  	[smem:$0x3F9F] =	sst lr;
	_ =	strace $0xD0000000  }
0x3: {  	_ = 	snop  }
0x4: {  	_ = 	snop  }
0x5: {  	_ = 	snop  }
0x6: {  	_ = 	snop  }
0x7: {  	_ = 	snop  }
__scs_overlays_trampoline_lowered:
0x8: {  	[smem:$0x3FAE] =	sst s0  }
0x9: {  	[smem:$0x3FAF] =	sst s1  }
0xa: {  	[smem:$0x3FB0] =	sst s2  }
0xb: {  	[smem:$0x3FB1] =	sst s3  }
0xc: {  	[smem:$0x3FB2] =	sst s4  }
0xd: {  	[smem:$0x3FB3] =	sst s5  }
0xe: {  	[smem:$0x3FB4] =	sst s6  }
0xf: {  	[smem:$0x3FB5] =	sst s7  }
0x10: {  	[smem:$0x3FB6] =	sst s8  }
0x11: {  	[smem:$0x3FB7] =	sst s9;
	s0 =	simm.s32 @!p0 $0x0  }
0x12: {  	s1 =	sld [smem:$0x3F9D];
	s0 =	simm.s32 @p0 $0x1  }
0x13: {  	[smem:$0x3FB8] =	sst s0;
	s0 =	simm.s32 @!p1 $0x0  }
0x14: {  	s2 =	sld [smem:$0x3F9C];
	s0 =	simm.s32 @p1 $0x1  }
0x15: {  	[smem:$0x3FB9] =	sst s0;
	s0 =	simm.s32 @!p2 $0x0  }
0x16: {  	s3 =	sld [smem:$0x3FDB];
	s0 =	simm.s32 @p2 $0x1  }
0x17: {  	s4 =	simm.s32 $0x1BF5;
	[smem:$0x3FBB] =	sst s0  }
0x18: {  	s0 =	sld [smem:$0x3F9E];
	_ =	swait.ge [sflag:s4], $0x0  }
0x19: {  	s7 =	sld [smem:$0x3F9F]  }
0x1a: {  	s8 =	sadd.s32 $0xFFFFE003, lr  }
0x1b: {  	s9 =	sadd.s32 $0xFFFFFEF7, lr;
	s5 =	simm.s32 $0xFFFFFFFF;
	p2 =	slt.u32 s8, $0xFFFFF086  }
0x1c: {  	p1 =	slt.u32 s9, $0xF7A;
	s5 =	simm.s32 @!p2 $0x0  }
0x1d: {  	s5 =	simm.s32 @p1 $0x1;
	p0 =	seq.s32 s7, s2  }
0x1e: {  	s7 =	smul.u32 @!p0 $0xF7A, s2;
	p2 =	seq.s32 @!p0 s5, $0x0  }
0x1f: {  	s9 =	smul.u32 $0xF7A, s1;
	s8 =	simm.s32 @!p0 $0x1BF5;
	p2 =	por !p2, p0  }
0x20: {  	[sflag:s8] =	ssyncset.s32 @!p0 $0xFFFFF086;
	s6 =	sadd.s32 @!p0 s3, s7;
	s7 =	simm.s32 @!p0 $0x108  }
0x21: {  	s3 =	sadd.s32 s3, s9;
	s6 =	sadd.s32 @!p0 $0x88, s6;
	s7 =	simm.s32 @p2 $0x1082  }
0x22: {  	[simem:s7], [sflag:s8] =	dma.local @!p0 [hbm:s6], $0xF7A  }
0x23: {  	s9 =	sor.u32 $0xD0000000, s2;
	s6 =	simm.s32 $0x108;
	_ =	swait.ge @!p0 [sflag:s8], $0x0  }
0x24: {  	s3 =	sadd.s32 $0x88, s3;
	s6 =	simm.s32 @!p1 $0x1082;
	[sflag:s4] =	ssyncset.s32 $0xFFFFF086  }
0x25: {  	[simem:s6], [sflag:s4] =	dma.local [hbm:s3], $0xF7A  }
0x26: {  	[smem:$0x3F9F] =	sst s1;
	(tag) =	ssettag s2;
	_ =	strace s9  }
0x27: {  	s1 =	sld [smem:$0x3FAF]  }
0x28: {  	s2 =	sld [smem:$0x3FB0]  }
0x29: {  	s4 =	sld [smem:$0x3FB2]  }
0x2a: {  	p0 =	seq.s32 s5, $0x0;
	s5 =	sld [smem:$0x3FB3]  }
0x2b: {  	s6 =	sld [smem:$0x3FB4]  }
0x2c: {  	s7 =	sld [smem:$0x3FB5]  }
0x2d: {  	s3 =	simm.s32 $0x108;
	s8 =	sld [smem:$0x3FB6]  }
0x2e: {  	s3 =	simm.s32 @!p0 $0x1082;
	s9 =	sld [smem:$0x3FB7]  }
0x2f: {  	lr =	sadd.s32 s0, s3;
	s0 =	sld [smem:$0x3FAE]  }
0x30: {  	s3 =	sld [smem:$0x3FB1]  }
0x31: {  	[smem:$0x3FBA] =	sst s10  }
0x32: {  	s10 =	sld [smem:$0x3FB8];
	_ =	sdelay $0x3  }
0x33: {  	p0 =	seq.s32 s10, $0x1;
	s10 =	sld [smem:$0x3FBA];
	_ =	sdelay $0x3  }
0x34: {  	[smem:$0x3FBA] =	sst s10  }
0x35: {  	s10 =	sld [smem:$0x3FB9];
	_ =	sdelay $0x3  }
0x36: {  	p1 =	seq.s32 s10, $0x1;
	s10 =	sld [smem:$0x3FBA];
	_ =	sdelay $0x3  }
0x37: {  	[smem:$0x3FBA] =	sst s10  }
0x38: {  	s10 =	sld [smem:$0x3FBB]  }
0x39: {  	_ = 	snop;
	(pc) =	sbr.ind lr, $3  }
0x3a: {  	_ = 	snop  }
0x3b: {  	_ = 	snop  }
0x3c: {  	p2 =	seq.s32 s10, $0x1;
	s10 =	sld [smem:$0x3FBA]  }
0x3d: {  	_ =	shalt  }
0x3e: {  	_ =	shalt  }
0x3f: {  	_ =	shalt  }
0x40: {  	_ =	shalt  }
0x41: {  	_ =	shalt  }
0x42: {  	_ =	shalt  }
0x43: {  	_ =	shalt  }
0x44: {  	_ =	shalt  }
0x45: {  	_ =	shalt  }
0x46: {  	_ =	shalt  }
0x47: {  	_ =	shalt  }
0x48: {  	_ =	shalt  }
0x49: {  	_ =	shalt  }
0x4a: {  	_ =	shalt  }
0x4b: {  	_ =	shalt  }
0x4c: {  	_ =	shalt  }
0x4d: {  	_ =	shalt  }
0x4e: {  	_ =	shalt  }
0x4f: {  	_ =	shalt  }
0x50: {  	_ =	shalt  }
0x51: {  	_ =	shalt  }
0x52: {  	_ =	shalt  }
0x53: {  	_ =	shalt  }
0x54: {  	_ =	shalt  }
0x55: {  	_ =	shalt  }
0x56: {  	_ =	shalt  }
0x57: {  	_ =	shalt  }
0x58: {  	_ =	shalt  }
0x59: {  	_ =	shalt  }
0x5a: {  	_ =	shalt  }
0x5b: {  	_ =	shalt  }
0x5c: {  	_ =	shalt  }
0x5d: {  	_ =	shalt  }
0x5e: {  	_ =	shalt  }
0x5f: {  	_ =	shalt  }
0x60: {  	_ =	shalt  }
0x61: {  	_ =	shalt  }
0x62: {  	_ =	shalt  }
0x63: {  	_ =	shalt  }
0x64: {  	_ =	shalt  }
0x65: {  	_ =	shalt  }
0x66: {  	_ =	shalt  }
0x67: {  	_ =	shalt  }
0x68: {  	_ =	shalt  }
0x69: {  	_ =	shalt  }
0x6a: {  	_ =	shalt  }
0x6b: {  	_ =	shalt  }
0x6c: {  	_ =	shalt  }
0x6d: {  	_ =	shalt  }
0x6e: {  	_ =	shalt  }
0x6f: {  	_ =	shalt  }
0x70: {  	_ =	shalt  }
0x71: {  	_ =	shalt  }
0x72: {  	_ =	shalt  }
0x73: {  	_ =	shalt  }
0x74: {  	_ =	shalt  }
0x75: {  	_ =	shalt  }
0x76: {  	_ =	shalt  }
0x77: {  	_ =	shalt  }
0x78: {  	_ =	shalt  }
0x79: {  	_ =	shalt  }
0x7a: {  	_ =	shalt  }
0x7b: {  	_ =	shalt  }
0x7c: {  	_ =	shalt  }
0x7d: {  	_ =	shalt  }
0x7e: {  	_ =	shalt  }
0x7f: {  	_ =	shalt  }
0x80: {  	_ =	shalt  }
0x81: {  	_ =	shalt  }
0x82: {  	_ =	shalt  }
0x83: {  	_ =	shalt  }
0x84: {  	_ =	shalt  }
0x85: {  	_ =	shalt  }
0x86: {  	_ =	shalt  }
0x87: {  	_ =	shalt  }
.Lfunc_end0:
.L_simem_size_0:
called_computation_lowered:
.L_overlay_start_0:
0x88: {  	s2 =	sld [smem:$0x3FD9]  }
0x89: {  	s3 =	sld [smem:$0x3FFE];
	_ =	sdelay $0x1  }
0x8a: {  	s1 =	srdreg.scid  }
0x8b: {  	s0 =	sand.u32 $0x1, s1  }
0x8c: {  	s17 =	sshll.u32 s0, $0xA;
	s2 =	sadd.s32 s3, s2  }
0x8d: {  	s2 =	sadd.s32 s2, s17  }
0x8e: {  	[smem:$0x3FC6] =	sst s2  }
0x8f: {  	_ = 	snop  }
0x90: {  	s2 =	sld [smem:$0x3FD0];
	(tm) =	ssettm $0x1  }
0x91: {  	s18 =	sld [smem:$0x3FFB];
	_ =	sdelay $0x3  }
0x92: {  	_ =	strace s18  }
0x93: {  	s3 =	sld [smem:$0x3FFC];
	_ =	sdelay $0x3  }
0x94: {  	_ =	strace s3  }
0x95: {  	s3 =	sld [smem:$0x3FFD];
	_ =	sdelay $0x3  }
0x96: {  	_ =	strace s3  }
0x97: {  	_ =	strace $0x8FFFFFFF  }
0x98: {  	s19 =	sld [smem:$0x3FDB];
	_ =	sdelay $0x1  }
0x99: {  	s4 =	simm.s32 $_scs_section_size  }
0x9a: {  	s5 =	simm.s32 $_size__tile_overlayer_lowered;
	s6 =	simm.s32 $_tile_overlayer_lowered  }
0x9b: {  	s22 =	simm.s32 $0x1BFF;
	s21 =	sshll.u32 s6, $0x1;
	s3 =	sadd.s32 s4, s19  }
0x9c: {  	s7 =	simm.s32 $0x0;
	s20 =	sshll.u32 s5, $0x1;
	s5 =	sadd.s32 s21, s3  }
0x9d: {  	[timem:s7], [sflag:s22] =	dma.local [hbm:s5], s20  }
0x9e: {  	_ =	swait.ge [sflag:s22], s20  }
0x9f: {  	s4 =	ssub.s32 $0x0, s20;
	[sflag:s22] =	ssyncset.done $0x0  }
0xa0: {  	[sflag:s22] =	ssyncadd.s32 s4;
	_ =	sdelay $0x1  }
0xa1: {  	s23 =	simm.s32 $0x1B8B  }
0xa2: {  	_ =	swait.ge [sflag:s23], $0x1  }
0xa3: {  	[sflag:s23] =	ssyncset.done $0x0  }
0xa4: {  	s25 =	simm.s32 $0x1B8E;
	s24 =	sld [smem:$0x3FFE];
	[sflag:s23] =	ssyncadd.s32 $0xFFFFFFFF  }
0xa5: {  	s26 =	simm.s32 $execute0_lowered;
	[smem:$0x3FD2] =	sst s25  }
0xa6: {  	s5 =	sshll.u32 s26, $0x1;
	_ =	strace $0x80000046;
	[dreg:$0x1] =	wrdreg $0xFFFFFFFF  }
0xa7: {  	s28 =	simm.s32 $_size_execute0_lowered;
	s3 =	sadd.s32 s3, s5;
	[dreg:$0x0] =	wrdreg $0x0  }
0xa8: {  	s5 =	sshll.u32 s28, $0x1;
	[dreg:$0x2] =	wrdreg s3  }
0xa9: {  	[dreg:$0x3] =	wrdreg s5  }
0xaa: {  	[dreg:$0x4] =	wrdreg $0xC0  }
0xab: {  	_ =	task [dreg:s7], $0x5FFFF  }
0xac: {  	[dreg:$0x1] =	wrdreg $0xFFFFFFFF  }
0xad: {  	[dreg:$0x0] =	wrdreg $0x60  }
0xae: {  	[dreg:$0x2] =	wrdreg s24  }
0xaf: {  	[dreg:$0x3] =	wrdreg s2  }
0xb0: {  	[dreg:$0x4] =	wrdreg $0x9  }
0xb1: {  	_ =	task.clear_ibuf [dreg:s7], $0x5FFFF;
	_ =	strace $0x90000046  }
0xb2: {  	s29 =	simm.s32 $0x9;
	_ =	strace $0x80000048  }
0xb3: {  	_ =	swait.ge [sflag:s29], $0x1  }
0xb4: {  	[sflag:s29] =	ssyncadd.s32 $0xFFFFFFFF  }
0xb5: {  	_ =	strace $0x90000048  }
0xb6: {  	_ =	sfence  }
0xb7: {  	s30 =	sld [smem:$0x0];
	_ =	sdelay $0x2  }
0xb8: {  	s31 =	sshll.u32 s1, $0xD;
	s1 =	sshrl.u32 s1, $0x2  }
0xb9: {  	s3 =	sand.u32 $0x4000, s31;
	s1 =	sadd.s32 s1, s30  }
0xba: {  	s0 =	sor.u32 s3, s0;
	s1 =	sshll.u32 s1, $0x11  }
0xbb: {  	s0 =	sor.u32 s1, s0  }
0xbc: {  	s0 =	sadd.s32 $0x8F2B, s0  }
0xbd: {  	[sflag:s0] =	ssyncadd.remote.s32 $0x1  }
0xbe: {  	_ =	sfence.sel $0xFFFF  }
0xbf: {  	[dreg:$0x0] =	wrdreg $0xFFFFFFFF;
	(pc) =	sbr.abs _section_cstart, $3  }
0xc0: {  	[dreg:$0x1] =	wrdreg $0xFFFFFFFF  }
0xc1: {  	_ =	task.clear_ibuf [dreg:s7], $0x2FFFF;
	_ =	strace $0x9FFFFFFF  }
0xc2: {  	(tm) =	ssettm $0x7FFFFFFF  }
0xc3: {  	_ =	shalt  }
tec
execute0_lowered:
.L_overlay_start_1:
0x0: {  	(tag) =	ssettag $0x1  }
0x1: {  	s0 =	rddreg [dreg:$0x0];
	s1 =	srdreg.scid  }
0x2: {  	s3 =	stileid.u32;
	s2 =	rddreg [dreg:$0x1]  }
0x3: {  	s4 =	simm.s32 $0x0;
	s17 =	simm.s32 $0x12600;
	s21 =	simm.s32 $0x40  }
0x4: {  	s9 =	simm.s32 $0x5;
	s1 =	sand.u32 $0x1, s1;
	s3 =	sshll.u32 s3, $0x1  }
0x5: {  	s10 =	simm.s32 $0x10200;
	[smem:$0x7FF] =	sst s4;
	s3 =	sor.u32 s1, s3  }
0x6: {  	s7 =	sadd.s32 $0x400, s0;
	_ =	strace $0x80000047;
	s5 =	smul.u32 $0x6400, s3  }
0x7: {  	[dreg:$0x3] =	wrdreg s7;
	s1 =	ssub.s32 $0x2, s1;
	s7 =	smul.u32 $0xC8, s3  }
0x8: {  	s4 =	sadd.s32 $0xC00, s0;
	s6 =	sshll.u32 s3, $0xA;
	s23 =	sshrl.u32 s1, $0x1  }
0x9: {  	s6 =	sand.u32 $0xC00, s6;
	s5 =	sand.u32 $0xFF000, s5;
	s28 =	sor.u32 $0x4, s7  }
0xa: {  	s29 =	sor.u32 $0x5, s7;
	s30 =	sor.u32 $0x6, s7;
	[dreg:$0x8] =	wrdreg s28  }
0xb: {  	s31 =	sor.u32 $0x7, s7;
	s5 =	sor.u32 s6, s5;
	[dreg:$0x9] =	wrdreg s29  }
0xc: {  	s6 =	sadd.s32 $0x19C00, s0;
	s0 =	ssub.s32 s1, s23;
	[dreg:$0xa] =	wrdreg s30  }
0xd: {  	v0 =	vlaneseq.u32;
	[dreg:$0xb] =	wrdreg s31;
	s5 =	sshrl.u32 s5, $0x3;
	s0 =	smax.u32 s0, $0x1  }
0xe: {  	s11 =	simm.s32 $0x400;
	v0 =	vmul.u32 $0x48, v0;
	s24 =	sadd.s32 s4, s5;
	[dreg:$0xc] =	wrdreg s0  }
0xf: {  	s16 =	simm.s32 $0x8000;
	s25 =	sadd.s32 $0x10, s24;
	[dreg:$0x4] =	wrdreg s24  }
0x10: {  	s19 =	simm.s32 $0x7;
	v1 =	vadd.s32 $0x480, v0;
	s26 =	sadd.s32 $0x20, s24;
	[dreg:$0x5] =	wrdreg s25  }
0x11: {  	v2 =	vadd.s32 $0x900, v0;
	v3 =	vadd.s32 $0xD80, v0;
	v4 =	vadd.s32 $0x1200, v0;
	s5 =	simm.s32 $0x0;
	s1 =	sadd.s32 $0x30, s24;
	[dreg:$0x6] =	wrdreg s26  }
0x12: {  	v5 =	vadd.s32 $0x1680, v0;
	v6 =	vadd.s32 $0x1B00, v0;
	v7 =	vadd.s32 $0x1F80, v0;
	[dreg:$0x7] =	wrdreg s1;
	s26 =	simm.s32 $0x6;
	s1 =	simm.s32 $0x8  }
.LBB2_1:
0x13: {  	[dreg:$0xd] =	wrdreg s5  }
0x14: {  	s0 =	simm.s32 $0x0;
	s3 =	rddreg [dreg:$0x3];
	s8 =	simm.s32 $0xD  }
0x15: {  	[tilespmem:s17], [sflag:$0xD] =	stream.linear.gather [hbm4b:s3+s0], $0x3200, $0x38;
	[tilespmem:$0x15800] =	vst v63  }
0x16: {  	_ =	swait.ge [sflag:s8], $0x3200  }
0x17: {  	[sflag:s8] =	ssyncset.done $0x0  }
0x18: {  	s12 =	rddreg [dreg:$0x4];
	[sflag:s8] =	ssyncadd.s32 $0xFFFFCE00  }
0x19: {  	[tilespmem:s0], [sflag:$0x1] =	stream.linear.gather [hbm4b:s12+s0], $0x80, $0x38;
	[tilespmem:$0x15800] =	vst v63  }
0x1a: {  	s14 =	simm.s32 $0x80;
	s15 =	simm.s32 $0x1;
	s13 =	rddreg [dreg:$0x5]  }
0x1b: {  	[tilespmem:s14], [sflag:$0x2] =	stream.linear.gather [hbm4b:s13+s0], $0x80, $0x38;
	[tilespmem:$0x15800] =	vst v63  }
0x1c: {  	_ =	swait.ge [sflag:s15], $0x80  }
0x1d: {  	[sflag:s15] =	ssyncset.done $0x0  }
0x1e: {  	s18 =	simm.s32 $0x200;
	[sflag:s15] =	ssyncadd.s32 $0xFFFFFF80  }
0x1f: {  	[tilespmem:s18], [sflag:$0x5] =	stream.indirect.gather [hbm4b:s6+s21], $0x40, s0, s21, $0xb8;
	[tilespmem:$0x15800] =	vst v63  }
0x20: {  	s20 =	simm.s32 $0x1200;
	s22 =	simm.s32 $0x2  }
0x21: {  	[tilespmem:s20], [sflag:$0x5] =	stream.indirect.gather [hbm4b:s6+s21], $0x40, s21, s21, $0xb8;
	[tilespmem:$0x15800] =	vst v63  }
0x22: {  	_ =	swait.ge [sflag:s22], $0x80  }
0x23: {  	[sflag:s22] =	ssyncset.done $0x0  }
0x24: {  	s23 =	simm.s32 $0x2200;
	[sflag:s22] =	ssyncadd.s32 $0xFFFFFF80  }
0x25: {  	[tilespmem:s23], [sflag:$0x6] =	stream.indirect.gather [hbm4b:s6+s21], $0x40, s14, s21, $0xb8;
	[tilespmem:$0x15800] =	vst v63  }
0x26: {  	s24 =	simm.s32 $0xC0;
	s25 =	simm.s32 $0x3200  }
0x27: {  	[tilespmem:s25], [sflag:$0x6] =	stream.indirect.gather [hbm4b:s6+s21], $0x40, s24, s21, $0xb8;
	[tilespmem:$0x15800] =	vst v63  }
0x28: {  	s29 =	simm.s32 $0x100;
	s28 =	rddreg [dreg:$0x6]  }
0x29: {  	[tilespmem:s29], [sflag:$0x3] =	stream.linear.gather [hbm4b:s28+s0], $0x80, $0x38;
	[tilespmem:$0x15800] =	vst v63  }
0x2a: {  	s31 =	simm.s32 $0x180;
	s30 =	rddreg [dreg:$0x7];
	s22 =	simm.s32 $0x0  }
0x2b: {  	[tilespmem:s31], [sflag:$0x4] =	stream.linear.gather [hbm4b:s30+s0], $0x80, $0x38;
	[tilespmem:$0x15800] =	vst v63  }
.LBB2_2:
0x2c: {  	s0 =	simm.s32 $0x3  }
0x2d: {  	_ =	swait.ge [sflag:s0], $0x80  }
0x2e: {  	[sflag:s0] =	ssyncset.done $0x0  }
0x2f: {  	s29 =	simm.s32 $0x100;
	s3 =	simm.s32 $0x4200;
	[sflag:s0] =	ssyncadd.s32 $0xFFFFFF80  }
0x30: {  	[tilespmem:s3], [sflag:$0x7] =	stream.indirect.gather [hbm4b:s6+s21], $0x40, s29, s21, $0xb8;
	[tilespmem:$0x15800] =	vst v63  }
0x31: {  	s30 =	simm.s32 $0x140;
	s31 =	simm.s32 $0x5200;
	p0 =	seq.s32 s22, $0x31  }
0x32: {  	[tilespmem:s31], [sflag:$0x7] =	stream.indirect.gather [hbm4b:s6+s21], $0x40, s30, s21, $0xb8;
	[tilespmem:$0x15800] =	vst v63  }
0x33: {  	s23 =	sshll.u32 s22, $0x2;
	p1 =	seq.s32 @!p0 s22, $0x0;
	_ =	swait.ge [sflag:s9], $0x1000  }
0x34: {  	p1 =	por p0, !p1;
	[sflag:s9] =	ssyncset.done $0x0;
	s0 =	rddreg [dreg:$0x8]  }
.Ltmp0:
0x35: {  	[sflag:s9] =	ssyncadd.s32 $0xFFFFF000;
	s0 =	sadd.s32 @!p0 s23, s0;
	(pc) =	sbr.rel @!p1 .LBB2_3-.Ltmp0, $4  }
0x36: {  	_ =	swait.ge [sflag:s9], $0x1000;
	s0 =	sshll.u32 @!p0 s0, $0x4  }
0x37: {  	[sflag:s9] =	ssyncset.done $0x0;
	s0 =	sand.u32 @!p0 $0xFFFFFC0, s0  }
0x38: {  	s3 =	simm.s32 @!p0 $0x0;
	[sflag:s9] =	ssyncadd.s32 $0xFFFFF000;
	s0 =	sadd.s32 @!p0 s4, s0  }
0x39: {  	[tilespmem:s3], [sflag:$0x1] =	stream.linear.gather @!p0 [hbm4b:s0+s3], $0x80, $0x38;
	[tilespmem:$0x15800] =	vst v63  }
.Ltmp1:
0x3a: {  	(pc) =	sbr.rel .LBB2_5-.Ltmp1, $4  }
0x3b: {  	s0 =	simm.s32 $0x9  }
0x3c: {  	_ =	swait.ge [sflag:s0], $0x2000  }
0x3d: {  	[sflag:s0] =	ssyncset.done $0x0  }
0x3e: {  	p1 =	por $0x0, $0x0;
	[sflag:s0] =	ssyncadd.s32 $0xFFFFE000  }
.LBB2_3:
0x3f: {  	p1 =	por @!p0 $0x1, $0x1  }
.LBB2_5:
0x40: {  	s12 =	simm.s32 $0x240  }
0x41: {  	v8 =	vld [tilespmem:s12+$0x0]  }
0x42: {  	v9 =	vld [tilespmem:s12+$0xFFFFFFC0];
	_ =	sdelay $0x2  }
0x43: {  	s0 =	simm.s32 $0x10248  }
0x44: {  	[tilespmem:s0+$0x0] =	vst v8  }
0x45: {  	[tilespmem:s0+$0xFFFFFFB8] =	vst v9;
	v8 =	vld [tilespmem:s12+$0x10]  }
0x46: {  	s5 =	simm.s32 $0x2C0;
	v9 =	vld [tilespmem:s12+$0xFFFFFFD0]  }
0x47: {  	v10 =	vld [tilespmem:s5+$0x0]  }
0x48: {  	v11 =	vld [tilespmem:s5+$0xFFFFFFC0];
	_ =	sdelay $0x1  }
0x49: {  	[tilespmem:s0+$0x10] =	vst v8  }
0x4a: {  	s3 =	simm.s32 $0x102D8;
	[tilespmem:s0+$0xFFFFFFC8] =	vst v9;
	v8 =	vld [tilespmem:s12+$0x20]  }
0x4b: {  	[tilespmem:s3+$0x0] =	vst v10;
	v9 =	vld [tilespmem:s12+$0xFFFFFFE0]  }
0x4c: {  	[tilespmem:s3+$0xFFFFFFB8] =	vst v11;
	v10 =	vld [tilespmem:s5+$0x10]  }
0x4d: {  	s8 =	simm.s32 $0x340;
	v11 =	vld [tilespmem:s5+$0xFFFFFFD0]  }
0x4e: {  	v12 =	vld [tilespmem:s8+$0x0]  }
0x4f: {  	v13 =	vld [tilespmem:s8+$0xFFFFFFC0];
	[tilespmem:s0+$0x20] =	vst v8  }
0x50: {  	[tilespmem:s0+$0xFFFFFFD8] =	vst v9;
	v14 =	vld [tilespmem:s12+$0x30]  }
0x51: {  	[tilespmem:s3+$0x10] =	vst v10;
	v8 =	vld [tilespmem:s12+$0xFFFFFFF0]  }
0x52: {  	[tilespmem:s3+$0xFFFFFFC8] =	vst v11;
	v9 =	vld [tilespmem:s5+$0x20];
	s12 =	simm.s32 $0x10368  }
0x53: {  	v10 =	vld [tilespmem:s5+$0xFFFFFFE0];
	[tilespmem:s12+$0x0] =	vst v12  }
0x54: {  	[tilespmem:s12+$0xFFFFFFB8] =	vst v13;
	v12 =	vld [tilespmem:s8+$0x10]  }
0x55: {  	s28 =	sor.u32 $0x2, s23;
	s13 =	simm.s32 $0x4;
	s14 =	simm.s32 $0x3C0;
	v11 =	vld [tilespmem:s8+$0xFFFFFFD0];
	[tilespmem:s0+$0x30] =	vst v14  }
.LBB2_6:
0x56: {  	v13 =	vld [tilespmem:s14+$0x0];
	s13 =	sadd.s32 $0x2, s13;
	[tilespmem:s0+$0xFFFFFFE8] =	vst v8;
	s0 =	smov.u32 s3;
	s3 =	smov.u32 s12  }
0x57: {  	v14 =	vld [tilespmem:s14+$0xFFFFFFC0];
	p2 =	slt.u32 s13, $0x7E;
	[tilespmem:s0+$0x20] =	vst v9  }
0x58: {  	[tilespmem:s0+$0xFFFFFFD8] =	vst v10;
	v15 =	vld [tilespmem:s5+$0x30]  }
.Ltmp2:
0x59: {  	[tilespmem:s12+$0x10] =	vst v12;
	v8 =	vld [tilespmem:s5+$0xFFFFFFF0];
	s5 =	smov.u32 s8;
	s8 =	smov.u32 s14;
	(pc) =	sbr.rel @p2 .LBB2_6-.Ltmp2, $4  }
0x5a: {  	s12 =	sadd.s32 $0x90, s12;
	[tilespmem:s3+$0xFFFFFFC8] =	vst v11;
	v9 =	vld [tilespmem:s5+$0x20]  }
0x5b: {  	[tilespmem:s12+$0x0] =	vst v13;
	v10 =	vld [tilespmem:s5+$0xFFFFFFE0]  }
0x5c: {  	[tilespmem:s12+$0xFFFFFFB8] =	vst v14;
	v12 =	vld [tilespmem:s14+$0x10]  }
0x5d: {  	s14 =	sadd.s32 $0x80, s14;
	v11 =	vld [tilespmem:s8+$0xFFFFFFD0];
	[tilespmem:s0+$0x30] =	vst v15  }
0x5e: {  	_ =	sdelay $0x2  }
0x5f: {  	[tilespmem:s12+$0x10] =	vst v12  }
0x60: {  	[tilespmem:s12+$0xFFFFFFC8] =	vst v11;
	v11 =	vld [tilespmem:s8+$0x20]  }
0x61: {  	v12 =	vld [tilespmem:s8+$0xFFFFFFE0];
	_ =	sdelay $0x1  }
0x62: {  	[tilespmem:s3+$0x20] =	vst v9  }
0x63: {  	[tilespmem:s3+$0xFFFFFFD8] =	vst v10;
	v9 =	vld [tilespmem:s5+$0x30]  }
0x64: {  	v10 =	vld [tilespmem:s5+$0xFFFFFFF0];
	[tilespmem:s12+$0x20] =	vst v11  }
0x65: {  	[tilespmem:s12+$0xFFFFFFD8] =	vst v12;
	v11 =	vld [tilespmem:s8+$0x30]  }
0x66: {  	v12 =	vld [tilespmem:s8+$0xFFFFFFF0];
	s8 =	simm.s32 $0x0  }
0x67: {  	[tilespmem:s0+$0xFFFFFFE8] =	vst v8;
	s15 =	sadd.s32 s7, s23;
	v8 =	vmov s8  }
0x68: {  	s25 =	sshrl.u32 s15, $0x5;
	v26 =	vand.u32 $0x3E, v8  }
0x69: {  	s13 =	simm.s32 $0x1;
	s5 =	sshll.u32 s25, $0x6;
	v8 =	vadd.s32 v0, v26  }
0x6a: {  	v23 =	vmov s5;
	[tilespmem:s3+$0x30] =	vst v9;
	v9 =	vmov s13  }
0x6b: {  	[tilespmem:s3+$0xFFFFFFE8] =	vst v10;
	v25 =	vand.u32 $0x3F, v9;
	v10 =	vor.u32 v23, v26  }
0x6c: {  	[tilespmem:s12+$0x30] =	vst v11;
	v11 =	vadd.s32 v0, v25  }
0x6d: {  	[tilespmem:s12+$0xFFFFFFE8] =	vst v12  }
0x6e: {  	v12 =	vor.u32 v23, v25;
	v8 =	vld.idx.msk [tilespmem:v8+s10+$0x0], $0xffff;
	_ =	sdelay $0x1  }
0x6f: {  	v9 =	vld.idx.msk [tilespmem:v10+s17+$0x0], $0xffff  }
0x70: {  	v10 =	vld.idx.msk [tilespmem:v11+s10+$0x0], $0xffff;
	_ =	sdelay $0x1  }
0x71: {  	v11 =	vmul.f32 $8.000000000e+00, v8;
	v8 =	vld.idx.msk [tilespmem:v12+s17+$0x0], $0xffff;
	v12 =	vadd.s32 v1, v26;
	_ =	sdelay $0x1  }
0x72: {  	v11 =	vadd.f32 v11, v9  }
0x73: {  	s5 =	simm.s32 $0x8240;
	v13 =	vadd.s32 v1, v25;
	v10 =	vmul.f32 $8.000000000e+00, v10  }
0x74: {  	s14 =	simm.s32 $0x0;
	s12 =	simm.s32 $0x80;
	[tilespmem:s5+$0xFFFFFFC0] =	vst v11  }
0x75: {  	s18 =	simm.s32 $0x2;
	s3 =	sand.u32 $0x1C00, s14;
	s0 =	sand.u32 $0x380, s12;
	v11 =	vld.idx.msk [tilespmem:v12+s10+$0x0], $0xffff;
	v10 =	vadd.f32 v10, v8  }
0x76: {  	s29 =	sor.u32 s0, s3;
	v12 =	vmov s18  }
0x77: {  	v14 =	vand.u32 $0x3E, v12;
	[tilespmem:s29+$0x8200] =	vst v10  }
0x78: {  	s20 =	simm.s32 $0x3;
	v10 =	vadd.s32 v0, v14;
	v12 =	vld.idx.msk [tilespmem:v13+s10+$0x0], $0xffff  }
0x79: {  	v15 =	vor.u32 v23, v14;
	v13 =	vmov s20  }
0x7a: {  	v16 =	vadd.s32 v2, v26;
	v13 =	vand.u32 $0x3F, v13;
	v11 =	vmul.f32 $8.000000000e+00, v11  }
0x7b: {  	v17 =	vadd.s32 v0, v13  }
0x7c: {  	v18 =	vor.u32 v23, v13;
	v19 =	vadd.f32 v11, v9  }
0x7d: {  	v20 =	vld.idx.msk [tilespmem:v10+s10+$0x0], $0xffff;
	v10 =	vmul.f32 $8.000000000e+00, v12;
	v12 =	vadd.s32 v2, v25  }
0x7e: {  	v11 =	vld.idx.msk [tilespmem:v15+s17+$0x0], $0xffff;
	[tilespmem:s5+$0xFFFFFFD0] =	vst v19  }
0x7f: {  	v15 =	vld.idx.msk [tilespmem:v16+s10+$0x0], $0xffff;
	v16 =	vadd.f32 v10, v8  }
0x80: {  	v17 =	vld.idx.msk [tilespmem:v17+s10+$0x0], $0xffff  }
0x81: {  	v10 =	vld.idx.msk [tilespmem:v18+s17+$0x0], $0xffff;
	[tilespmem:s29+$0x8210] =	vst v16  }
0x82: {  	v18 =	vadd.s32 v1, v14;
	v16 =	vmul.f32 $8.000000000e+00, v20;
	v12 =	vld.idx.msk [tilespmem:v12+s10+$0x0], $0xffff;
	_ =	sdelay $0x1  }
0x83: {  	v16 =	vadd.f32 v16, v11  }
0x84: {  	s30 =	simm.s32 $0x8340;
	v19 =	vadd.s32 v1, v13;
	v17 =	vmul.f32 $8.000000000e+00, v17  }
0x85: {  	s24 =	simm.s32 $0x180;
	s8 =	simm.s32 $0x100;
	v20 =	vadd.s32 v3, v26;
	v15 =	vmul.f32 $8.000000000e+00, v15;
	[tilespmem:s30+$0xFFFFFFC0] =	vst v16  }
0x86: {  	v21 =	vadd.s32 v3, v25;
	s12 =	simm.s32 $0x4;
	s3 =	sand.u32 $0x1C00, s8;
	s0 =	sand.u32 $0x380, s24;
	v18 =	vld.idx.msk [tilespmem:v18+s10+$0x0], $0xffff;
	v17 =	vadd.f32 v17, v10;
	v12 =	vmul.f32 $8.000000000e+00, v12  }
0x87: {  	s20 =	sor.u32 s0, s3;
	v16 =	vmov s12;
	v15 =	vadd.f32 v15, v9  }
0x88: {  	v16 =	vand.u32 $0x3E, v16;
	[tilespmem:s20+$0x8200] =	vst v17;
	v12 =	vadd.f32 v12, v8  }
0x89: {  	s13 =	simm.s32 $0x5;
	v22 =	vadd.s32 v0, v16;
	[tilespmem:s5+$0xFFFFFFE0] =	vst v15;
	v19 =	vld.idx.msk [tilespmem:v19+s10+$0x0], $0xffff  }
0x8a: {  	v15 =	vor.u32 v23, v16;
	v20 =	vld.idx.msk [tilespmem:v20+s10+$0x0], $0xffff;
	[tilespmem:s29+$0x8220] =	vst v12;
	v12 =	vmov s13  }
0x8b: {  	v24 =	vadd.s32 v2, v14;
	v21 =	vld.idx.msk [tilespmem:v21+s10+$0x0], $0xffff;
	v17 =	vand.u32 $0x3F, v12;
	v12 =	vmul.f32 $8.000000000e+00, v18  }
0x8c: {  	v18 =	vadd.s32 v0, v17  }
0x8d: {  	v27 =	vor.u32 v23, v17;
	v28 =	vadd.f32 v12, v11  }
0x8e: {  	v29 =	vadd.s32 v2, v13;
	v22 =	vld.idx.msk [tilespmem:v22+s10+$0x0], $0xffff;
	v19 =	vmul.f32 $8.000000000e+00, v19  }
0x8f: {  	v12 =	vld.idx.msk [tilespmem:v15+s17+$0x0], $0xffff;
	v15 =	vmul.f32 $8.000000000e+00, v20;
	v20 =	vadd.s32 v4, v26;
	[tilespmem:s30+$0xFFFFFFD0] =	vst v28  }
0x90: {  	v19 =	vadd.f32 v19, v10;
	v28 =	vadd.s32 v4, v25;
	v24 =	vld.idx.msk [tilespmem:v24+s10+$0x0], $0xffff;
	v21 =	vmul.f32 $8.000000000e+00, v21  }
0x91: {  	v30 =	vld.idx.msk [tilespmem:v18+s10+$0x0], $0xffff;
	v18 =	vadd.f32 v15, v9  }
0x92: {  	v15 =	vld.idx.msk [tilespmem:v27+s17+$0x0], $0xffff;
	[tilespmem:s20+$0x8210] =	vst v19;
	v19 =	vadd.f32 v21, v8  }
0x93: {  	v21 =	vmul.f32 $8.000000000e+00, v22;
	v27 =	vld.idx.msk [tilespmem:v29+s10+$0x0], $0xffff;
	v29 =	vadd.s32 v1, v16;
	[tilespmem:s5+$0xFFFFFFF0] =	vst v18  }
0x94: {  	v20 =	vld.idx.msk [tilespmem:v20+s10+$0x0], $0xffff;
	[tilespmem:s29+$0x8230] =	vst v19  }
0x95: {  	v19 =	vadd.f32 v21, v12;
	v21 =	vld.idx.msk [tilespmem:v28+s10+$0x0], $0xffff  }
0x96: {  	v32 =	vadd.s32 v5, v26;
	s24 =	simm.s32 $0x8440;
	v28 =	vmul.f32 $8.000000000e+00, v30;
	v30 =	vadd.s32 v1, v17  }
0x97: {  	s14 =	simm.s32 $0x6;
	s8 =	simm.s32 $0x200;
	s18 =	simm.s32 $0x280;
	v31 =	vadd.s32 v3, v13;
	[tilespmem:s24+$0xFFFFFFC0] =	vst v19;
	v19 =	vmul.f32 $8.000000000e+00, v24;
	v24 =	vadd.s32 v3, v14  }
0x98: {  	s3 =	sand.u32 $0x1C00, s8;
	s0 =	sand.u32 $0x380, s18;
	v22 =	vmov s14;
	v29 =	vld.idx.msk [tilespmem:v29+s10+$0x0], $0xffff;
	v27 =	vmul.f32 $8.000000000e+00, v27;
	v28 =	vadd.f32 v28, v15  }
0x99: {  	s3 =	sor.u32 s0, s3;
	v18 =	vand.u32 $0x3E, v22;
	v19 =	vadd.f32 v19, v11;
	v20 =	vmul.f32 $8.000000000e+00, v20  }
0x9a: {  	v27 =	vadd.f32 v27, v10;
	[tilespmem:s3+$0x8200] =	vst v28;
	v21 =	vmul.f32 $8.000000000e+00, v21;
	v28 =	vadd.s32 v5, v25  }
0x9b: {  	s12 =	simm.s32 $0x7;
	v22 =	vadd.s32 v0, v18;
	[tilespmem:s30+$0xFFFFFFE0] =	vst v19;
	v30 =	vld.idx.msk [tilespmem:v30+s10+$0x0], $0xffff;
	v19 =	vadd.f32 v20, v9  }
0x9c: {  	v20 =	vor.u32 v23, v18;
	v24 =	vld.idx.msk [tilespmem:v24+s10+$0x0], $0xffff;
	[tilespmem:s20+$0x8220] =	vst v27;
	v27 =	vadd.f32 v21, v8;
	v21 =	vmov s12  }
0x9d: {  	v33 =	vadd.s32 v2, v16;
	v31 =	vld.idx.msk [tilespmem:v31+s10+$0x0], $0xffff;
	[tilespmem:s5+$0x0] =	vst v19;
	v21 =	vand.u32 $0x3F, v21;
	v19 =	vmul.f32 $8.000000000e+00, v29  }
0x9e: {  	v29 =	vld.idx.msk [tilespmem:v32+s10+$0x0], $0xffff;
	[tilespmem:s29+$0x8240] =	vst v27;
	v27 =	vadd.s32 v0, v21  }
0x9f: {  	v58 =	vor.u32 v23, v21;
	v28 =	vld.idx.msk [tilespmem:v28+s10+$0x0], $0xffff;
	v34 =	vadd.f32 v19, v12  }
0xa0: {  	v60 =	vadd.s32 v6, v25;
	v35 =	vadd.s32 v2, v17;
	v22 =	vld.idx.msk [tilespmem:v22+s10+$0x0], $0xffff;
	v30 =	vmul.f32 $8.000000000e+00, v30  }
0xa1: {  	v38 =	vadd.s32 v6, v26;
	v59 =	vadd.s32 v4, v14;
	v19 =	vld.idx.msk [tilespmem:v20+s17+$0x0], $0xffff;
	v20 =	vmul.f32 $8.000000000e+00, v24;
	[tilespmem:s24+$0xFFFFFFD0] =	vst v34  }
0xa2: {  	s13 =	simm.s32 $0x8;
	v33 =	vld.idx.msk [tilespmem:v33+s10+$0x0], $0xffff;
	v24 =	vadd.f32 v30, v15;
	v30 =	vmul.f32 $8.000000000e+00, v31;
	v31 =	vadd.s32 v4, v13  }
0xa3: {  	v36 =	vmov s13;
	v37 =	vadd.f32 v20, v11;
	v27 =	vld.idx.msk [tilespmem:v27+s10+$0x0], $0xffff;
	v29 =	vmul.f32 $8.000000000e+00, v29  }
0xa4: {  	v61 =	vadd.s32 v1, v18;
	v20 =	vld.idx.msk [tilespmem:v58+s17+$0x0], $0xffff;
	[tilespmem:s3+$0x8210] =	vst v24;
	v30 =	vadd.f32 v30, v10;
	v28 =	vmul.f32 $8.000000000e+00, v28  }
0xa5: {  	v22 =	vmul.f32 $8.000000000e+00, v22;
	v24 =	vand.u32 $0x3E, v36;
	[tilespmem:s30+$0xFFFFFFF0] =	vst v37;
	v35 =	vld.idx.msk [tilespmem:v35+s10+$0x0], $0xffff;
	v29 =	vadd.f32 v29, v9  }
0xa6: {  	v37 =	vld.idx.msk [tilespmem:v59+s10+$0x0], $0xffff;
	[tilespmem:s20+$0x8230] =	vst v30;
	v28 =	vadd.f32 v28, v8;
	v30 =	vor.u32 v23, v24  }
0xa7: {  	v22 =	vadd.f32 v22, v19;
	v31 =	vld.idx.msk [tilespmem:v31+s10+$0x0], $0xffff;
	[tilespmem:s5+$0x10] =	vst v29;
	v29 =	vadd.s32 v0, v24  }
0xa8: {  	s0 =	simm.s32 $0x8540;
	v39 =	vld.idx.msk [tilespmem:v38+s10+$0x0], $0xffff;
	[tilespmem:s29+$0x8250] =	vst v28;
	v27 =	vmul.f32 $8.000000000e+00, v27;
	v28 =	vadd.s32 v1, v21  }
0xa9: {  	v63 =	vadd.s32 v3, v16;
	s13 =	simm.s32 $0x380;
	s14 =	simm.s32 $0x300;
	[tilespmem:s0+$0xFFFFFFC0] =	vst v22;
	v62 =	vmul.f32 $8.000000000e+00, v33;
	v40 =	vld.idx.msk [tilespmem:v60+s10+$0x0], $0xffff  }
0xaa: {  	s18 =	sand.u32 $0x380, s13;
	s8 =	sand.u32 $0x1C00, s14;
	v34 =	vadd.s32 v3, v17;
	v36 =	vld.idx.msk [tilespmem:v61+s10+$0x0], $0xffff;
	v27 =	vadd.f32 v27, v20;
	v35 =	vmul.f32 $8.000000000e+00, v35  }
0xab: {  	s8 =	sor.u32 s18, s8;
	v32 =	vadd.f32 v62, v12;
	v41 =	vmul.f32 $8.000000000e+00, v37;
	v22 =	vld.idx.msk [tilespmem:v30+s17+$0x0], $0xffff;
	v30 =	vadd.s32 v5, v14  }
0xac: {  	v38 =	vld.idx.msk [tilespmem:v29+s10+$0x0], $0xffff;
	[tilespmem:s8+$0x8200] =	vst v27;
	v27 =	vadd.f32 v35, v15;
	v29 =	vmul.f32 $8.000000000e+00, v31;
	v31 =	vadd.s32 v5, v13  }
0xad: {  	v26 =	vadd.s32 v7, v26;
	[tilespmem:s24+$0xFFFFFFE0] =	vst v32;
	v32 =	vadd.f32 v41, v11;
	v37 =	vld.idx.msk [tilespmem:v28+s10+$0x0], $0xffff;
	v28 =	vmul.f32 $8.000000000e+00, v39  }
0xae: {  	s31 =	simm.s32 $0x9;
	s14 =	simm.s32 $0xA;
	v25 =	vadd.s32 v7, v25;
	s12 =	simm.s32 $0x8540;
	v35 =	vld.idx.msk [tilespmem:v63+s10+$0x0], $0xffff;
	[tilespmem:s3+$0x8220] =	vst v27;
	v33 =	vadd.f32 v29, v10;
	v29 =	vmul.f32 $8.000000000e+00, v40  }
.LBB2_8:
0xaf: {  	p2 =	slt.u32 s14, $0x3E;
	v41 =	vmov s31;
	v40 =	vadd.s32 v2, v18;
	v34 =	vld.idx.msk [tilespmem:v34+s10+$0x0], $0xffff;
	[tilespmem:s30+$0x0] =	vst v32;
	v28 =	vadd.f32 v28, v9;
	v27 =	vmovc v13  }
0xb0: {  	v36 =	vmul.f32 $8.000000000e+00, v36;
	v13 =	vmovc v17;
	v32 =	vand.u32 $0x3F, v41;
	v30 =	vld.idx.msk [tilespmem:v30+s10+$0x0], $0xffff;
	[tilespmem:s20+$0x8240] =	vst v33;
	v29 =	vadd.f32 v29, v8  }
0xb1: {  	v17 =	vmovc v21;
	v39 =	vmov v14;
	v33 =	vadd.s32 v0, v32;
	v31 =	vld.idx.msk [tilespmem:v31+s10+$0x0], $0xffff;
	[tilespmem:s5+$0x20] =	vst v28;
	v21 =	vmov v32  }
0xb2: {  	v28 =	vmul.f32 $8.000000000e+00, v38;
	v36 =	vadd.f32 v36, v19;
	v32 =	vor.u32 v23, v21;
	v26 =	vld.idx.msk [tilespmem:v26+s10+$0x0], $0xffff;
	[tilespmem:s29+$0x8260] =	vst v29  }
0xb3: {  	v14 =	vmovc v16;
	v16 =	vmovc v18;
	v38 =	vadd.s32 v2, v17;
	v29 =	vmov s14;
	v37 =	vmul.f32 $8.000000000e+00, v37;
	v25 =	vld.idx.msk [tilespmem:v25+s10+$0x0], $0xffff  }
0xb4: {  	v18 =	vmovc v24;
	v28 =	vadd.f32 v28, v22;
	v35 =	vmul.f32 $8.000000000e+00, v35;
	[tilespmem:s0+$0xFFFFFFD0] =	vst v36;
	v36 =	vadd.s32 v4, v14  }
0xb5: {  	v24 =	vadd.f32 v37, v20;
	s0 =	sadd.s32 $0x100, s0;
	v34 =	vmul.f32 $8.000000000e+00, v34;
	v37 =	vadd.s32 v4, v13;
	v40 =	vld.idx.msk [tilespmem:v40+s10+$0x0], $0xffff  }
0xb6: {  	v30 =	vmul.f32 $8.000000000e+00, v30;
	[tilespmem:s0+$0xFFFFFFC0] =	vst v28;
	v28 =	vld.idx.msk [tilespmem:v33+s10+$0x0], $0xffff;
	v33 =	vadd.f32 v35, v12;
	v35 =	vadd.s32 v6, v39  }
0xb7: {  	v41 =	vadd.s32 v6, v27;
	v34 =	vadd.f32 v34, v15;
	v31 =	vmul.f32 $8.000000000e+00, v31;
	v32 =	vld.idx.msk [tilespmem:v32+s17+$0x0], $0xffff;
	[tilespmem:s8+$0x8210] =	vst v24  }
0xb8: {  	v24 =	vand.u32 $0x3E, v29;
	v30 =	vadd.f32 v30, v11;
	v26 =	vmul.f32 $8.000000000e+00, v26;
	v29 =	vld.idx.msk [tilespmem:v38+s10+$0x0], $0xffff;
	[tilespmem:s24+$0xFFFFFFF0] =	vst v33  }
0xb9: {  	v33 =	vadd.s32 v1, v18;
	v31 =	vadd.f32 v31, v10;
	v25 =	vmul.f32 $8.000000000e+00, v25;
	v38 =	vld.idx.msk [tilespmem:v36+s10+$0x0], $0xffff;
	[tilespmem:s3+$0x8230] =	vst v34  }
0xba: {  	v42 =	vor.u32 v23, v24;
	v26 =	vadd.f32 v26, v9;
	v9 =	vmov v11;
	v37 =	vld.idx.msk [tilespmem:v37+s10+$0x0], $0xffff;
	[tilespmem:s30+$0x10] =	vst v30  }
0xbb: {  	v43 =	vadd.s32 v0, v24;
	v30 =	vadd.f32 v25, v8;
	v8 =	vmov v10;
	v35 =	vld.idx.msk [tilespmem:v35+s10+$0x0], $0xffff;
	[tilespmem:s20+$0x8250] =	vst v31  }
0xbc: {  	s13 =	sadd.s32 $0x100, s13;
	v10 =	vmovc v15;
	v15 =	vmov v20;
	v25 =	vmul.f32 $8.000000000e+00, v28;
	v28 =	vadd.s32 v1, v21;
	v41 =	vld.idx.msk [tilespmem:v41+s10+$0x0], $0xffff;
	[tilespmem:s5+$0x30] =	vst v26;
	s5 =	smov.u32 s30;
	s30 =	smov.u32 s24  }
0xbd: {  	s18 =	sadd.s32 $0xFFFFFF80, s13;
	v11 =	vmovc v12;
	v12 =	vmovc v19;
	v26 =	vmul.f32 $8.000000000e+00, v40;
	v40 =	vadd.s32 v3, v16;
	v20 =	vmov v32;
	s24 =	smov.u32 s12;
	s12 =	smov.u32 s0;
	[tilespmem:s29+$0x8270] =	vst v30  }
.Ltmp3:
0xbe: {  	s18 =	sand.u32 $0x1C00, s18;
	v34 =	vadd.s32 v3, v17;
	v19 =	vmovc v22;
	v25 =	vadd.f32 v25, v20;
	s29 =	sand.u32 $0x380, s13;
	v29 =	vmul.f32 $8.000000000e+00, v29;
	v36 =	vld.idx.msk [tilespmem:v33+s10+$0x0], $0xffff;
	(pc) =	sbr.rel @p2 .LBB2_8-.Ltmp3, $4  }
0xbf: {  	v30 =	vadd.s32 v5, v14;
	s18 =	sor.u32 s29, s18;
	v26 =	vadd.f32 v26, v12;
	v32 =	vmul.f32 $8.000000000e+00, v38;
	s29 =	smov.u32 s20;
	s20 =	smov.u32 s3;
	v22 =	vld.idx.msk [tilespmem:v42+s17+$0x0], $0xffff  }
0xc0: {  	v31 =	vadd.s32 v5, v13;
	s3 =	smov.u32 s8;
	s8 =	smov.u32 s18;
	v38 =	vld.idx.msk [tilespmem:v43+s10+$0x0], $0xffff;
	[tilespmem:s18+$0x8200] =	vst v25;
	v25 =	vadd.f32 v29, v15;
	v29 =	vmul.f32 $8.000000000e+00, v37  }
0xc1: {  	v32 =	vadd.f32 v32, v11;
	v37 =	vld.idx.msk [tilespmem:v28+s10+$0x0], $0xffff;
	[tilespmem:s24+$0xFFFFFFE0] =	vst v26;
	v28 =	vmul.f32 $8.000000000e+00, v35;
	v26 =	vadd.s32 v7, v39  }
0xc2: {  	s31 =	sadd.s32 $0x1, s14;
	s14 =	sadd.s32 $0x2, s14;
	v35 =	vld.idx.msk [tilespmem:v40+s10+$0x0], $0xffff;
	[tilespmem:s3+$0x8220] =	vst v25;
	v33 =	vadd.f32 v29, v10;
	v29 =	vmul.f32 $8.000000000e+00, v41;
	v25 =	vadd.s32 v7, v27  }
0xc3: {  	v27 =	vmov s31  }
0xc4: {  	v27 =	vand.u32 $0x3F, v27  }
0xc5: {  	v39 =	vadd.s32 v0, v27;
	_ =	sdelay $0x1  }
0xc6: {  	v23 =	vor.u32 v23, v27;
	_ =	sdelay $0x2  }
0xc7: {  	v39 =	vld.idx.msk [tilespmem:v39+s10+$0x0], $0xffff;
	_ =	sdelay $0x1  }
0xc8: {  	v23 =	vld.idx.msk [tilespmem:v23+s17+$0x0], $0xffff;
	_ =	sdelay $0x1  }
0xc9: {  	v40 =	vadd.s32 v1, v24;
	v38 =	vmul.f32 $8.000000000e+00, v38  }
0xca: {  	s14 =	sadd.s32 $0x100, s13;
	v41 =	vadd.s32 v1, v27;
	v39 =	vmul.f32 $8.000000000e+00, v39  }
0xcb: {  	s18 =	sadd.s32 $0xFFFFFF80, s14;
	v38 =	vadd.f32 v38, v22  }
0xcc: {  	s31 =	sadd.s32 $0x100, s0;
	s14 =	sand.u32 $0x380, s14;
	s18 =	sand.u32 $0x1C00, s18;
	v39 =	vadd.f32 v39, v23  }
0xcd: {  	s14 =	sor.u32 s14, s18;
	[tilespmem:s31+$0xFFFFFFC0] =	vst v38  }
0xce: {  	v38 =	vld.idx.msk [tilespmem:v40+s10+$0x0], $0xffff;
	[tilespmem:s14+$0x8200] =	vst v39  }
0xcf: {  	v39 =	vld.idx.msk [tilespmem:v41+s10+$0x0], $0xffff;
	_ =	sdelay $0x1  }
0xd0: {  	v48 =	vadd.s32 v2, v18;
	v36 =	vmul.f32 $8.000000000e+00, v36  }
0xd1: {  	v49 =	vadd.s32 v2, v21;
	v37 =	vmul.f32 $8.000000000e+00, v37  }
0xd2: {  	v42 =	vadd.s32 v2, v24;
	v36 =	vadd.f32 v36, v19;
	v38 =	vmul.f32 $8.000000000e+00, v38  }
0xd3: {  	v43 =	vadd.s32 v2, v27;
	v37 =	vadd.f32 v37, v20;
	v39 =	vmul.f32 $8.000000000e+00, v39  }
0xd4: {  	[tilespmem:s0+$0xFFFFFFD0] =	vst v36;
	v50 =	vadd.f32 v38, v22  }
0xd5: {  	v51 =	vld.idx.msk [tilespmem:v48+s10+$0x0], $0xffff;
	[tilespmem:s8+$0x8210] =	vst v37;
	v52 =	vadd.f32 v39, v23  }
0xd6: {  	v53 =	vld.idx.msk [tilespmem:v49+s10+$0x0], $0xffff;
	[tilespmem:s31+$0xFFFFFFD0] =	vst v50  }
0xd7: {  	v36 =	vld.idx.msk [tilespmem:v42+s10+$0x0], $0xffff;
	[tilespmem:s14+$0x8210] =	vst v52  }
0xd8: {  	v37 =	vld.idx.msk [tilespmem:v43+s10+$0x0], $0xffff;
	_ =	sdelay $0x1  }
0xd9: {  	v54 =	vadd.s32 v3, v18;
	v38 =	vmul.f32 $8.000000000e+00, v51  }
0xda: {  	v55 =	vadd.s32 v3, v21;
	v39 =	vmul.f32 $8.000000000e+00, v53  }
0xdb: {  	v56 =	vadd.s32 v3, v24;
	v38 =	vadd.f32 v38, v19;
	v36 =	vmul.f32 $8.000000000e+00, v36  }
0xdc: {  	v57 =	vadd.s32 v3, v27;
	v39 =	vadd.f32 v39, v20;
	v37 =	vmul.f32 $8.000000000e+00, v37  }
0xdd: {  	v34 =	vld.idx.msk [tilespmem:v34+s10+$0x0], $0xffff;
	[tilespmem:s12+$0xFFFFFFE0] =	vst v38;
	v36 =	vadd.f32 v36, v22  }
0xde: {  	v38 =	vld.idx.msk [tilespmem:v54+s10+$0x0], $0xffff;
	[tilespmem:s8+$0x8220] =	vst v39;
	v37 =	vadd.f32 v37, v23  }
0xdf: {  	[tilespmem:s31+$0xFFFFFFE0] =	vst v36;
	v39 =	vld.idx.msk [tilespmem:v55+s10+$0x0], $0xffff  }
0xe0: {  	v36 =	vld.idx.msk [tilespmem:v56+s10+$0x0], $0xffff;
	[tilespmem:s14+$0x8220] =	vst v37  }
0xe1: {  	v58 =	vadd.s32 v4, v16;
	v35 =	vmul.f32 $8.000000000e+00, v35;
	v59 =	vld.idx.msk [tilespmem:v57+s10+$0x0], $0xffff  }
0xe2: {  	v60 =	vadd.s32 v4, v17;
	v34 =	vmul.f32 $8.000000000e+00, v34  }
0xe3: {  	v61 =	vadd.s32 v4, v18;
	v35 =	vadd.f32 v35, v12;
	v38 =	vmul.f32 $8.000000000e+00, v38  }
0xe4: {  	v62 =	vadd.s32 v4, v21;
	v34 =	vadd.f32 v34, v15;
	v39 =	vmul.f32 $8.000000000e+00, v39  }
0xe5: {  	v44 =	vadd.s32 v4, v24;
	[tilespmem:s24+$0xFFFFFFF0] =	vst v35;
	v63 =	vadd.f32 v38, v19;
	v36 =	vmul.f32 $8.000000000e+00, v36  }
0xe6: {  	v47 =	vadd.s32 v4, v27;
	[tilespmem:s3+$0x8230] =	vst v34;
	v37 =	vld.idx.msk [tilespmem:v58+s10+$0x0], $0xffff;
	v45 =	vadd.f32 v39, v20;
	v46 =	vmul.f32 $8.000000000e+00, v59  }
0xe7: {  	v48 =	vld.idx.msk [tilespmem:v60+s10+$0x0], $0xffff;
	[tilespmem:s12+$0xFFFFFFF0] =	vst v63;
	v36 =	vadd.f32 v36, v22  }
0xe8: {  	v49 =	vld.idx.msk [tilespmem:v61+s10+$0x0], $0xffff;
	[tilespmem:s8+$0x8230] =	vst v45;
	v39 =	vadd.f32 v46, v23  }
0xe9: {  	[tilespmem:s31+$0xFFFFFFF0] =	vst v36;
	v50 =	vld.idx.msk [tilespmem:v62+s10+$0x0], $0xffff  }
0xea: {  	v36 =	vld.idx.msk [tilespmem:v44+s10+$0x0], $0xffff;
	[tilespmem:s14+$0x8230] =	vst v39  }
0xeb: {  	v51 =	vadd.s32 v5, v16;
	v37 =	vmul.f32 $8.000000000e+00, v37;
	v39 =	vld.idx.msk [tilespmem:v47+s10+$0x0], $0xffff  }
0xec: {  	v35 =	vmul.f32 $8.000000000e+00, v48;
	v52 =	vadd.s32 v5, v17  }
0xed: {  	[tilespmem:s30+$0x0] =	vst v32;
	v54 =	vadd.s32 v5, v18;
	v34 =	vmul.f32 $8.000000000e+00, v49;
	v53 =	vadd.f32 v37, v12  }
0xee: {  	v30 =	vld.idx.msk [tilespmem:v30+s10+$0x0], $0xffff;
	[tilespmem:s20+$0x8240] =	vst v33;
	v55 =	vadd.f32 v35, v15;
	v57 =	vadd.s32 v5, v21;
	v56 =	vmul.f32 $8.000000000e+00, v50  }
0xef: {  	v31 =	vld.idx.msk [tilespmem:v31+s10+$0x0], $0xffff;
	v60 =	vadd.s32 v5, v24;
	v58 =	vadd.f32 v34, v19;
	v59 =	vmul.f32 $8.000000000e+00, v36;
	[tilespmem:s24+$0x0] =	vst v53  }
0xf0: {  	v63 =	vadd.s32 v5, v27;
	[tilespmem:s3+$0x8240] =	vst v55;
	v38 =	vld.idx.msk [tilespmem:v51+s10+$0x0], $0xffff;
	v61 =	vadd.f32 v56, v20;
	v62 =	vmul.f32 $8.000000000e+00, v39  }
0xf1: {  	v40 =	vld.idx.msk [tilespmem:v52+s10+$0x0], $0xffff;
	[tilespmem:s12+$0x0] =	vst v58;
	v44 =	vadd.f32 v59, v22  }
0xf2: {  	v45 =	vld.idx.msk [tilespmem:v54+s10+$0x0], $0xffff;
	[tilespmem:s8+$0x8240] =	vst v61;
	v46 =	vadd.f32 v62, v23  }
0xf3: {  	v30 =	vmul.f32 $8.000000000e+00, v30;
	[tilespmem:s31+$0x0] =	vst v44;
	v47 =	vadd.s32 v6, v14;
	v48 =	vld.idx.msk [tilespmem:v57+s10+$0x0], $0xffff  }
0xf4: {  	v31 =	vmul.f32 $8.000000000e+00, v31;
	v49 =	vadd.s32 v6, v13;
	v36 =	vld.idx.msk [tilespmem:v60+s10+$0x0], $0xffff;
	[tilespmem:s14+$0x8240] =	vst v46  }
0xf5: {  	v30 =	vadd.f32 v30, v11;
	v51 =	vadd.s32 v6, v16;
	v50 =	vmul.f32 $8.000000000e+00, v38;
	v39 =	vld.idx.msk [tilespmem:v63+s10+$0x0], $0xffff  }
0xf6: {  	v31 =	vadd.f32 v31, v10;
	v52 =	vadd.s32 v6, v17;
	v40 =	vmul.f32 $8.000000000e+00, v40  }
0xf7: {  	[tilespmem:s30+$0x10] =	vst v30;
	v55 =	vadd.s32 v6, v18;
	v54 =	vmul.f32 $8.000000000e+00, v45;
	v53 =	vadd.f32 v50, v12  }
0xf8: {  	[tilespmem:s20+$0x8250] =	vst v31;
	v56 =	vadd.f32 v40, v15;
	v57 =	vadd.s32 v6, v21;
	v35 =	vld.idx.msk [tilespmem:v47+s10+$0x0], $0xffff;
	v37 =	vmul.f32 $8.000000000e+00, v48  }
0xf9: {  	v32 =	vld.idx.msk [tilespmem:v49+s10+$0x0], $0xffff;
	v58 =	vadd.f32 v54, v19;
	v60 =	vadd.s32 v6, v24;
	v59 =	vmul.f32 $8.000000000e+00, v36;
	[tilespmem:s24+$0x10] =	vst v53  }
0xfa: {  	[tilespmem:s3+$0x8250] =	vst v56;
	v38 =	vld.idx.msk [tilespmem:v51+s10+$0x0], $0xffff;
	v61 =	vadd.f32 v37, v20;
	v63 =	vadd.s32 v6, v27;
	v62 =	vmul.f32 $8.000000000e+00, v39  }
0xfb: {  	[tilespmem:s12+$0x10] =	vst v58;
	v42 =	vld.idx.msk [tilespmem:v52+s10+$0x0], $0xffff;
	v33 =	vadd.f32 v59, v22  }
0xfc: {  	v43 =	vld.idx.msk [tilespmem:v55+s10+$0x0], $0xffff;
	[tilespmem:s8+$0x8250] =	vst v61;
	v44 =	vadd.f32 v62, v23  }
0xfd: {  	v28 =	vadd.f32 v28, v9;
	v14 =	vadd.s32 v7, v14;
	[tilespmem:s31+$0x10] =	vst v33;
	v35 =	vmul.f32 $8.000000000e+00, v35;
	v45 =	vld.idx.msk [tilespmem:v57+s10+$0x0], $0xffff  }
0xfe: {  	v29 =	vadd.f32 v29, v8;
	v13 =	vadd.s32 v7, v13;
	v32 =	vmul.f32 $8.000000000e+00, v32;
	v33 =	vld.idx.msk [tilespmem:v60+s10+$0x0], $0xffff;
	[tilespmem:s14+$0x8250] =	vst v44  }
0xff: {  	[tilespmem:s5+$0x20] =	vst v28;
	v48 =	vadd.s32 v7, v16;
	v46 =	vadd.f32 v35, v11;
	v47 =	vmul.f32 $8.000000000e+00, v38;
	v49 =	vld.idx.msk [tilespmem:v63+s10+$0x0], $0xffff  }
0x100: {  	v26 =	vld.idx.msk [tilespmem:v26+s10+$0x0], $0xffff;
	[tilespmem:s29+$0x8260] =	vst v29;
	v50 =	vadd.f32 v32, v10;
	v30 =	vmul.f32 $8.000000000e+00, v42;
	v51 =	vadd.s32 v7, v17  }
0x101: {  	v25 =	vld.idx.msk [tilespmem:v25+s10+$0x0], $0xffff;
	v31 =	vmul.f32 $8.000000000e+00, v43;
	v53 =	vadd.s32 v7, v18;
	[tilespmem:s30+$0x20] =	vst v46;
	v52 =	vadd.f32 v47, v12  }
0x102: {  	v56 =	vadd.s32 v7, v21;
	[tilespmem:s20+$0x8260] =	vst v50;
	v54 =	vadd.f32 v30, v15;
	v14 =	vld.idx.msk [tilespmem:v14+s10+$0x0], $0xffff;
	v55 =	vmul.f32 $8.000000000e+00, v45  }
0x103: {  	v59 =	vadd.s32 v7, v24;
	v13 =	vld.idx.msk [tilespmem:v13+s10+$0x0], $0xffff;
	v57 =	vadd.f32 v31, v19;
	v58 =	vmul.f32 $8.000000000e+00, v33;
	[tilespmem:s24+$0x20] =	vst v52  }
0x104: {  	v27 =	vadd.s32 v7, v27;
	[tilespmem:s3+$0x8260] =	vst v54;
	v16 =	vld.idx.msk [tilespmem:v48+s10+$0x0], $0xffff;
	v60 =	vadd.f32 v55, v20;
	v61 =	vmul.f32 $8.000000000e+00, v49  }
0x105: {  	v26 =	vmul.f32 $8.000000000e+00, v26;
	v17 =	vld.idx.msk [tilespmem:v51+s10+$0x0], $0xffff;
	[tilespmem:s12+$0x20] =	vst v57;
	v62 =	vadd.f32 v58, v22  }
0x106: {  	v25 =	vmul.f32 $8.000000000e+00, v25;
	v18 =	vld.idx.msk [tilespmem:v53+s10+$0x0], $0xffff;
	[tilespmem:s8+$0x8260] =	vst v60;
	v63 =	vadd.f32 v61, v23  }
0x107: {  	v9 =	vadd.f32 v26, v9;
	[tilespmem:s31+$0x20] =	vst v62;
	v14 =	vmul.f32 $8.000000000e+00, v14;
	v21 =	vld.idx.msk [tilespmem:v56+s10+$0x0], $0xffff  }
0x108: {  	v8 =	vadd.f32 v25, v8;
	v13 =	vmul.f32 $8.000000000e+00, v13;
	v24 =	vld.idx.msk [tilespmem:v59+s10+$0x0], $0xffff;
	[tilespmem:s14+$0x8260] =	vst v63  }
0x109: {  	[tilespmem:s5+$0x30] =	vst v9;
	v9 =	vadd.f32 v14, v11;
	v11 =	vmul.f32 $8.000000000e+00, v16;
	v14 =	vld.idx.msk [tilespmem:v27+s10+$0x0], $0xffff  }
0x10a: {  	[tilespmem:s29+$0x8270] =	vst v8;
	v8 =	vadd.f32 v13, v10;
	v10 =	vmul.f32 $8.000000000e+00, v17  }
0x10b: {  	[tilespmem:s30+$0x30] =	vst v9;
	v9 =	vadd.f32 v11, v12;
	v11 =	vmul.f32 $8.000000000e+00, v18  }
0x10c: {  	[tilespmem:s20+$0x8270] =	vst v8;
	v8 =	vadd.f32 v10, v15;
	v10 =	vmul.f32 $8.000000000e+00, v21  }
0x10d: {  	[tilespmem:s24+$0x30] =	vst v9;
	v9 =	vadd.f32 v11, v19;
	v11 =	vmul.f32 $8.000000000e+00, v24  }
0x10e: {  	[tilespmem:s3+$0x8270] =	vst v8;
	v8 =	vadd.f32 v10, v20;
	v10 =	vmul.f32 $8.000000000e+00, v14  }
0x10f: {  	[tilespmem:s12+$0x30] =	vst v9;
	v9 =	vadd.f32 v11, v22;
	s12 =	sshll.u32 s15, $0x7  }
0x110: {  	[tilespmem:s8+$0x8270] =	vst v8;
	s0 =	sand.u32 $0xE00, s12;
	v8 =	vadd.f32 v10, v23  }
0x111: {  	s15 =	sshll.u32 s25, $0xF;
	[tilespmem:s31+$0x30] =	vst v9;
	s0 =	sadd.s32 s2, s0  }
0x112: {  	s18 =	simm.s32 $0x8200;
	s20 =	simm.s32 $0x4;
	s0 =	sadd.s32 s15, s0;
	[tilespmem:s14+$0x8270] =	vst v8  }
0x113: {  	[hbm4b:s0+s11] =	stream.strided.scatter [tilespmem:s18], [sflag:$0x9], $0x2000, s16, s11, $0x38;
	[tilespmem:$0x15800] =	vst v63  }
0x114: {  	_ =	swait.ge [sflag:s20], $0x80  }
0x115: {  	[sflag:s20] =	ssyncset.done $0x0  }
0x116: {  	s24 =	simm.s32 $0x180;
	s25 =	simm.s32 $0x6200;
	[sflag:s20] =	ssyncadd.s32 $0xFFFFFF80  }
0x117: {  	[tilespmem:s25], [sflag:$0x8] =	stream.indirect.gather [hbm4b:s6+s21], $0x40, s24, s21, $0xb8;
	[tilespmem:$0x15800] =	vst v63  }
0x118: {  	s29 =	simm.s32 $0x1C0;
	s30 =	simm.s32 $0x7200  }
0x119: {  	[tilespmem:s30], [sflag:$0x8] =	stream.indirect.gather [hbm4b:s6+s21], $0x40, s29, s21, $0xb8;
	[tilespmem:$0x15800] =	vst v63  }
0x11a: {  	_ =	swait.ge [sflag:s26], $0x1000  }
0x11b: {  	[sflag:s26] =	ssyncset.done $0x0  }
0x11c: {  	[sflag:s26] =	ssyncadd.s32 $0xFFFFF000  }
0x11d: {  	_ =	swait.ge [sflag:s26], $0x1000  }
0x11e: {  	s0 =	rddreg [dreg:$0x9]  }
0x11f: {  	s0 =	sadd.s32 @!p0 s23, s0  }
0x120: {  	s0 =	sshll.u32 @!p0 s0, $0x4  }
0x121: {  	s5 =	simm.s32 @!p0 $0x80;
	[sflag:s26] =	ssyncset.done $0x0;
	s0 =	sand.u32 @!p0 $0xFFFFFD0, s0  }
0x122: {  	s3 =	simm.s32 @!p0 $0x0;
	[sflag:s26] =	ssyncadd.s32 $0xFFFFF000;
	s0 =	sadd.s32 @!p0 s4, s0  }
0x123: {  	[tilespmem:s5], [sflag:$0x2] =	stream.linear.gather @!p0 [hbm4b:s0+s3], $0x80, $0x38;
	[tilespmem:$0x15800] =	vst v63  }
0x124: {  	s3 =	simm.s32 @!p1 $0xA  }
0x125: {  	_ =	swait.ge @!p1 [sflag:s3], $0x2000  }
0x126: {  	[sflag:s3] =	ssyncset.done @!p1 $0x0  }
0x127: {  	s31 =	simm.s32 $0x2270;
	[sflag:s3] =	ssyncadd.s32 @!p1 $0xFFFFE000  }
0x128: {  	v8 =	vld [tilespmem:s31+$0xFFFFFFD0]  }
0x129: {  	v9 =	vld [tilespmem:s31+$0xFFFFFF90];
	_ =	sdelay $0x2  }
0x12a: {  	s3 =	simm.s32 $0x10248  }
0x12b: {  	[tilespmem:s3+$0x0] =	vst v8  }
0x12c: {  	[tilespmem:s3+$0xFFFFFFB8] =	vst v9;
	v8 =	vld [tilespmem:s31+$0xFFFFFFE0]  }
0x12d: {  	s8 =	simm.s32 $0x22F0;
	v9 =	vld [tilespmem:s31+$0xFFFFFFA0]  }
0x12e: {  	v10 =	vld [tilespmem:s8+$0xFFFFFFD0]  }
0x12f: {  	v11 =	vld [tilespmem:s8+$0xFFFFFF90];
	_ =	sdelay $0x1  }
0x130: {  	[tilespmem:s3+$0x10] =	vst v8  }
0x131: {  	s5 =	simm.s32 $0x102D8;
	[tilespmem:s3+$0xFFFFFFC8] =	vst v9;
	v8 =	vld [tilespmem:s31+$0xFFFFFFF0]  }
0x132: {  	[tilespmem:s5+$0x0] =	vst v10;
	v9 =	vld [tilespmem:s31+$0xFFFFFFB0]  }
0x133: {  	[tilespmem:s5+$0xFFFFFFB8] =	vst v11;
	v10 =	vld [tilespmem:s8+$0xFFFFFFE0]  }
0x134: {  	s12 =	simm.s32 $0x2370;
	v11 =	vld [tilespmem:s8+$0xFFFFFFA0]  }
0x135: {  	v12 =	vld [tilespmem:s12+$0xFFFFFFD0]  }
0x136: {  	v13 =	vld [tilespmem:s12+$0xFFFFFF90];
	[tilespmem:s3+$0x20] =	vst v8  }
0x137: {  	[tilespmem:s3+$0xFFFFFFD8] =	vst v9;
	v14 =	vld [tilespmem:s31+$0x0]  }
0x138: {  	[tilespmem:s5+$0x10] =	vst v10;
	v8 =	vld [tilespmem:s31+$0xFFFFFFC0]  }
0x139: {  	s13 =	simm.s32 $0x10368;
	[tilespmem:s5+$0xFFFFFFC8] =	vst v11;
	v9 =	vld [tilespmem:s8+$0xFFFFFFF0]  }
0x13a: {  	[tilespmem:s13+$0x0] =	vst v12;
	v10 =	vld [tilespmem:s8+$0xFFFFFFB0]  }
0x13b: {  	s15 =	simm.s32 $0x23F0;
	[tilespmem:s13+$0xFFFFFFB8] =	vst v13;
	v12 =	vld [tilespmem:s12+$0xFFFFFFE0]  }
0x13c: {  	s14 =	simm.s32 $0x4;
	s25 =	sor.u32 $0x3, s23;
	s0 =	sor.u32 $0x1, s23;
	v11 =	vld [tilespmem:s12+$0xFFFFFFA0];
	[tilespmem:s3+$0x30] =	vst v14  }
.LBB2_10:
0x13d: {  	v13 =	vld [tilespmem:s15+$0xFFFFFFD0];
	s14 =	sadd.s32 $0x2, s14;
	[tilespmem:s3+$0xFFFFFFE8] =	vst v8;
	s3 =	smov.u32 s5;
	s5 =	smov.u32 s13  }
0x13e: {  	v14 =	vld [tilespmem:s15+$0xFFFFFF90];
	p2 =	slt.u32 s14, $0x7E;
	[tilespmem:s3+$0x20] =	vst v9  }
0x13f: {  	[tilespmem:s3+$0xFFFFFFD8] =	vst v10;
	v15 =	vld [tilespmem:s8+$0x0]  }
.Ltmp4:
0x140: {  	[tilespmem:s13+$0x10] =	vst v12;
	v8 =	vld [tilespmem:s8+$0xFFFFFFC0];
	s8 =	smov.u32 s12;
	s12 =	smov.u32 s15;
	(pc) =	sbr.rel @p2 .LBB2_10-.Ltmp4, $4  }
0x141: {  	s13 =	sadd.s32 $0x90, s13;
	[tilespmem:s5+$0xFFFFFFC8] =	vst v11;
	v9 =	vld [tilespmem:s8+$0xFFFFFFF0]  }
0x142: {  	[tilespmem:s13+$0x0] =	vst v13;
	v10 =	vld [tilespmem:s8+$0xFFFFFFB0]  }
0x143: {  	[tilespmem:s13+$0xFFFFFFB8] =	vst v14;
	v12 =	vld [tilespmem:s15+$0xFFFFFFE0]  }
0x144: {  	s15 =	sadd.s32 $0x80, s15;
	v11 =	vld [tilespmem:s12+$0xFFFFFFA0];
	[tilespmem:s3+$0x30] =	vst v15  }
0x145: {  	_ = 	snop  }
0x146: {  	[tilespmem:s5+$0x20] =	vst v9  }
0x147: {  	[tilespmem:s5+$0xFFFFFFD8] =	vst v10;
	v9 =	vld [tilespmem:s8+$0x0]  }
0x148: {  	[tilespmem:s13+$0x10] =	vst v12;
	v10 =	vld [tilespmem:s8+$0xFFFFFFC0]  }
0x149: {  	[tilespmem:s13+$0xFFFFFFC8] =	vst v11;
	v11 =	vld [tilespmem:s12+$0xFFFFFFF0]  }
0x14a: {  	v12 =	vld [tilespmem:s12+$0xFFFFFFB0]  }
0x14b: {  	[tilespmem:s3+$0xFFFFFFE8] =	vst v8  }
0x14c: {  	[tilespmem:s5+$0x30] =	vst v9  }
0x14d: {  	[tilespmem:s5+$0xFFFFFFE8] =	vst v10  }
0x14e: {  	s18 =	simm.s32 $0x0;
	[tilespmem:s13+$0x20] =	vst v11  }
0x14f: {  	v8 =	vmov s18;
	s5 =	sadd.s32 s7, s0;
	[tilespmem:s13+$0xFFFFFFD8] =	vst v12;
	v11 =	vld [tilespmem:s12+$0x0]  }
0x150: {  	v26 =	vand.u32 $0x3E, v8;
	s15 =	sshrl.u32 s5, $0x5;
	v12 =	vld [tilespmem:s12+$0xFFFFFFC0]  }
0x151: {  	s24 =	simm.s32 $0x1;
	v8 =	vadd.s32 v0, v26;
	s14 =	sshll.u32 s15, $0x6  }
0x152: {  	v9 =	vmov s24;
	v23 =	vmov s14  }
0x153: {  	v25 =	vand.u32 $0x3F, v9;
	v10 =	vor.u32 v23, v26  }
0x154: {  	[tilespmem:s13+$0x30] =	vst v11;
	v11 =	vadd.s32 v0, v25  }
0x155: {  	[tilespmem:s13+$0xFFFFFFE8] =	vst v12  }
0x156: {  	v12 =	vor.u32 v23, v25;
	v8 =	vld.idx.msk [tilespmem:v8+s10+$0x0], $0xffff;
	_ =	sdelay $0x1  }
0x157: {  	v9 =	vld.idx.msk [tilespmem:v10+s17+$0x0], $0xffff  }
0x158: {  	v10 =	vld.idx.msk [tilespmem:v11+s10+$0x0], $0xffff;
	_ =	sdelay $0x1  }
0x159: {  	v11 =	vmul.f32 $8.000000000e+00, v8;
	v8 =	vld.idx.msk [tilespmem:v12+s17+$0x0], $0xffff;
	v12 =	vadd.s32 v1, v26;
	_ =	sdelay $0x1  }
0x15a: {  	v11 =	vadd.f32 v11, v9  }
0x15b: {  	s29 =	simm.s32 $0xA270;
	v13 =	vadd.s32 v1, v25;
	v10 =	vmul.f32 $8.000000000e+00, v10  }
0x15c: {  	s20 =	simm.s32 $0x80;
	s8 =	simm.s32 $0x0;
	[tilespmem:s29+$0xFFFFFF90] =	vst v11  }
0x15d: {  	s3 =	sand.u32 $0x1C00, s8;
	s0 =	sand.u32 $0x380, s20;
	s12 =	simm.s32 $0x2;
	v11 =	vld.idx.msk [tilespmem:v12+s10+$0x0], $0xffff;
	v10 =	vadd.f32 v10, v8  }
0x15e: {  	s30 =	sor.u32 s0, s3;
	v12 =	vmov s12  }
0x15f: {  	v14 =	vand.u32 $0x3E, v12;
	[tilespmem:s30+$0xA200] =	vst v10  }
0x160: {  	s13 =	simm.s32 $0x3;
	v10 =	vadd.s32 v0, v14;
	v12 =	vld.idx.msk [tilespmem:v13+s10+$0x0], $0xffff  }
0x161: {  	v15 =	vor.u32 v23, v14;
	v13 =	vmov s13  }
0x162: {  	v16 =	vadd.s32 v2, v26;
	v13 =	vand.u32 $0x3F, v13;
	v11 =	vmul.f32 $8.000000000e+00, v11  }
0x163: {  	v17 =	vadd.s32 v0, v13  }
0x164: {  	v18 =	vor.u32 v23, v13;
	v19 =	vadd.f32 v11, v9  }
0x165: {  	v20 =	vld.idx.msk [tilespmem:v10+s10+$0x0], $0xffff;
	v10 =	vmul.f32 $8.000000000e+00, v12;
	v12 =	vadd.s32 v2, v25  }
0x166: {  	v11 =	vld.idx.msk [tilespmem:v15+s17+$0x0], $0xffff;
	[tilespmem:s29+$0xFFFFFFA0] =	vst v19  }
0x167: {  	v15 =	vld.idx.msk [tilespmem:v16+s10+$0x0], $0xffff;
	v16 =	vadd.f32 v10, v8  }
0x168: {  	v17 =	vld.idx.msk [tilespmem:v17+s10+$0x0], $0xffff  }
0x169: {  	v10 =	vld.idx.msk [tilespmem:v18+s17+$0x0], $0xffff;
	[tilespmem:s30+$0xA210] =	vst v16  }
0x16a: {  	v18 =	vadd.s32 v1, v14;
	v16 =	vmul.f32 $8.000000000e+00, v20;
	v12 =	vld.idx.msk [tilespmem:v12+s10+$0x0], $0xffff;
	_ =	sdelay $0x1  }
0x16b: {  	v16 =	vadd.f32 v16, v11  }
0x16c: {  	s20 =	simm.s32 $0xA370;
	v19 =	vadd.s32 v1, v13;
	v17 =	vmul.f32 $8.000000000e+00, v17  }
0x16d: {  	s18 =	simm.s32 $0x100;
	s14 =	simm.s32 $0x180;
	v20 =	vadd.s32 v3, v26;
	v15 =	vmul.f32 $8.000000000e+00, v15;
	[tilespmem:s20+$0xFFFFFF90] =	vst v16  }
0x16e: {  	s24 =	simm.s32 $0x4;
	s3 =	sand.u32 $0x1C00, s18;
	v21 =	vadd.s32 v3, v25;
	s0 =	sand.u32 $0x380, s14;
	v18 =	vld.idx.msk [tilespmem:v18+s10+$0x0], $0xffff;
	v17 =	vadd.f32 v17, v10;
	v12 =	vmul.f32 $8.000000000e+00, v12  }
0x16f: {  	v16 =	vmov s24;
	s24 =	sor.u32 s0, s3;
	v15 =	vadd.f32 v15, v9  }
0x170: {  	v16 =	vand.u32 $0x3E, v16;
	[tilespmem:s24+$0xA200] =	vst v17;
	v12 =	vadd.f32 v12, v8  }
0x171: {  	s12 =	simm.s32 $0x5;
	v22 =	vadd.s32 v0, v16;
	[tilespmem:s29+$0xFFFFFFB0] =	vst v15;
	v19 =	vld.idx.msk [tilespmem:v19+s10+$0x0], $0xffff  }
0x172: {  	v15 =	vor.u32 v23, v16;
	v20 =	vld.idx.msk [tilespmem:v20+s10+$0x0], $0xffff;
	[tilespmem:s30+$0xA220] =	vst v12;
	v12 =	vmov s12  }
0x173: {  	v24 =	vadd.s32 v2, v14;
	v21 =	vld.idx.msk [tilespmem:v21+s10+$0x0], $0xffff;
	v17 =	vand.u32 $0x3F, v12;
	v12 =	vmul.f32 $8.000000000e+00, v18  }
0x174: {  	v18 =	vadd.s32 v0, v17  }
0x175: {  	v27 =	vor.u32 v23, v17;
	v28 =	vadd.f32 v12, v11  }
0x176: {  	v29 =	vadd.s32 v2, v13;
	v22 =	vld.idx.msk [tilespmem:v22+s10+$0x0], $0xffff;
	v19 =	vmul.f32 $8.000000000e+00, v19  }
0x177: {  	v12 =	vld.idx.msk [tilespmem:v15+s17+$0x0], $0xffff;
	v15 =	vmul.f32 $8.000000000e+00, v20;
	v20 =	vadd.s32 v4, v26;
	[tilespmem:s20+$0xFFFFFFA0] =	vst v28  }
0x178: {  	v19 =	vadd.f32 v19, v10;
	v28 =	vadd.s32 v4, v25;
	v24 =	vld.idx.msk [tilespmem:v24+s10+$0x0], $0xffff;
	v21 =	vmul.f32 $8.000000000e+00, v21  }
0x179: {  	v30 =	vld.idx.msk [tilespmem:v18+s10+$0x0], $0xffff;
	v18 =	vadd.f32 v15, v9  }
0x17a: {  	v15 =	vld.idx.msk [tilespmem:v27+s17+$0x0], $0xffff;
	[tilespmem:s24+$0xA210] =	vst v19;
	v19 =	vadd.f32 v21, v8  }
0x17b: {  	v21 =	vmul.f32 $8.000000000e+00, v22;
	v27 =	vld.idx.msk [tilespmem:v29+s10+$0x0], $0xffff;
	v29 =	vadd.s32 v1, v16;
	[tilespmem:s29+$0xFFFFFFC0] =	vst v18  }
0x17c: {  	v20 =	vld.idx.msk [tilespmem:v20+s10+$0x0], $0xffff;
	[tilespmem:s30+$0xA230] =	vst v19  }
0x17d: {  	v19 =	vadd.f32 v21, v12;
	v21 =	vld.idx.msk [tilespmem:v28+s10+$0x0], $0xffff  }
0x17e: {  	v32 =	vadd.s32 v5, v26;
	s3 =	simm.s32 $0xA470;
	v28 =	vmul.f32 $8.000000000e+00, v30;
	v30 =	vadd.s32 v1, v17  }
0x17f: {  	s18 =	simm.s32 $0x200;
	s14 =	simm.s32 $0x280;
	s13 =	simm.s32 $0x6;
	v31 =	vadd.s32 v3, v13;
	[tilespmem:s3+$0xFFFFFF90] =	vst v19;
	v19 =	vmul.f32 $8.000000000e+00, v24;
	v24 =	vadd.s32 v3, v14  }
0x180: {  	s8 =	sand.u32 $0x1C00, s18;
	s0 =	sand.u32 $0x380, s14;
	v22 =	vmov s13;
	v29 =	vld.idx.msk [tilespmem:v29+s10+$0x0], $0xffff;
	v27 =	vmul.f32 $8.000000000e+00, v27;
	v28 =	vadd.f32 v28, v15  }
0x181: {  	s8 =	sor.u32 s0, s8;
	v18 =	vand.u32 $0x3E, v22;
	v19 =	vadd.f32 v19, v11;
	v20 =	vmul.f32 $8.000000000e+00, v20  }
0x182: {  	v27 =	vadd.f32 v27, v10;
	[tilespmem:s8+$0xA200] =	vst v28;
	v21 =	vmul.f32 $8.000000000e+00, v21;
	v28 =	vadd.s32 v5, v25  }
0x183: {  	s12 =	simm.s32 $0x7;
	v22 =	vadd.s32 v0, v18;
	[tilespmem:s20+$0xFFFFFFB0] =	vst v19;
	v30 =	vld.idx.msk [tilespmem:v30+s10+$0x0], $0xffff;
	v19 =	vadd.f32 v20, v9  }
0x184: {  	v20 =	vor.u32 v23, v18;
	v24 =	vld.idx.msk [tilespmem:v24+s10+$0x0], $0xffff;
	[tilespmem:s24+$0xA220] =	vst v27;
	v27 =	vadd.f32 v21, v8;
	v21 =	vmov s12  }
0x185: {  	v33 =	vadd.s32 v2, v16;
	v31 =	vld.idx.msk [tilespmem:v31+s10+$0x0], $0xffff;
	[tilespmem:s29+$0xFFFFFFD0] =	vst v19;
	v21 =	vand.u32 $0x3F, v21;
	v19 =	vmul.f32 $8.000000000e+00, v29  }
0x186: {  	v29 =	vld.idx.msk [tilespmem:v32+s10+$0x0], $0xffff;
	[tilespmem:s30+$0xA240] =	vst v27;
	v27 =	vadd.s32 v0, v21  }
0x187: {  	v58 =	vor.u32 v23, v21;
	v28 =	vld.idx.msk [tilespmem:v28+s10+$0x0], $0xffff;
	v34 =	vadd.f32 v19, v12  }
0x188: {  	v38 =	vadd.s32 v6, v26;
	v35 =	vadd.s32 v2, v17;
	v22 =	vld.idx.msk [tilespmem:v22+s10+$0x0], $0xffff;
	v30 =	vmul.f32 $8.000000000e+00, v30  }
0x189: {  	v60 =	vadd.s32 v6, v25;
	v59 =	vadd.s32 v4, v14;
	v19 =	vld.idx.msk [tilespmem:v20+s17+$0x0], $0xffff;
	v20 =	vmul.f32 $8.000000000e+00, v24;
	[tilespmem:s3+$0xFFFFFFA0] =	vst v34  }
0x18a: {  	s13 =	simm.s32 $0x8;
	v33 =	vld.idx.msk [tilespmem:v33+s10+$0x0], $0xffff;
	v24 =	vadd.f32 v30, v15;
	v30 =	vmul.f32 $8.000000000e+00, v31;
	v31 =	vadd.s32 v4, v13  }
0x18b: {  	v36 =	vmov s13;
	v37 =	vadd.f32 v20, v11;
	v27 =	vld.idx.msk [tilespmem:v27+s10+$0x0], $0xffff;
	v29 =	vmul.f32 $8.000000000e+00, v29  }
0x18c: {  	v61 =	vadd.s32 v1, v18;
	v20 =	vld.idx.msk [tilespmem:v58+s17+$0x0], $0xffff;
	[tilespmem:s8+$0xA210] =	vst v24;
	v30 =	vadd.f32 v30, v10;
	v28 =	vmul.f32 $8.000000000e+00, v28  }
0x18d: {  	v22 =	vmul.f32 $8.000000000e+00, v22;
	v24 =	vand.u32 $0x3E, v36;
	[tilespmem:s20+$0xFFFFFFC0] =	vst v37;
	v35 =	vld.idx.msk [tilespmem:v35+s10+$0x0], $0xffff;
	v29 =	vadd.f32 v29, v9  }
0x18e: {  	v37 =	vld.idx.msk [tilespmem:v59+s10+$0x0], $0xffff;
	[tilespmem:s24+$0xA230] =	vst v30;
	v28 =	vadd.f32 v28, v8;
	v30 =	vor.u32 v23, v24  }
0x18f: {  	v22 =	vadd.f32 v22, v19;
	v31 =	vld.idx.msk [tilespmem:v31+s10+$0x0], $0xffff;
	[tilespmem:s29+$0xFFFFFFE0] =	vst v29;
	v29 =	vadd.s32 v0, v24  }
0x190: {  	s31 =	simm.s32 $0xA570;
	v39 =	vld.idx.msk [tilespmem:v38+s10+$0x0], $0xffff;
	[tilespmem:s30+$0xA250] =	vst v28;
	v27 =	vmul.f32 $8.000000000e+00, v27;
	v28 =	vadd.s32 v1, v21  }
0x191: {  	s14 =	simm.s32 $0x300;
	s0 =	simm.s32 $0x380;
	v63 =	vadd.s32 v3, v16;
	[tilespmem:s31+$0xFFFFFF90] =	vst v22;
	v62 =	vmul.f32 $8.000000000e+00, v33;
	v40 =	vld.idx.msk [tilespmem:v60+s10+$0x0], $0xffff  }
0x192: {  	s18 =	sand.u32 $0x380, s0;
	s12 =	sand.u32 $0x1C00, s14;
	v34 =	vadd.s32 v3, v17;
	v36 =	vld.idx.msk [tilespmem:v61+s10+$0x0], $0xffff;
	v27 =	vadd.f32 v27, v20;
	v35 =	vmul.f32 $8.000000000e+00, v35  }
0x193: {  	s12 =	sor.u32 s18, s12;
	v32 =	vadd.f32 v62, v12;
	v41 =	vmul.f32 $8.000000000e+00, v37;
	v22 =	vld.idx.msk [tilespmem:v30+s17+$0x0], $0xffff;
	v30 =	vadd.s32 v5, v14  }
0x194: {  	v38 =	vld.idx.msk [tilespmem:v29+s10+$0x0], $0xffff;
	[tilespmem:s12+$0xA200] =	vst v27;
	v27 =	vadd.f32 v35, v15;
	v29 =	vmul.f32 $8.000000000e+00, v31;
	v31 =	vadd.s32 v5, v13  }
0x195: {  	v26 =	vadd.s32 v7, v26;
	[tilespmem:s3+$0xFFFFFFB0] =	vst v32;
	v32 =	vadd.f32 v41, v11;
	v37 =	vld.idx.msk [tilespmem:v28+s10+$0x0], $0xffff;
	v28 =	vmul.f32 $8.000000000e+00, v39  }
0x196: {  	s13 =	simm.s32 $0xA570;
	v25 =	vadd.s32 v7, v25;
	s14 =	simm.s32 $0xA;
	s18 =	simm.s32 $0x9;
	v35 =	vld.idx.msk [tilespmem:v63+s10+$0x0], $0xffff;
	[tilespmem:s8+$0xA220] =	vst v27;
	v33 =	vadd.f32 v29, v10;
	v29 =	vmul.f32 $8.000000000e+00, v40  }
.LBB2_12:
0x197: {  	p2 =	slt.u32 s14, $0x3E;
	v41 =	vmov s18;
	v40 =	vadd.s32 v2, v18;
	v34 =	vld.idx.msk [tilespmem:v34+s10+$0x0], $0xffff;
	[tilespmem:s20+$0xFFFFFFD0] =	vst v32;
	v28 =	vadd.f32 v28, v9;
	v27 =	vmovc v13  }
0x198: {  	v36 =	vmul.f32 $8.000000000e+00, v36;
	v13 =	vmovc v17;
	v32 =	vand.u32 $0x3F, v41;
	v30 =	vld.idx.msk [tilespmem:v30+s10+$0x0], $0xffff;
	[tilespmem:s24+$0xA240] =	vst v33;
	v29 =	vadd.f32 v29, v8  }
0x199: {  	v17 =	vmovc v21;
	v39 =	vmov v14;
	v33 =	vadd.s32 v0, v32;
	v31 =	vld.idx.msk [tilespmem:v31+s10+$0x0], $0xffff;
	[tilespmem:s29+$0xFFFFFFF0] =	vst v28;
	v21 =	vmov v32  }
0x19a: {  	v28 =	vmul.f32 $8.000000000e+00, v38;
	v36 =	vadd.f32 v36, v19;
	v32 =	vor.u32 v23, v21;
	v26 =	vld.idx.msk [tilespmem:v26+s10+$0x0], $0xffff;
	[tilespmem:s30+$0xA260] =	vst v29  }
0x19b: {  	v14 =	vmovc v16;
	v16 =	vmovc v18;
	v38 =	vadd.s32 v2, v17;
	v29 =	vmov s14;
	v37 =	vmul.f32 $8.000000000e+00, v37;
	v25 =	vld.idx.msk [tilespmem:v25+s10+$0x0], $0xffff  }
0x19c: {  	v18 =	vmovc v24;
	v28 =	vadd.f32 v28, v22;
	v35 =	vmul.f32 $8.000000000e+00, v35;
	[tilespmem:s31+$0xFFFFFFA0] =	vst v36;
	v36 =	vadd.s32 v4, v14  }
0x19d: {  	v24 =	vadd.f32 v37, v20;
	s31 =	sadd.s32 $0x100, s31;
	v34 =	vmul.f32 $8.000000000e+00, v34;
	v37 =	vadd.s32 v4, v13;
	v40 =	vld.idx.msk [tilespmem:v40+s10+$0x0], $0xffff  }
0x19e: {  	v30 =	vmul.f32 $8.000000000e+00, v30;
	[tilespmem:s31+$0xFFFFFF90] =	vst v28;
	v28 =	vld.idx.msk [tilespmem:v33+s10+$0x0], $0xffff;
	v33 =	vadd.f32 v35, v12;
	v35 =	vadd.s32 v6, v39  }
0x19f: {  	v41 =	vadd.s32 v6, v27;
	v34 =	vadd.f32 v34, v15;
	v31 =	vmul.f32 $8.000000000e+00, v31;
	v32 =	vld.idx.msk [tilespmem:v32+s17+$0x0], $0xffff;
	[tilespmem:s12+$0xA210] =	vst v24  }
0x1a0: {  	v24 =	vand.u32 $0x3E, v29;
	v30 =	vadd.f32 v30, v11;
	v26 =	vmul.f32 $8.000000000e+00, v26;
	v29 =	vld.idx.msk [tilespmem:v38+s10+$0x0], $0xffff;
	[tilespmem:s3+$0xFFFFFFC0] =	vst v33  }
0x1a1: {  	v33 =	vadd.s32 v1, v18;
	v31 =	vadd.f32 v31, v10;
	v25 =	vmul.f32 $8.000000000e+00, v25;
	v38 =	vld.idx.msk [tilespmem:v36+s10+$0x0], $0xffff;
	[tilespmem:s8+$0xA230] =	vst v34  }
0x1a2: {  	v42 =	vor.u32 v23, v24;
	v26 =	vadd.f32 v26, v9;
	v9 =	vmov v11;
	v37 =	vld.idx.msk [tilespmem:v37+s10+$0x0], $0xffff;
	[tilespmem:s20+$0xFFFFFFE0] =	vst v30  }
0x1a3: {  	v43 =	vadd.s32 v0, v24;
	v30 =	vadd.f32 v25, v8;
	v8 =	vmov v10;
	v35 =	vld.idx.msk [tilespmem:v35+s10+$0x0], $0xffff;
	[tilespmem:s24+$0xA250] =	vst v31  }
0x1a4: {  	s0 =	sadd.s32 $0x100, s0;
	v10 =	vmovc v15;
	v15 =	vmov v20;
	v25 =	vmul.f32 $8.000000000e+00, v28;
	v28 =	vadd.s32 v1, v21;
	v41 =	vld.idx.msk [tilespmem:v41+s10+$0x0], $0xffff;
	[tilespmem:s29+$0x0] =	vst v26;
	s29 =	smov.u32 s20;
	s20 =	smov.u32 s3  }
0x1a5: {  	s18 =	sadd.s32 $0xFFFFFF80, s0;
	v11 =	vmovc v12;
	v12 =	vmovc v19;
	v26 =	vmul.f32 $8.000000000e+00, v40;
	v40 =	vadd.s32 v3, v16;
	v20 =	vmov v32;
	s3 =	smov.u32 s13;
	s13 =	smov.u32 s31;
	[tilespmem:s30+$0xA270] =	vst v30  }
.Ltmp5:
0x1a6: {  	s18 =	sand.u32 $0x1C00, s18;
	v34 =	vadd.s32 v3, v17;
	v19 =	vmovc v22;
	v25 =	vadd.f32 v25, v20;
	s30 =	sand.u32 $0x380, s0;
	v29 =	vmul.f32 $8.000000000e+00, v29;
	v36 =	vld.idx.msk [tilespmem:v33+s10+$0x0], $0xffff;
	(pc) =	sbr.rel @p2 .LBB2_12-.Ltmp5, $4  }
0x1a7: {  	v30 =	vadd.s32 v5, v14;
	s18 =	sor.u32 s30, s18;
	v26 =	vadd.f32 v26, v12;
	v32 =	vmul.f32 $8.000000000e+00, v38;
	s30 =	smov.u32 s24;
	s24 =	smov.u32 s8;
	v22 =	vld.idx.msk [tilespmem:v42+s17+$0x0], $0xffff  }
0x1a8: {  	v31 =	vadd.s32 v5, v13;
	s8 =	smov.u32 s12;
	s12 =	smov.u32 s18;
	v38 =	vld.idx.msk [tilespmem:v43+s10+$0x0], $0xffff;
	[tilespmem:s18+$0xA200] =	vst v25;
	v25 =	vadd.f32 v29, v15;
	v29 =	vmul.f32 $8.000000000e+00, v37  }
0x1a9: {  	v32 =	vadd.f32 v32, v11;
	v37 =	vld.idx.msk [tilespmem:v28+s10+$0x0], $0xffff;
	[tilespmem:s3+$0xFFFFFFB0] =	vst v26;
	v28 =	vmul.f32 $8.000000000e+00, v35;
	v26 =	vadd.s32 v7, v39  }
0x1aa: {  	s18 =	sadd.s32 $0x1, s14;
	s14 =	sadd.s32 $0x2, s14;
	v35 =	vld.idx.msk [tilespmem:v40+s10+$0x0], $0xffff;
	[tilespmem:s8+$0xA220] =	vst v25;
	v33 =	vadd.f32 v29, v10;
	v29 =	vmul.f32 $8.000000000e+00, v41;
	v25 =	vadd.s32 v7, v27  }
0x1ab: {  	v27 =	vmov s18  }
0x1ac: {  	v27 =	vand.u32 $0x3F, v27  }
0x1ad: {  	v39 =	vadd.s32 v0, v27;
	_ =	sdelay $0x1  }
0x1ae: {  	v23 =	vor.u32 v23, v27;
	_ =	sdelay $0x2  }
0x1af: {  	v39 =	vld.idx.msk [tilespmem:v39+s10+$0x0], $0xffff;
	_ =	sdelay $0x1  }
0x1b0: {  	v23 =	vld.idx.msk [tilespmem:v23+s17+$0x0], $0xffff;
	_ =	sdelay $0x1  }
0x1b1: {  	v40 =	vadd.s32 v1, v24;
	v38 =	vmul.f32 $8.000000000e+00, v38  }
0x1b2: {  	s0 =	sadd.s32 $0x100, s0;
	v41 =	vadd.s32 v1, v27;
	v39 =	vmul.f32 $8.000000000e+00, v39  }
0x1b3: {  	s18 =	sadd.s32 $0xFFFFFF80, s0;
	v38 =	vadd.f32 v38, v22  }
0x1b4: {  	s14 =	sadd.s32 $0x100, s31;
	s0 =	sand.u32 $0x380, s0;
	s18 =	sand.u32 $0x1C00, s18;
	v39 =	vadd.f32 v39, v23  }
0x1b5: {  	v59 =	vadd.s32 v2, v18;
	v36 =	vmul.f32 $8.000000000e+00, v36;
	s0 =	sor.u32 s0, s18;
	[tilespmem:s14+$0xFFFFFF90] =	vst v38  }
0x1b6: {  	v38 =	vld.idx.msk [tilespmem:v40+s10+$0x0], $0xffff;
	[tilespmem:s0+$0xA200] =	vst v39  }
0x1b7: {  	v36 =	vadd.f32 v36, v19;
	v39 =	vld.idx.msk [tilespmem:v41+s10+$0x0], $0xffff;
	_ =	sdelay $0x1  }
0x1b8: {  	[tilespmem:s31+$0xFFFFFFA0] =	vst v36  }
0x1b9: {  	v60 =	vadd.s32 v2, v21;
	v37 =	vmul.f32 $8.000000000e+00, v37;
	v62 =	vld.idx.msk [tilespmem:v59+s10+$0x0], $0xffff  }
0x1ba: {  	v42 =	vadd.s32 v2, v24;
	v38 =	vmul.f32 $8.000000000e+00, v38  }
0x1bb: {  	v43 =	vadd.s32 v2, v27;
	v37 =	vadd.f32 v37, v20;
	v39 =	vmul.f32 $8.000000000e+00, v39  }
0x1bc: {  	v61 =	vadd.f32 v38, v22  }
0x1bd: {  	[tilespmem:s12+$0xA210] =	vst v37;
	v63 =	vadd.f32 v39, v23  }
0x1be: {  	v45 =	vadd.s32 v3, v18;
	v44 =	vld.idx.msk [tilespmem:v60+s10+$0x0], $0xffff;
	v38 =	vmul.f32 $8.000000000e+00, v62;
	[tilespmem:s14+$0xFFFFFFA0] =	vst v61  }
0x1bf: {  	v36 =	vld.idx.msk [tilespmem:v42+s10+$0x0], $0xffff;
	[tilespmem:s0+$0xA210] =	vst v63  }
0x1c0: {  	v38 =	vadd.f32 v38, v19;
	v37 =	vld.idx.msk [tilespmem:v43+s10+$0x0], $0xffff;
	_ =	sdelay $0x1  }
0x1c1: {  	[tilespmem:s13+$0xFFFFFFB0] =	vst v38  }
0x1c2: {  	v46 =	vadd.s32 v3, v21;
	v38 =	vld.idx.msk [tilespmem:v45+s10+$0x0], $0xffff;
	v39 =	vmul.f32 $8.000000000e+00, v44  }
0x1c3: {  	v47 =	vadd.s32 v3, v24;
	v34 =	vld.idx.msk [tilespmem:v34+s10+$0x0], $0xffff;
	v36 =	vmul.f32 $8.000000000e+00, v36  }
0x1c4: {  	v48 =	vadd.s32 v3, v27;
	v39 =	vadd.f32 v39, v20;
	v37 =	vmul.f32 $8.000000000e+00, v37  }
0x1c5: {  	v36 =	vadd.f32 v36, v22  }
0x1c6: {  	[tilespmem:s12+$0xA220] =	vst v39;
	v37 =	vadd.f32 v37, v23  }
0x1c7: {  	v52 =	vadd.s32 v4, v18;
	v38 =	vmul.f32 $8.000000000e+00, v38;
	[tilespmem:s14+$0xFFFFFFB0] =	vst v36;
	v39 =	vld.idx.msk [tilespmem:v46+s10+$0x0], $0xffff  }
0x1c8: {  	v51 =	vadd.s32 v4, v17;
	v34 =	vmul.f32 $8.000000000e+00, v34;
	v36 =	vld.idx.msk [tilespmem:v47+s10+$0x0], $0xffff;
	[tilespmem:s0+$0xA220] =	vst v37  }
0x1c9: {  	v54 =	vadd.f32 v38, v19;
	v50 =	vld.idx.msk [tilespmem:v48+s10+$0x0], $0xffff  }
0x1ca: {  	v49 =	vadd.s32 v4, v16;
	v35 =	vmul.f32 $8.000000000e+00, v35;
	v34 =	vadd.f32 v34, v15  }
0x1cb: {  	[tilespmem:s13+$0xFFFFFFC0] =	vst v54  }
0x1cc: {  	v53 =	vadd.s32 v4, v21;
	v35 =	vadd.f32 v35, v12;
	[tilespmem:s8+$0xA230] =	vst v34;
	v60 =	vld.idx.msk [tilespmem:v52+s10+$0x0], $0xffff;
	v39 =	vmul.f32 $8.000000000e+00, v39  }
0x1cd: {  	v55 =	vadd.s32 v4, v24;
	v59 =	vld.idx.msk [tilespmem:v51+s10+$0x0], $0xffff;
	v36 =	vmul.f32 $8.000000000e+00, v36  }
0x1ce: {  	v58 =	vadd.s32 v4, v27;
	[tilespmem:s3+$0xFFFFFFC0] =	vst v35;
	v56 =	vadd.f32 v39, v20;
	v57 =	vmul.f32 $8.000000000e+00, v50  }
0x1cf: {  	v36 =	vadd.f32 v36, v22;
	v37 =	vld.idx.msk [tilespmem:v49+s10+$0x0], $0xffff  }
0x1d0: {  	[tilespmem:s12+$0xA230] =	vst v56;
	v39 =	vadd.f32 v57, v23  }
0x1d1: {  	v45 =	vadd.s32 v5, v18;
	v34 =	vmul.f32 $8.000000000e+00, v60;
	[tilespmem:s14+$0xFFFFFFC0] =	vst v36;
	v61 =	vld.idx.msk [tilespmem:v53+s10+$0x0], $0xffff  }
0x1d2: {  	v35 =	vmul.f32 $8.000000000e+00, v59;
	v63 =	vadd.s32 v5, v17;
	v36 =	vld.idx.msk [tilespmem:v55+s10+$0x0], $0xffff;
	[tilespmem:s0+$0xA230] =	vst v39  }
0x1d3: {  	v49 =	vadd.f32 v34, v19;
	v39 =	vld.idx.msk [tilespmem:v58+s10+$0x0], $0xffff  }
0x1d4: {  	[tilespmem:s24+$0xA240] =	vst v33;
	v62 =	vadd.s32 v5, v16;
	v46 =	vadd.f32 v35, v15;
	v37 =	vmul.f32 $8.000000000e+00, v37  }
0x1d5: {  	v31 =	vld.idx.msk [tilespmem:v31+s10+$0x0], $0xffff;
	[tilespmem:s13+$0xFFFFFFD0] =	vst v49  }
0x1d6: {  	[tilespmem:s8+$0xA240] =	vst v46;
	v48 =	vadd.s32 v5, v21;
	v56 =	vld.idx.msk [tilespmem:v45+s10+$0x0], $0xffff;
	v44 =	vadd.f32 v37, v12;
	v47 =	vmul.f32 $8.000000000e+00, v61  }
0x1d7: {  	[tilespmem:s20+$0xFFFFFFD0] =	vst v32;
	v51 =	vadd.s32 v5, v24;
	v40 =	vld.idx.msk [tilespmem:v63+s10+$0x0], $0xffff;
	v50 =	vmul.f32 $8.000000000e+00, v36  }
0x1d8: {  	v30 =	vld.idx.msk [tilespmem:v30+s10+$0x0], $0xffff;
	v54 =	vadd.s32 v5, v27;
	[tilespmem:s3+$0xFFFFFFD0] =	vst v44;
	v52 =	vadd.f32 v47, v20;
	v53 =	vmul.f32 $8.000000000e+00, v39  }
0x1d9: {  	v55 =	vadd.f32 v50, v22;
	v38 =	vld.idx.msk [tilespmem:v62+s10+$0x0], $0xffff  }
0x1da: {  	v31 =	vmul.f32 $8.000000000e+00, v31;
	v60 =	vadd.s32 v6, v13;
	[tilespmem:s12+$0xA240] =	vst v52;
	v57 =	vadd.f32 v53, v23  }
0x1db: {  	v46 =	vadd.s32 v6, v18;
	v45 =	vmul.f32 $8.000000000e+00, v56;
	[tilespmem:s14+$0xFFFFFFD0] =	vst v55;
	v59 =	vld.idx.msk [tilespmem:v48+s10+$0x0], $0xffff  }
0x1dc: {  	v31 =	vadd.f32 v31, v10;
	v63 =	vadd.s32 v6, v17;
	v40 =	vmul.f32 $8.000000000e+00, v40;
	v36 =	vld.idx.msk [tilespmem:v51+s10+$0x0], $0xffff;
	[tilespmem:s0+$0xA240] =	vst v57  }
0x1dd: {  	v30 =	vmul.f32 $8.000000000e+00, v30;
	v49 =	vadd.f32 v45, v19;
	v58 =	vadd.s32 v6, v14;
	v39 =	vld.idx.msk [tilespmem:v54+s10+$0x0], $0xffff  }
0x1de: {  	[tilespmem:s24+$0xA250] =	vst v31;
	v62 =	vadd.s32 v6, v16;
	v47 =	vadd.f32 v40, v15;
	v61 =	vmul.f32 $8.000000000e+00, v38  }
0x1df: {  	v30 =	vadd.f32 v30, v11;
	v32 =	vld.idx.msk [tilespmem:v60+s10+$0x0], $0xffff;
	[tilespmem:s13+$0xFFFFFFE0] =	vst v49  }
0x1e0: {  	[tilespmem:s8+$0xA250] =	vst v47;
	v48 =	vadd.s32 v6, v21;
	v56 =	vld.idx.msk [tilespmem:v46+s10+$0x0], $0xffff;
	v44 =	vadd.f32 v61, v12;
	v37 =	vmul.f32 $8.000000000e+00, v59  }
0x1e1: {  	[tilespmem:s20+$0xFFFFFFE0] =	vst v30;
	v51 =	vadd.s32 v6, v24;
	v55 =	vld.idx.msk [tilespmem:v63+s10+$0x0], $0xffff;
	v50 =	vmul.f32 $8.000000000e+00, v36  }
0x1e2: {  	v35 =	vld.idx.msk [tilespmem:v58+s10+$0x0], $0xffff;
	[tilespmem:s3+$0xFFFFFFE0] =	vst v44;
	v52 =	vadd.f32 v37, v20;
	v54 =	vadd.s32 v6, v27;
	v53 =	vmul.f32 $8.000000000e+00, v39  }
0x1e3: {  	v33 =	vadd.f32 v50, v22;
	v38 =	vld.idx.msk [tilespmem:v62+s10+$0x0], $0xffff  }
0x1e4: {  	v28 =	vadd.f32 v28, v9;
	[tilespmem:s12+$0xA250] =	vst v52;
	v57 =	vadd.f32 v53, v23  }
0x1e5: {  	v29 =	vadd.f32 v29, v8;
	v41 =	vadd.s32 v7, v18;
	v31 =	vmul.f32 $8.000000000e+00, v56;
	[tilespmem:s14+$0xFFFFFFE0] =	vst v33;
	v59 =	vld.idx.msk [tilespmem:v48+s10+$0x0], $0xffff  }
0x1e6: {  	v60 =	vadd.s32 v7, v13;
	v32 =	vmul.f32 $8.000000000e+00, v32;
	v58 =	vadd.s32 v7, v14;
	v33 =	vld.idx.msk [tilespmem:v51+s10+$0x0], $0xffff;
	[tilespmem:s0+$0xA250] =	vst v57  }
0x1e7: {  	[tilespmem:s30+$0xA260] =	vst v29;
	v30 =	vmul.f32 $8.000000000e+00, v55;
	v45 =	vadd.f32 v31, v19;
	v35 =	vmul.f32 $8.000000000e+00, v35;
	v36 =	vld.idx.msk [tilespmem:v54+s10+$0x0], $0xffff  }
0x1e8: {  	[tilespmem:s29+$0xFFFFFFF0] =	vst v28;
	v25 =	vld.idx.msk [tilespmem:v25+s10+$0x0], $0xffff;
	v62 =	vmul.f32 $8.000000000e+00, v38;
	v38 =	vadd.f32 v32, v10;
	v39 =	vadd.s32 v7, v17  }
0x1e9: {  	v26 =	vld.idx.msk [tilespmem:v26+s10+$0x0], $0xffff;
	v63 =	vadd.s32 v7, v16;
	[tilespmem:s13+$0xFFFFFFF0] =	vst v45;
	v61 =	vadd.f32 v35, v11  }
0x1ea: {  	v44 =	vadd.s32 v7, v21;
	v42 =	vadd.f32 v30, v15;
	v18 =	vld.idx.msk [tilespmem:v41+s10+$0x0], $0xffff;
	[tilespmem:s24+$0xA260] =	vst v38;
	v43 =	vmul.f32 $8.000000000e+00, v59  }
0x1eb: {  	v47 =	vadd.s32 v7, v24;
	[tilespmem:s20+$0xFFFFFFF0] =	vst v61;
	v46 =	vmul.f32 $8.000000000e+00, v33;
	v40 =	vadd.f32 v62, v12;
	v13 =	vld.idx.msk [tilespmem:v60+s10+$0x0], $0xffff  }
0x1ec: {  	v27 =	vadd.s32 v7, v27;
	[tilespmem:s8+$0xA260] =	vst v42;
	v14 =	vld.idx.msk [tilespmem:v58+s10+$0x0], $0xffff;
	v48 =	vadd.f32 v43, v20;
	v49 =	vmul.f32 $8.000000000e+00, v36  }
0x1ed: {  	v25 =	vmul.f32 $8.000000000e+00, v25;
	v50 =	vadd.f32 v46, v22;
	[tilespmem:s3+$0xFFFFFFF0] =	vst v40;
	v17 =	vld.idx.msk [tilespmem:v39+s10+$0x0], $0xffff  }
0x1ee: {  	v26 =	vmul.f32 $8.000000000e+00, v26;
	v16 =	vld.idx.msk [tilespmem:v63+s10+$0x0], $0xffff;
	[tilespmem:s12+$0xA260] =	vst v48;
	v51 =	vadd.f32 v49, v23  }
0x1ef: {  	v8 =	vadd.f32 v25, v8;
	v58 =	vmul.f32 $8.000000000e+00, v18;
	[tilespmem:s14+$0xFFFFFFF0] =	vst v50;
	v21 =	vld.idx.msk [tilespmem:v44+s10+$0x0], $0xffff  }
0x1f0: {  	v52 =	vadd.f32 v26, v9;
	v24 =	vld.idx.msk [tilespmem:v47+s10+$0x0], $0xffff;
	v13 =	vmul.f32 $8.000000000e+00, v13;
	[tilespmem:s0+$0xA260] =	vst v51  }
0x1f1: {  	[tilespmem:s30+$0xA270] =	vst v8;
	v60 =	vadd.f32 v58, v19;
	v14 =	vmul.f32 $8.000000000e+00, v14;
	v55 =	vld.idx.msk [tilespmem:v27+s10+$0x0], $0xffff  }
0x1f2: {  	[tilespmem:s29+$0x0] =	vst v52;
	v8 =	vadd.f32 v13, v10;
	v56 =	vmul.f32 $8.000000000e+00, v17  }
0x1f3: {  	[tilespmem:s13+$0x0] =	vst v60;
	v53 =	vadd.f32 v14, v11;
	v54 =	vmul.f32 $8.000000000e+00, v16  }
0x1f4: {  	[tilespmem:s24+$0xA270] =	vst v8;
	v8 =	vadd.f32 v56, v15;
	v59 =	vmul.f32 $8.000000000e+00, v21  }
0x1f5: {  	[tilespmem:s20+$0x0] =	vst v53;
	v61 =	vmul.f32 $8.000000000e+00, v24;
	v57 =	vadd.f32 v54, v12  }
0x1f6: {  	[tilespmem:s8+$0xA270] =	vst v8;
	v8 =	vadd.f32 v59, v20;
	v62 =	vmul.f32 $8.000000000e+00, v55  }
.Ltmp6:
0x1f7: {  	s24 =	sshll.u32 s5, $0x7;
	v63 =	vadd.f32 v61, v22;
	[tilespmem:s3+$0x0] =	vst v57;
	(pc) =	sbr.rel @!p0 .LBB2_14-.Ltmp6, $4  }
0x1f8: {  	s3 =	sand.u32 $0xE80, s24;
	[tilespmem:s12+$0xA270] =	vst v8;
	v8 =	vadd.f32 v62, v23  }
0x1f9: {  	s29 =	sshll.u32 s15, $0xF;
	[tilespmem:s14+$0x0] =	vst v63;
	s3 =	sadd.s32 s2, s3  }
0x1fa: {  	s31 =	simm.s32 $0xA200;
	s30 =	sadd.s32 s29, s3;
	[tilespmem:s0+$0xA270] =	vst v8  }
0x1fb: {  	[hbm4b:s30+s11] =	stream.strided.scatter [tilespmem:s31], [sflag:$0xA], $0x2000, s16, s11, $0x38;
	[tilespmem:$0x15800] =	vst v63  }
0x1fc: {  	_ =	swait.ge [sflag:s19], $0x1000  }
.Ltmp7:
0x1fd: {  	[sflag:s19] =	ssyncset.done $0x0;
	(pc) =	sbr.rel .LBB2_29-.Ltmp7, $4  }
0x1fe: {  	[sflag:s19] =	ssyncadd.s32 $0xFFFFF000  }
0x1ff: {  	_ =	swait.ge [sflag:s19], $0x1000  }
0x200: {  	[sflag:s19] =	ssyncset.done $0x0  }
0x201: {  	[sflag:s19] =	ssyncadd.s32 $0xFFFFF000  }
.LBB2_14:
0x202: {  	s0 =	simm.s32 $0x1  }
0x203: {  	_ =	swait.ge [sflag:s0], $0x80  }
0x204: {  	[sflag:s0] =	ssyncset.done $0x0  }
0x205: {  	s3 =	simm.s32 $0x0;
	s29 =	simm.s32 $0x200;
	[sflag:s0] =	ssyncadd.s32 $0xFFFFFF80  }
0x206: {  	[tilespmem:s29], [sflag:$0x5] =	stream.indirect.gather [hbm4b:s6+s21], $0x40, s3, s21, $0xb8;
	[tilespmem:$0x15800] =	vst v63  }
0x207: {  	s30 =	simm.s32 $0x1200  }
0x208: {  	[tilespmem:s30], [sflag:$0x5] =	stream.indirect.gather [hbm4b:s6+s21], $0x40, s21, s21, $0xb8;
	[tilespmem:$0x15800] =	vst v63  }
0x209: {  	_ =	swait.ge [sflag:s19], $0x1000  }
0x20a: {  	[sflag:s19] =	ssyncset.done $0x0;
	s31 =	rddreg [dreg:$0xa]  }
.Ltmp8:
0x20b: {  	[sflag:s19] =	ssyncadd.s32 $0xFFFFF000;
	s0 =	sadd.s32 s23, s31;
	(pc) =	sbr.rel @p1 .LBB2_15-.Ltmp8, $4  }
0x20c: {  	_ =	swait.ge [sflag:s19], $0x1000;
	s0 =	sshll.u32 s0, $0x4  }
0x20d: {  	[sflag:s19] =	ssyncset.done $0x0;
	s0 =	sand.u32 $0xFFFFFE0, s0  }
0x20e: {  	s5 =	simm.s32 $0x100;
	[sflag:s19] =	ssyncadd.s32 $0xFFFFF000;
	s0 =	sadd.s32 s4, s0  }
0x20f: {  	[tilespmem:s5], [sflag:$0x3] =	stream.linear.gather [hbm4b:s0+s3], $0x80, $0x38;
	[tilespmem:$0x15800] =	vst v63  }
.LBB2_29:
0x210: {  	s0 =	simm.s32 $0xB  }
0x211: {  	_ =	swait.ge [sflag:s0], $0x2000  }
0x212: {  	[sflag:s0] =	ssyncset.done $0x0  }
0x213: {  	[sflag:s0] =	ssyncadd.s32 $0xFFFFE000  }
.LBB2_15:
0x214: {  	s12 =	simm.s32 $0x4270  }
0x215: {  	v8 =	vld [tilespmem:s12+$0xFFFFFFD0]  }
0x216: {  	v9 =	vld [tilespmem:s12+$0xFFFFFF90];
	_ =	sdelay $0x2  }
0x217: {  	s0 =	simm.s32 $0x10248  }
0x218: {  	[tilespmem:s0+$0x0] =	vst v8  }
0x219: {  	[tilespmem:s0+$0xFFFFFFB8] =	vst v9;
	v8 =	vld [tilespmem:s12+$0xFFFFFFE0]  }
0x21a: {  	s5 =	simm.s32 $0x42F0;
	v9 =	vld [tilespmem:s12+$0xFFFFFFA0]  }
0x21b: {  	v10 =	vld [tilespmem:s5+$0xFFFFFFD0]  }
0x21c: {  	v11 =	vld [tilespmem:s5+$0xFFFFFF90];
	_ =	sdelay $0x1  }
0x21d: {  	[tilespmem:s0+$0x10] =	vst v8  }
0x21e: {  	s3 =	simm.s32 $0x102D8;
	[tilespmem:s0+$0xFFFFFFC8] =	vst v9;
	v8 =	vld [tilespmem:s12+$0xFFFFFFF0]  }
0x21f: {  	[tilespmem:s3+$0x0] =	vst v10;
	v9 =	vld [tilespmem:s12+$0xFFFFFFB0]  }
0x220: {  	[tilespmem:s3+$0xFFFFFFB8] =	vst v11;
	v10 =	vld [tilespmem:s5+$0xFFFFFFE0]  }
0x221: {  	s8 =	simm.s32 $0x4370;
	v11 =	vld [tilespmem:s5+$0xFFFFFFA0]  }
0x222: {  	v12 =	vld [tilespmem:s8+$0xFFFFFFD0]  }
0x223: {  	v13 =	vld [tilespmem:s8+$0xFFFFFF90];
	[tilespmem:s0+$0x20] =	vst v8  }
0x224: {  	[tilespmem:s0+$0xFFFFFFD8] =	vst v9;
	v14 =	vld [tilespmem:s12+$0x0]  }
0x225: {  	[tilespmem:s3+$0x10] =	vst v10;
	v8 =	vld [tilespmem:s12+$0xFFFFFFC0]  }
0x226: {  	[tilespmem:s3+$0xFFFFFFC8] =	vst v11;
	v9 =	vld [tilespmem:s5+$0xFFFFFFF0];
	s12 =	simm.s32 $0x10368  }
0x227: {  	v10 =	vld [tilespmem:s5+$0xFFFFFFB0];
	[tilespmem:s12+$0x0] =	vst v12  }
0x228: {  	[tilespmem:s12+$0xFFFFFFB8] =	vst v13;
	v12 =	vld [tilespmem:s8+$0xFFFFFFE0]  }
0x229: {  	s13 =	simm.s32 $0x4;
	s14 =	simm.s32 $0x43F0;
	v11 =	vld [tilespmem:s8+$0xFFFFFFA0];
	[tilespmem:s0+$0x30] =	vst v14  }
.LBB2_16:
0x22a: {  	v13 =	vld [tilespmem:s14+$0xFFFFFFD0];
	s13 =	sadd.s32 $0x2, s13;
	[tilespmem:s0+$0xFFFFFFE8] =	vst v8;
	s0 =	smov.u32 s3;
	s3 =	smov.u32 s12  }
0x22b: {  	v14 =	vld [tilespmem:s14+$0xFFFFFF90];
	p2 =	slt.u32 s13, $0x7E;
	[tilespmem:s0+$0x20] =	vst v9  }
0x22c: {  	[tilespmem:s0+$0xFFFFFFD8] =	vst v10;
	v15 =	vld [tilespmem:s5+$0x0]  }
.Ltmp9:
0x22d: {  	[tilespmem:s12+$0x10] =	vst v12;
	v8 =	vld [tilespmem:s5+$0xFFFFFFC0];
	s5 =	smov.u32 s8;
	s8 =	smov.u32 s14;
	(pc) =	sbr.rel @p2 .LBB2_16-.Ltmp9, $4  }
0x22e: {  	s12 =	sadd.s32 $0x90, s12;
	[tilespmem:s3+$0xFFFFFFC8] =	vst v11;
	v9 =	vld [tilespmem:s5+$0xFFFFFFF0]  }
0x22f: {  	[tilespmem:s12+$0x0] =	vst v13;
	v10 =	vld [tilespmem:s5+$0xFFFFFFB0]  }
0x230: {  	[tilespmem:s12+$0xFFFFFFB8] =	vst v14;
	v12 =	vld [tilespmem:s14+$0xFFFFFFE0]  }
0x231: {  	s14 =	sadd.s32 $0x80, s14;
	v11 =	vld [tilespmem:s8+$0xFFFFFFA0];
	[tilespmem:s0+$0x30] =	vst v15  }
0x232: {  	_ =	sdelay $0x2  }
0x233: {  	[tilespmem:s12+$0x10] =	vst v12  }
0x234: {  	[tilespmem:s12+$0xFFFFFFC8] =	vst v11;
	v11 =	vld [tilespmem:s8+$0xFFFFFFF0]  }
0x235: {  	v12 =	vld [tilespmem:s8+$0xFFFFFFB0]  }
0x236: {  	[tilespmem:s0+$0xFFFFFFE8] =	vst v8  }
0x237: {  	[tilespmem:s3+$0x20] =	vst v9  }
0x238: {  	[tilespmem:s3+$0xFFFFFFD8] =	vst v10;
	v9 =	vld [tilespmem:s5+$0x0]  }
0x239: {  	s24 =	simm.s32 $0x0;
	v10 =	vld [tilespmem:s5+$0xFFFFFFC0];
	[tilespmem:s12+$0x20] =	vst v11  }
0x23a: {  	v8 =	vmov s24;
	s5 =	sadd.s32 s7, s28;
	[tilespmem:s12+$0xFFFFFFD8] =	vst v12;
	v11 =	vld [tilespmem:s8+$0x0]  }
0x23b: {  	v26 =	vand.u32 $0x3E, v8;
	s15 =	sshrl.u32 s5, $0x5;
	v12 =	vld [tilespmem:s8+$0xFFFFFFC0]  }
0x23c: {  	v8 =	vadd.s32 v0, v26;
	s20 =	sshll.u32 s15, $0x6;
	s8 =	simm.s32 $0x1  }
0x23d: {  	v23 =	vmov s20;
	[tilespmem:s3+$0x30] =	vst v9;
	v9 =	vmov s8  }
0x23e: {  	[tilespmem:s3+$0xFFFFFFE8] =	vst v10;
	v10 =	vor.u32 v23, v26;
	v25 =	vand.u32 $0x3F, v9  }
0x23f: {  	[tilespmem:s12+$0x30] =	vst v11;
	v11 =	vadd.s32 v0, v25  }
0x240: {  	[tilespmem:s12+$0xFFFFFFE8] =	vst v12  }
0x241: {  	v12 =	vor.u32 v23, v25;
	v8 =	vld.idx.msk [tilespmem:v8+s10+$0x0], $0xffff;
	_ =	sdelay $0x1  }
0x242: {  	v9 =	vld.idx.msk [tilespmem:v10+s17+$0x0], $0xffff  }
0x243: {  	v10 =	vld.idx.msk [tilespmem:v11+s10+$0x0], $0xffff;
	_ =	sdelay $0x1  }
0x244: {  	v11 =	vmul.f32 $8.000000000e+00, v8;
	v8 =	vld.idx.msk [tilespmem:v12+s17+$0x0], $0xffff;
	v12 =	vadd.s32 v1, v26;
	_ =	sdelay $0x1  }
0x245: {  	v11 =	vadd.f32 v11, v9  }
0x246: {  	s28 =	simm.s32 $0xC270;
	v13 =	vadd.s32 v1, v25;
	v10 =	vmul.f32 $8.000000000e+00, v10  }
0x247: {  	s31 =	simm.s32 $0x80;
	s12 =	simm.s32 $0x0;
	[tilespmem:s28+$0xFFFFFF90] =	vst v11  }
0x248: {  	s13 =	simm.s32 $0x2;
	s0 =	sand.u32 $0x380, s31;
	s3 =	sand.u32 $0x1C00, s12;
	v11 =	vld.idx.msk [tilespmem:v12+s10+$0x0], $0xffff;
	v10 =	vadd.f32 v10, v8  }
0x249: {  	s29 =	sor.u32 s0, s3;
	v12 =	vmov s13  }
0x24a: {  	v14 =	vand.u32 $0x3E, v12;
	[tilespmem:s29+$0xC200] =	vst v10  }
0x24b: {  	s14 =	simm.s32 $0x3;
	v10 =	vadd.s32 v0, v14;
	v12 =	vld.idx.msk [tilespmem:v13+s10+$0x0], $0xffff  }
0x24c: {  	v15 =	vor.u32 v23, v14;
	v13 =	vmov s14  }
0x24d: {  	v16 =	vadd.s32 v2, v26;
	v13 =	vand.u32 $0x3F, v13;
	v11 =	vmul.f32 $8.000000000e+00, v11  }
0x24e: {  	v17 =	vadd.s32 v0, v13  }
0x24f: {  	v18 =	vor.u32 v23, v13;
	v19 =	vadd.f32 v11, v9  }
0x250: {  	v20 =	vld.idx.msk [tilespmem:v10+s10+$0x0], $0xffff;
	v10 =	vmul.f32 $8.000000000e+00, v12;
	v12 =	vadd.s32 v2, v25  }
0x251: {  	v11 =	vld.idx.msk [tilespmem:v15+s17+$0x0], $0xffff;
	[tilespmem:s28+$0xFFFFFFA0] =	vst v19  }
0x252: {  	v15 =	vld.idx.msk [tilespmem:v16+s10+$0x0], $0xffff;
	v16 =	vadd.f32 v10, v8  }
0x253: {  	v17 =	vld.idx.msk [tilespmem:v17+s10+$0x0], $0xffff  }
0x254: {  	v10 =	vld.idx.msk [tilespmem:v18+s17+$0x0], $0xffff;
	[tilespmem:s29+$0xC210] =	vst v16  }
0x255: {  	v18 =	vadd.s32 v1, v14;
	v16 =	vmul.f32 $8.000000000e+00, v20;
	v12 =	vld.idx.msk [tilespmem:v12+s10+$0x0], $0xffff;
	_ =	sdelay $0x1  }
0x256: {  	v16 =	vadd.f32 v16, v11  }
0x257: {  	s20 =	simm.s32 $0xC370;
	v19 =	vadd.s32 v1, v13;
	v17 =	vmul.f32 $8.000000000e+00, v17  }
0x258: {  	s18 =	simm.s32 $0x180;
	s24 =	simm.s32 $0x100;
	v20 =	vadd.s32 v3, v26;
	v15 =	vmul.f32 $8.000000000e+00, v15;
	[tilespmem:s20+$0xFFFFFF90] =	vst v16  }
0x259: {  	s31 =	simm.s32 $0x4;
	v21 =	vadd.s32 v3, v25;
	s3 =	sand.u32 $0x1C00, s24;
	s0 =	sand.u32 $0x380, s18;
	v18 =	vld.idx.msk [tilespmem:v18+s10+$0x0], $0xffff;
	v17 =	vadd.f32 v17, v10;
	v12 =	vmul.f32 $8.000000000e+00, v12  }
0x25a: {  	s24 =	sor.u32 s0, s3;
	v16 =	vmov s31;
	v15 =	vadd.f32 v15, v9  }
0x25b: {  	v16 =	vand.u32 $0x3E, v16;
	[tilespmem:s24+$0xC200] =	vst v17;
	v12 =	vadd.f32 v12, v8  }
0x25c: {  	s3 =	simm.s32 $0x5;
	v22 =	vadd.s32 v0, v16;
	[tilespmem:s28+$0xFFFFFFB0] =	vst v15;
	v19 =	vld.idx.msk [tilespmem:v19+s10+$0x0], $0xffff  }
0x25d: {  	v15 =	vor.u32 v23, v16;
	v20 =	vld.idx.msk [tilespmem:v20+s10+$0x0], $0xffff;
	[tilespmem:s29+$0xC220] =	vst v12;
	v12 =	vmov s3  }
0x25e: {  	v24 =	vadd.s32 v2, v14;
	v21 =	vld.idx.msk [tilespmem:v21+s10+$0x0], $0xffff;
	v17 =	vand.u32 $0x3F, v12;
	v12 =	vmul.f32 $8.000000000e+00, v18  }
0x25f: {  	v18 =	vadd.s32 v0, v17  }
0x260: {  	v27 =	vor.u32 v23, v17;
	v28 =	vadd.f32 v12, v11  }
0x261: {  	v29 =	vadd.s32 v2, v13;
	v22 =	vld.idx.msk [tilespmem:v22+s10+$0x0], $0xffff;
	v19 =	vmul.f32 $8.000000000e+00, v19  }
0x262: {  	v12 =	vld.idx.msk [tilespmem:v15+s17+$0x0], $0xffff;
	v15 =	vmul.f32 $8.000000000e+00, v20;
	v20 =	vadd.s32 v4, v26;
	[tilespmem:s20+$0xFFFFFFA0] =	vst v28  }
0x263: {  	v19 =	vadd.f32 v19, v10;
	v28 =	vadd.s32 v4, v25;
	v24 =	vld.idx.msk [tilespmem:v24+s10+$0x0], $0xffff;
	v21 =	vmul.f32 $8.000000000e+00, v21  }
0x264: {  	v30 =	vld.idx.msk [tilespmem:v18+s10+$0x0], $0xffff;
	v18 =	vadd.f32 v15, v9  }
0x265: {  	v15 =	vld.idx.msk [tilespmem:v27+s17+$0x0], $0xffff;
	[tilespmem:s24+$0xC210] =	vst v19;
	v19 =	vadd.f32 v21, v8  }
0x266: {  	v21 =	vmul.f32 $8.000000000e+00, v22;
	v27 =	vld.idx.msk [tilespmem:v29+s10+$0x0], $0xffff;
	v29 =	vadd.s32 v1, v16;
	[tilespmem:s28+$0xFFFFFFC0] =	vst v18  }
0x267: {  	v20 =	vld.idx.msk [tilespmem:v20+s10+$0x0], $0xffff;
	[tilespmem:s29+$0xC230] =	vst v19  }
0x268: {  	v19 =	vadd.f32 v21, v12;
	v21 =	vld.idx.msk [tilespmem:v28+s10+$0x0], $0xffff  }
0x269: {  	v32 =	vadd.s32 v5, v26;
	s3 =	simm.s32 $0xC470;
	v28 =	vmul.f32 $8.000000000e+00, v30;
	v30 =	vadd.s32 v1, v17  }
0x26a: {  	s8 =	simm.s32 $0x6;
	s12 =	simm.s32 $0x280;
	s13 =	simm.s32 $0x200;
	v31 =	vadd.s32 v3, v13;
	[tilespmem:s3+$0xFFFFFF90] =	vst v19;
	v19 =	vmul.f32 $8.000000000e+00, v24;
	v24 =	vadd.s32 v3, v14  }
0x26b: {  	s0 =	sand.u32 $0x380, s12;
	v22 =	vmov s8;
	s8 =	sand.u32 $0x1C00, s13;
	v29 =	vld.idx.msk [tilespmem:v29+s10+$0x0], $0xffff;
	v27 =	vmul.f32 $8.000000000e+00, v27;
	v28 =	vadd.f32 v28, v15  }
0x26c: {  	v18 =	vand.u32 $0x3E, v22;
	s8 =	sor.u32 s0, s8;
	v19 =	vadd.f32 v19, v11;
	v20 =	vmul.f32 $8.000000000e+00, v20  }
0x26d: {  	v27 =	vadd.f32 v27, v10;
	[tilespmem:s8+$0xC200] =	vst v28;
	v21 =	vmul.f32 $8.000000000e+00, v21;
	v28 =	vadd.s32 v5, v25  }
0x26e: {  	s14 =	simm.s32 $0x7;
	v22 =	vadd.s32 v0, v18;
	[tilespmem:s20+$0xFFFFFFB0] =	vst v19;
	v30 =	vld.idx.msk [tilespmem:v30+s10+$0x0], $0xffff;
	v19 =	vadd.f32 v20, v9  }
0x26f: {  	v20 =	vor.u32 v23, v18;
	v24 =	vld.idx.msk [tilespmem:v24+s10+$0x0], $0xffff;
	[tilespmem:s24+$0xC220] =	vst v27;
	v27 =	vadd.f32 v21, v8;
	v21 =	vmov s14  }
0x270: {  	v33 =	vadd.s32 v2, v16;
	v31 =	vld.idx.msk [tilespmem:v31+s10+$0x0], $0xffff;
	[tilespmem:s28+$0xFFFFFFD0] =	vst v19;
	v21 =	vand.u32 $0x3F, v21;
	v19 =	vmul.f32 $8.000000000e+00, v29  }
0x271: {  	v29 =	vld.idx.msk [tilespmem:v32+s10+$0x0], $0xffff;
	[tilespmem:s29+$0xC240] =	vst v27;
	v27 =	vadd.s32 v0, v21  }
0x272: {  	v58 =	vor.u32 v23, v21;
	v28 =	vld.idx.msk [tilespmem:v28+s10+$0x0], $0xffff;
	v34 =	vadd.f32 v19, v12  }
0x273: {  	v38 =	vadd.s32 v6, v26;
	v35 =	vadd.s32 v2, v17;
	v22 =	vld.idx.msk [tilespmem:v22+s10+$0x0], $0xffff;
	v30 =	vmul.f32 $8.000000000e+00, v30  }
0x274: {  	v60 =	vadd.s32 v6, v25;
	v59 =	vadd.s32 v4, v14;
	v19 =	vld.idx.msk [tilespmem:v20+s17+$0x0], $0xffff;
	v20 =	vmul.f32 $8.000000000e+00, v24;
	[tilespmem:s3+$0xFFFFFFA0] =	vst v34  }
0x275: {  	s18 =	simm.s32 $0x8;
	v33 =	vld.idx.msk [tilespmem:v33+s10+$0x0], $0xffff;
	v24 =	vadd.f32 v30, v15;
	v30 =	vmul.f32 $8.000000000e+00, v31;
	v31 =	vadd.s32 v4, v13  }
0x276: {  	v36 =	vmov s18;
	v37 =	vadd.f32 v20, v11;
	v27 =	vld.idx.msk [tilespmem:v27+s10+$0x0], $0xffff;
	v29 =	vmul.f32 $8.000000000e+00, v29  }
0x277: {  	v61 =	vadd.s32 v1, v18;
	v20 =	vld.idx.msk [tilespmem:v58+s17+$0x0], $0xffff;
	[tilespmem:s8+$0xC210] =	vst v24;
	v30 =	vadd.f32 v30, v10;
	v28 =	vmul.f32 $8.000000000e+00, v28  }
0x278: {  	v22 =	vmul.f32 $8.000000000e+00, v22;
	v24 =	vand.u32 $0x3E, v36;
	[tilespmem:s20+$0xFFFFFFC0] =	vst v37;
	v35 =	vld.idx.msk [tilespmem:v35+s10+$0x0], $0xffff;
	v29 =	vadd.f32 v29, v9  }
0x279: {  	v37 =	vld.idx.msk [tilespmem:v59+s10+$0x0], $0xffff;
	[tilespmem:s24+$0xC230] =	vst v30;
	v28 =	vadd.f32 v28, v8;
	v30 =	vor.u32 v23, v24  }
0x27a: {  	v22 =	vadd.f32 v22, v19;
	v31 =	vld.idx.msk [tilespmem:v31+s10+$0x0], $0xffff;
	[tilespmem:s28+$0xFFFFFFE0] =	vst v29;
	v29 =	vadd.s32 v0, v24  }
0x27b: {  	s30 =	simm.s32 $0xC570;
	v39 =	vld.idx.msk [tilespmem:v38+s10+$0x0], $0xffff;
	[tilespmem:s29+$0xC250] =	vst v28;
	v27 =	vmul.f32 $8.000000000e+00, v27;
	v28 =	vadd.s32 v1, v21  }
0x27c: {  	s31 =	simm.s32 $0x300;
	v63 =	vadd.s32 v3, v16;
	s0 =	simm.s32 $0x380;
	[tilespmem:s30+$0xFFFFFF90] =	vst v22;
	v62 =	vmul.f32 $8.000000000e+00, v33;
	v40 =	vld.idx.msk [tilespmem:v60+s10+$0x0], $0xffff  }
0x27d: {  	s12 =	sand.u32 $0x1C00, s31;
	s13 =	sand.u32 $0x380, s0;
	v34 =	vadd.s32 v3, v17;
	v36 =	vld.idx.msk [tilespmem:v61+s10+$0x0], $0xffff;
	v27 =	vadd.f32 v27, v20;
	v35 =	vmul.f32 $8.000000000e+00, v35  }
0x27e: {  	s12 =	sor.u32 s13, s12;
	v32 =	vadd.f32 v62, v12;
	v41 =	vmul.f32 $8.000000000e+00, v37;
	v22 =	vld.idx.msk [tilespmem:v30+s17+$0x0], $0xffff;
	v30 =	vadd.s32 v5, v14  }
0x27f: {  	v38 =	vld.idx.msk [tilespmem:v29+s10+$0x0], $0xffff;
	[tilespmem:s12+$0xC200] =	vst v27;
	v27 =	vadd.f32 v35, v15;
	v29 =	vmul.f32 $8.000000000e+00, v31;
	v31 =	vadd.s32 v5, v13  }
0x280: {  	v26 =	vadd.s32 v7, v26;
	[tilespmem:s3+$0xFFFFFFB0] =	vst v32;
	v32 =	vadd.f32 v41, v11;
	v37 =	vld.idx.msk [tilespmem:v28+s10+$0x0], $0xffff;
	v28 =	vmul.f32 $8.000000000e+00, v39  }
0x281: {  	s18 =	simm.s32 $0x9;
	s13 =	simm.s32 $0xC570;
	v25 =	vadd.s32 v7, v25;
	s14 =	simm.s32 $0xA;
	v35 =	vld.idx.msk [tilespmem:v63+s10+$0x0], $0xffff;
	[tilespmem:s8+$0xC220] =	vst v27;
	v33 =	vadd.f32 v29, v10;
	v29 =	vmul.f32 $8.000000000e+00, v40  }
.LBB2_18:
0x282: {  	p2 =	slt.u32 s14, $0x3E;
	v41 =	vmov s18;
	v40 =	vadd.s32 v2, v18;
	v34 =	vld.idx.msk [tilespmem:v34+s10+$0x0], $0xffff;
	[tilespmem:s20+$0xFFFFFFD0] =	vst v32;
	v28 =	vadd.f32 v28, v9;
	v27 =	vmovc v13  }
0x283: {  	v36 =	vmul.f32 $8.000000000e+00, v36;
	v13 =	vmovc v17;
	v32 =	vand.u32 $0x3F, v41;
	v30 =	vld.idx.msk [tilespmem:v30+s10+$0x0], $0xffff;
	[tilespmem:s24+$0xC240] =	vst v33;
	v29 =	vadd.f32 v29, v8  }
0x284: {  	v17 =	vmovc v21;
	v39 =	vmov v14;
	v33 =	vadd.s32 v0, v32;
	v31 =	vld.idx.msk [tilespmem:v31+s10+$0x0], $0xffff;
	[tilespmem:s28+$0xFFFFFFF0] =	vst v28;
	v21 =	vmov v32  }
0x285: {  	v28 =	vmul.f32 $8.000000000e+00, v38;
	v36 =	vadd.f32 v36, v19;
	v32 =	vor.u32 v23, v21;
	v26 =	vld.idx.msk [tilespmem:v26+s10+$0x0], $0xffff;
	[tilespmem:s29+$0xC260] =	vst v29  }
0x286: {  	v14 =	vmovc v16;
	v16 =	vmovc v18;
	v38 =	vadd.s32 v2, v17;
	v29 =	vmov s14;
	v37 =	vmul.f32 $8.000000000e+00, v37;
	v25 =	vld.idx.msk [tilespmem:v25+s10+$0x0], $0xffff  }
0x287: {  	v18 =	vmovc v24;
	v28 =	vadd.f32 v28, v22;
	v35 =	vmul.f32 $8.000000000e+00, v35;
	[tilespmem:s30+$0xFFFFFFA0] =	vst v36;
	v36 =	vadd.s32 v4, v14  }
0x288: {  	v24 =	vadd.f32 v37, v20;
	s30 =	sadd.s32 $0x100, s30;
	v34 =	vmul.f32 $8.000000000e+00, v34;
	v37 =	vadd.s32 v4, v13;
	v40 =	vld.idx.msk [tilespmem:v40+s10+$0x0], $0xffff  }
0x289: {  	v30 =	vmul.f32 $8.000000000e+00, v30;
	[tilespmem:s30+$0xFFFFFF90] =	vst v28;
	v28 =	vld.idx.msk [tilespmem:v33+s10+$0x0], $0xffff;
	v33 =	vadd.f32 v35, v12;
	v35 =	vadd.s32 v6, v39  }
0x28a: {  	v41 =	vadd.s32 v6, v27;
	v34 =	vadd.f32 v34, v15;
	v31 =	vmul.f32 $8.000000000e+00, v31;
	v32 =	vld.idx.msk [tilespmem:v32+s17+$0x0], $0xffff;
	[tilespmem:s12+$0xC210] =	vst v24  }
0x28b: {  	v24 =	vand.u32 $0x3E, v29;
	v30 =	vadd.f32 v30, v11;
	v26 =	vmul.f32 $8.000000000e+00, v26;
	v29 =	vld.idx.msk [tilespmem:v38+s10+$0x0], $0xffff;
	[tilespmem:s3+$0xFFFFFFC0] =	vst v33  }
0x28c: {  	v33 =	vadd.s32 v1, v18;
	v31 =	vadd.f32 v31, v10;
	v25 =	vmul.f32 $8.000000000e+00, v25;
	v38 =	vld.idx.msk [tilespmem:v36+s10+$0x0], $0xffff;
	[tilespmem:s8+$0xC230] =	vst v34  }
0x28d: {  	v42 =	vor.u32 v23, v24;
	v26 =	vadd.f32 v26, v9;
	v9 =	vmov v11;
	v37 =	vld.idx.msk [tilespmem:v37+s10+$0x0], $0xffff;
	[tilespmem:s20+$0xFFFFFFE0] =	vst v30  }
0x28e: {  	v43 =	vadd.s32 v0, v24;
	v30 =	vadd.f32 v25, v8;
	v8 =	vmov v10;
	v35 =	vld.idx.msk [tilespmem:v35+s10+$0x0], $0xffff;
	[tilespmem:s24+$0xC250] =	vst v31  }
0x28f: {  	s0 =	sadd.s32 $0x100, s0;
	v10 =	vmovc v15;
	v15 =	vmov v20;
	v25 =	vmul.f32 $8.000000000e+00, v28;
	v28 =	vadd.s32 v1, v21;
	v41 =	vld.idx.msk [tilespmem:v41+s10+$0x0], $0xffff;
	[tilespmem:s28+$0x0] =	vst v26;
	s28 =	smov.u32 s20;
	s20 =	smov.u32 s3  }
0x290: {  	s18 =	sadd.s32 $0xFFFFFF80, s0;
	v11 =	vmovc v12;
	v12 =	vmovc v19;
	v26 =	vmul.f32 $8.000000000e+00, v40;
	v40 =	vadd.s32 v3, v16;
	v20 =	vmov v32;
	s3 =	smov.u32 s13;
	s13 =	smov.u32 s30;
	[tilespmem:s29+$0xC270] =	vst v30  }
.Ltmp10:
0x291: {  	s18 =	sand.u32 $0x1C00, s18;
	v34 =	vadd.s32 v3, v17;
	v19 =	vmovc v22;
	v25 =	vadd.f32 v25, v20;
	s29 =	sand.u32 $0x380, s0;
	v29 =	vmul.f32 $8.000000000e+00, v29;
	v36 =	vld.idx.msk [tilespmem:v33+s10+$0x0], $0xffff;
	(pc) =	sbr.rel @p2 .LBB2_18-.Ltmp10, $4  }
0x292: {  	v30 =	vadd.s32 v5, v14;
	s18 =	sor.u32 s29, s18;
	v26 =	vadd.f32 v26, v12;
	v32 =	vmul.f32 $8.000000000e+00, v38;
	s29 =	smov.u32 s24;
	s24 =	smov.u32 s8;
	v22 =	vld.idx.msk [tilespmem:v42+s17+$0x0], $0xffff  }
0x293: {  	v31 =	vadd.s32 v5, v13;
	s8 =	smov.u32 s12;
	s12 =	smov.u32 s18;
	v38 =	vld.idx.msk [tilespmem:v43+s10+$0x0], $0xffff;
	[tilespmem:s18+$0xC200] =	vst v25;
	v25 =	vadd.f32 v29, v15;
	v29 =	vmul.f32 $8.000000000e+00, v37  }
0x294: {  	v32 =	vadd.f32 v32, v11;
	v37 =	vld.idx.msk [tilespmem:v28+s10+$0x0], $0xffff;
	[tilespmem:s3+$0xFFFFFFB0] =	vst v26;
	v28 =	vmul.f32 $8.000000000e+00, v35;
	v26 =	vadd.s32 v7, v39  }
0x295: {  	s18 =	sadd.s32 $0x1, s14;
	s14 =	sadd.s32 $0x2, s14;
	v35 =	vld.idx.msk [tilespmem:v40+s10+$0x0], $0xffff;
	[tilespmem:s8+$0xC220] =	vst v25;
	v33 =	vadd.f32 v29, v10;
	v29 =	vmul.f32 $8.000000000e+00, v41;
	v25 =	vadd.s32 v7, v27  }
0x296: {  	v27 =	vmov s18  }
0x297: {  	v27 =	vand.u32 $0x3F, v27  }
0x298: {  	v39 =	vadd.s32 v0, v27;
	_ =	sdelay $0x1  }
0x299: {  	v23 =	vor.u32 v23, v27;
	_ =	sdelay $0x2  }
0x29a: {  	v39 =	vld.idx.msk [tilespmem:v39+s10+$0x0], $0xffff;
	_ =	sdelay $0x1  }
0x29b: {  	v23 =	vld.idx.msk [tilespmem:v23+s17+$0x0], $0xffff;
	_ =	sdelay $0x1  }
0x29c: {  	v40 =	vadd.s32 v1, v24;
	v38 =	vmul.f32 $8.000000000e+00, v38  }
0x29d: {  	s0 =	sadd.s32 $0x100, s0;
	v41 =	vadd.s32 v1, v27;
	v39 =	vmul.f32 $8.000000000e+00, v39  }
0x29e: {  	s31 =	sadd.s32 $0xFFFFFF80, s0;
	v38 =	vadd.f32 v38, v22  }
0x29f: {  	s14 =	sadd.s32 $0x100, s30;
	s0 =	sand.u32 $0x380, s0;
	s18 =	sand.u32 $0x1C00, s31;
	v39 =	vadd.f32 v39, v23  }
0x2a0: {  	v59 =	vadd.s32 v2, v18;
	v36 =	vmul.f32 $8.000000000e+00, v36;
	s0 =	sor.u32 s0, s18;
	[tilespmem:s14+$0xFFFFFF90] =	vst v38  }
0x2a1: {  	v38 =	vld.idx.msk [tilespmem:v40+s10+$0x0], $0xffff;
	[tilespmem:s0+$0xC200] =	vst v39  }
0x2a2: {  	v36 =	vadd.f32 v36, v19;
	v39 =	vld.idx.msk [tilespmem:v41+s10+$0x0], $0xffff;
	_ =	sdelay $0x1  }
0x2a3: {  	[tilespmem:s30+$0xFFFFFFA0] =	vst v36  }
0x2a4: {  	v60 =	vadd.s32 v2, v21;
	v37 =	vmul.f32 $8.000000000e+00, v37;
	v62 =	vld.idx.msk [tilespmem:v59+s10+$0x0], $0xffff  }
0x2a5: {  	v42 =	vadd.s32 v2, v24;
	v38 =	vmul.f32 $8.000000000e+00, v38  }
0x2a6: {  	v43 =	vadd.s32 v2, v27;
	v37 =	vadd.f32 v37, v20;
	v39 =	vmul.f32 $8.000000000e+00, v39  }
0x2a7: {  	v61 =	vadd.f32 v38, v22  }
0x2a8: {  	[tilespmem:s12+$0xC210] =	vst v37;
	v63 =	vadd.f32 v39, v23  }
0x2a9: {  	v45 =	vadd.s32 v3, v18;
	v44 =	vld.idx.msk [tilespmem:v60+s10+$0x0], $0xffff;
	v38 =	vmul.f32 $8.000000000e+00, v62;
	[tilespmem:s14+$0xFFFFFFA0] =	vst v61  }
0x2aa: {  	v36 =	vld.idx.msk [tilespmem:v42+s10+$0x0], $0xffff;
	[tilespmem:s0+$0xC210] =	vst v63  }
0x2ab: {  	v38 =	vadd.f32 v38, v19;
	v37 =	vld.idx.msk [tilespmem:v43+s10+$0x0], $0xffff;
	_ =	sdelay $0x1  }
0x2ac: {  	[tilespmem:s13+$0xFFFFFFB0] =	vst v38  }
0x2ad: {  	v46 =	vadd.s32 v3, v21;
	v38 =	vld.idx.msk [tilespmem:v45+s10+$0x0], $0xffff;
	v39 =	vmul.f32 $8.000000000e+00, v44  }
0x2ae: {  	v47 =	vadd.s32 v3, v24;
	v34 =	vld.idx.msk [tilespmem:v34+s10+$0x0], $0xffff;
	v36 =	vmul.f32 $8.000000000e+00, v36  }
0x2af: {  	v48 =	vadd.s32 v3, v27;
	v39 =	vadd.f32 v39, v20;
	v37 =	vmul.f32 $8.000000000e+00, v37  }
0x2b0: {  	v36 =	vadd.f32 v36, v22  }
0x2b1: {  	[tilespmem:s12+$0xC220] =	vst v39;
	v37 =	vadd.f32 v37, v23  }
0x2b2: {  	v52 =	vadd.s32 v4, v18;
	v38 =	vmul.f32 $8.000000000e+00, v38;
	[tilespmem:s14+$0xFFFFFFB0] =	vst v36;
	v39 =	vld.idx.msk [tilespmem:v46+s10+$0x0], $0xffff  }
0x2b3: {  	v51 =	vadd.s32 v4, v17;
	v34 =	vmul.f32 $8.000000000e+00, v34;
	v36 =	vld.idx.msk [tilespmem:v47+s10+$0x0], $0xffff;
	[tilespmem:s0+$0xC220] =	vst v37  }
0x2b4: {  	v54 =	vadd.f32 v38, v19;
	v50 =	vld.idx.msk [tilespmem:v48+s10+$0x0], $0xffff  }
0x2b5: {  	v49 =	vadd.s32 v4, v16;
	v35 =	vmul.f32 $8.000000000e+00, v35;
	v34 =	vadd.f32 v34, v15  }
0x2b6: {  	[tilespmem:s13+$0xFFFFFFC0] =	vst v54  }
0x2b7: {  	v53 =	vadd.s32 v4, v21;
	v35 =	vadd.f32 v35, v12;
	[tilespmem:s8+$0xC230] =	vst v34;
	v60 =	vld.idx.msk [tilespmem:v52+s10+$0x0], $0xffff;
	v39 =	vmul.f32 $8.000000000e+00, v39  }
0x2b8: {  	v55 =	vadd.s32 v4, v24;
	v59 =	vld.idx.msk [tilespmem:v51+s10+$0x0], $0xffff;
	v36 =	vmul.f32 $8.000000000e+00, v36  }
0x2b9: {  	v58 =	vadd.s32 v4, v27;
	[tilespmem:s3+$0xFFFFFFC0] =	vst v35;
	v56 =	vadd.f32 v39, v20;
	v57 =	vmul.f32 $8.000000000e+00, v50  }
0x2ba: {  	v36 =	vadd.f32 v36, v22;
	v37 =	vld.idx.msk [tilespmem:v49+s10+$0x0], $0xffff  }
0x2bb: {  	[tilespmem:s12+$0xC230] =	vst v56;
	v39 =	vadd.f32 v57, v23  }
0x2bc: {  	v45 =	vadd.s32 v5, v18;
	v34 =	vmul.f32 $8.000000000e+00, v60;
	[tilespmem:s14+$0xFFFFFFC0] =	vst v36;
	v61 =	vld.idx.msk [tilespmem:v53+s10+$0x0], $0xffff  }
0x2bd: {  	v35 =	vmul.f32 $8.000000000e+00, v59;
	v63 =	vadd.s32 v5, v17;
	v36 =	vld.idx.msk [tilespmem:v55+s10+$0x0], $0xffff;
	[tilespmem:s0+$0xC230] =	vst v39  }
0x2be: {  	v49 =	vadd.f32 v34, v19;
	v39 =	vld.idx.msk [tilespmem:v58+s10+$0x0], $0xffff  }
0x2bf: {  	[tilespmem:s24+$0xC240] =	vst v33;
	v62 =	vadd.s32 v5, v16;
	v46 =	vadd.f32 v35, v15;
	v37 =	vmul.f32 $8.000000000e+00, v37  }
0x2c0: {  	v31 =	vld.idx.msk [tilespmem:v31+s10+$0x0], $0xffff;
	[tilespmem:s13+$0xFFFFFFD0] =	vst v49  }
0x2c1: {  	[tilespmem:s8+$0xC240] =	vst v46;
	v48 =	vadd.s32 v5, v21;
	v56 =	vld.idx.msk [tilespmem:v45+s10+$0x0], $0xffff;
	v44 =	vadd.f32 v37, v12;
	v47 =	vmul.f32 $8.000000000e+00, v61  }
0x2c2: {  	[tilespmem:s20+$0xFFFFFFD0] =	vst v32;
	v51 =	vadd.s32 v5, v24;
	v40 =	vld.idx.msk [tilespmem:v63+s10+$0x0], $0xffff;
	v50 =	vmul.f32 $8.000000000e+00, v36  }
0x2c3: {  	v30 =	vld.idx.msk [tilespmem:v30+s10+$0x0], $0xffff;
	v54 =	vadd.s32 v5, v27;
	[tilespmem:s3+$0xFFFFFFD0] =	vst v44;
	v52 =	vadd.f32 v47, v20;
	v53 =	vmul.f32 $8.000000000e+00, v39  }
0x2c4: {  	v55 =	vadd.f32 v50, v22;
	v38 =	vld.idx.msk [tilespmem:v62+s10+$0x0], $0xffff  }
0x2c5: {  	v31 =	vmul.f32 $8.000000000e+00, v31;
	v60 =	vadd.s32 v6, v13;
	[tilespmem:s12+$0xC240] =	vst v52;
	v57 =	vadd.f32 v53, v23  }
0x2c6: {  	v46 =	vadd.s32 v6, v18;
	v45 =	vmul.f32 $8.000000000e+00, v56;
	[tilespmem:s14+$0xFFFFFFD0] =	vst v55;
	v59 =	vld.idx.msk [tilespmem:v48+s10+$0x0], $0xffff  }
0x2c7: {  	v31 =	vadd.f32 v31, v10;
	v63 =	vadd.s32 v6, v17;
	v40 =	vmul.f32 $8.000000000e+00, v40;
	v36 =	vld.idx.msk [tilespmem:v51+s10+$0x0], $0xffff;
	[tilespmem:s0+$0xC240] =	vst v57  }
0x2c8: {  	v30 =	vmul.f32 $8.000000000e+00, v30;
	v49 =	vadd.f32 v45, v19;
	v58 =	vadd.s32 v6, v14;
	v39 =	vld.idx.msk [tilespmem:v54+s10+$0x0], $0xffff  }
0x2c9: {  	[tilespmem:s24+$0xC250] =	vst v31;
	v62 =	vadd.s32 v6, v16;
	v47 =	vadd.f32 v40, v15;
	v61 =	vmul.f32 $8.000000000e+00, v38  }
0x2ca: {  	v30 =	vadd.f32 v30, v11;
	v32 =	vld.idx.msk [tilespmem:v60+s10+$0x0], $0xffff;
	[tilespmem:s13+$0xFFFFFFE0] =	vst v49  }
0x2cb: {  	[tilespmem:s8+$0xC250] =	vst v47;
	v48 =	vadd.s32 v6, v21;
	v56 =	vld.idx.msk [tilespmem:v46+s10+$0x0], $0xffff;
	v44 =	vadd.f32 v61, v12;
	v37 =	vmul.f32 $8.000000000e+00, v59  }
0x2cc: {  	[tilespmem:s20+$0xFFFFFFE0] =	vst v30;
	v51 =	vadd.s32 v6, v24;
	v55 =	vld.idx.msk [tilespmem:v63+s10+$0x0], $0xffff;
	v50 =	vmul.f32 $8.000000000e+00, v36  }
0x2cd: {  	v35 =	vld.idx.msk [tilespmem:v58+s10+$0x0], $0xffff;
	[tilespmem:s3+$0xFFFFFFE0] =	vst v44;
	v52 =	vadd.f32 v37, v20;
	v54 =	vadd.s32 v6, v27;
	v53 =	vmul.f32 $8.000000000e+00, v39  }
0x2ce: {  	v33 =	vadd.f32 v50, v22;
	v38 =	vld.idx.msk [tilespmem:v62+s10+$0x0], $0xffff  }
0x2cf: {  	v28 =	vadd.f32 v28, v9;
	[tilespmem:s12+$0xC250] =	vst v52;
	v57 =	vadd.f32 v53, v23  }
0x2d0: {  	v29 =	vadd.f32 v29, v8;
	v41 =	vadd.s32 v7, v18;
	v31 =	vmul.f32 $8.000000000e+00, v56;
	[tilespmem:s14+$0xFFFFFFE0] =	vst v33;
	v59 =	vld.idx.msk [tilespmem:v48+s10+$0x0], $0xffff  }
0x2d1: {  	v60 =	vadd.s32 v7, v13;
	v32 =	vmul.f32 $8.000000000e+00, v32;
	v58 =	vadd.s32 v7, v14;
	v33 =	vld.idx.msk [tilespmem:v51+s10+$0x0], $0xffff;
	[tilespmem:s0+$0xC250] =	vst v57  }
0x2d2: {  	[tilespmem:s29+$0xC260] =	vst v29;
	v30 =	vmul.f32 $8.000000000e+00, v55;
	v45 =	vadd.f32 v31, v19;
	v35 =	vmul.f32 $8.000000000e+00, v35;
	v36 =	vld.idx.msk [tilespmem:v54+s10+$0x0], $0xffff  }
0x2d3: {  	[tilespmem:s28+$0xFFFFFFF0] =	vst v28;
	v25 =	vld.idx.msk [tilespmem:v25+s10+$0x0], $0xffff;
	v62 =	vmul.f32 $8.000000000e+00, v38;
	v38 =	vadd.f32 v32, v10;
	v39 =	vadd.s32 v7, v17  }
0x2d4: {  	v26 =	vld.idx.msk [tilespmem:v26+s10+$0x0], $0xffff;
	v63 =	vadd.s32 v7, v16;
	[tilespmem:s13+$0xFFFFFFF0] =	vst v45;
	v61 =	vadd.f32 v35, v11  }
0x2d5: {  	v44 =	vadd.s32 v7, v21;
	v42 =	vadd.f32 v30, v15;
	v18 =	vld.idx.msk [tilespmem:v41+s10+$0x0], $0xffff;
	[tilespmem:s24+$0xC260] =	vst v38;
	v43 =	vmul.f32 $8.000000000e+00, v59  }
0x2d6: {  	v47 =	vadd.s32 v7, v24;
	[tilespmem:s20+$0xFFFFFFF0] =	vst v61;
	v46 =	vmul.f32 $8.000000000e+00, v33;
	v40 =	vadd.f32 v62, v12;
	v13 =	vld.idx.msk [tilespmem:v60+s10+$0x0], $0xffff  }
0x2d7: {  	v27 =	vadd.s32 v7, v27;
	[tilespmem:s8+$0xC260] =	vst v42;
	v14 =	vld.idx.msk [tilespmem:v58+s10+$0x0], $0xffff;
	v48 =	vadd.f32 v43, v20;
	v49 =	vmul.f32 $8.000000000e+00, v36  }
0x2d8: {  	v25 =	vmul.f32 $8.000000000e+00, v25;
	v50 =	vadd.f32 v46, v22;
	[tilespmem:s3+$0xFFFFFFF0] =	vst v40;
	v17 =	vld.idx.msk [tilespmem:v39+s10+$0x0], $0xffff  }
0x2d9: {  	v26 =	vmul.f32 $8.000000000e+00, v26;
	v16 =	vld.idx.msk [tilespmem:v63+s10+$0x0], $0xffff;
	[tilespmem:s12+$0xC260] =	vst v48;
	v51 =	vadd.f32 v49, v23  }
0x2da: {  	v8 =	vadd.f32 v25, v8;
	v58 =	vmul.f32 $8.000000000e+00, v18;
	[tilespmem:s14+$0xFFFFFFF0] =	vst v50;
	v21 =	vld.idx.msk [tilespmem:v44+s10+$0x0], $0xffff  }
0x2db: {  	v52 =	vadd.f32 v26, v9;
	v24 =	vld.idx.msk [tilespmem:v47+s10+$0x0], $0xffff;
	v13 =	vmul.f32 $8.000000000e+00, v13;
	[tilespmem:s0+$0xC260] =	vst v51  }
0x2dc: {  	[tilespmem:s29+$0xC270] =	vst v8;
	v60 =	vadd.f32 v58, v19;
	v14 =	vmul.f32 $8.000000000e+00, v14;
	v55 =	vld.idx.msk [tilespmem:v27+s10+$0x0], $0xffff  }
0x2dd: {  	[tilespmem:s28+$0x0] =	vst v52;
	v8 =	vadd.f32 v13, v10;
	v56 =	vmul.f32 $8.000000000e+00, v17  }
0x2de: {  	[tilespmem:s13+$0x0] =	vst v60;
	v53 =	vadd.f32 v14, v11;
	v54 =	vmul.f32 $8.000000000e+00, v16  }
0x2df: {  	[tilespmem:s24+$0xC270] =	vst v8;
	v8 =	vadd.f32 v56, v15;
	v59 =	vmul.f32 $8.000000000e+00, v21  }
0x2e0: {  	[tilespmem:s20+$0x0] =	vst v53;
	v61 =	vmul.f32 $8.000000000e+00, v24;
	v57 =	vadd.f32 v54, v12  }
0x2e1: {  	[tilespmem:s8+$0xC270] =	vst v8;
	v8 =	vadd.f32 v59, v20;
	v62 =	vmul.f32 $8.000000000e+00, v55  }
.Ltmp11:
0x2e2: {  	s28 =	sshll.u32 s5, $0x7;
	v63 =	vadd.f32 v61, v22;
	[tilespmem:s3+$0x0] =	vst v57;
	(pc) =	sbr.rel @!p0 .LBB2_20-.Ltmp11, $4  }
0x2e3: {  	s3 =	sand.u32 $0xF00, s28;
	[tilespmem:s12+$0xC270] =	vst v8;
	v8 =	vadd.f32 v62, v23  }
0x2e4: {  	s29 =	sshll.u32 s15, $0xF;
	[tilespmem:s14+$0x0] =	vst v63;
	s3 =	sadd.s32 s2, s3  }
0x2e5: {  	s31 =	simm.s32 $0xC200;
	s30 =	sadd.s32 s29, s3;
	[tilespmem:s0+$0xC270] =	vst v8  }
0x2e6: {  	[hbm4b:s30+s11] =	stream.strided.scatter [tilespmem:s31], [sflag:$0xB], $0x2000, s16, s11, $0x38;
	[tilespmem:$0x15800] =	vst v63  }
0x2e7: {  	_ =	swait.ge [sflag:s1], $0x1000  }
.Ltmp12:
0x2e8: {  	[sflag:s1] =	ssyncset.done $0x0;
	(pc) =	sbr.rel .LBB2_31-.Ltmp12, $4  }
0x2e9: {  	[sflag:s1] =	ssyncadd.s32 $0xFFFFF000  }
0x2ea: {  	_ =	swait.ge [sflag:s1], $0x1000  }
0x2eb: {  	[sflag:s1] =	ssyncset.done $0x0  }
0x2ec: {  	[sflag:s1] =	ssyncadd.s32 $0xFFFFF000  }
.LBB2_20:
0x2ed: {  	s0 =	simm.s32 $0x2  }
0x2ee: {  	_ =	swait.ge [sflag:s0], $0x80  }
0x2ef: {  	[sflag:s0] =	ssyncset.done $0x0  }
0x2f0: {  	s24 =	simm.s32 $0x80;
	s3 =	simm.s32 $0x2200;
	[sflag:s0] =	ssyncadd.s32 $0xFFFFFF80  }
0x2f1: {  	[tilespmem:s3], [sflag:$0x6] =	stream.indirect.gather [hbm4b:s6+s21], $0x40, s24, s21, $0xb8;
	[tilespmem:$0x15800] =	vst v63  }
0x2f2: {  	s28 =	simm.s32 $0xC0;
	s29 =	simm.s32 $0x3200  }
0x2f3: {  	[tilespmem:s29], [sflag:$0x6] =	stream.indirect.gather [hbm4b:s6+s21], $0x40, s28, s21, $0xb8;
	[tilespmem:$0x15800] =	vst v63  }
0x2f4: {  	_ =	swait.ge [sflag:s1], $0x1000  }
0x2f5: {  	[sflag:s1] =	ssyncset.done $0x0;
	s30 =	rddreg [dreg:$0xb]  }
.Ltmp13:
0x2f6: {  	[sflag:s1] =	ssyncadd.s32 $0xFFFFF000;
	s0 =	sadd.s32 s23, s30;
	(pc) =	sbr.rel @p1 .LBB2_21-.Ltmp13, $4  }
0x2f7: {  	_ =	swait.ge [sflag:s1], $0x1000;
	s0 =	sshll.u32 s0, $0x4  }
0x2f8: {  	s31 =	simm.s32 $0x0;
	[sflag:s1] =	ssyncset.done $0x0;
	s0 =	sand.u32 $0xFFFFFF0, s0  }
0x2f9: {  	s5 =	simm.s32 $0x180;
	[sflag:s1] =	ssyncadd.s32 $0xFFFFF000;
	s0 =	sadd.s32 s4, s0  }
0x2fa: {  	[tilespmem:s5], [sflag:$0x4] =	stream.linear.gather [hbm4b:s0+s31], $0x80, $0x38;
	[tilespmem:$0x15800] =	vst v63  }
.LBB2_31:
0x2fb: {  	s0 =	simm.s32 $0xC  }
0x2fc: {  	_ =	swait.ge [sflag:s0], $0x2000  }
0x2fd: {  	[sflag:s0] =	ssyncset.done $0x0  }
0x2fe: {  	[sflag:s0] =	ssyncadd.s32 $0xFFFFE000  }
.LBB2_21:
0x2ff: {  	s12 =	simm.s32 $0x6270  }
0x300: {  	v8 =	vld [tilespmem:s12+$0xFFFFFFD0]  }
0x301: {  	v9 =	vld [tilespmem:s12+$0xFFFFFF90];
	_ =	sdelay $0x2  }
0x302: {  	s0 =	simm.s32 $0x10248  }
0x303: {  	[tilespmem:s0+$0x0] =	vst v8  }
0x304: {  	[tilespmem:s0+$0xFFFFFFB8] =	vst v9;
	v8 =	vld [tilespmem:s12+$0xFFFFFFE0]  }
0x305: {  	s5 =	simm.s32 $0x62F0;
	v9 =	vld [tilespmem:s12+$0xFFFFFFA0]  }
0x306: {  	v10 =	vld [tilespmem:s5+$0xFFFFFFD0]  }
0x307: {  	v11 =	vld [tilespmem:s5+$0xFFFFFF90];
	_ =	sdelay $0x1  }
0x308: {  	[tilespmem:s0+$0x10] =	vst v8  }
0x309: {  	s3 =	simm.s32 $0x102D8;
	[tilespmem:s0+$0xFFFFFFC8] =	vst v9;
	v8 =	vld [tilespmem:s12+$0xFFFFFFF0]  }
0x30a: {  	[tilespmem:s3+$0x0] =	vst v10;
	v9 =	vld [tilespmem:s12+$0xFFFFFFB0]  }
0x30b: {  	[tilespmem:s3+$0xFFFFFFB8] =	vst v11;
	v10 =	vld [tilespmem:s5+$0xFFFFFFE0]  }
0x30c: {  	s8 =	simm.s32 $0x6370;
	v11 =	vld [tilespmem:s5+$0xFFFFFFA0]  }
0x30d: {  	v12 =	vld [tilespmem:s8+$0xFFFFFFD0]  }
0x30e: {  	v13 =	vld [tilespmem:s8+$0xFFFFFF90];
	[tilespmem:s0+$0x20] =	vst v8  }
0x30f: {  	[tilespmem:s0+$0xFFFFFFD8] =	vst v9;
	v14 =	vld [tilespmem:s12+$0x0]  }
0x310: {  	[tilespmem:s3+$0x10] =	vst v10;
	v8 =	vld [tilespmem:s12+$0xFFFFFFC0]  }
0x311: {  	[tilespmem:s3+$0xFFFFFFC8] =	vst v11;
	v9 =	vld [tilespmem:s5+$0xFFFFFFF0];
	s12 =	simm.s32 $0x10368  }
0x312: {  	v10 =	vld [tilespmem:s5+$0xFFFFFFB0];
	[tilespmem:s12+$0x0] =	vst v12  }
0x313: {  	[tilespmem:s12+$0xFFFFFFB8] =	vst v13;
	v12 =	vld [tilespmem:s8+$0xFFFFFFE0]  }
0x314: {  	s13 =	simm.s32 $0x4;
	s14 =	simm.s32 $0x63F0;
	v11 =	vld [tilespmem:s8+$0xFFFFFFA0];
	[tilespmem:s0+$0x30] =	vst v14  }
.LBB2_22:
0x315: {  	v13 =	vld [tilespmem:s14+$0xFFFFFFD0];
	s13 =	sadd.s32 $0x2, s13;
	[tilespmem:s0+$0xFFFFFFE8] =	vst v8;
	s0 =	smov.u32 s3;
	s3 =	smov.u32 s12  }
0x316: {  	v14 =	vld [tilespmem:s14+$0xFFFFFF90];
	p0 =	slt.u32 s13, $0x7E;
	[tilespmem:s0+$0x20] =	vst v9  }
0x317: {  	[tilespmem:s0+$0xFFFFFFD8] =	vst v10;
	v15 =	vld [tilespmem:s5+$0x0]  }
.Ltmp14:
0x318: {  	[tilespmem:s12+$0x10] =	vst v12;
	v8 =	vld [tilespmem:s5+$0xFFFFFFC0];
	s5 =	smov.u32 s8;
	s8 =	smov.u32 s14;
	(pc) =	sbr.rel @p0 .LBB2_22-.Ltmp14, $4  }
0x319: {  	s12 =	sadd.s32 $0x90, s12;
	[tilespmem:s3+$0xFFFFFFC8] =	vst v11;
	v9 =	vld [tilespmem:s5+$0xFFFFFFF0]  }
0x31a: {  	[tilespmem:s12+$0x0] =	vst v13;
	v10 =	vld [tilespmem:s5+$0xFFFFFFB0]  }
0x31b: {  	[tilespmem:s12+$0xFFFFFFB8] =	vst v14;
	v12 =	vld [tilespmem:s14+$0xFFFFFFE0]  }
0x31c: {  	s14 =	sadd.s32 $0x80, s14;
	v11 =	vld [tilespmem:s8+$0xFFFFFFA0];
	[tilespmem:s0+$0x30] =	vst v15  }
0x31d: {  	_ =	sdelay $0x2  }
0x31e: {  	[tilespmem:s12+$0x10] =	vst v12  }
0x31f: {  	[tilespmem:s12+$0xFFFFFFC8] =	vst v11;
	v11 =	vld [tilespmem:s8+$0xFFFFFFF0]  }
0x320: {  	v12 =	vld [tilespmem:s8+$0xFFFFFFB0];
	_ =	sdelay $0x3  }
0x321: {  	[tilespmem:s12+$0x20] =	vst v11  }
0x322: {  	[tilespmem:s12+$0xFFFFFFD8] =	vst v12;
	v11 =	vld [tilespmem:s8+$0x0]  }
0x323: {  	v12 =	vld [tilespmem:s8+$0xFFFFFFC0];
	_ =	sdelay $0x1  }
0x324: {  	[tilespmem:s3+$0x20] =	vst v9  }
0x325: {  	[tilespmem:s3+$0xFFFFFFD8] =	vst v10  }
0x326: {  	v9 =	vld [tilespmem:s5+$0x0];
	[tilespmem:s12+$0x30] =	vst v11  }
0x327: {  	v10 =	vld [tilespmem:s5+$0xFFFFFFC0];
	[tilespmem:s12+$0xFFFFFFE8] =	vst v12;
	s12 =	simm.s32 $0x0  }
0x328: {  	[tilespmem:s0+$0xFFFFFFE8] =	vst v8;
	s5 =	sadd.s32 s7, s25;
	v8 =	vmov s12  }
0x329: {  	s15 =	sshrl.u32 s5, $0x5;
	v26 =	vand.u32 $0x3E, v8  }
0x32a: {  	s14 =	simm.s32 $0x1;
	s8 =	sshll.u32 s15, $0x6;
	v8 =	vadd.s32 v0, v26  }
0x32b: {  	[tilespmem:s3+$0x30] =	vst v9;
	v9 =	vmov s14;
	v23 =	vmov s8  }
0x32c: {  	[tilespmem:s3+$0xFFFFFFE8] =	vst v10;
	v25 =	vand.u32 $0x3F, v9;
	v10 =	vor.u32 v23, v26  }
0x32d: {  	v11 =	vadd.s32 v0, v25;
	_ =	sdelay $0x1  }
0x32e: {  	v12 =	vor.u32 v23, v25;
	v8 =	vld.idx.msk [tilespmem:v8+s10+$0x0], $0xffff;
	_ =	sdelay $0x1  }
0x32f: {  	v9 =	vld.idx.msk [tilespmem:v10+s17+$0x0], $0xffff  }
0x330: {  	v10 =	vld.idx.msk [tilespmem:v11+s10+$0x0], $0xffff;
	_ =	sdelay $0x1  }
0x331: {  	v11 =	vmul.f32 $8.000000000e+00, v8;
	v8 =	vld.idx.msk [tilespmem:v12+s17+$0x0], $0xffff;
	v12 =	vadd.s32 v1, v26;
	_ =	sdelay $0x1  }
0x332: {  	v11 =	vadd.f32 v11, v9  }
0x333: {  	s23 =	simm.s32 $0xE270;
	v13 =	vadd.s32 v1, v25;
	v10 =	vmul.f32 $8.000000000e+00, v10  }
0x334: {  	s13 =	simm.s32 $0x80;
	s18 =	simm.s32 $0x0;
	[tilespmem:s23+$0xFFFFFF90] =	vst v11  }
0x335: {  	s20 =	simm.s32 $0x2;
	s0 =	sand.u32 $0x380, s13;
	s3 =	sand.u32 $0x1C00, s18;
	v11 =	vld.idx.msk [tilespmem:v12+s10+$0x0], $0xffff;
	v10 =	vadd.f32 v10, v8  }
0x336: {  	s25 =	sor.u32 s0, s3;
	v12 =	vmov s20  }
0x337: {  	v14 =	vand.u32 $0x3E, v12;
	[tilespmem:s25+$0xE200] =	vst v10  }
0x338: {  	s24 =	simm.s32 $0x3;
	v10 =	vadd.s32 v0, v14;
	v12 =	vld.idx.msk [tilespmem:v13+s10+$0x0], $0xffff  }
0x339: {  	v15 =	vor.u32 v23, v14;
	v13 =	vmov s24  }
0x33a: {  	v16 =	vadd.s32 v2, v26;
	v13 =	vand.u32 $0x3F, v13;
	v11 =	vmul.f32 $8.000000000e+00, v11  }
0x33b: {  	v17 =	vadd.s32 v0, v13  }
0x33c: {  	v18 =	vor.u32 v23, v13;
	v19 =	vadd.f32 v11, v9  }
0x33d: {  	v20 =	vld.idx.msk [tilespmem:v10+s10+$0x0], $0xffff;
	v10 =	vmul.f32 $8.000000000e+00, v12;
	v12 =	vadd.s32 v2, v25  }
0x33e: {  	v11 =	vld.idx.msk [tilespmem:v15+s17+$0x0], $0xffff;
	[tilespmem:s23+$0xFFFFFFA0] =	vst v19  }
0x33f: {  	v15 =	vld.idx.msk [tilespmem:v16+s10+$0x0], $0xffff;
	v16 =	vadd.f32 v10, v8  }
0x340: {  	v17 =	vld.idx.msk [tilespmem:v17+s10+$0x0], $0xffff  }
0x341: {  	v10 =	vld.idx.msk [tilespmem:v18+s17+$0x0], $0xffff;
	[tilespmem:s25+$0xE210] =	vst v16  }
0x342: {  	v18 =	vadd.s32 v1, v14;
	v16 =	vmul.f32 $8.000000000e+00, v20;
	v12 =	vld.idx.msk [tilespmem:v12+s10+$0x0], $0xffff;
	_ =	sdelay $0x1  }
0x343: {  	v16 =	vadd.f32 v16, v11  }
0x344: {  	s20 =	simm.s32 $0xE370;
	v19 =	vadd.s32 v1, v13;
	v17 =	vmul.f32 $8.000000000e+00, v17  }
0x345: {  	s29 =	simm.s32 $0x180;
	s30 =	simm.s32 $0x100;
	v20 =	vadd.s32 v3, v26;
	v15 =	vmul.f32 $8.000000000e+00, v15;
	[tilespmem:s20+$0xFFFFFF90] =	vst v16  }
0x346: {  	s31 =	simm.s32 $0x4;
	s3 =	sand.u32 $0x1C00, s30;
	s0 =	sand.u32 $0x380, s29;
	v21 =	vadd.s32 v3, v25;
	v18 =	vld.idx.msk [tilespmem:v18+s10+$0x0], $0xffff;
	v17 =	vadd.f32 v17, v10;
	v12 =	vmul.f32 $8.000000000e+00, v12  }
0x347: {  	s24 =	sor.u32 s0, s3;
	v16 =	vmov s31;
	v15 =	vadd.f32 v15, v9  }
0x348: {  	v16 =	vand.u32 $0x3E, v16;
	[tilespmem:s24+$0xE200] =	vst v17;
	v12 =	vadd.f32 v12, v8  }
0x349: {  	s12 =	simm.s32 $0x5;
	v22 =	vadd.s32 v0, v16;
	[tilespmem:s23+$0xFFFFFFB0] =	vst v15;
	v19 =	vld.idx.msk [tilespmem:v19+s10+$0x0], $0xffff  }
0x34a: {  	v15 =	vor.u32 v23, v16;
	v20 =	vld.idx.msk [tilespmem:v20+s10+$0x0], $0xffff;
	[tilespmem:s25+$0xE220] =	vst v12;
	v12 =	vmov s12  }
0x34b: {  	v24 =	vadd.s32 v2, v14;
	v21 =	vld.idx.msk [tilespmem:v21+s10+$0x0], $0xffff;
	v17 =	vand.u32 $0x3F, v12;
	v12 =	vmul.f32 $8.000000000e+00, v18  }
0x34c: {  	v18 =	vadd.s32 v0, v17  }
0x34d: {  	v27 =	vor.u32 v23, v17;
	v28 =	vadd.f32 v12, v11  }
0x34e: {  	v29 =	vadd.s32 v2, v13;
	v22 =	vld.idx.msk [tilespmem:v22+s10+$0x0], $0xffff;
	v19 =	vmul.f32 $8.000000000e+00, v19  }
0x34f: {  	v12 =	vld.idx.msk [tilespmem:v15+s17+$0x0], $0xffff;
	v15 =	vmul.f32 $8.000000000e+00, v20;
	v20 =	vadd.s32 v4, v26;
	[tilespmem:s20+$0xFFFFFFA0] =	vst v28  }
0x350: {  	v19 =	vadd.f32 v19, v10;
	v28 =	vadd.s32 v4, v25;
	v24 =	vld.idx.msk [tilespmem:v24+s10+$0x0], $0xffff;
	v21 =	vmul.f32 $8.000000000e+00, v21  }
0x351: {  	v30 =	vld.idx.msk [tilespmem:v18+s10+$0x0], $0xffff;
	v18 =	vadd.f32 v15, v9  }
0x352: {  	v15 =	vld.idx.msk [tilespmem:v27+s17+$0x0], $0xffff;
	[tilespmem:s24+$0xE210] =	vst v19;
	v19 =	vadd.f32 v21, v8  }
0x353: {  	v21 =	vmul.f32 $8.000000000e+00, v22;
	v27 =	vld.idx.msk [tilespmem:v29+s10+$0x0], $0xffff;
	v29 =	vadd.s32 v1, v16;
	[tilespmem:s23+$0xFFFFFFC0] =	vst v18  }
0x354: {  	v20 =	vld.idx.msk [tilespmem:v20+s10+$0x0], $0xffff;
	[tilespmem:s25+$0xE230] =	vst v19  }
0x355: {  	v19 =	vadd.f32 v21, v12;
	v21 =	vld.idx.msk [tilespmem:v28+s10+$0x0], $0xffff  }
0x356: {  	v32 =	vadd.s32 v5, v26;
	s3 =	simm.s32 $0xE470;
	v28 =	vmul.f32 $8.000000000e+00, v30;
	v30 =	vadd.s32 v1, v17  }
0x357: {  	s13 =	simm.s32 $0x6;
	s14 =	simm.s32 $0x280;
	s18 =	simm.s32 $0x200;
	v31 =	vadd.s32 v3, v13;
	[tilespmem:s3+$0xFFFFFF90] =	vst v19;
	v19 =	vmul.f32 $8.000000000e+00, v24;
	v24 =	vadd.s32 v3, v14  }
0x358: {  	s8 =	sand.u32 $0x1C00, s18;
	s0 =	sand.u32 $0x380, s14;
	v22 =	vmov s13;
	v29 =	vld.idx.msk [tilespmem:v29+s10+$0x0], $0xffff;
	v27 =	vmul.f32 $8.000000000e+00, v27;
	v28 =	vadd.f32 v28, v15  }
0x359: {  	s8 =	sor.u32 s0, s8;
	v18 =	vand.u32 $0x3E, v22;
	v19 =	vadd.f32 v19, v11;
	v20 =	vmul.f32 $8.000000000e+00, v20  }
0x35a: {  	v27 =	vadd.f32 v27, v10;
	[tilespmem:s8+$0xE200] =	vst v28;
	v21 =	vmul.f32 $8.000000000e+00, v21;
	v28 =	vadd.s32 v5, v25  }
0x35b: {  	s29 =	simm.s32 $0x7;
	v22 =	vadd.s32 v0, v18;
	[tilespmem:s20+$0xFFFFFFB0] =	vst v19;
	v30 =	vld.idx.msk [tilespmem:v30+s10+$0x0], $0xffff;
	v19 =	vadd.f32 v20, v9  }
0x35c: {  	v20 =	vor.u32 v23, v18;
	v24 =	vld.idx.msk [tilespmem:v24+s10+$0x0], $0xffff;
	[tilespmem:s24+$0xE220] =	vst v27;
	v27 =	vadd.f32 v21, v8;
	v21 =	vmov s29  }
0x35d: {  	v33 =	vadd.s32 v2, v16;
	v31 =	vld.idx.msk [tilespmem:v31+s10+$0x0], $0xffff;
	[tilespmem:s23+$0xFFFFFFD0] =	vst v19;
	v21 =	vand.u32 $0x3F, v21;
	v19 =	vmul.f32 $8.000000000e+00, v29  }
0x35e: {  	v29 =	vld.idx.msk [tilespmem:v32+s10+$0x0], $0xffff;
	[tilespmem:s25+$0xE240] =	vst v27;
	v27 =	vadd.s32 v0, v21  }
0x35f: {  	v58 =	vor.u32 v23, v21;
	v28 =	vld.idx.msk [tilespmem:v28+s10+$0x0], $0xffff;
	v34 =	vadd.f32 v19, v12  }
0x360: {  	s30 =	simm.s32 $0x8;
	v60 =	vadd.s32 v6, v25;
	v35 =	vadd.s32 v2, v17;
	v22 =	vld.idx.msk [tilespmem:v22+s10+$0x0], $0xffff;
	v30 =	vmul.f32 $8.000000000e+00, v30  }
0x361: {  	v36 =	vmov s30;
	v59 =	vadd.s32 v4, v14;
	v19 =	vld.idx.msk [tilespmem:v20+s17+$0x0], $0xffff;
	v20 =	vmul.f32 $8.000000000e+00, v24;
	[tilespmem:s3+$0xFFFFFFA0] =	vst v34  }
0x362: {  	v33 =	vld.idx.msk [tilespmem:v33+s10+$0x0], $0xffff;
	v24 =	vadd.f32 v30, v15;
	v30 =	vmul.f32 $8.000000000e+00, v31;
	v31 =	vadd.s32 v4, v13  }
0x363: {  	v38 =	vadd.s32 v6, v26;
	v37 =	vadd.f32 v20, v11;
	v27 =	vld.idx.msk [tilespmem:v27+s10+$0x0], $0xffff;
	v29 =	vmul.f32 $8.000000000e+00, v29  }
0x364: {  	v61 =	vadd.s32 v1, v18;
	v20 =	vld.idx.msk [tilespmem:v58+s17+$0x0], $0xffff;
	[tilespmem:s8+$0xE210] =	vst v24;
	v30 =	vadd.f32 v30, v10;
	v28 =	vmul.f32 $8.000000000e+00, v28  }
0x365: {  	v22 =	vmul.f32 $8.000000000e+00, v22;
	v24 =	vand.u32 $0x3E, v36;
	[tilespmem:s20+$0xFFFFFFC0] =	vst v37;
	v35 =	vld.idx.msk [tilespmem:v35+s10+$0x0], $0xffff;
	v29 =	vadd.f32 v29, v9  }
0x366: {  	v37 =	vld.idx.msk [tilespmem:v59+s10+$0x0], $0xffff;
	[tilespmem:s24+$0xE230] =	vst v30;
	v28 =	vadd.f32 v28, v8;
	v30 =	vor.u32 v23, v24  }
0x367: {  	v22 =	vadd.f32 v22, v19;
	v31 =	vld.idx.msk [tilespmem:v31+s10+$0x0], $0xffff;
	[tilespmem:s23+$0xFFFFFFE0] =	vst v29;
	v29 =	vadd.s32 v0, v24  }
0x368: {  	s28 =	simm.s32 $0xE570;
	v39 =	vld.idx.msk [tilespmem:v38+s10+$0x0], $0xffff;
	[tilespmem:s25+$0xE250] =	vst v28;
	v27 =	vmul.f32 $8.000000000e+00, v27;
	v28 =	vadd.s32 v1, v21  }
0x369: {  	s0 =	simm.s32 $0x380;
	s31 =	simm.s32 $0x300;
	v63 =	vadd.s32 v3, v16;
	[tilespmem:s28+$0xFFFFFF90] =	vst v22;
	v62 =	vmul.f32 $8.000000000e+00, v33;
	v40 =	vld.idx.msk [tilespmem:v60+s10+$0x0], $0xffff  }
0x36a: {  	s12 =	sand.u32 $0x1C00, s31;
	s13 =	sand.u32 $0x380, s0;
	v34 =	vadd.s32 v3, v17;
	v36 =	vld.idx.msk [tilespmem:v61+s10+$0x0], $0xffff;
	v27 =	vadd.f32 v27, v20;
	v35 =	vmul.f32 $8.000000000e+00, v35  }
0x36b: {  	s12 =	sor.u32 s13, s12;
	v32 =	vadd.f32 v62, v12;
	v41 =	vmul.f32 $8.000000000e+00, v37;
	v22 =	vld.idx.msk [tilespmem:v30+s17+$0x0], $0xffff;
	v30 =	vadd.s32 v5, v14  }
0x36c: {  	v38 =	vld.idx.msk [tilespmem:v29+s10+$0x0], $0xffff;
	[tilespmem:s12+$0xE200] =	vst v27;
	v27 =	vadd.f32 v35, v15;
	v29 =	vmul.f32 $8.000000000e+00, v31;
	v31 =	vadd.s32 v5, v13  }
0x36d: {  	v26 =	vadd.s32 v7, v26;
	[tilespmem:s3+$0xFFFFFFB0] =	vst v32;
	v32 =	vadd.f32 v41, v11;
	v37 =	vld.idx.msk [tilespmem:v28+s10+$0x0], $0xffff;
	v28 =	vmul.f32 $8.000000000e+00, v39  }
0x36e: {  	s18 =	simm.s32 $0x9;
	s14 =	simm.s32 $0xA;
	s13 =	simm.s32 $0xE570;
	v25 =	vadd.s32 v7, v25;
	v35 =	vld.idx.msk [tilespmem:v63+s10+$0x0], $0xffff;
	[tilespmem:s8+$0xE220] =	vst v27;
	v33 =	vadd.f32 v29, v10;
	v29 =	vmul.f32 $8.000000000e+00, v40  }
.LBB2_24:
0x36f: {  	p0 =	slt.u32 s14, $0x3E;
	v41 =	vmov s18;
	v40 =	vadd.s32 v2, v18;
	v34 =	vld.idx.msk [tilespmem:v34+s10+$0x0], $0xffff;
	[tilespmem:s20+$0xFFFFFFD0] =	vst v32;
	v28 =	vadd.f32 v28, v9;
	v27 =	vmovc v13  }
0x370: {  	v36 =	vmul.f32 $8.000000000e+00, v36;
	v13 =	vmovc v17;
	v32 =	vand.u32 $0x3F, v41;
	v30 =	vld.idx.msk [tilespmem:v30+s10+$0x0], $0xffff;
	[tilespmem:s24+$0xE240] =	vst v33;
	v29 =	vadd.f32 v29, v8  }
0x371: {  	v17 =	vmovc v21;
	v39 =	vmov v14;
	v33 =	vadd.s32 v0, v32;
	v31 =	vld.idx.msk [tilespmem:v31+s10+$0x0], $0xffff;
	[tilespmem:s23+$0xFFFFFFF0] =	vst v28;
	v21 =	vmov v32  }
0x372: {  	v28 =	vmul.f32 $8.000000000e+00, v38;
	v36 =	vadd.f32 v36, v19;
	v32 =	vor.u32 v23, v21;
	v26 =	vld.idx.msk [tilespmem:v26+s10+$0x0], $0xffff;
	[tilespmem:s25+$0xE260] =	vst v29  }
0x373: {  	v14 =	vmovc v16;
	v16 =	vmovc v18;
	v38 =	vadd.s32 v2, v17;
	v29 =	vmov s14;
	v37 =	vmul.f32 $8.000000000e+00, v37;
	v25 =	vld.idx.msk [tilespmem:v25+s10+$0x0], $0xffff  }
0x374: {  	v18 =	vmovc v24;
	v28 =	vadd.f32 v28, v22;
	v35 =	vmul.f32 $8.000000000e+00, v35;
	[tilespmem:s28+$0xFFFFFFA0] =	vst v36;
	v36 =	vadd.s32 v4, v14  }
0x375: {  	v24 =	vadd.f32 v37, v20;
	s28 =	sadd.s32 $0x100, s28;
	v34 =	vmul.f32 $8.000000000e+00, v34;
	v37 =	vadd.s32 v4, v13;
	v40 =	vld.idx.msk [tilespmem:v40+s10+$0x0], $0xffff  }
0x376: {  	v30 =	vmul.f32 $8.000000000e+00, v30;
	[tilespmem:s28+$0xFFFFFF90] =	vst v28;
	v28 =	vld.idx.msk [tilespmem:v33+s10+$0x0], $0xffff;
	v33 =	vadd.f32 v35, v12;
	v35 =	vadd.s32 v6, v39  }
0x377: {  	v41 =	vadd.s32 v6, v27;
	v34 =	vadd.f32 v34, v15;
	v31 =	vmul.f32 $8.000000000e+00, v31;
	v32 =	vld.idx.msk [tilespmem:v32+s17+$0x0], $0xffff;
	[tilespmem:s12+$0xE210] =	vst v24  }
0x378: {  	v24 =	vand.u32 $0x3E, v29;
	v30 =	vadd.f32 v30, v11;
	v26 =	vmul.f32 $8.000000000e+00, v26;
	v29 =	vld.idx.msk [tilespmem:v38+s10+$0x0], $0xffff;
	[tilespmem:s3+$0xFFFFFFC0] =	vst v33  }
0x379: {  	v33 =	vadd.s32 v1, v18;
	v31 =	vadd.f32 v31, v10;
	v25 =	vmul.f32 $8.000000000e+00, v25;
	v38 =	vld.idx.msk [tilespmem:v36+s10+$0x0], $0xffff;
	[tilespmem:s8+$0xE230] =	vst v34  }
0x37a: {  	v42 =	vor.u32 v23, v24;
	v26 =	vadd.f32 v26, v9;
	v9 =	vmov v11;
	v37 =	vld.idx.msk [tilespmem:v37+s10+$0x0], $0xffff;
	[tilespmem:s20+$0xFFFFFFE0] =	vst v30  }
0x37b: {  	v43 =	vadd.s32 v0, v24;
	v30 =	vadd.f32 v25, v8;
	v8 =	vmov v10;
	v35 =	vld.idx.msk [tilespmem:v35+s10+$0x0], $0xffff;
	[tilespmem:s24+$0xE250] =	vst v31  }
0x37c: {  	s0 =	sadd.s32 $0x100, s0;
	v10 =	vmovc v15;
	v15 =	vmov v20;
	v25 =	vmul.f32 $8.000000000e+00, v28;
	v28 =	vadd.s32 v1, v21;
	v41 =	vld.idx.msk [tilespmem:v41+s10+$0x0], $0xffff;
	[tilespmem:s23+$0x0] =	vst v26;
	s23 =	smov.u32 s20;
	s20 =	smov.u32 s3  }
0x37d: {  	s18 =	sadd.s32 $0xFFFFFF80, s0;
	v11 =	vmovc v12;
	v12 =	vmovc v19;
	v26 =	vmul.f32 $8.000000000e+00, v40;
	v40 =	vadd.s32 v3, v16;
	v20 =	vmov v32;
	s3 =	smov.u32 s13;
	s13 =	smov.u32 s28;
	[tilespmem:s25+$0xE270] =	vst v30  }
.Ltmp15:
0x37e: {  	s18 =	sand.u32 $0x1C00, s18;
	v34 =	vadd.s32 v3, v17;
	v19 =	vmovc v22;
	v25 =	vadd.f32 v25, v20;
	s25 =	sand.u32 $0x380, s0;
	v29 =	vmul.f32 $8.000000000e+00, v29;
	v36 =	vld.idx.msk [tilespmem:v33+s10+$0x0], $0xffff;
	(pc) =	sbr.rel @p0 .LBB2_24-.Ltmp15, $4  }
0x37f: {  	v30 =	vadd.s32 v5, v14;
	s18 =	sor.u32 s25, s18;
	v26 =	vadd.f32 v26, v12;
	v32 =	vmul.f32 $8.000000000e+00, v38;
	s25 =	smov.u32 s24;
	s24 =	smov.u32 s8;
	v22 =	vld.idx.msk [tilespmem:v42+s17+$0x0], $0xffff  }
0x380: {  	v31 =	vadd.s32 v5, v13;
	s8 =	smov.u32 s12;
	s12 =	smov.u32 s18;
	v38 =	vld.idx.msk [tilespmem:v43+s10+$0x0], $0xffff;
	[tilespmem:s18+$0xE200] =	vst v25;
	v25 =	vadd.f32 v29, v15;
	v29 =	vmul.f32 $8.000000000e+00, v37  }
0x381: {  	v32 =	vadd.f32 v32, v11;
	v37 =	vld.idx.msk [tilespmem:v28+s10+$0x0], $0xffff;
	[tilespmem:s3+$0xFFFFFFB0] =	vst v26;
	v28 =	vmul.f32 $8.000000000e+00, v35;
	v26 =	vadd.s32 v7, v39  }
0x382: {  	s18 =	sadd.s32 $0x1, s14;
	s14 =	sadd.s32 $0x2, s14;
	v35 =	vld.idx.msk [tilespmem:v40+s10+$0x0], $0xffff;
	[tilespmem:s8+$0xE220] =	vst v25;
	v33 =	vadd.f32 v29, v10;
	v29 =	vmul.f32 $8.000000000e+00, v41;
	v25 =	vadd.s32 v7, v27  }
0x383: {  	v27 =	vmov s18  }
0x384: {  	v27 =	vand.u32 $0x3F, v27  }
0x385: {  	v39 =	vadd.s32 v0, v27;
	_ =	sdelay $0x1  }
0x386: {  	v23 =	vor.u32 v23, v27;
	_ =	sdelay $0x2  }
0x387: {  	v39 =	vld.idx.msk [tilespmem:v39+s10+$0x0], $0xffff;
	_ =	sdelay $0x1  }
0x388: {  	v23 =	vld.idx.msk [tilespmem:v23+s17+$0x0], $0xffff;
	_ =	sdelay $0x1  }
0x389: {  	v40 =	vadd.s32 v1, v24;
	v38 =	vmul.f32 $8.000000000e+00, v38  }
0x38a: {  	s0 =	sadd.s32 $0x100, s0;
	v41 =	vadd.s32 v1, v27;
	v39 =	vmul.f32 $8.000000000e+00, v39  }
0x38b: {  	s31 =	sadd.s32 $0xFFFFFF80, s0;
	v38 =	vadd.f32 v38, v22  }
0x38c: {  	s14 =	sadd.s32 $0x100, s28;
	s0 =	sand.u32 $0x380, s0;
	s18 =	sand.u32 $0x1C00, s31;
	v39 =	vadd.f32 v39, v23  }
0x38d: {  	v59 =	vadd.s32 v2, v18;
	v36 =	vmul.f32 $8.000000000e+00, v36;
	s0 =	sor.u32 s0, s18;
	[tilespmem:s14+$0xFFFFFF90] =	vst v38  }
0x38e: {  	v38 =	vld.idx.msk [tilespmem:v40+s10+$0x0], $0xffff;
	[tilespmem:s0+$0xE200] =	vst v39  }
0x38f: {  	v36 =	vadd.f32 v36, v19;
	v39 =	vld.idx.msk [tilespmem:v41+s10+$0x0], $0xffff;
	_ =	sdelay $0x1  }
0x390: {  	[tilespmem:s28+$0xFFFFFFA0] =	vst v36  }
0x391: {  	v60 =	vadd.s32 v2, v21;
	v37 =	vmul.f32 $8.000000000e+00, v37;
	v62 =	vld.idx.msk [tilespmem:v59+s10+$0x0], $0xffff  }
0x392: {  	v42 =	vadd.s32 v2, v24;
	v38 =	vmul.f32 $8.000000000e+00, v38  }
0x393: {  	v43 =	vadd.s32 v2, v27;
	v37 =	vadd.f32 v37, v20;
	v39 =	vmul.f32 $8.000000000e+00, v39  }
0x394: {  	v61 =	vadd.f32 v38, v22  }
0x395: {  	[tilespmem:s12+$0xE210] =	vst v37;
	v63 =	vadd.f32 v39, v23  }
0x396: {  	v45 =	vadd.s32 v3, v18;
	v44 =	vld.idx.msk [tilespmem:v60+s10+$0x0], $0xffff;
	v38 =	vmul.f32 $8.000000000e+00, v62;
	[tilespmem:s14+$0xFFFFFFA0] =	vst v61  }
0x397: {  	v36 =	vld.idx.msk [tilespmem:v42+s10+$0x0], $0xffff;
	[tilespmem:s0+$0xE210] =	vst v63  }
0x398: {  	v38 =	vadd.f32 v38, v19;
	v37 =	vld.idx.msk [tilespmem:v43+s10+$0x0], $0xffff;
	_ =	sdelay $0x1  }
0x399: {  	[tilespmem:s13+$0xFFFFFFB0] =	vst v38  }
0x39a: {  	v46 =	vadd.s32 v3, v21;
	v38 =	vld.idx.msk [tilespmem:v45+s10+$0x0], $0xffff;
	v39 =	vmul.f32 $8.000000000e+00, v44  }
0x39b: {  	v47 =	vadd.s32 v3, v24;
	v34 =	vld.idx.msk [tilespmem:v34+s10+$0x0], $0xffff;
	v36 =	vmul.f32 $8.000000000e+00, v36  }
0x39c: {  	v48 =	vadd.s32 v3, v27;
	v39 =	vadd.f32 v39, v20;
	v37 =	vmul.f32 $8.000000000e+00, v37  }
0x39d: {  	v36 =	vadd.f32 v36, v22  }
0x39e: {  	[tilespmem:s12+$0xE220] =	vst v39;
	v37 =	vadd.f32 v37, v23  }
0x39f: {  	v52 =	vadd.s32 v4, v18;
	v38 =	vmul.f32 $8.000000000e+00, v38;
	[tilespmem:s14+$0xFFFFFFB0] =	vst v36;
	v39 =	vld.idx.msk [tilespmem:v46+s10+$0x0], $0xffff  }
0x3a0: {  	v51 =	vadd.s32 v4, v17;
	v34 =	vmul.f32 $8.000000000e+00, v34;
	v36 =	vld.idx.msk [tilespmem:v47+s10+$0x0], $0xffff;
	[tilespmem:s0+$0xE220] =	vst v37  }
0x3a1: {  	v54 =	vadd.f32 v38, v19;
	v50 =	vld.idx.msk [tilespmem:v48+s10+$0x0], $0xffff  }
0x3a2: {  	v49 =	vadd.s32 v4, v16;
	v35 =	vmul.f32 $8.000000000e+00, v35;
	v34 =	vadd.f32 v34, v15  }
0x3a3: {  	[tilespmem:s13+$0xFFFFFFC0] =	vst v54  }
0x3a4: {  	v53 =	vadd.s32 v4, v21;
	v35 =	vadd.f32 v35, v12;
	[tilespmem:s8+$0xE230] =	vst v34;
	v60 =	vld.idx.msk [tilespmem:v52+s10+$0x0], $0xffff;
	v39 =	vmul.f32 $8.000000000e+00, v39  }
0x3a5: {  	v55 =	vadd.s32 v4, v24;
	v59 =	vld.idx.msk [tilespmem:v51+s10+$0x0], $0xffff;
	v36 =	vmul.f32 $8.000000000e+00, v36  }
0x3a6: {  	v58 =	vadd.s32 v4, v27;
	[tilespmem:s3+$0xFFFFFFC0] =	vst v35;
	v56 =	vadd.f32 v39, v20;
	v57 =	vmul.f32 $8.000000000e+00, v50  }
0x3a7: {  	v36 =	vadd.f32 v36, v22;
	v37 =	vld.idx.msk [tilespmem:v49+s10+$0x0], $0xffff  }
0x3a8: {  	[tilespmem:s12+$0xE230] =	vst v56;
	v39 =	vadd.f32 v57, v23  }
0x3a9: {  	v45 =	vadd.s32 v5, v18;
	v34 =	vmul.f32 $8.000000000e+00, v60;
	[tilespmem:s14+$0xFFFFFFC0] =	vst v36;
	v61 =	vld.idx.msk [tilespmem:v53+s10+$0x0], $0xffff  }
0x3aa: {  	v35 =	vmul.f32 $8.000000000e+00, v59;
	v63 =	vadd.s32 v5, v17;
	v36 =	vld.idx.msk [tilespmem:v55+s10+$0x0], $0xffff;
	[tilespmem:s0+$0xE230] =	vst v39  }
0x3ab: {  	v49 =	vadd.f32 v34, v19;
	v39 =	vld.idx.msk [tilespmem:v58+s10+$0x0], $0xffff  }
0x3ac: {  	[tilespmem:s24+$0xE240] =	vst v33;
	v62 =	vadd.s32 v5, v16;
	v46 =	vadd.f32 v35, v15;
	v37 =	vmul.f32 $8.000000000e+00, v37  }
0x3ad: {  	v31 =	vld.idx.msk [tilespmem:v31+s10+$0x0], $0xffff;
	[tilespmem:s13+$0xFFFFFFD0] =	vst v49  }
0x3ae: {  	[tilespmem:s8+$0xE240] =	vst v46;
	v48 =	vadd.s32 v5, v21;
	v56 =	vld.idx.msk [tilespmem:v45+s10+$0x0], $0xffff;
	v44 =	vadd.f32 v37, v12;
	v47 =	vmul.f32 $8.000000000e+00, v61  }
0x3af: {  	[tilespmem:s20+$0xFFFFFFD0] =	vst v32;
	v51 =	vadd.s32 v5, v24;
	v40 =	vld.idx.msk [tilespmem:v63+s10+$0x0], $0xffff;
	v50 =	vmul.f32 $8.000000000e+00, v36  }
0x3b0: {  	v30 =	vld.idx.msk [tilespmem:v30+s10+$0x0], $0xffff;
	v54 =	vadd.s32 v5, v27;
	[tilespmem:s3+$0xFFFFFFD0] =	vst v44;
	v52 =	vadd.f32 v47, v20;
	v53 =	vmul.f32 $8.000000000e+00, v39  }
0x3b1: {  	v55 =	vadd.f32 v50, v22;
	v38 =	vld.idx.msk [tilespmem:v62+s10+$0x0], $0xffff  }
0x3b2: {  	v31 =	vmul.f32 $8.000000000e+00, v31;
	v60 =	vadd.s32 v6, v13;
	[tilespmem:s12+$0xE240] =	vst v52;
	v57 =	vadd.f32 v53, v23  }
0x3b3: {  	v46 =	vadd.s32 v6, v18;
	v45 =	vmul.f32 $8.000000000e+00, v56;
	[tilespmem:s14+$0xFFFFFFD0] =	vst v55;
	v59 =	vld.idx.msk [tilespmem:v48+s10+$0x0], $0xffff  }
0x3b4: {  	v31 =	vadd.f32 v31, v10;
	v63 =	vadd.s32 v6, v17;
	v40 =	vmul.f32 $8.000000000e+00, v40;
	v36 =	vld.idx.msk [tilespmem:v51+s10+$0x0], $0xffff;
	[tilespmem:s0+$0xE240] =	vst v57  }
0x3b5: {  	v30 =	vmul.f32 $8.000000000e+00, v30;
	v49 =	vadd.f32 v45, v19;
	v58 =	vadd.s32 v6, v14;
	v39 =	vld.idx.msk [tilespmem:v54+s10+$0x0], $0xffff  }
0x3b6: {  	[tilespmem:s24+$0xE250] =	vst v31;
	v62 =	vadd.s32 v6, v16;
	v47 =	vadd.f32 v40, v15;
	v61 =	vmul.f32 $8.000000000e+00, v38  }
0x3b7: {  	v30 =	vadd.f32 v30, v11;
	v32 =	vld.idx.msk [tilespmem:v60+s10+$0x0], $0xffff;
	[tilespmem:s13+$0xFFFFFFE0] =	vst v49  }
0x3b8: {  	[tilespmem:s8+$0xE250] =	vst v47;
	v48 =	vadd.s32 v6, v21;
	v56 =	vld.idx.msk [tilespmem:v46+s10+$0x0], $0xffff;
	v44 =	vadd.f32 v61, v12;
	v37 =	vmul.f32 $8.000000000e+00, v59  }
0x3b9: {  	[tilespmem:s20+$0xFFFFFFE0] =	vst v30;
	v51 =	vadd.s32 v6, v24;
	v55 =	vld.idx.msk [tilespmem:v63+s10+$0x0], $0xffff;
	v50 =	vmul.f32 $8.000000000e+00, v36  }
0x3ba: {  	v35 =	vld.idx.msk [tilespmem:v58+s10+$0x0], $0xffff;
	[tilespmem:s3+$0xFFFFFFE0] =	vst v44;
	v52 =	vadd.f32 v37, v20;
	v54 =	vadd.s32 v6, v27;
	v53 =	vmul.f32 $8.000000000e+00, v39  }
0x3bb: {  	v33 =	vadd.f32 v50, v22;
	v38 =	vld.idx.msk [tilespmem:v62+s10+$0x0], $0xffff  }
0x3bc: {  	v28 =	vadd.f32 v28, v9;
	[tilespmem:s12+$0xE250] =	vst v52;
	v57 =	vadd.f32 v53, v23  }
0x3bd: {  	v29 =	vadd.f32 v29, v8;
	v41 =	vadd.s32 v7, v18;
	v31 =	vmul.f32 $8.000000000e+00, v56;
	[tilespmem:s14+$0xFFFFFFE0] =	vst v33;
	v59 =	vld.idx.msk [tilespmem:v48+s10+$0x0], $0xffff  }
0x3be: {  	v60 =	vadd.s32 v7, v13;
	v32 =	vmul.f32 $8.000000000e+00, v32;
	v58 =	vadd.s32 v7, v14;
	v33 =	vld.idx.msk [tilespmem:v51+s10+$0x0], $0xffff;
	[tilespmem:s0+$0xE250] =	vst v57  }
0x3bf: {  	[tilespmem:s25+$0xE260] =	vst v29;
	v30 =	vmul.f32 $8.000000000e+00, v55;
	v45 =	vadd.f32 v31, v19;
	v35 =	vmul.f32 $8.000000000e+00, v35;
	v36 =	vld.idx.msk [tilespmem:v54+s10+$0x0], $0xffff  }
0x3c0: {  	[tilespmem:s23+$0xFFFFFFF0] =	vst v28;
	v25 =	vld.idx.msk [tilespmem:v25+s10+$0x0], $0xffff;
	v62 =	vmul.f32 $8.000000000e+00, v38;
	v38 =	vadd.f32 v32, v10;
	v39 =	vadd.s32 v7, v17  }
0x3c1: {  	v26 =	vld.idx.msk [tilespmem:v26+s10+$0x0], $0xffff;
	v63 =	vadd.s32 v7, v16;
	[tilespmem:s13+$0xFFFFFFF0] =	vst v45;
	v61 =	vadd.f32 v35, v11  }
0x3c2: {  	v44 =	vadd.s32 v7, v21;
	v42 =	vadd.f32 v30, v15;
	v18 =	vld.idx.msk [tilespmem:v41+s10+$0x0], $0xffff;
	[tilespmem:s24+$0xE260] =	vst v38;
	v43 =	vmul.f32 $8.000000000e+00, v59  }
0x3c3: {  	v47 =	vadd.s32 v7, v24;
	[tilespmem:s20+$0xFFFFFFF0] =	vst v61;
	v46 =	vmul.f32 $8.000000000e+00, v33;
	v40 =	vadd.f32 v62, v12;
	v13 =	vld.idx.msk [tilespmem:v60+s10+$0x0], $0xffff  }
0x3c4: {  	v27 =	vadd.s32 v7, v27;
	[tilespmem:s8+$0xE260] =	vst v42;
	v14 =	vld.idx.msk [tilespmem:v58+s10+$0x0], $0xffff;
	v48 =	vadd.f32 v43, v20;
	v49 =	vmul.f32 $8.000000000e+00, v36  }
0x3c5: {  	v25 =	vmul.f32 $8.000000000e+00, v25;
	v50 =	vadd.f32 v46, v22;
	[tilespmem:s3+$0xFFFFFFF0] =	vst v40;
	v17 =	vld.idx.msk [tilespmem:v39+s10+$0x0], $0xffff  }
0x3c6: {  	v26 =	vmul.f32 $8.000000000e+00, v26;
	v16 =	vld.idx.msk [tilespmem:v63+s10+$0x0], $0xffff;
	[tilespmem:s12+$0xE260] =	vst v48;
	v51 =	vadd.f32 v49, v23  }
0x3c7: {  	v8 =	vadd.f32 v25, v8;
	v58 =	vmul.f32 $8.000000000e+00, v18;
	[tilespmem:s14+$0xFFFFFFF0] =	vst v50;
	v21 =	vld.idx.msk [tilespmem:v44+s10+$0x0], $0xffff  }
0x3c8: {  	v52 =	vadd.f32 v26, v9;
	v24 =	vld.idx.msk [tilespmem:v47+s10+$0x0], $0xffff;
	v13 =	vmul.f32 $8.000000000e+00, v13;
	[tilespmem:s0+$0xE260] =	vst v51  }
0x3c9: {  	[tilespmem:s25+$0xE270] =	vst v8;
	v60 =	vadd.f32 v58, v19;
	v14 =	vmul.f32 $8.000000000e+00, v14;
	v55 =	vld.idx.msk [tilespmem:v27+s10+$0x0], $0xffff  }
0x3ca: {  	[tilespmem:s23+$0x0] =	vst v52;
	v8 =	vadd.f32 v13, v10;
	v56 =	vmul.f32 $8.000000000e+00, v17  }
0x3cb: {  	[tilespmem:s13+$0x0] =	vst v60;
	v53 =	vadd.f32 v14, v11;
	v54 =	vmul.f32 $8.000000000e+00, v16  }
0x3cc: {  	[tilespmem:s24+$0xE270] =	vst v8;
	v8 =	vadd.f32 v56, v15;
	v59 =	vmul.f32 $8.000000000e+00, v21  }
0x3cd: {  	s22 =	sadd.s32 $0x1, s22;
	[tilespmem:s20+$0x0] =	vst v53;
	v61 =	vmul.f32 $8.000000000e+00, v24;
	v57 =	vadd.f32 v54, v12  }
0x3ce: {  	p0 =	sne.s32 s22, $0x32;
	[tilespmem:s8+$0xE270] =	vst v8;
	v8 =	vadd.f32 v59, v20;
	v62 =	vmul.f32 $8.000000000e+00, v55  }
.Ltmp16:
0x3cf: {  	s28 =	sshll.u32 s5, $0x7;
	v63 =	vadd.f32 v61, v22;
	[tilespmem:s3+$0x0] =	vst v57;
	(pc) =	sbr.rel @p0 .LBB2_2-.Ltmp16, $4  }
0x3d0: {  	s3 =	sand.u32 $0xF80, s28;
	[tilespmem:s12+$0xE270] =	vst v8;
	v8 =	vadd.f32 v62, v23  }
0x3d1: {  	s29 =	sshll.u32 s15, $0xF;
	[tilespmem:s14+$0x0] =	vst v63;
	s3 =	sadd.s32 s2, s3  }
0x3d2: {  	s31 =	simm.s32 $0xE200;
	s30 =	sadd.s32 s29, s3;
	[tilespmem:s0+$0xE270] =	vst v8  }
0x3d3: {  	[hbm4b:s30+s11] =	stream.strided.scatter [tilespmem:s31], [sflag:$0xC], $0x2000, s16, s11, $0x38;
	[tilespmem:$0x15800] =	vst v63  }
0x3d4: {  	s0 =	simm.s32 $0x9  }
0x3d5: {  	_ =	swait.ge [sflag:s0], $0x2000  }
0x3d6: {  	[sflag:s0] =	ssyncset.done $0x0  }
0x3d7: {  	s29 =	simm.s32 $0xA;
	[sflag:s0] =	ssyncadd.s32 $0xFFFFE000  }
0x3d8: {  	_ =	swait.ge [sflag:s29], $0x2000  }
0x3d9: {  	[sflag:s29] =	ssyncset.done $0x0  }
0x3da: {  	s30 =	simm.s32 $0xB;
	[sflag:s29] =	ssyncadd.s32 $0xFFFFE000  }
0x3db: {  	_ =	swait.ge [sflag:s30], $0x2000  }
0x3dc: {  	[sflag:s30] =	ssyncset.done $0x0  }
0x3dd: {  	s3 =	simm.s32 $0xC;
	[sflag:s30] =	ssyncadd.s32 $0xFFFFE000  }
0x3de: {  	_ =	swait.ge [sflag:s3], $0x2000  }
0x3df: {  	s5 =	rddreg [dreg:$0xd]  }
0x3e0: {  	s31 =	rddreg [dreg:$0xc];
	s5 =	sadd.s32 $0x1, s5  }
0x3e1: {  	p0 =	sne.s32 s5, s31  }
.Ltmp17:
0x3e2: {  	_ = 	snop;
	(pc) =	sbr.rel @p0 .LBB2_1-.Ltmp17, $3  }
0x3e3: {  	_ =	sdelay $0x1  }
0x3e4: {  	[sflag:s3] =	ssyncset.done $0x0  }
0x3e5: {  	[sflag:s3] =	ssyncadd.s32 $0xFFFFE000  }
0x3e6: {  	_ =	sfence.sel $0x180000  }
0x3e7: {  	[bflag:$0x0] =	sbarrier.arrive $0xFFFF  }
0x3e8: {  	_ =	strace $0x90000047  }
0x3e9: {  	s0 =	stileid.u32;
	[bflag:$0x2] =	sbarrier.arrive $0xFFFF  }
0x3ea: {  	p0 =	sne.s32 s0, $0x0;
	s0 =	rddreg [dreg:$0x2]  }
0x3eb: {  	s0 =	sadd.s32 @!p0 $0x100000, s0  }
0x3ec: {  	[sflag:s0] =	ssyncadd.tile.s32 @!p0 $0x1;
	_ =	shalt  }
.Lfunc_end2:
_tile_overlayer_lowered:
.L_overlay_start_2:
0x3ed: {  	(tag) =	ssettag $0x2  }
0x3ee: {  	s0 =	rddreg [dreg:$0x0];
	s2 =	stileid.u32  }
0x3ef: {  	s1 =	rddreg [dreg:$0x1];
	p0 =	sne.s32 s2, $0x0  }
0x3f0: {  	s3 =	rddreg [dreg:$0x2];
	[bflag:$0x3] =	sbarrier.arrive $0xFFFF;
	s2 =	simm.s32 @!p0 $0x1C0D  }
0x3f1: {  	[timem:s3], [sflag:s2] =	dma.local @!p0 [hbm:s0], s1  }
0x3f2: {  	s0 =	simm.s32 @!p0 $0xD  }
0x3f3: {  	_ =	swait.ge @!p0 [sflag:s0], s1  }
0x3f4: {  	s1 =	ssub.s32 @!p0 $0x0, s1;
	[sflag:s0] =	ssyncset.done @!p0 $0x0  }
0x3f5: {  	[sflag:s0] =	ssyncadd.s32 @!p0 s1  }
0x3f6: {  	[bflag:$0x3] =	sbarrier.arrive $0xFFFF  }
0x3f7: {  	_ =	shalt  }

</sc_bundles>
